<compile_context>
chip_gen: v7x
topology: tpu7x:2x2x1
jax: 0.10.2.dev20260603
libtpu: 0.0.44.dev20260713+nightly
codegen_flags: <defaults>
</compile_context>

<pallas_src>
import functools
import math

import jax
import jax.numpy as jnp
from jax import lax
from jax.experimental import pallas as pl
from jax.experimental.pallas import tpu as pltpu
from jax.experimental.pallas import tpu_sc as plsc

N_MODES = 64
DIM = 64
NC = 2
NS = 16
NW = NC * NS
L = 16
CH = 256


def _sc_kernel(n):
    mesh = plsc.VectorSubcoreMesh(core_axis_name="c", subcore_axis_name="s")
    per_w = n // NW
    nch = per_w // CH

    @functools.partial(
        pl.kernel,
        mesh=mesh,
        compiler_params=pltpu.CompilerParams(needs_layout_passes=False),
        out_type=[
            jax.ShapeDtypeStruct((DIM, n), jnp.float32),
            jax.ShapeDtypeStruct((n,), jnp.float32),
        ],
        scratch_types=[
            pltpu.VMEM((N_MODES * DIM,), jnp.float32),
            pltpu.VMEM((N_MODES * DIM,), jnp.float32),
            pltpu.VMEM((L,), jnp.float32),
            pltpu.VMEM((CH,), jnp.int32),
            pltpu.VMEM((CH,), jnp.int32),
            pltpu.VMEM((DIM, CH), jnp.float32),
            pltpu.VMEM((DIM, CH), jnp.float32),
            pltpu.VMEM((DIM, CH), jnp.float32),
            pltpu.VMEM((DIM, CH), jnp.float32),
            pltpu.VMEM((CH,), jnp.float32),
            pltpu.VMEM((CH,), jnp.float32),
            pltpu.SemaphoreType.DMA,
            pltpu.SemaphoreType.DMA,
            pltpu.SemaphoreType.DMA,
            pltpu.SemaphoreType.DMA,
            pltpu.SemaphoreType.DMA,
            pltpu.SemaphoreType.DMA,
            pltpu.SemaphoreType.DMA,
            pltpu.SemaphoreType.DMA,
        ],
    )
    def k(ls_hbm, loc_hbm, c_hbm, idx_hbm, eps_hbm,
          z_hbm, lp_hbm,
          scale_v, loc_v, c_v,
          idx0_v, idx1_v, eps0_v, eps1_v, z0_v, z1_v, lp0_v, lp1_v,
          ei0_s, ei1_s, ii0_s, ii1_s, zo0_s, zo1_s, lo0_s, lo1_s):
        wid = lax.axis_index("s") * NC + lax.axis_index("c")
        idx_b = (idx0_v, idx1_v)
        eps_b = (eps0_v, eps1_v)
        z_b = (z0_v, z1_v)
        lp_b = (lp0_v, lp1_v)
        ei_s = (ei0_s, ei1_s)
        ii_s = (ii0_s, ii1_s)
        zo_s = (zo0_s, zo1_s)
        lo_s = (lo0_s, lo1_s)

        pltpu.sync_copy(ls_hbm, scale_v)
        pltpu.sync_copy(loc_hbm, loc_v)
        pltpu.sync_copy(c_hbm, c_v)

        def exp_body(i, _):
            scale_v[pl.ds(i * L, L)] = jnp.exp(scale_v[pl.ds(i * L, L)])
            return 0
        lax.fori_loop(0, (N_MODES * DIM) // L, exp_body, 0)

        cvec = c_v[...]
        wbase = wid * per_w

        def in_copies(ci, b):
            sbase = wbase + ci * CH
            return (
                pltpu.make_async_copy(
                    eps_hbm.at[:, pl.ds(sbase, CH)], eps_b[b], ei_s[b]),
                pltpu.make_async_copy(
                    idx_hbm.at[pl.ds(sbase, CH)], idx_b[b], ii_s[b]),
            )

        def out_copies(ci, b):
            sbase = wbase + ci * CH
            return (
                pltpu.make_async_copy(
                    z_b[b], z_hbm.at[:, pl.ds(sbase, CH)], zo_s[b]),
                pltpu.make_async_copy(
                    lp_b[b], lp_hbm.at[pl.ds(sbase, CH)], lo_s[b]),
            )

        def start(copies):
            for c in copies:
                c.start()

        def wait(copies):
            for c in copies:
                c.wait()

        def compute(b):
            idx_v, eps_v, z_v, lp_v = idx_b[b], eps_b[b], z_b[b], lp_b[b]

            @plsc.parallel_loop(0, CH // L, unroll=2)
            def group_body(g):
                mvec = idx_v[pl.ds(g * L, L)]
                acc0 = jnp.zeros((L,), jnp.float32)
                acc1 = jnp.zeros((L,), jnp.float32)
                for d in range(DIM):
                    tidx = mvec + (d * N_MODES)
                    sv = plsc.load_gather(scale_v, [tidx])
                    lv = plsc.load_gather(loc_v, [tidx])
                    ev = eps_v[d, pl.ds(g * L, L)]
                    z_v[d, pl.ds(g * L, L)] = ev * sv + lv
                    if d % 2 == 0:
                        acc0 = acc0 + ev * ev
                    else:
                        acc1 = acc1 + ev * ev
                lp_v[pl.ds(g * L, L)] = cvec - 0.5 * (acc0 + acc1)

        start(in_copies(0, 0))

        def pair_body(p, _):
            ci0 = p * 2
            ci1 = ci0 + 1
            start(in_copies(ci1, 1))
            wait(in_copies(ci0, 0))

            @pl.when(p > 0)
            def _():
                wait(out_copies(ci0 - 2, 0))
            compute(0)
            start(out_copies(ci0, 0))

            @pl.when(p < nch // 2 - 1)
            def _():
                start(in_copies(ci0 + 2, 0))
            wait(in_copies(ci1, 1))

            @pl.when(p > 0)
            def _():
                wait(out_copies(ci1 - 2, 1))
            compute(1)
            start(out_copies(ci1, 1))
            return 0
        lax.fori_loop(0, nch // 2, pair_body, 0)
        wait(out_copies(nch - 2, 0))
        wait(out_copies(nch - 1, 1))

    return k


def kernel(eps, loc, log_scale, weight_scores, mode_ind, num_samples):
    n = eps.shape[0]
    log_w = jax.nn.log_softmax(weight_scores, axis=1)
    per_mode = log_w - jnp.sum(log_scale, axis=2)
    c = (-0.5 * DIM * math.log(2.0 * math.pi)
         + jax.scipy.special.logsumexp(per_mode, axis=1))
    c_arr = jnp.broadcast_to(c.astype(jnp.float32), (L,))

    ls_cm = jnp.swapaxes(log_scale[0], 0, 1).reshape(-1)
    loc_cm = jnp.swapaxes(loc[0], 0, 1).reshape(-1)

    z_t, log_p = _sc_kernel(n)(
        ls_cm.astype(jnp.float32),
        loc_cm.astype(jnp.float32),
        c_arr,
        mode_ind.astype(jnp.int32),
        eps.T,
    )
    return z_t.T, log_p

# --- scband reference (transcript-rebuilt; emitter-appended) ---
"""Pipeline reference for scband-gaussian-mixture-25898652795618 (READ-ONLY COPY).

The authoritative reference and input builder live on the scoring server;
editing this copy changes nothing except your own understanding.
"""

import jax, jax.numpy as jnp
import numpy as np

N_MODES = 64
DIM = 64
NUM_SAMPLES = 262144


def setup_inputs(seed: int = 0) -> dict:
    key = jax.random.key(seed)
    k1, k2, k3, k4, k5 = jax.random.split(key, 5)
    eps = jax.random.normal(k1, (NUM_SAMPLES, DIM), dtype=jnp.float32)
    mode_ind = jax.random.randint(k2, (NUM_SAMPLES,), 0, N_MODES)
    # learned parameters (trainable=True in torch module), shapes [1, n_modes, dim] / [1, n_modes]
    loc = jax.random.normal(k3, (1, N_MODES, DIM), dtype=jnp.float32)
    log_scale = 0.1 * jax.random.normal(k4, (1, N_MODES, DIM), dtype=jnp.float32)
    weight_scores = 0.1 * jax.random.normal(k5, (1, N_MODES), dtype=jnp.float32)
    return {
        "eps": eps,
        "loc": loc,
        "log_scale": log_scale,
        "weight_scores": weight_scores,
        "mode_ind": mode_ind,
        "num_samples": NUM_SAMPLES,
    }


def reference(eps, loc, log_scale, weight_scores, mode_ind, num_samples):
    n = eps.shape[0]
    dim = eps.shape[1]
    n_modes = loc.shape[1]
    # one-hot built via scatter-overwrite (mirrors torch scatter_)
    mode_1h = jnp.zeros((n, n_modes), dtype=eps.dtype).at[jnp.arange(n), mode_ind].set(1.0)
    mode_1h = mode_1h[..., None]  # [N, n_modes, 1]
    weights = jax.nn.softmax(weight_scores, axis=1)  # [1, n_modes]
    scale_sample = jnp.sum(jnp.exp(log_scale) * mode_1h, axis=1)  # [N, dim]
    loc_sample = jnp.sum(loc * mode_1h, axis=1)  # [N, dim]
    z = eps * scale_sample + loc_sample
    log_p = (
        -0.5 * dim * np.log(2 * np.pi)
        + jnp.log(weights)
        - 0.5 * jnp.sum(eps ** 2, axis=1, keepdims=True)
        - jnp.sum(log_scale, axis=2)
    )  # [N, n_modes]
    log_p = jax.scipy.special.logsumexp(log_p, axis=1)  # [N]
    return (z, log_p)

if __name__ == "__main__":
    import jax
    _d = setup_inputs()
    print(jax.jit(kernel)(*tuple(_d.values())))

</pallas_src>

<mosaic_0001>
#map = affine_map<(d0, d1) -> (0)>
#map1 = affine_map<(d0, d1) -> (0, 0)>
module attributes {stable_mosaic.version = 14 : i64} {
  func.func @k(%arg0: i32, %arg1: i32, %arg2: memref<4096xf32, #tpu.memory_space<hbm>>, %arg3: memref<4096xf32, #tpu.memory_space<hbm>>, %arg4: memref<16xf32, #tpu.memory_space<hbm>>, %arg5: memref<262144xi32, #tpu.memory_space<hbm>>, %arg6: memref<64x262144xf32, #tpu.memory_space<hbm>>, %arg7: memref<64x262144xf32, #tpu.memory_space<hbm>>, %arg8: memref<262144xf32, #tpu.memory_space<hbm>>, %arg9: memref<4096xf32, #tpu.memory_space<vmem>>, %arg10: memref<4096xf32, #tpu.memory_space<vmem>>, %arg11: memref<16xf32, #tpu.memory_space<vmem>>, %arg12: memref<256xi32, #tpu.memory_space<vmem>>, %arg13: memref<256xi32, #tpu.memory_space<vmem>>, %arg14: memref<64x256xf32, #tpu.memory_space<vmem>>, %arg15: memref<64x256xf32, #tpu.memory_space<vmem>>, %arg16: memref<64x256xf32, #tpu.memory_space<vmem>>, %arg17: memref<64x256xf32, #tpu.memory_space<vmem>>, %arg18: memref<256xf32, #tpu.memory_space<vmem>>, %arg19: memref<256xf32, #tpu.memory_space<vmem>>, %arg20: memref<!tpu.dma_semaphore, #tpu.memory_space<semaphore_mem>>, %arg21: memref<!tpu.dma_semaphore, #tpu.memory_space<semaphore_mem>>, %arg22: memref<!tpu.dma_semaphore, #tpu.memory_space<semaphore_mem>>, %arg23: memref<!tpu.dma_semaphore, #tpu.memory_space<semaphore_mem>>, %arg24: memref<!tpu.dma_semaphore, #tpu.memory_space<semaphore_mem>>, %arg25: memref<!tpu.dma_semaphore, #tpu.memory_space<semaphore_mem>>, %arg26: memref<!tpu.dma_semaphore, #tpu.memory_space<semaphore_mem>>, %arg27: memref<!tpu.dma_semaphore, #tpu.memory_space<semaphore_mem>>) attributes {dimension_semantics = [#tpu.dimension_semantics<core_parallel>, #tpu.dimension_semantics<subcore_parallel>], iteration_bounds = array<i64: 2, 16>, scalar_prefetch = 0 : i64, scratch_operands = 19 : i64, tpu.core_type = #tpu.core_type<sc_vector_subcore>, window_params = [{transform_indices = #map}, {transform_indices = #map}, {transform_indices = #map}, {transform_indices = #map}, {transform_indices = #map1}, {transform_indices = #map1}, {transform_indices = #map}]} {
    %mul3A = arith.constant 2 : i32
    %mul3A_0 = arith.muli %arg1, %mul3A : i32
    %add3A = arith.addi %mul3A_0, %arg0 : i32
    "tpu.region"() ({
      %run_scoped3A = tpu.sem_alloc : memref<!tpu.dma_semaphore, #tpu.memory_space<semaphore_mem>>
      tpu.enqueue_dma source(%arg2 : memref<4096xf32, #tpu.memory_space<hbm>>) target(%arg9 : memref<4096xf32, #tpu.memory_space<vmem>>) target_semaphore(%run_scoped3A : memref<!tpu.dma_semaphore, #tpu.memory_space<semaphore_mem>>)
      tpu.wait_dma2 semaphore(%run_scoped3A : memref<!tpu.dma_semaphore, #tpu.memory_space<semaphore_mem>>) src(%arg2 : memref<4096xf32, #tpu.memory_space<hbm>>) dst(%arg9 : memref<4096xf32, #tpu.memory_space<vmem>>)
      tpu.yield
    }) : () -> ()
    "tpu.region"() ({
      %run_scoped3A = tpu.sem_alloc : memref<!tpu.dma_semaphore, #tpu.memory_space<semaphore_mem>>
      tpu.enqueue_dma source(%arg3 : memref<4096xf32, #tpu.memory_space<hbm>>) target(%arg10 : memref<4096xf32, #tpu.memory_space<vmem>>) target_semaphore(%run_scoped3A : memref<!tpu.dma_semaphore, #tpu.memory_space<semaphore_mem>>)
      tpu.wait_dma2 semaphore(%run_scoped3A : memref<!tpu.dma_semaphore, #tpu.memory_space<semaphore_mem>>) src(%arg3 : memref<4096xf32, #tpu.memory_space<hbm>>) dst(%arg10 : memref<4096xf32, #tpu.memory_space<vmem>>)
      tpu.yield
    }) : () -> ()
    "tpu.region"() ({
      %run_scoped3A = tpu.sem_alloc : memref<!tpu.dma_semaphore, #tpu.memory_space<semaphore_mem>>
      tpu.enqueue_dma source(%arg4 : memref<16xf32, #tpu.memory_space<hbm>>) target(%arg11 : memref<16xf32, #tpu.memory_space<vmem>>) target_semaphore(%run_scoped3A : memref<!tpu.dma_semaphore, #tpu.memory_space<semaphore_mem>>)
      tpu.wait_dma2 semaphore(%run_scoped3A : memref<!tpu.dma_semaphore, #tpu.memory_space<semaphore_mem>>) src(%arg4 : memref<16xf32, #tpu.memory_space<hbm>>) dst(%arg11 : memref<16xf32, #tpu.memory_space<vmem>>)
      tpu.yield
    }) : () -> ()
    %scan3A = arith.constant 0 : i32
    %scan3A_1 = arith.constant 0 : i32
    %scan3A_2 = arith.constant 256 : i32
    %scan3A_3 = arith.addi %scan3A_1, %scan3A_2 : i32
    %scan3A_4 = arith.constant 1 : i32
    %scan3A_5 = scf.for %scan3A_39 = %scan3A_1 to %scan3A_3 step %scan3A_4 iter_args(%scan3A_40 = %scan3A) -> (i32)  : i32 {
      %mul3A_41 = arith.constant 16 : i32
      %mul3A_42 = arith.muli %scan3A_39, %mul3A_41 : i32
      %get3A_43 = arith.index_cast %mul3A_42 : i32 to index
      %get3A_44 = tpu.vector_load %arg9[%get3A_43] {strides = array<i32>} : memref<4096xf32, #tpu.memory_space<vmem>>, vector<16xf32>,
      %exp3A = math.exp %get3A_44 : vector<16xf32>
      %mul3A_45 = arith.constant 16 : i32
      %mul3A_46 = arith.muli %scan3A_39, %mul3A_45 : i32
      %swap3A = arith.index_cast %mul3A_46 : i32 to index
      %swap3A_47 = tpu.vector_load %arg9[%swap3A] {strides = array<i32>} : memref<4096xf32, #tpu.memory_space<vmem>>, vector<16xf32>,
      tpu.vector_store %arg9[%swap3A], %exp3A {strides = array<i32>} : memref<4096xf32, #tpu.memory_space<vmem>>, vector<16xf32>,
      %scan3A_48 = arith.constant 0 : i32
      scf.yield %scan3A_48 : i32
    }
    %scan3A_6 = arith.constant 256 : i32
    %get3A = arith.constant 0 : index
    %get3A_7 = tpu.vector_load %arg11[%get3A] {strides = array<i32>} : memref<16xf32, #tpu.memory_space<vmem>>, vector<16xf32>,
    %mul3A_8 = arith.constant 8192 : i32
    %mul3A_9 = arith.muli %add3A, %mul3A_8 : i32
    %add3A_10 = arith.constant 0 : i32
    %add3A_11 = arith.addi %mul3A_9, %add3A_10 : i32
    %dma_start3A = arith.constant 0 : i32
    %dma_start3A_12 = tpu.memref_slice %arg6[%dma_start3A, %add3A_11] : memref<64x262144xf32, #tpu.memory_space<hbm>> -> memref<64x256xf32, #tpu.memory_space<hbm>>
    %dma_start3A_13 = arith.constant 0 : i32
    %dma_start3A_14 = tpu.memref_slice %arg6[%dma_start3A_13, %add3A_11] : memref<64x262144xf32, #tpu.memory_space<hbm>> -> memref<64x256xf32, #tpu.memory_space<hbm>>
    tpu.enqueue_dma source(%dma_start3A_14 : memref<64x256xf32, #tpu.memory_space<hbm>>) target(%arg14 : memref<64x256xf32, #tpu.memory_space<vmem>>) target_semaphore(%arg20 : memref<!tpu.dma_semaphore, #tpu.memory_space<semaphore_mem>>)
    %dma_start3A_15 = tpu.memref_slice %arg5[%add3A_11] : memref<262144xi32, #tpu.memory_space<hbm>> -> memref<256xi32, #tpu.memory_space<hbm>>
    %dma_start3A_16 = tpu.memref_slice %arg5[%add3A_11] : memref<262144xi32, #tpu.memory_space<hbm>> -> memref<256xi32, #tpu.memory_space<hbm>>
    tpu.enqueue_dma source(%dma_start3A_16 : memref<256xi32, #tpu.memory_space<hbm>>) target(%arg12 : memref<256xi32, #tpu.memory_space<vmem>>) target_semaphore(%arg22 : memref<!tpu.dma_semaphore, #tpu.memory_space<semaphore_mem>>)
    %scan3A_17 = arith.constant 0 : i32
    %scan3A_18 = arith.constant 0 : i32
    %scan3A_19 = arith.constant 16 : i32
    %scan3A_20 = arith.addi %scan3A_18, %scan3A_19 : i32
    %scan3A_21 = arith.constant 1 : i32
    %scan3A_22 = scf.for %scan3A_39 = %scan3A_18 to %scan3A_20 step %scan3A_21 iter_args(%scan3A_40 = %scan3A_17) -> (i32)  : i32 {
      %mul3A_41 = arith.constant 2 : i32
      %mul3A_42 = arith.muli %scan3A_39, %mul3A_41 : i32
      %add3A_43 = arith.constant 1 : i32
      %add3A_44 = arith.addi %mul3A_42, %add3A_43 : i32
      %mul3A_45 = arith.constant 256 : i32
      %mul3A_46 = arith.muli %add3A_44, %mul3A_45 : i32
      %add3A_47 = arith.addi %mul3A_9, %mul3A_46 : i32
      %dma_start3A_48 = arith.constant 0 : i32
      %dma_start3A_49 = tpu.memref_slice %arg6[%dma_start3A_48, %add3A_47] : memref<64x262144xf32, #tpu.memory_space<hbm>> -> memref<64x256xf32, #tpu.memory_space<hbm>>
      %dma_start3A_50 = arith.constant 0 : i32
      %dma_start3A_51 = tpu.memref_slice %arg6[%dma_start3A_50, %add3A_47] : memref<64x262144xf32, #tpu.memory_space<hbm>> -> memref<64x256xf32, #tpu.memory_space<hbm>>
      tpu.enqueue_dma source(%dma_start3A_51 : memref<64x256xf32, #tpu.memory_space<hbm>>) target(%arg15 : memref<64x256xf32, #tpu.memory_space<vmem>>) target_semaphore(%arg21 : memref<!tpu.dma_semaphore, #tpu.memory_space<semaphore_mem>>)
      %dma_start3A_52 = tpu.memref_slice %arg5[%add3A_47] : memref<262144xi32, #tpu.memory_space<hbm>> -> memref<256xi32, #tpu.memory_space<hbm>>
      %dma_start3A_53 = tpu.memref_slice %arg5[%add3A_47] : memref<262144xi32, #tpu.memory_space<hbm>> -> memref<256xi32, #tpu.memory_space<hbm>>
      tpu.enqueue_dma source(%dma_start3A_53 : memref<256xi32, #tpu.memory_space<hbm>>) target(%arg13 : memref<256xi32, #tpu.memory_space<vmem>>) target_semaphore(%arg23 : memref<!tpu.dma_semaphore, #tpu.memory_space<semaphore_mem>>)
      %mul3A_54 = arith.constant 256 : i32
      %mul3A_55 = arith.muli %mul3A_42, %mul3A_54 : i32
      %add3A_56 = arith.addi %mul3A_9, %mul3A_55 : i32
      %dma_wait3A_57 = arith.constant 0 : i32
      %dma_wait3A_58 = tpu.memref_slice %arg6[%dma_wait3A_57, %add3A_56] : memref<64x262144xf32, #tpu.memory_space<hbm>> -> memref<64x256xf32, #tpu.memory_space<hbm>>
      %dma_wait3A_59 = arith.constant 0 : i32
      %dma_wait3A_60 = tpu.memref_slice %arg6[%dma_wait3A_59, %add3A_56] : memref<64x262144xf32, #tpu.memory_space<hbm>> -> memref<64x256xf32, #tpu.memory_space<hbm>>
      tpu.wait_dma2 semaphore(%arg20 : memref<!tpu.dma_semaphore, #tpu.memory_space<semaphore_mem>>) src(%dma_wait3A_60 : memref<64x256xf32, #tpu.memory_space<hbm>>) dst(%arg14 : memref<64x256xf32, #tpu.memory_space<vmem>>)
      %dma_wait3A_61 = tpu.memref_slice %arg5[%add3A_56] : memref<262144xi32, #tpu.memory_space<hbm>> -> memref<256xi32, #tpu.memory_space<hbm>>
      %dma_wait3A_62 = tpu.memref_slice %arg5[%add3A_56] : memref<262144xi32, #tpu.memory_space<hbm>> -> memref<256xi32, #tpu.memory_space<hbm>>
      tpu.wait_dma2 semaphore(%arg22 : memref<!tpu.dma_semaphore, #tpu.memory_space<semaphore_mem>>) src(%dma_wait3A_62 : memref<256xi32, #tpu.memory_space<hbm>>) dst(%arg12 : memref<256xi32, #tpu.memory_space<vmem>>)
      %gt3A = arith.constant 0 : i32
      %gt3A_63 = arith.cmpi sgt, %scan3A_39, %gt3A : i32
      %convert_element_type3A = arith.extui %gt3A_63 : i1 to i32
      %cond3A = arith.constant 0 : i32
      %cond3A_64 = arith.cmpi ne, %convert_element_type3A, %cond3A : i32
      scf.if %cond3A_64 {
        %sub3A = arith.constant 2 : i32
        %sub3A_107 = arith.subi %mul3A_42, %sub3A : i32
        %mul3A_108 = arith.constant 256 : i32
        %mul3A_109 = arith.muli %sub3A_107, %mul3A_108 : i32
        %add3A_110 = arith.addi %mul3A_9, %mul3A_109 : i32
        %dma_wait3A_111 = arith.constant 0 : i32
        %dma_wait3A_112 = tpu.memref_slice %arg7[%dma_wait3A_111, %add3A_110] : memref<64x262144xf32, #tpu.memory_space<hbm>> -> memref<64x256xf32, #tpu.memory_space<hbm>>
        %dma_wait3A_113 = arith.constant 0 : i32
        %dma_wait3A_114 = tpu.memref_slice %arg7[%dma_wait3A_113, %add3A_110] : memref<64x262144xf32, #tpu.memory_space<hbm>> -> memref<64x256xf32, #tpu.memory_space<hbm>>
        tpu.wait_dma2 semaphore(%arg24 : memref<!tpu.dma_semaphore, #tpu.memory_space<semaphore_mem>>) src(%arg16 : memref<64x256xf32, #tpu.memory_space<vmem>>) dst(%dma_wait3A_114 : memref<64x256xf32, #tpu.memory_space<hbm>>)
        %dma_wait3A_115 = tpu.memref_slice %arg8[%add3A_110] : memref<262144xf32, #tpu.memory_space<hbm>> -> memref<256xf32, #tpu.memory_space<hbm>>
        %dma_wait3A_116 = tpu.memref_slice %arg8[%add3A_110] : memref<262144xf32, #tpu.memory_space<hbm>> -> memref<256xf32, #tpu.memory_space<hbm>>
        tpu.wait_dma2 semaphore(%arg26 : memref<!tpu.dma_semaphore, #tpu.memory_space<semaphore_mem>>) src(%arg18 : memref<256xf32, #tpu.memory_space<vmem>>) dst(%dma_wait3A_116 : memref<256xf32, #tpu.memory_space<hbm>>)
      } else {
      }
      %parallel_loop3A = arith.constant 0 : i32
      %parallel_loop3A_65 = arith.constant 16 : i32
      %parallel_loop3A_66 = arith.constant 1 : i32
      scf.for %parallel_loop3A_107 = %parallel_loop3A to %parallel_loop3A_65 step %parallel_loop3A_66  : i32 {
        %parallel_loop3A_108 = arith.constant 16 : i32
        %parallel_loop3A_109 = arith.muli %parallel_loop3A_107, %parallel_loop3A_108 : i32
        %parallel_loop3A_110 = arith.index_cast %parallel_loop3A_109 : i32 to index
        %parallel_loop3A_111 = tpu.vector_load %arg12[%parallel_loop3A_110] {strides = array<i32>} : memref<256xi32, #tpu.memory_space<vmem>>, vector<16xi32>,
        %parallel_loop3A_112 = arith.constant 0.000000e+00 : f32
        %parallel_loop3A_113 = vector.broadcast %parallel_loop3A_112 : f32 to vector<16xf32>
        %parallel_loop3A_114 = arith.constant 0.000000e+00 : f32
        %parallel_loop3A_115 = vector.broadcast %parallel_loop3A_114 : f32 to vector<16xf32>
        %parallel_loop3A_116 = arith.constant 0 : i32
        %parallel_loop3A_117 = vector.broadcast %parallel_loop3A_116 : i32 to vector<16xi32>
        %parallel_loop3A_118 = arith.addi %parallel_loop3A_111, %parallel_loop3A_117 : vector<16xi32>
        %parallel_loop3A_119 = tpu.vector_load_idx %arg9[%parallel_loop3A_118] : memref<4096xf32, #tpu.memory_space<vmem>>[vector<16xi32>], vector<16xf32>,
        %parallel_loop3A_120 = tpu.vector_load_idx %arg10[%parallel_loop3A_118] : memref<4096xf32, #tpu.memory_space<vmem>>[vector<16xi32>], vector<16xf32>,
        %parallel_loop3A_121 = arith.constant 16 : i32
        %parallel_loop3A_122 = arith.muli %parallel_loop3A_107, %parallel_loop3A_121 : i32
        %parallel_loop3A_123 = arith.constant 0 : i32
        %parallel_loop3A_124 = arith.index_cast %parallel_loop3A_123 : i32 to index
        %parallel_loop3A_125 = arith.index_cast %parallel_loop3A_122 : i32 to index
        %parallel_loop3A_126 = tpu.vector_load %arg14[%parallel_loop3A_124, %parallel_loop3A_125] {strides = array<i32>} : memref<64x256xf32, #tpu.memory_space<vmem>>, vector<16xf32>,
        %parallel_loop3A_127 = arith.mulf %parallel_loop3A_126, %parallel_loop3A_119 : vector<16xf32>
        %parallel_loop3A_128 = arith.addf %parallel_loop3A_127, %parallel_loop3A_120 : vector<16xf32>
        %parallel_loop3A_129 = arith.constant 16 : i32
        %parallel_loop3A_130 = arith.muli %parallel_loop3A_107, %parallel_loop3A_129 : i32
        %parallel_loop3A_131 = arith.constant 0 : i32
        %parallel_loop3A_132 = arith.index_cast %parallel_loop3A_131 : i32 to index
        %parallel_loop3A_133 = arith.index_cast %parallel_loop3A_130 : i32 to index
        %parallel_loop3A_134 = tpu.vector_load %arg16[%parallel_loop3A_132, %parallel_loop3A_133] {strides = array<i32>} : memref<64x256xf32, #tpu.memory_space<vmem>>, vector<16xf32>,
        tpu.vector_store %arg16[%parallel_loop3A_132, %parallel_loop3A_133], %parallel_loop3A_128 {strides = array<i32>} : memref<64x256xf32, #tpu.memory_space<vmem>>, vector<16xf32>,
        %parallel_loop3A_135 = arith.mulf %parallel_loop3A_126, %parallel_loop3A_126 : vector<16xf32>
        %parallel_loop3A_136 = arith.addf %parallel_loop3A_113, %parallel_loop3A_135 : vector<16xf32>
        %parallel_loop3A_137 = arith.constant 64 : i32
        %parallel_loop3A_138 = vector.broadcast %parallel_loop3A_137 : i32 to vector<16xi32>
        %parallel_loop3A_139 = arith.addi %parallel_loop3A_111, %parallel_loop3A_138 : vector<16xi32>
        %parallel_loop3A_140 = tpu.vector_load_idx %arg9[%parallel_loop3A_139] : memref<4096xf32, #tpu.memory_space<vmem>>[vector<16xi32>], vector<16xf32>,
        %parallel_loop3A_141 = tpu.vector_load_idx %arg10[%parallel_loop3A_139] : memref<4096xf32, #tpu.memory_space<vmem>>[vector<16xi32>], vector<16xf32>,
        %parallel_loop3A_142 = arith.constant 16 : i32
        %parallel_loop3A_143 = arith.muli %parallel_loop3A_107, %parallel_loop3A_142 : i32
        %parallel_loop3A_144 = arith.constant 1 : i32
        %parallel_loop3A_145 = arith.index_cast %parallel_loop3A_144 : i32 to index
        %parallel_loop3A_146 = arith.index_cast %parallel_loop3A_143 : i32 to index
        %parallel_loop3A_147 = tpu.vector_load %arg14[%parallel_loop3A_145, %parallel_loop3A_146] {strides = array<i32>} : memref<64x256xf32, #tpu.memory_space<vmem>>, vector<16xf32>,
        %parallel_loop3A_148 = arith.mulf %parallel_loop3A_147, %parallel_loop3A_140 : vector<16xf32>
        %parallel_loop3A_149 = arith.addf %parallel_loop3A_148, %parallel_loop3A_141 : vector<16xf32>
        %parallel_loop3A_150 = arith.constant 16 : i32
        %parallel_loop3A_151 = arith.muli %parallel_loop3A_107, %parallel_loop3A_150 : i32
        %parallel_loop3A_152 = arith.constant 1 : i32
        %parallel_loop3A_153 = arith.index_cast %parallel_loop3A_152 : i32 to index
        %parallel_loop3A_154 = arith.index_cast %parallel_loop3A_151 : i32 to index
        %parallel_loop3A_155 = tpu.vector_load %arg16[%parallel_loop3A_153, %parallel_loop3A_154] {strides = array<i32>} : memref<64x256xf32, #tpu.memory_space<vmem>>, vector<16xf32>,
        tpu.vector_store %arg16[%parallel_loop3A_153, %parallel_loop3A_154], %parallel_loop3A_149 {strides = array<i32>} : memref<64x256xf32, #tpu.memory_space<vmem>>, vector<16xf32>,
        %parallel_loop3A_156 = arith.mulf %parallel_loop3A_147, %parallel_loop3A_147 : vector<16xf32>
        %parallel_loop3A_157 = arith.addf %parallel_loop3A_115, %parallel_loop3A_156 : vector<16xf32>
        %parallel_loop3A_158 = arith.constant 128 : i32
        %parallel_loop3A_159 = vector.broadcast %parallel_loop3A_158 : i32 to vector<16xi32>
        %parallel_loop3A_160 = arith.addi %parallel_loop3A_111, %parallel_loop3A_159 : vector<16xi32>
        %parallel_loop3A_161 = tpu.vector_load_idx %arg9[%parallel_loop3A_160] : memref<4096xf32, #tpu.memory_space<vmem>>[vector<16xi32>], vector<16xf32>,
        %parallel_loop3A_162 = tpu.vector_load_idx %arg10[%parallel_loop3A_160] : memref<4096xf32, #tpu.memory_space<vmem>>[vector<16xi32>], vector<16xf32>,
        %parallel_loop3A_163 = arith.constant 16 : i32
        %parallel_loop3A_164 = arith.muli %parallel_loop3A_107, %parallel_loop3A_163 : i32
        %parallel_loop3A_165 = arith.constant 2 : i32
        %parallel_loop3A_166 = arith.index_cast %parallel_loop3A_165 : i32 to index
        %parallel_loop3A_167 = arith.index_cast %parallel_loop3A_164 : i32 to index
        %parallel_loop3A_168 = tpu.vector_load %arg14[%parallel_loop3A_166, %parallel_loop3A_167] {strides = array<i32>} : memref<64x256xf32, #tpu.memory_space<vmem>>, vector<16xf32>,
        %parallel_loop3A_169 = arith.mulf %parallel_loop3A_168, %parallel_loop3A_161 : vector<16xf32>
        %parallel_loop3A_170 = arith.addf %parallel_loop3A_169, %parallel_loop3A_162 : vector<16xf32>
        %parallel_loop3A_171 = arith.constant 16 : i32
        %parallel_loop3A_172 = arith.muli %parallel_loop3A_107, %parallel_loop3A_171 : i32
        %parallel_loop3A_173 = arith.constant 2 : i32
        %parallel_loop3A_174 = arith.index_cast %parallel_loop3A_173 : i32 to index
        %parallel_loop3A_175 = arith.index_cast %parallel_loop3A_172 : i32 to index
        %parallel_loop3A_176 = tpu.vector_load %arg16[%parallel_loop3A_174, %parallel_loop3A_175] {strides = array<i32>} : memref<64x256xf32, #tpu.memory_space<vmem>>, vector<16xf32>,
        tpu.vector_store %arg16[%parallel_loop3A_174, %parallel_loop3A_175], %parallel_loop3A_170 {strides = array<i32>} : memref<64x256xf32, #tpu.memory_space<vmem>>, vector<16xf32>,
        %parallel_loop3A_177 = arith.mulf %parallel_loop3A_168, %parallel_loop3A_168 : vector<16xf32>
        %parallel_loop3A_178 = arith.addf %parallel_loop3A_136, %parallel_loop3A_177 : vector<16xf32>
        %parallel_loop3A_179 = arith.constant 192 : i32
        %parallel_loop3A_180 = vector.broadcast %parallel_loop3A_179 : i32 to vector<16xi32>
        %parallel_loop3A_181 = arith.addi %parallel_loop3A_111, %parallel_loop3A_180 : vector<16xi32>
        %parallel_loop3A_182 = tpu.vector_load_idx %arg9[%parallel_loop3A_181] : memref<4096xf32, #tpu.memory_space<vmem>>[vector<16xi32>], vector<16xf32>,
        %parallel_loop3A_183 = tpu.vector_load_idx %arg10[%parallel_loop3A_181] : memref<4096xf32, #tpu.memory_space<vmem>>[vector<16xi32>], vector<16xf32>,
        %parallel_loop3A_184 = arith.constant 16 : i32
        %parallel_loop3A_185 = arith.muli %parallel_loop3A_107, %parallel_loop3A_184 : i32
        %parallel_loop3A_186 = arith.constant 3 : i32
        %parallel_loop3A_187 = arith.index_cast %parallel_loop3A_186 : i32 to index
        %parallel_loop3A_188 = arith.index_cast %parallel_loop3A_185 : i32 to index
        %parallel_loop3A_189 = tpu.vector_load %arg14[%parallel_loop3A_187, %parallel_loop3A_188] {strides = array<i32>} : memref<64x256xf32, #tpu.memory_space<vmem>>, vector<16xf32>,
        %parallel_loop3A_190 = arith.mulf %parallel_loop3A_189, %parallel_loop3A_182 : vector<16xf32>
        %parallel_loop3A_191 = arith.addf %parallel_loop3A_190, %parallel_loop3A_183 : vector<16xf32>
        %parallel_loop3A_192 = arith.constant 16 : i32
        %parallel_loop3A_193 = arith.muli %parallel_loop3A_107, %parallel_loop3A_192 : i32
        %parallel_loop3A_194 = arith.constant 3 : i32
        %parallel_loop3A_195 = arith.index_cast %parallel_loop3A_194 : i32 to index
        %parallel_loop3A_196 = arith.index_cast %parallel_loop3A_193 : i32 to index
        %parallel_loop3A_197 = tpu.vector_load %arg16[%parallel_loop3A_195, %parallel_loop3A_196] {strides = array<i32>} : memref<64x256xf32, #tpu.memory_space<vmem>>, vector<16xf32>,
        tpu.vector_store %arg16[%parallel_loop3A_195, %parallel_loop3A_196], %parallel_loop3A_191 {strides = array<i32>} : memref<64x256xf32, #tpu.memory_space<vmem>>, vector<16xf32>,
        %parallel_loop3A_198 = arith.mulf %parallel_loop3A_189, %parallel_loop3A_189 : vector<16xf32>
        %parallel_loop3A_199 = arith.addf %parallel_loop3A_157, %parallel_loop3A_198 : vector<16xf32>
        %parallel_loop3A_200 = arith.constant 256 : i32
        %parallel_loop3A_201 = vector.broadcast %parallel_loop3A_200 : i32 to vector<16xi32>
        %parallel_loop3A_202 = arith.addi %parallel_loop3A_111, %parallel_loop3A_201 : vector<16xi32>
        %parallel_loop3A_203 = tpu.vector_load_idx %arg9[%parallel_loop3A_202] : memref<4096xf32, #tpu.memory_space<vmem>>[vector<16xi32>], vector<16xf32>,
        %parallel_loop3A_204 = tpu.vector_load_idx %arg10[%parallel_loop3A_202] : memref<4096xf32, #tpu.memory_space<vmem>>[vector<16xi32>], vector<16xf32>,
        %parallel_loop3A_205 = arith.constant 16 : i32
        %parallel_loop3A_206 = arith.muli %parallel_loop3A_107, %parallel_loop3A_205 : i32
        %parallel_loop3A_207 = arith.constant 4 : i32
        %parallel_loop3A_208 = arith.index_cast %parallel_loop3A_207 : i32 to index
        %parallel_loop3A_209 = arith.index_cast %parallel_loop3A_206 : i32 to index
        %parallel_loop3A_210 = tpu.vector_load %arg14[%parallel_loop3A_208, %parallel_loop3A_209] {strides = array<i32>} : memref<64x256xf32, #tpu.memory_space<vmem>>, vector<16xf32>,
        %parallel_loop3A_211 = arith.mulf %parallel_loop3A_210, %parallel_loop3A_203 : vector<16xf32>
        %parallel_loop3A_212 = arith.addf %parallel_loop3A_211, %parallel_loop3A_204 : vector<16xf32>
        %parallel_loop3A_213 = arith.constant 16 : i32
        %parallel_loop3A_214 = arith.muli %parallel_loop3A_107, %parallel_loop3A_213 : i32
        %parallel_loop3A_215 = arith.constant 4 : i32
        %parallel_loop3A_216 = arith.index_cast %parallel_loop3A_215 : i32 to index
        %parallel_loop3A_217 = arith.index_cast %parallel_loop3A_214 : i32 to index
        %parallel_loop3A_218 = tpu.vector_load %arg16[%parallel_loop3A_216, %parallel_loop3A_217] {strides = array<i32>} : memref<64x256xf32, #tpu.memory_space<vmem>>, vector<16xf32>,
        tpu.vector_store %arg16[%parallel_loop3A_216, %parallel_loop3A_217], %parallel_loop3A_212 {strides = array<i32>} : memref<64x256xf32, #tpu.memory_space<vmem>>, vector<16xf32>,
        %parallel_loop3A_219 = arith.mulf %parallel_loop3A_210, %parallel_loop3A_210 : vector<16xf32>
        %parallel_loop3A_220 = arith.addf %parallel_loop3A_178, %parallel_loop3A_219 : vector<16xf32>
        %parallel_loop3A_221 = arith.constant 320 : i32
        %parallel_loop3A_222 = vector.broadcast %parallel_loop3A_221 : i32 to vector<16xi32>
        %parallel_loop3A_223 = arith.addi %parallel_loop3A_111, %parallel_loop3A_222 : vector<16xi32>
        %parallel_loop3A_224 = tpu.vector_load_idx %arg9[%parallel_loop3A_223] : memref<4096xf32, #tpu.memory_space<vmem>>[vector<16xi32>], vector<16xf32>,
        %parallel_loop3A_225 = tpu.vector_load_idx %arg10[%parallel_loop3A_223] : memref<4096xf32, #tpu.memory_space<vmem>>[vector<16xi32>], vector<16xf32>,
        %parallel_loop3A_226 = arith.constant 16 : i32
        %parallel_loop3A_227 = arith.muli %parallel_loop3A_107, %parallel_loop3A_226 : i32
        %parallel_loop3A_228 = arith.constant 5 : i32
        %parallel_loop3A_229 = arith.index_cast %parallel_loop3A_228 : i32 to index
        %parallel_loop3A_230 = arith.index_cast %parallel_loop3A_227 : i32 to index
        %parallel_loop3A_231 = tpu.vector_load %arg14[%parallel_loop3A_229, %parallel_loop3A_230] {strides = array<i32>} : memref<64x256xf32, #tpu.memory_space<vmem>>, vector<16xf32>,
        %parallel_loop3A_232 = arith.mulf %parallel_loop3A_231, %parallel_loop3A_224 : vector<16xf32>
        %parallel_loop3A_233 = arith.addf %parallel_loop3A_232, %parallel_loop3A_225 : vector<16xf32>
        %parallel_loop3A_234 = arith.constant 16 : i32
        %parallel_loop3A_235 = arith.muli %parallel_loop3A_107, %parallel_loop3A_234 : i32
        %parallel_loop3A_236 = arith.constant 5 : i32
        %parallel_loop3A_237 = arith.index_cast %parallel_loop3A_236 : i32 to index
        %parallel_loop3A_238 = arith.index_cast %parallel_loop3A_235 : i32 to index
        %parallel_loop3A_239 = tpu.vector_load %arg16[%parallel_loop3A_237, %parallel_loop3A_238] {strides = array<i32>} : memref<64x256xf32, #tpu.memory_space<vmem>>, vector<16xf32>,
        tpu.vector_store %arg16[%parallel_loop3A_237, %parallel_loop3A_238], %parallel_loop3A_233 {strides = array<i32>} : memref<64x256xf32, #tpu.memory_space<vmem>>, vector<16xf32>,
        %parallel_loop3A_240 = arith.mulf %parallel_loop3A_231, %parallel_loop3A_231 : vector<16xf32>
        %parallel_loop3A_241 = arith.addf %parallel_loop3A_199, %parallel_loop3A_240 : vector<16xf32>
        %parallel_loop3A_242 = arith.constant 384 : i32
        %parallel_loop3A_243 = vector.broadcast %parallel_loop3A_242 : i32 to vector<16xi32>
        %parallel_loop3A_244 = arith.addi %parallel_loop3A_111, %parallel_loop3A_243 : vector<16xi32>
        %parallel_loop3A_245 = tpu.vector_load_idx %arg9[%parallel_loop3A_244] : memref<4096xf32, #tpu.memory_space<vmem>>[vector<16xi32>], vector<16xf32>,
        %parallel_loop3A_246 = tpu.vector_load_idx %arg10[%parallel_loop3A_244] : memref<4096xf32, #tpu.memory_space<vmem>>[vector<16xi32>], vector<16xf32>,
        %parallel_loop3A_247 = arith.constant 16 : i32
        %parallel_loop3A_248 = arith.muli %parallel_loop3A_107, %parallel_loop3A_247 : i32
        %parallel_loop3A_249 = arith.constant 6 : i32
        %parallel_loop3A_250 = arith.index_cast %parallel_loop3A_249 : i32 to index
        %parallel_loop3A_251 = arith.index_cast %parallel_loop3A_248 : i32 to index
        %parallel_loop3A_252 = tpu.vector_load %arg14[%parallel_loop3A_250, %parallel_loop3A_251] {strides = array<i32>} : memref<64x256xf32, #tpu.memory_space<vmem>>, vector<16xf32>,
        %parallel_loop3A_253 = arith.mulf %parallel_loop3A_252, %parallel_loop3A_245 : vector<16xf32>
        %parallel_loop3A_254 = arith.addf %parallel_loop3A_253, %parallel_loop3A_246 : vector<16xf32>
        %parallel_loop3A_255 = arith.constant 16 : i32
        %parallel_loop3A_256 = arith.muli %parallel_loop3A_107, %parallel_loop3A_255 : i32
        %parallel_loop3A_257 = arith.constant 6 : i32
        %parallel_loop3A_258 = arith.index_cast %parallel_loop3A_257 : i32 to index
        %parallel_loop3A_259 = arith.index_cast %parallel_loop3A_256 : i32 to index
        %parallel_loop3A_260 = tpu.vector_load %arg16[%parallel_loop3A_258, %parallel_loop3A_259] {strides = array<i32>} : memref<64x256xf32, #tpu.memory_space<vmem>>, vector<16xf32>,
        tpu.vector_store %arg16[%parallel_loop3A_258, %parallel_loop3A_259], %parallel_loop3A_254 {strides = array<i32>} : memref<64x256xf32, #tpu.memory_space<vmem>>, vector<16xf32>,
        %parallel_loop3A_261 = arith.mulf %parallel_loop3A_252, %parallel_loop3A_252 : vector<16xf32>
        %parallel_loop3A_262 = arith.addf %parallel_loop3A_220, %parallel_loop3A_261 : vector<16xf32>
        %parallel_loop3A_263 = arith.constant 448 : i32
        %parallel_loop3A_264 = vector.broadcast %parallel_loop3A_263 : i32 to vector<16xi32>
        %parallel_loop3A_265 = arith.addi %parallel_loop3A_111, %parallel_loop3A_264 : vector<16xi32>
        %parallel_loop3A_266 = tpu.vector_load_idx %arg9[%parallel_loop3A_265] : memref<4096xf32, #tpu.memory_space<vmem>>[vector<16xi32>], vector<16xf32>,
        %parallel_loop3A_267 = tpu.vector_load_idx %arg10[%parallel_loop3A_265] : memref<4096xf32, #tpu.memory_space<vmem>>[vector<16xi32>], vector<16xf32>,
        %parallel_loop3A_268 = arith.constant 16 : i32
        %parallel_loop3A_269 = arith.muli %parallel_loop3A_107, %parallel_loop3A_268 : i32
        %parallel_loop3A_270 = arith.constant 7 : i32
        %parallel_loop3A_271 = arith.index_cast %parallel_loop3A_270 : i32 to index
        %parallel_loop3A_272 = arith.index_cast %parallel_loop3A_269 : i32 to index
        %parallel_loop3A_273 = tpu.vector_load %arg14[%parallel_loop3A_271, %parallel_loop3A_272] {strides = array<i32>} : memref<64x256xf32, #tpu.memory_space<vmem>>, vector<16xf32>,
        %parallel_loop3A_274 = arith.mulf %parallel_loop3A_273, %parallel_loop3A_266 : vector<16xf32>
        %parallel_loop3A_275 = arith.addf %parallel_loop3A_274, %parallel_loop3A_267 : vector<16xf32>
        %parallel_loop3A_276 = arith.constant 16 : i32
        %parallel_loop3A_277 = arith.muli %parallel_loop3A_107, %parallel_loop3A_276 : i32
        %parallel_loop3A_278 = arith.constant 7 : i32
        %parallel_loop3A_279 = arith.index_cast %parallel_loop3A_278 : i32 to index
        %parallel_loop3A_280 = arith.index_cast %parallel_loop3A_277 : i32 to index
        %parallel_loop3A_281 = tpu.vector_load %arg16[%parallel_loop3A_279, %parallel_loop3A_280] {strides = array<i32>} : memref<64x256xf32, #tpu.memory_space<vmem>>, vector<16xf32>,
        tpu.vector_store %arg16[%parallel_loop3A_279, %parallel_loop3A_280], %parallel_loop3A_275 {strides = array<i32>} : memref<64x256xf32, #tpu.memory_space<vmem>>, vector<16xf32>,
        %parallel_loop3A_282 = arith.mulf %parallel_loop3A_273, %parallel_loop3A_273 : vector<16xf32>
        %parallel_loop3A_283 = arith.addf %parallel_loop3A_241, %parallel_loop3A_282 : vector<16xf32>
        %parallel_loop3A_284 = arith.constant 512 : i32
        %parallel_loop3A_285 = vector.broadcast %parallel_loop3A_284 : i32 to vector<16xi32>
        %parallel_loop3A_286 = arith.addi %parallel_loop3A_111, %parallel_loop3A_285 : vector<16xi32>
        %parallel_loop3A_287 = tpu.vector_load_idx %arg9[%parallel_loop3A_286] : memref<4096xf32, #tpu.memory_space<vmem>>[vector<16xi32>], vector<16xf32>,
        %parallel_loop3A_288 = tpu.vector_load_idx %arg10[%parallel_loop3A_286] : memref<4096xf32, #tpu.memory_space<vmem>>[vector<16xi32>], vector<16xf32>,
        %parallel_loop3A_289 = arith.constant 16 : i32
        %parallel_loop3A_290 = arith.muli %parallel_loop3A_107, %parallel_loop3A_289 : i32
        %parallel_loop3A_291 = arith.constant 8 : i32
        %parallel_loop3A_292 = arith.index_cast %parallel_loop3A_291 : i32 to index
        %parallel_loop3A_293 = arith.index_cast %parallel_loop3A_290 : i32 to index
        %parallel_loop3A_294 = tpu.vector_load %arg14[%parallel_loop3A_292, %parallel_loop3A_293] {strides = array<i32>} : memref<64x256xf32, #tpu.memory_space<vmem>>, vector<16xf32>,
        %parallel_loop3A_295 = arith.mulf %parallel_loop3A_294, %parallel_loop3A_287 : vector<16xf32>
        %parallel_loop3A_296 = arith.addf %parallel_loop3A_295, %parallel_loop3A_288 : vector<16xf32>
        %parallel_loop3A_297 = arith.constant 16 : i32
        %parallel_loop3A_298 = arith.muli %parallel_loop3A_107, %parallel_loop3A_297 : i32
        %parallel_loop3A_299 = arith.constant 8 : i32
        %parallel_loop3A_300 = arith.index_cast %parallel_loop3A_299 : i32 to index
        %parallel_loop3A_301 = arith.index_cast %parallel_loop3A_298 : i32 to index
        %parallel_loop3A_302 = tpu.vector_load %arg16[%parallel_loop3A_300, %parallel_loop3A_301] {strides = array<i32>} : memref<64x256xf32, #tpu.memory_space<vmem>>, vector<16xf32>,
        tpu.vector_store %arg16[%parallel_loop3A_300, %parallel_loop3A_301], %parallel_loop3A_296 {strides = array<i32>} : memref<64x256xf32, #tpu.memory_space<vmem>>, vector<16xf32>,
        %parallel_loop3A_303 = arith.mulf %parallel_loop3A_294, %parallel_loop3A_294 : vector<16xf32>
        %parallel_loop3A_304 = arith.addf %parallel_loop3A_262, %parallel_loop3A_303 : vector<16xf32>
        %parallel_loop3A_305 = arith.constant 576 : i32
        %parallel_loop3A_306 = vector.broadcast %parallel_loop3A_305 : i32 to vector<16xi32>
        %parallel_loop3A_307 = arith.addi %parallel_loop3A_111, %parallel_loop3A_306 : vector<16xi32>
        %parallel_loop3A_308 = tpu.vector_load_idx %arg9[%parallel_loop3A_307] : memref<4096xf32, #tpu.memory_space<vmem>>[vector<16xi32>], vector<16xf32>,
        %parallel_loop3A_309 = tpu.vector_load_idx %arg10[%parallel_loop3A_307] : memref<4096xf32, #tpu.memory_space<vmem>>[vector<16xi32>], vector<16xf32>,
        %parallel_loop3A_310 = arith.constant 16 : i32
        %parallel_loop3A_311 = arith.muli %parallel_loop3A_107, %parallel_loop3A_310 : i32
        %parallel_loop3A_312 = arith.constant 9 : i32
        %parallel_loop3A_313 = arith.index_cast %parallel_loop3A_312 : i32 to index
        %parallel_loop3A_314 = arith.index_cast %parallel_loop3A_311 : i32 to index
        %parallel_loop3A_315 = tpu.vector_load %arg14[%parallel_loop3A_313, %parallel_loop3A_314] {strides = array<i32>} : memref<64x256xf32, #tpu.memory_space<vmem>>, vector<16xf32>,
        %parallel_loop3A_316 = arith.mulf %parallel_loop3A_315, %parallel_loop3A_308 : vector<16xf32>
        %parallel_loop3A_317 = arith.addf %parallel_loop3A_316, %parallel_loop3A_309 : vector<16xf32>
        %parallel_loop3A_318 = arith.constant 16 : i32
        %parallel_loop3A_319 = arith.muli %parallel_loop3A_107, %parallel_loop3A_318 : i32
        %parallel_loop3A_320 = arith.constant 9 : i32
        %parallel_loop3A_321 = arith.index_cast %parallel_loop3A_320 : i32 to index
        %parallel_loop3A_322 = arith.index_cast %parallel_loop3A_319 : i32 to index
        %parallel_loop3A_323 = tpu.vector_load %arg16[%parallel_loop3A_321, %parallel_loop3A_322] {strides = array<i32>} : memref<64x256xf32, #tpu.memory_space<vmem>>, vector<16xf32>,
        tpu.vector_store %arg16[%parallel_loop3A_321, %parallel_loop3A_322], %parallel_loop3A_317 {strides = array<i32>} : memref<64x256xf32, #tpu.memory_space<vmem>>, vector<16xf32>,
        %parallel_loop3A_324 = arith.mulf %parallel_loop3A_315, %parallel_loop3A_315 : vector<16xf32>
        %parallel_loop3A_325 = arith.addf %parallel_loop3A_283, %parallel_loop3A_324 : vector<16xf32>
        %parallel_loop3A_326 = arith.constant 640 : i32
        %parallel_loop3A_327 = vector.broadcast %parallel_loop3A_326 : i32 to vector<16xi32>
        %parallel_loop3A_328 = arith.addi %parallel_loop3A_111, %parallel_loop3A_327 : vector<16xi32>
        %parallel_loop3A_329 = tpu.vector_load_idx %arg9[%parallel_loop3A_328] : memref<4096xf32, #tpu.memory_space<vmem>>[vector<16xi32>], vector<16xf32>,
        %parallel_loop3A_330 = tpu.vector_load_idx %arg10[%parallel_loop3A_328] : memref<4096xf32, #tpu.memory_space<vmem>>[vector<16xi32>], vector<16xf32>,
        %parallel_loop3A_331 = arith.constant 16 : i32
        %parallel_loop3A_332 = arith.muli %parallel_loop3A_107, %parallel_loop3A_331 : i32
        %parallel_loop3A_333 = arith.constant 10 : i32
        %parallel_loop3A_334 = arith.index_cast %parallel_loop3A_333 : i32 to index
        %parallel_loop3A_335 = arith.index_cast %parallel_loop3A_332 : i32 to index
        %parallel_loop3A_336 = tpu.vector_load %arg14[%parallel_loop3A_334, %parallel_loop3A_335] {strides = array<i32>} : memref<64x256xf32, #tpu.memory_space<vmem>>, vector<16xf32>,
        %parallel_loop3A_337 = arith.mulf %parallel_loop3A_336, %parallel_loop3A_329 : vector<16xf32>
        %parallel_loop3A_338 = arith.addf %parallel_loop3A_337, %parallel_loop3A_330 : vector<16xf32>
        %parallel_loop3A_339 = arith.constant 16 : i32
        %parallel_loop3A_340 = arith.muli %parallel_loop3A_107, %parallel_loop3A_339 : i32
        %parallel_loop3A_341 = arith.constant 10 : i32
        %parallel_loop3A_342 = arith.index_cast %parallel_loop3A_341 : i32 to index
        %parallel_loop3A_343 = arith.index_cast %parallel_loop3A_340 : i32 to index
        %parallel_loop3A_344 = tpu.vector_load %arg16[%parallel_loop3A_342, %parallel_loop3A_343] {strides = array<i32>} : memref<64x256xf32, #tpu.memory_space<vmem>>, vector<16xf32>,
        tpu.vector_store %arg16[%parallel_loop3A_342, %parallel_loop3A_343], %parallel_loop3A_338 {strides = array<i32>} : memref<64x256xf32, #tpu.memory_space<vmem>>, vector<16xf32>,
        %parallel_loop3A_345 = arith.mulf %parallel_loop3A_336, %parallel_loop3A_336 : vector<16xf32>
        %parallel_loop3A_346 = arith.addf %parallel_loop3A_304, %parallel_loop3A_345 : vector<16xf32>
        %parallel_loop3A_347 = arith.constant 704 : i32
        %parallel_loop3A_348 = vector.broadcast %parallel_loop3A_347 : i32 to vector<16xi32>
        %parallel_loop3A_349 = arith.addi %parallel_loop3A_111, %parallel_loop3A_348 : vector<16xi32>
        %parallel_loop3A_350 = tpu.vector_load_idx %arg9[%parallel_loop3A_349] : memref<4096xf32, #tpu.memory_space<vmem>>[vector<16xi32>], vector<16xf32>,
        %parallel_loop3A_351 = tpu.vector_load_idx %arg10[%parallel_loop3A_349] : memref<4096xf32, #tpu.memory_space<vmem>>[vector<16xi32>], vector<16xf32>,
        %parallel_loop3A_352 = arith.constant 16 : i32
        %parallel_loop3A_353 = arith.muli %parallel_loop3A_107, %parallel_loop3A_352 : i32
        %parallel_loop3A_354 = arith.constant 11 : i32
        %parallel_loop3A_355 = arith.index_cast %parallel_loop3A_354 : i32 to index
        %parallel_loop3A_356 = arith.index_cast %parallel_loop3A_353 : i32 to index
        %parallel_loop3A_357 = tpu.vector_load %arg14[%parallel_loop3A_355, %parallel_loop3A_356] {strides = array<i32>} : memref<64x256xf32, #tpu.memory_space<vmem>>, vector<16xf32>,
        %parallel_loop3A_358 = arith.mulf %parallel_loop3A_357, %parallel_loop3A_350 : vector<16xf32>
        %parallel_loop3A_359 = arith.addf %parallel_loop3A_358, %parallel_loop3A_351 : vector<16xf32>
        %parallel_loop3A_360 = arith.constant 16 : i32
        %parallel_loop3A_361 = arith.muli %parallel_loop3A_107, %parallel_loop3A_360 : i32
        %parallel_loop3A_362 = arith.constant 11 : i32
        %parallel_loop3A_363 = arith.index_cast %parallel_loop3A_362 : i32 to index
        %parallel_loop3A_364 = arith.index_cast %parallel_loop3A_361 : i32 to index
        %parallel_loop3A_365 = tpu.vector_load %arg16[%parallel_loop3A_363, %parallel_loop3A_364] {strides = array<i32>} : memref<64x256xf32, #tpu.memory_space<vmem>>, vector<16xf32>,
        tpu.vector_store %arg16[%parallel_loop3A_363, %parallel_loop3A_364], %parallel_loop3A_359 {strides = array<i32>} : memref<64x256xf32, #tpu.memory_space<vmem>>, vector<16xf32>,
        %parallel_loop3A_366 = arith.mulf %parallel_loop3A_357, %parallel_loop3A_357 : vector<16xf32>
        %parallel_loop3A_367 = arith.addf %parallel_loop3A_325, %parallel_loop3A_366 : vector<16xf32>
        %parallel_loop3A_368 = arith.constant 768 : i32
        %parallel_loop3A_369 = vector.broadcast %parallel_loop3A_368 : i32 to vector<16xi32>
        %parallel_loop3A_370 = arith.addi %parallel_loop3A_111, %parallel_loop3A_369 : vector<16xi32>
        %parallel_loop3A_371 = tpu.vector_load_idx %arg9[%parallel_loop3A_370] : memref<4096xf32, #tpu.memory_space<vmem>>[vector<16xi32>], vector<16xf32>,
        %parallel_loop3A_372 = tpu.vector_load_idx %arg10[%parallel_loop3A_370] : memref<4096xf32, #tpu.memory_space<vmem>>[vector<16xi32>], vector<16xf32>,
        %parallel_loop3A_373 = arith.constant 16 : i32
        %parallel_loop3A_374 = arith.muli %parallel_loop3A_107, %parallel_loop3A_373 : i32
        %parallel_loop3A_375 = arith.constant 12 : i32
        %parallel_loop3A_376 = arith.index_cast %parallel_loop3A_375 : i32 to index
        %parallel_loop3A_377 = arith.index_cast %parallel_loop3A_374 : i32 to index
        %parallel_loop3A_378 = tpu.vector_load %arg14[%parallel_loop3A_376, %parallel_loop3A_377] {strides = array<i32>} : memref<64x256xf32, #tpu.memory_space<vmem>>, vector<16xf32>,
        %parallel_loop3A_379 = arith.mulf %parallel_loop3A_378, %parallel_loop3A_371 : vector<16xf32>
        %parallel_loop3A_380 = arith.addf %parallel_loop3A_379, %parallel_loop3A_372 : vector<16xf32>
        %parallel_loop3A_381 = arith.constant 16 : i32
        %parallel_loop3A_382 = arith.muli %parallel_loop3A_107, %parallel_loop3A_381 : i32
        %parallel_loop3A_383 = arith.constant 12 : i32
        %parallel_loop3A_384 = arith.index_cast %parallel_loop3A_383 : i32 to index
        %parallel_loop3A_385 = arith.index_cast %parallel_loop3A_382 : i32 to index
        %parallel_loop3A_386 = tpu.vector_load %arg16[%parallel_loop3A_384, %parallel_loop3A_385] {strides = array<i32>} : memref<64x256xf32, #tpu.memory_space<vmem>>, vector<16xf32>,
        tpu.vector_store %arg16[%parallel_loop3A_384, %parallel_loop3A_385], %parallel_loop3A_380 {strides = array<i32>} : memref<64x256xf32, #tpu.memory_space<vmem>>, vector<16xf32>,
        %parallel_loop3A_387 = arith.mulf %parallel_loop3A_378, %parallel_loop3A_378 : vector<16xf32>
        %parallel_loop3A_388 = arith.addf %parallel_loop3A_346, %parallel_loop3A_387 : vector<16xf32>
        %parallel_loop3A_389 = arith.constant 832 : i32
        %parallel_loop3A_390 = vector.broadcast %parallel_loop3A_389 : i32 to vector<16xi32>
        %parallel_loop3A_391 = arith.addi %parallel_loop3A_111, %parallel_loop3A_390 : vector<16xi32>
        %parallel_loop3A_392 = tpu.vector_load_idx %arg9[%parallel_loop3A_391] : memref<4096xf32, #tpu.memory_space<vmem>>[vector<16xi32>], vector<16xf32>,
        %parallel_loop3A_393 = tpu.vector_load_idx %arg10[%parallel_loop3A_391] : memref<4096xf32, #tpu.memory_space<vmem>>[vector<16xi32>], vector<16xf32>,
        %parallel_loop3A_394 = arith.constant 16 : i32
        %parallel_loop3A_395 = arith.muli %parallel_loop3A_107, %parallel_loop3A_394 : i32
        %parallel_loop3A_396 = arith.constant 13 : i32
        %parallel_loop3A_397 = arith.index_cast %parallel_loop3A_396 : i32 to index
        %parallel_loop3A_398 = arith.index_cast %parallel_loop3A_395 : i32 to index
        %parallel_loop3A_399 = tpu.vector_load %arg14[%parallel_loop3A_397, %parallel_loop3A_398] {strides = array<i32>} : memref<64x256xf32, #tpu.memory_space<vmem>>, vector<16xf32>,
        %parallel_loop3A_400 = arith.mulf %parallel_loop3A_399, %parallel_loop3A_392 : vector<16xf32>
        %parallel_loop3A_401 = arith.addf %parallel_loop3A_400, %parallel_loop3A_393 : vector<16xf32>
        %parallel_loop3A_402 = arith.constant 16 : i32
        %parallel_loop3A_403 = arith.muli %parallel_loop3A_107, %parallel_loop3A_402 : i32
        %parallel_loop3A_404 = arith.constant 13 : i32
        %parallel_loop3A_405 = arith.index_cast %parallel_loop3A_404 : i32 to index
        %parallel_loop3A_406 = arith.index_cast %parallel_loop3A_403 : i32 to index
        %parallel_loop3A_407 = tpu.vector_load %arg16[%parallel_loop3A_405, %parallel_loop3A_406] {strides = array<i32>} : memref<64x256xf32, #tpu.memory_space<vmem>>, vector<16xf32>,
        tpu.vector_store %arg16[%parallel_loop3A_405, %parallel_loop3A_406], %parallel_loop3A_401 {strides = array<i32>} : memref<64x256xf32, #tpu.memory_space<vmem>>, vector<16xf32>,
        %parallel_loop3A_408 = arith.mulf %parallel_loop3A_399, %parallel_loop3A_399 : vector<16xf32>
        %parallel_loop3A_409 = arith.addf %parallel_loop3A_367, %parallel_loop3A_408 : vector<16xf32>
        %parallel_loop3A_410 = arith.constant 896 : i32
        %parallel_loop3A_411 = vector.broadcast %parallel_loop3A_410 : i32 to vector<16xi32>
        %parallel_loop3A_412 = arith.addi %parallel_loop3A_111, %parallel_loop3A_411 : vector<16xi32>
        %parallel_loop3A_413 = tpu.vector_load_idx %arg9[%parallel_loop3A_412] : memref<4096xf32, #tpu.memory_space<vmem>>[vector<16xi32>], vector<16xf32>,
        %parallel_loop3A_414 = tpu.vector_load_idx %arg10[%parallel_loop3A_412] : memref<4096xf32, #tpu.memory_space<vmem>>[vector<16xi32>], vector<16xf32>,
        %parallel_loop3A_415 = arith.constant 16 : i32
        %parallel_loop3A_416 = arith.muli %parallel_loop3A_107, %parallel_loop3A_415 : i32
        %parallel_loop3A_417 = arith.constant 14 : i32
        %parallel_loop3A_418 = arith.index_cast %parallel_loop3A_417 : i32 to index
        %parallel_loop3A_419 = arith.index_cast %parallel_loop3A_416 : i32 to index
        %parallel_loop3A_420 = tpu.vector_load %arg14[%parallel_loop3A_418, %parallel_loop3A_419] {strides = array<i32>} : memref<64x256xf32, #tpu.memory_space<vmem>>, vector<16xf32>,
        %parallel_loop3A_421 = arith.mulf %parallel_loop3A_420, %parallel_loop3A_413 : vector<16xf32>
        %parallel_loop3A_422 = arith.addf %parallel_loop3A_421, %parallel_loop3A_414 : vector<16xf32>
        %parallel_loop3A_423 = arith.constant 16 : i32
        %parallel_loop3A_424 = arith.muli %parallel_loop3A_107, %parallel_loop3A_423 : i32
        %parallel_loop3A_425 = arith.constant 14 : i32
        %parallel_loop3A_426 = arith.index_cast %parallel_loop3A_425 : i32 to index
        %parallel_loop3A_427 = arith.index_cast %parallel_loop3A_424 : i32 to index
        %parallel_loop3A_428 = tpu.vector_load %arg16[%parallel_loop3A_426, %parallel_loop3A_427] {strides = array<i32>} : memref<64x256xf32, #tpu.memory_space<vmem>>, vector<16xf32>,
        tpu.vector_store %arg16[%parallel_loop3A_426, %parallel_loop3A_427], %parallel_loop3A_422 {strides = array<i32>} : memref<64x256xf32, #tpu.memory_space<vmem>>, vector<16xf32>,
        %parallel_loop3A_429 = arith.mulf %parallel_loop3A_420, %parallel_loop3A_420 : vector<16xf32>
        %parallel_loop3A_430 = arith.addf %parallel_loop3A_388, %parallel_loop3A_429 : vector<16xf32>
        %parallel_loop3A_431 = arith.constant 960 : i32
        %parallel_loop3A_432 = vector.broadcast %parallel_loop3A_431 : i32 to vector<16xi32>
        %parallel_loop3A_433 = arith.addi %parallel_loop3A_111, %parallel_loop3A_432 : vector<16xi32>
        %parallel_loop3A_434 = tpu.vector_load_idx %arg9[%parallel_loop3A_433] : memref<4096xf32, #tpu.memory_space<vmem>>[vector<16xi32>], vector<16xf32>,
        %parallel_loop3A_435 = tpu.vector_load_idx %arg10[%parallel_loop3A_433] : memref<4096xf32, #tpu.memory_space<vmem>>[vector<16xi32>], vector<16xf32>,
        %parallel_loop3A_436 = arith.constant 16 : i32
        %parallel_loop3A_437 = arith.muli %parallel_loop3A_107, %parallel_loop3A_436 : i32
        %parallel_loop3A_438 = arith.constant 15 : i32
        %parallel_loop3A_439 = arith.index_cast %parallel_loop3A_438 : i32 to index
        %parallel_loop3A_440 = arith.index_cast %parallel_loop3A_437 : i32 to index
        %parallel_loop3A_441 = tpu.vector_load %arg14[%parallel_loop3A_439, %parallel_loop3A_440] {strides = array<i32>} : memref<64x256xf32, #tpu.memory_space<vmem>>, vector<16xf32>,
        %parallel_loop3A_442 = arith.mulf %parallel_loop3A_441, %parallel_loop3A_434 : vector<16xf32>
        %parallel_loop3A_443 = arith.addf %parallel_loop3A_442, %parallel_loop3A_435 : vector<16xf32>
        %parallel_loop3A_444 = arith.constant 16 : i32
        %parallel_loop3A_445 = arith.muli %parallel_loop3A_107, %parallel_loop3A_444 : i32
        %parallel_loop3A_446 = arith.constant 15 : i32
        %parallel_loop3A_447 = arith.index_cast %parallel_loop3A_446 : i32 to index
        %parallel_loop3A_448 = arith.index_cast %parallel_loop3A_445 : i32 to index
        %parallel_loop3A_449 = tpu.vector_load %arg16[%parallel_loop3A_447, %parallel_loop3A_448] {strides = array<i32>} : memref<64x256xf32, #tpu.memory_space<vmem>>, vector<16xf32>,
        tpu.vector_store %arg16[%parallel_loop3A_447, %parallel_loop3A_448], %parallel_loop3A_443 {strides = array<i32>} : memref<64x256xf32, #tpu.memory_space<vmem>>, vector<16xf32>,
        %parallel_loop3A_450 = arith.mulf %parallel_loop3A_441, %parallel_loop3A_441 : vector<16xf32>
        %parallel_loop3A_451 = arith.addf %parallel_loop3A_409, %parallel_loop3A_450 : vector<16xf32>
        %parallel_loop3A_452 = arith.constant 1024 : i32
        %parallel_loop3A_453 = vector.broadcast %parallel_loop3A_452 : i32 to vector<16xi32>
        %parallel_loop3A_454 = arith.addi %parallel_loop3A_111, %parallel_loop3A_453 : vector<16xi32>
        %parallel_loop3A_455 = tpu.vector_load_idx %arg9[%parallel_loop3A_454] : memref<4096xf32, #tpu.memory_space<vmem>>[vector<16xi32>], vector<16xf32>,
        %parallel_loop3A_456 = tpu.vector_load_idx %arg10[%parallel_loop3A_454] : memref<4096xf32, #tpu.memory_space<vmem>>[vector<16xi32>], vector<16xf32>,
        %parallel_loop3A_457 = arith.constant 16 : i32
        %parallel_loop3A_458 = arith.muli %parallel_loop3A_107, %parallel_loop3A_457 : i32
        %parallel_loop3A_459 = arith.constant 16 : i32
        %parallel_loop3A_460 = arith.index_cast %parallel_loop3A_459 : i32 to index
        %parallel_loop3A_461 = arith.index_cast %parallel_loop3A_458 : i32 to index
        %parallel_loop3A_462 = tpu.vector_load %arg14[%parallel_loop3A_460, %parallel_loop3A_461] {strides = array<i32>} : memref<64x256xf32, #tpu.memory_space<vmem>>, vector<16xf32>,
        %parallel_loop3A_463 = arith.mulf %parallel_loop3A_462, %parallel_loop3A_455 : vector<16xf32>
        %parallel_loop3A_464 = arith.addf %parallel_loop3A_463, %parallel_loop3A_456 : vector<16xf32>
        %parallel_loop3A_465 = arith.constant 16 : i32
        %parallel_loop3A_466 = arith.muli %parallel_loop3A_107, %parallel_loop3A_465 : i32
        %parallel_loop3A_467 = arith.constant 16 : i32
        %parallel_loop3A_468 = arith.index_cast %parallel_loop3A_467 : i32 to index
        %parallel_loop3A_469 = arith.index_cast %parallel_loop3A_466 : i32 to index
        %parallel_loop3A_470 = tpu.vector_load %arg16[%parallel_loop3A_468, %parallel_loop3A_469] {strides = array<i32>} : memref<64x256xf32, #tpu.memory_space<vmem>>, vector<16xf32>,
        tpu.vector_store %arg16[%parallel_loop3A_468, %parallel_loop3A_469], %parallel_loop3A_464 {strides = array<i32>} : memref<64x256xf32, #tpu.memory_space<vmem>>, vector<16xf32>,
        %parallel_loop3A_471 = arith.mulf %parallel_loop3A_462, %parallel_loop3A_462 : vector<16xf32>
        %parallel_loop3A_472 = arith.addf %parallel_loop3A_430, %parallel_loop3A_471 : vector<16xf32>
        %parallel_loop3A_473 = arith.constant 1088 : i32
        %parallel_loop3A_474 = vector.broadcast %parallel_loop3A_473 : i32 to vector<16xi32>
        %parallel_loop3A_475 = arith.addi %parallel_loop3A_111, %parallel_loop3A_474 : vector<16xi32>
        %parallel_loop3A_476 = tpu.vector_load_idx %arg9[%parallel_loop3A_475] : memref<4096xf32, #tpu.memory_space<vmem>>[vector<16xi32>], vector<16xf32>,
        %parallel_loop3A_477 = tpu.vector_load_idx %arg10[%parallel_loop3A_475] : memref<4096xf32, #tpu.memory_space<vmem>>[vector<16xi32>], vector<16xf32>,
        %parallel_loop3A_478 = arith.constant 16 : i32
        %parallel_loop3A_479 = arith.muli %parallel_loop3A_107, %parallel_loop3A_478 : i32
        %parallel_loop3A_480 = arith.constant 17 : i32
        %parallel_loop3A_481 = arith.index_cast %parallel_loop3A_480 : i32 to index
        %parallel_loop3A_482 = arith.index_cast %parallel_loop3A_479 : i32 to index
        %parallel_loop3A_483 = tpu.vector_load %arg14[%parallel_loop3A_481, %parallel_loop3A_482] {strides = array<i32>} : memref<64x256xf32, #tpu.memory_space<vmem>>, vector<16xf32>,
        %parallel_loop3A_484 = arith.mulf %parallel_loop3A_483, %parallel_loop3A_476 : vector<16xf32>
        %parallel_loop3A_485 = arith.addf %parallel_loop3A_484, %parallel_loop3A_477 : vector<16xf32>
        %parallel_loop3A_486 = arith.constant 16 : i32
        %parallel_loop3A_487 = arith.muli %parallel_loop3A_107, %parallel_loop3A_486 : i32
        %parallel_loop3A_488 = arith.constant 17 : i32
        %parallel_loop3A_489 = arith.index_cast %parallel_loop3A_488 : i32 to index
        %parallel_loop3A_490 = arith.index_cast %parallel_loop3A_487 : i32 to index
        %parallel_loop3A_491 = tpu.vector_load %arg16[%parallel_loop3A_489, %parallel_loop3A_490] {strides = array<i32>} : memref<64x256xf32, #tpu.memory_space<vmem>>, vector<16xf32>,
        tpu.vector_store %arg16[%parallel_loop3A_489, %parallel_loop3A_490], %parallel_loop3A_485 {strides = array<i32>} : memref<64x256xf32, #tpu.memory_space<vmem>>, vector<16xf32>,
        %parallel_loop3A_492 = arith.mulf %parallel_loop3A_483, %parallel_loop3A_483 : vector<16xf32>
        %parallel_loop3A_493 = arith.addf %parallel_loop3A_451, %parallel_loop3A_492 : vector<16xf32>
        %parallel_loop3A_494 = arith.constant 1152 : i32
        %parallel_loop3A_495 = vector.broadcast %parallel_loop3A_494 : i32 to vector<16xi32>
        %parallel_loop3A_496 = arith.addi %parallel_loop3A_111, %parallel_loop3A_495 : vector<16xi32>
        %parallel_loop3A_497 = tpu.vector_load_idx %arg9[%parallel_loop3A_496] : memref<4096xf32, #tpu.memory_space<vmem>>[vector<16xi32>], vector<16xf32>,
        %parallel_loop3A_498 = tpu.vector_load_idx %arg10[%parallel_loop3A_496] : memref<4096xf32, #tpu.memory_space<vmem>>[vector<16xi32>], vector<16xf32>,
        %parallel_loop3A_499 = arith.constant 16 : i32
        %parallel_loop3A_500 = arith.muli %parallel_loop3A_107, %parallel_loop3A_499 : i32
        %parallel_loop3A_501 = arith.constant 18 : i32
        %parallel_loop3A_502 = arith.index_cast %parallel_loop3A_501 : i32 to index
        %parallel_loop3A_503 = arith.index_cast %parallel_loop3A_500 : i32 to index
        %parallel_loop3A_504 = tpu.vector_load %arg14[%parallel_loop3A_502, %parallel_loop3A_503] {strides = array<i32>} : memref<64x256xf32, #tpu.memory_space<vmem>>, vector<16xf32>,
        %parallel_loop3A_505 = arith.mulf %parallel_loop3A_504, %parallel_loop3A_497 : vector<16xf32>
        %parallel_loop3A_506 = arith.addf %parallel_loop3A_505, %parallel_loop3A_498 : vector<16xf32>
        %parallel_loop3A_507 = arith.constant 16 : i32
        %parallel_loop3A_508 = arith.muli %parallel_loop3A_107, %parallel_loop3A_507 : i32
        %parallel_loop3A_509 = arith.constant 18 : i32
        %parallel_loop3A_510 = arith.index_cast %parallel_loop3A_509 : i32 to index
        %parallel_loop3A_511 = arith.index_cast %parallel_loop3A_508 : i32 to index
        %parallel_loop3A_512 = tpu.vector_load %arg16[%parallel_loop3A_510, %parallel_loop3A_511] {strides = array<i32>} : memref<64x256xf32, #tpu.memory_space<vmem>>, vector<16xf32>,
        tpu.vector_store %arg16[%parallel_loop3A_510, %parallel_loop3A_511], %parallel_loop3A_506 {strides = array<i32>} : memref<64x256xf32, #tpu.memory_space<vmem>>, vector<16xf32>,
        %parallel_loop3A_513 = arith.mulf %parallel_loop3A_504, %parallel_loop3A_504 : vector<16xf32>
        %parallel_loop3A_514 = arith.addf %parallel_loop3A_472, %parallel_loop3A_513 : vector<16xf32>
        %parallel_loop3A_515 = arith.constant 1216 : i32
        %parallel_loop3A_516 = vector.broadcast %parallel_loop3A_515 : i32 to vector<16xi32>
        %parallel_loop3A_517 = arith.addi %parallel_loop3A_111, %parallel_loop3A_516 : vector<16xi32>
        %parallel_loop3A_518 = tpu.vector_load_idx %arg9[%parallel_loop3A_517] : memref<4096xf32, #tpu.memory_space<vmem>>[vector<16xi32>], vector<16xf32>,
        %parallel_loop3A_519 = tpu.vector_load_idx %arg10[%parallel_loop3A_517] : memref<4096xf32, #tpu.memory_space<vmem>>[vector<16xi32>], vector<16xf32>,
        %parallel_loop3A_520 = arith.constant 16 : i32
        %parallel_loop3A_521 = arith.muli %parallel_loop3A_107, %parallel_loop3A_520 : i32
        %parallel_loop3A_522 = arith.constant 19 : i32
        %parallel_loop3A_523 = arith.index_cast %parallel_loop3A_522 : i32 to index
        %parallel_loop3A_524 = arith.index_cast %parallel_loop3A_521 : i32 to index
        %parallel_loop3A_525 = tpu.vector_load %arg14[%parallel_loop3A_523, %parallel_loop3A_524] {strides = array<i32>} : memref<64x256xf32, #tpu.memory_space<vmem>>, vector<16xf32>,
        %parallel_loop3A_526 = arith.mulf %parallel_loop3A_525, %parallel_loop3A_518 : vector<16xf32>
        %parallel_loop3A_527 = arith.addf %parallel_loop3A_526, %parallel_loop3A_519 : vector<16xf32>
        %parallel_loop3A_528 = arith.constant 16 : i32
        %parallel_loop3A_529 = arith.muli %parallel_loop3A_107, %parallel_loop3A_528 : i32
        %parallel_loop3A_530 = arith.constant 19 : i32
        %parallel_loop3A_531 = arith.index_cast %parallel_loop3A_530 : i32 to index
        %parallel_loop3A_532 = arith.index_cast %parallel_loop3A_529 : i32 to index
        %parallel_loop3A_533 = tpu.vector_load %arg16[%parallel_loop3A_531, %parallel_loop3A_532] {strides = array<i32>} : memref<64x256xf32, #tpu.memory_space<vmem>>, vector<16xf32>,
        tpu.vector_store %arg16[%parallel_loop3A_531, %parallel_loop3A_532], %parallel_loop3A_527 {strides = array<i32>} : memref<64x256xf32, #tpu.memory_space<vmem>>, vector<16xf32>,
        %parallel_loop3A_534 = arith.mulf %parallel_loop3A_525, %parallel_loop3A_525 : vector<16xf32>
        %parallel_loop3A_535 = arith.addf %parallel_loop3A_493, %parallel_loop3A_534 : vector<16xf32>
        %parallel_loop3A_536 = arith.constant 1280 : i32
        %parallel_loop3A_537 = vector.broadcast %parallel_loop3A_536 : i32 to vector<16xi32>
        %parallel_loop3A_538 = arith.addi %parallel_loop3A_111, %parallel_loop3A_537 : vector<16xi32>
        %parallel_loop3A_539 = tpu.vector_load_idx %arg9[%parallel_loop3A_538] : memref<4096xf32, #tpu.memory_space<vmem>>[vector<16xi32>], vector<16xf32>,
        %parallel_loop3A_540 = tpu.vector_load_idx %arg10[%parallel_loop3A_538] : memref<4096xf32, #tpu.memory_space<vmem>>[vector<16xi32>], vector<16xf32>,
        %parallel_loop3A_541 = arith.constant 16 : i32
        %parallel_loop3A_542 = arith.muli %parallel_loop3A_107, %parallel_loop3A_541 : i32
        %parallel_loop3A_543 = arith.constant 20 : i32
        %parallel_loop3A_544 = arith.index_cast %parallel_loop3A_543 : i32 to index
        %parallel_loop3A_545 = arith.index_cast %parallel_loop3A_542 : i32 to index
        %parallel_loop3A_546 = tpu.vector_load %arg14[%parallel_loop3A_544, %parallel_loop3A_545] {strides = array<i32>} : memref<64x256xf32, #tpu.memory_space<vmem>>, vector<16xf32>,
        %parallel_loop3A_547 = arith.mulf %parallel_loop3A_546, %parallel_loop3A_539 : vector<16xf32>
        %parallel_loop3A_548 = arith.addf %parallel_loop3A_547, %parallel_loop3A_540 : vector<16xf32>
        %parallel_loop3A_549 = arith.constant 16 : i32
        %parallel_loop3A_550 = arith.muli %parallel_loop3A_107, %parallel_loop3A_549 : i32
        %parallel_loop3A_551 = arith.constant 20 : i32
        %parallel_loop3A_552 = arith.index_cast %parallel_loop3A_551 : i32 to index
        %parallel_loop3A_553 = arith.index_cast %parallel_loop3A_550 : i32 to index
        %parallel_loop3A_554 = tpu.vector_load %arg16[%parallel_loop3A_552, %parallel_loop3A_553] {strides = array<i32>} : memref<64x256xf32, #tpu.memory_space<vmem>>, vector<16xf32>,
        tpu.vector_store %arg16[%parallel_loop3A_552, %parallel_loop3A_553], %parallel_loop3A_548 {strides = array<i32>} : memref<64x256xf32, #tpu.memory_space<vmem>>, vector<16xf32>,
        %parallel_loop3A_555 = arith.mulf %parallel_loop3A_546, %parallel_loop3A_546 : vector<16xf32>
        %parallel_loop3A_556 = arith.addf %parallel_loop3A_514, %parallel_loop3A_555 : vector<16xf32>
        %parallel_loop3A_557 = arith.constant 1344 : i32
        %parallel_loop3A_558 = vector.broadcast %parallel_loop3A_557 : i32 to vector<16xi32>
        %parallel_loop3A_559 = arith.addi %parallel_loop3A_111, %parallel_loop3A_558 : vector<16xi32>
        %parallel_loop3A_560 = tpu.vector_load_idx %arg9[%parallel_loop3A_559] : memref<4096xf32, #tpu.memory_space<vmem>>[vector<16xi32>], vector<16xf32>,
        %parallel_loop3A_561 = tpu.vector_load_idx %arg10[%parallel_loop3A_559] : memref<4096xf32, #tpu.memory_space<vmem>>[vector<16xi32>], vector<16xf32>,
        %parallel_loop3A_562 = arith.constant 16 : i32
        %parallel_loop3A_563 = arith.muli %parallel_loop3A_107, %parallel_loop3A_562 : i32
        %parallel_loop3A_564 = arith.constant 21 : i32
        %parallel_loop3A_565 = arith.index_cast %parallel_loop3A_564 : i32 to index
        %parallel_loop3A_566 = arith.index_cast %parallel_loop3A_563 : i32 to index
        %parallel_loop3A_567 = tpu.vector_load %arg14[%parallel_loop3A_565, %parallel_loop3A_566] {strides = array<i32>} : memref<64x256xf32, #tpu.memory_space<vmem>>, vector<16xf32>,
        %parallel_loop3A_568 = arith.mulf %parallel_loop3A_567, %parallel_loop3A_560 : vector<16xf32>
        %parallel_loop3A_569 = arith.addf %parallel_loop3A_568, %parallel_loop3A_561 : vector<16xf32>
        %parallel_loop3A_570 = arith.constant 16 : i32
        %parallel_loop3A_571 = arith.muli %parallel_loop3A_107, %parallel_loop3A_570 : i32
        %parallel_loop3A_572 = arith.constant 21 : i32
        %parallel_loop3A_573 = arith.index_cast %parallel_loop3A_572 : i32 to index
        %parallel_loop3A_574 = arith.index_cast %parallel_loop3A_571 : i32 to index
        %parallel_loop3A_575 = tpu.vector_load %arg16[%parallel_loop3A_573, %parallel_loop3A_574] {strides = array<i32>} : memref<64x256xf32, #tpu.memory_space<vmem>>, vector<16xf32>,
        tpu.vector_store %arg16[%parallel_loop3A_573, %parallel_loop3A_574], %parallel_loop3A_569 {strides = array<i32>} : memref<64x256xf32, #tpu.memory_space<vmem>>, vector<16xf32>,
        %parallel_loop3A_576 = arith.mulf %parallel_loop3A_567, %parallel_loop3A_567 : vector<16xf32>
        %parallel_loop3A_577 = arith.addf %parallel_loop3A_535, %parallel_loop3A_576 : vector<16xf32>
        %parallel_loop3A_578 = arith.constant 1408 : i32
        %parallel_loop3A_579 = vector.broadcast %parallel_loop3A_578 : i32 to vector<16xi32>
        %parallel_loop3A_580 = arith.addi %parallel_loop3A_111, %parallel_loop3A_579 : vector<16xi32>
        %parallel_loop3A_581 = tpu.vector_load_idx %arg9[%parallel_loop3A_580] : memref<4096xf32, #tpu.memory_space<vmem>>[vector<16xi32>], vector<16xf32>,
        %parallel_loop3A_582 = tpu.vector_load_idx %arg10[%parallel_loop3A_580] : memref<4096xf32, #tpu.memory_space<vmem>>[vector<16xi32>], vector<16xf32>,
        %parallel_loop3A_583 = arith.constant 16 : i32
        %parallel_loop3A_584 = arith.muli %parallel_loop3A_107, %parallel_loop3A_583 : i32
        %parallel_loop3A_585 = arith.constant 22 : i32
        %parallel_loop3A_586 = arith.index_cast %parallel_loop3A_585 : i32 to index
        %parallel_loop3A_587 = arith.index_cast %parallel_loop3A_584 : i32 to index
        %parallel_loop3A_588 = tpu.vector_load %arg14[%parallel_loop3A_586, %parallel_loop3A_587] {strides = array<i32>} : memref<64x256xf32, #tpu.memory_space<vmem>>, vector<16xf32>,
        %parallel_loop3A_589 = arith.mulf %parallel_loop3A_588, %parallel_loop3A_581 : vector<16xf32>
        %parallel_loop3A_590 = arith.addf %parallel_loop3A_589, %parallel_loop3A_582 : vector<16xf32>
        %parallel_loop3A_591 = arith.constant 16 : i32
        %parallel_loop3A_592 = arith.muli %parallel_loop3A_107, %parallel_loop3A_591 : i32
        %parallel_loop3A_593 = arith.constant 22 : i32
        %parallel_loop3A_594 = arith.index_cast %parallel_loop3A_593 : i32 to index
        %parallel_loop3A_595 = arith.index_cast %parallel_loop3A_592 : i32 to index
        %parallel_loop3A_596 = tpu.vector_load %arg16[%parallel_loop3A_594, %parallel_loop3A_595] {strides = array<i32>} : memref<64x256xf32, #tpu.memory_space<vmem>>, vector<16xf32>,
        tpu.vector_store %arg16[%parallel_loop3A_594, %parallel_loop3A_595], %parallel_loop3A_590 {strides = array<i32>} : memref<64x256xf32, #tpu.memory_space<vmem>>, vector<16xf32>,
        %parallel_loop3A_597 = arith.mulf %parallel_loop3A_588, %parallel_loop3A_588 : vector<16xf32>
        %parallel_loop3A_598 = arith.addf %parallel_loop3A_556, %parallel_loop3A_597 : vector<16xf32>
        %parallel_loop3A_599 = arith.constant 1472 : i32
        %parallel_loop3A_600 = vector.broadcast %parallel_loop3A_599 : i32 to vector<16xi32>
        %parallel_loop3A_601 = arith.addi %parallel_loop3A_111, %parallel_loop3A_600 : vector<16xi32>
        %parallel_loop3A_602 = tpu.vector_load_idx %arg9[%parallel_loop3A_601] : memref<4096xf32, #tpu.memory_space<vmem>>[vector<16xi32>], vector<16xf32>,
        %parallel_loop3A_603 = tpu.vector_load_idx %arg10[%parallel_loop3A_601] : memref<4096xf32, #tpu.memory_space<vmem>>[vector<16xi32>], vector<16xf32>,
        %parallel_loop3A_604 = arith.constant 16 : i32
        %parallel_loop3A_605 = arith.muli %parallel_loop3A_107, %parallel_loop3A_604 : i32
        %parallel_loop3A_606 = arith.constant 23 : i32
        %parallel_loop3A_607 = arith.index_cast %parallel_loop3A_606 : i32 to index
        %parallel_loop3A_608 = arith.index_cast %parallel_loop3A_605 : i32 to index
        %parallel_loop3A_609 = tpu.vector_load %arg14[%parallel_loop3A_607, %parallel_loop3A_608] {strides = array<i32>} : memref<64x256xf32, #tpu.memory_space<vmem>>, vector<16xf32>,
        %parallel_loop3A_610 = arith.mulf %parallel_loop3A_609, %parallel_loop3A_602 : vector<16xf32>
        %parallel_loop3A_611 = arith.addf %parallel_loop3A_610, %parallel_loop3A_603 : vector<16xf32>
        %parallel_loop3A_612 = arith.constant 16 : i32
        %parallel_loop3A_613 = arith.muli %parallel_loop3A_107, %parallel_loop3A_612 : i32
        %parallel_loop3A_614 = arith.constant 23 : i32
        %parallel_loop3A_615 = arith.index_cast %parallel_loop3A_614 : i32 to index
        %parallel_loop3A_616 = arith.index_cast %parallel_loop3A_613 : i32 to index
        %parallel_loop3A_617 = tpu.vector_load %arg16[%parallel_loop3A_615, %parallel_loop3A_616] {strides = array<i32>} : memref<64x256xf32, #tpu.memory_space<vmem>>, vector<16xf32>,
        tpu.vector_store %arg16[%parallel_loop3A_615, %parallel_loop3A_616], %parallel_loop3A_611 {strides = array<i32>} : memref<64x256xf32, #tpu.memory_space<vmem>>, vector<16xf32>,
        %parallel_loop3A_618 = arith.mulf %parallel_loop3A_609, %parallel_loop3A_609 : vector<16xf32>
        %parallel_loop3A_619 = arith.addf %parallel_loop3A_577, %parallel_loop3A_618 : vector<16xf32>
        %parallel_loop3A_620 = arith.constant 1536 : i32
        %parallel_loop3A_621 = vector.broadcast %parallel_loop3A_620 : i32 to vector<16xi32>
        %parallel_loop3A_622 = arith.addi %parallel_loop3A_111, %parallel_loop3A_621 : vector<16xi32>
        %parallel_loop3A_623 = tpu.vector_load_idx %arg9[%parallel_loop3A_622] : memref<4096xf32, #tpu.memory_space<vmem>>[vector<16xi32>], vector<16xf32>,
        %parallel_loop3A_624 = tpu.vector_load_idx %arg10[%parallel_loop3A_622] : memref<4096xf32, #tpu.memory_space<vmem>>[vector<16xi32>], vector<16xf32>,
        %parallel_loop3A_625 = arith.constant 16 : i32
        %parallel_loop3A_626 = arith.muli %parallel_loop3A_107, %parallel_loop3A_625 : i32
        %parallel_loop3A_627 = arith.constant 24 : i32
        %parallel_loop3A_628 = arith.index_cast %parallel_loop3A_627 : i32 to index
        %parallel_loop3A_629 = arith.index_cast %parallel_loop3A_626 : i32 to index
        %parallel_loop3A_630 = tpu.vector_load %arg14[%parallel_loop3A_628, %parallel_loop3A_629] {strides = array<i32>} : memref<64x256xf32, #tpu.memory_space<vmem>>, vector<16xf32>,
        %parallel_loop3A_631 = arith.mulf %parallel_loop3A_630, %parallel_loop3A_623 : vector<16xf32>
        %parallel_loop3A_632 = arith.addf %parallel_loop3A_631, %parallel_loop3A_624 : vector<16xf32>
        %parallel_loop3A_633 = arith.constant 16 : i32
        %parallel_loop3A_634 = arith.muli %parallel_loop3A_107, %parallel_loop3A_633 : i32
        %parallel_loop3A_635 = arith.constant 24 : i32
        %parallel_loop3A_636 = arith.index_cast %parallel_loop3A_635 : i32 to index
        %parallel_loop3A_637 = arith.index_cast %parallel_loop3A_634 : i32 to index
        %parallel_loop3A_638 = tpu.vector_load %arg16[%parallel_loop3A_636, %parallel_loop3A_637] {strides = array<i32>} : memref<64x256xf32, #tpu.memory_space<vmem>>, vector<16xf32>,
        tpu.vector_store %arg16[%parallel_loop3A_636, %parallel_loop3A_637], %parallel_loop3A_632 {strides = array<i32>} : memref<64x256xf32, #tpu.memory_space<vmem>>, vector<16xf32>,
        %parallel_loop3A_639 = arith.mulf %parallel_loop3A_630, %parallel_loop3A_630 : vector<16xf32>
        %parallel_loop3A_640 = arith.addf %parallel_loop3A_598, %parallel_loop3A_639 : vector<16xf32>
        %parallel_loop3A_641 = arith.constant 1600 : i32
        %parallel_loop3A_642 = vector.broadcast %parallel_loop3A_641 : i32 to vector<16xi32>
        %parallel_loop3A_643 = arith.addi %parallel_loop3A_111, %parallel_loop3A_642 : vector<16xi32>
        %parallel_loop3A_644 = tpu.vector_load_idx %arg9[%parallel_loop3A_643] : memref<4096xf32, #tpu.memory_space<vmem>>[vector<16xi32>], vector<16xf32>,
        %parallel_loop3A_645 = tpu.vector_load_idx %arg10[%parallel_loop3A_643] : memref<4096xf32, #tpu.memory_space<vmem>>[vector<16xi32>], vector<16xf32>,
        %parallel_loop3A_646 = arith.constant 16 : i32
        %parallel_loop3A_647 = arith.muli %parallel_loop3A_107, %parallel_loop3A_646 : i32
        %parallel_loop3A_648 = arith.constant 25 : i32
        %parallel_loop3A_649 = arith.index_cast %parallel_loop3A_648 : i32 to index
        %parallel_loop3A_650 = arith.index_cast %parallel_loop3A_647 : i32 to index
        %parallel_loop3A_651 = tpu.vector_load %arg14[%parallel_loop3A_649, %parallel_loop3A_650] {strides = array<i32>} : memref<64x256xf32, #tpu.memory_space<vmem>>, vector<16xf32>,
        %parallel_loop3A_652 = arith.mulf %parallel_loop3A_651, %parallel_loop3A_644 : vector<16xf32>
        %parallel_loop3A_653 = arith.addf %parallel_loop3A_652, %parallel_loop3A_645 : vector<16xf32>
        %parallel_loop3A_654 = arith.constant 16 : i32
        %parallel_loop3A_655 = arith.muli %parallel_loop3A_107, %parallel_loop3A_654 : i32
        %parallel_loop3A_656 = arith.constant 25 : i32
        %parallel_loop3A_657 = arith.index_cast %parallel_loop3A_656 : i32 to index
        %parallel_loop3A_658 = arith.index_cast %parallel_loop3A_655 : i32 to index
        %parallel_loop3A_659 = tpu.vector_load %arg16[%parallel_loop3A_657, %parallel_loop3A_658] {strides = array<i32>} : memref<64x256xf32, #tpu.memory_space<vmem>>, vector<16xf32>,
        tpu.vector_store %arg16[%parallel_loop3A_657, %parallel_loop3A_658], %parallel_loop3A_653 {strides = array<i32>} : memref<64x256xf32, #tpu.memory_space<vmem>>, vector<16xf32>,
        %parallel_loop3A_660 = arith.mulf %parallel_loop3A_651, %parallel_loop3A_651 : vector<16xf32>
        %parallel_loop3A_661 = arith.addf %parallel_loop3A_619, %parallel_loop3A_660 : vector<16xf32>
        %parallel_loop3A_662 = arith.constant 1664 : i32
        %parallel_loop3A_663 = vector.broadcast %parallel_loop3A_662 : i32 to vector<16xi32>
        %parallel_loop3A_664 = arith.addi %parallel_loop3A_111, %parallel_loop3A_663 : vector<16xi32>
        %parallel_loop3A_665 = tpu.vector_load_idx %arg9[%parallel_loop3A_664] : memref<4096xf32, #tpu.memory_space<vmem>>[vector<16xi32>], vector<16xf32>,
        %parallel_loop3A_666 = tpu.vector_load_idx %arg10[%parallel_loop3A_664] : memref<4096xf32, #tpu.memory_space<vmem>>[vector<16xi32>], vector<16xf32>,
        %parallel_loop3A_667 = arith.constant 16 : i32
        %parallel_loop3A_668 = arith.muli %parallel_loop3A_107, %parallel_loop3A_667 : i32
        %parallel_loop3A_669 = arith.constant 26 : i32
        %parallel_loop3A_670 = arith.index_cast %parallel_loop3A_669 : i32 to index
        %parallel_loop3A_671 = arith.index_cast %parallel_loop3A_668 : i32 to index
        %parallel_loop3A_672 = tpu.vector_load %arg14[%parallel_loop3A_670, %parallel_loop3A_671] {strides = array<i32>} : memref<64x256xf32, #tpu.memory_space<vmem>>, vector<16xf32>,
        %parallel_loop3A_673 = arith.mulf %parallel_loop3A_672, %parallel_loop3A_665 : vector<16xf32>
        %parallel_loop3A_674 = arith.addf %parallel_loop3A_673, %parallel_loop3A_666 : vector<16xf32>
        %parallel_loop3A_675 = arith.constant 16 : i32
        %parallel_loop3A_676 = arith.muli %parallel_loop3A_107, %parallel_loop3A_675 : i32
        %parallel_loop3A_677 = arith.constant 26 : i32
        %parallel_loop3A_678 = arith.index_cast %parallel_loop3A_677 : i32 to index
        %parallel_loop3A_679 = arith.index_cast %parallel_loop3A_676 : i32 to index
        %parallel_loop3A_680 = tpu.vector_load %arg16[%parallel_loop3A_678, %parallel_loop3A_679] {strides = array<i32>} : memref<64x256xf32, #tpu.memory_space<vmem>>, vector<16xf32>,
        tpu.vector_store %arg16[%parallel_loop3A_678, %parallel_loop3A_679], %parallel_loop3A_674 {strides = array<i32>} : memref<64x256xf32, #tpu.memory_space<vmem>>, vector<16xf32>,
        %parallel_loop3A_681 = arith.mulf %parallel_loop3A_672, %parallel_loop3A_672 : vector<16xf32>
        %parallel_loop3A_682 = arith.addf %parallel_loop3A_640, %parallel_loop3A_681 : vector<16xf32>
        %parallel_loop3A_683 = arith.constant 1728 : i32
        %parallel_loop3A_684 = vector.broadcast %parallel_loop3A_683 : i32 to vector<16xi32>
        %parallel_loop3A_685 = arith.addi %parallel_loop3A_111, %parallel_loop3A_684 : vector<16xi32>
        %parallel_loop3A_686 = tpu.vector_load_idx %arg9[%parallel_loop3A_685] : memref<4096xf32, #tpu.memory_space<vmem>>[vector<16xi32>], vector<16xf32>,
        %parallel_loop3A_687 = tpu.vector_load_idx %arg10[%parallel_loop3A_685] : memref<4096xf32, #tpu.memory_space<vmem>>[vector<16xi32>], vector<16xf32>,
        %parallel_loop3A_688 = arith.constant 16 : i32
        %parallel_loop3A_689 = arith.muli %parallel_loop3A_107, %parallel_loop3A_688 : i32
        %parallel_loop3A_690 = arith.constant 27 : i32
        %parallel_loop3A_691 = arith.index_cast %parallel_loop3A_690 : i32 to index
        %parallel_loop3A_692 = arith.index_cast %parallel_loop3A_689 : i32 to index
        %parallel_loop3A_693 = tpu.vector_load %arg14[%parallel_loop3A_691, %parallel_loop3A_692] {strides = array<i32>} : memref<64x256xf32, #tpu.memory_space<vmem>>, vector<16xf32>,
        %parallel_loop3A_694 = arith.mulf %parallel_loop3A_693, %parallel_loop3A_686 : vector<16xf32>
        %parallel_loop3A_695 = arith.addf %parallel_loop3A_694, %parallel_loop3A_687 : vector<16xf32>
        %parallel_loop3A_696 = arith.constant 16 : i32
        %parallel_loop3A_697 = arith.muli %parallel_loop3A_107, %parallel_loop3A_696 : i32
        %parallel_loop3A_698 = arith.constant 27 : i32
        %parallel_loop3A_699 = arith.index_cast %parallel_loop3A_698 : i32 to index
        %parallel_loop3A_700 = arith.index_cast %parallel_loop3A_697 : i32 to index
        %parallel_loop3A_701 = tpu.vector_load %arg16[%parallel_loop3A_699, %parallel_loop3A_700] {strides = array<i32>} : memref<64x256xf32, #tpu.memory_space<vmem>>, vector<16xf32>,
        tpu.vector_store %arg16[%parallel_loop3A_699, %parallel_loop3A_700], %parallel_loop3A_695 {strides = array<i32>} : memref<64x256xf32, #tpu.memory_space<vmem>>, vector<16xf32>,
        %parallel_loop3A_702 = arith.mulf %parallel_loop3A_693, %parallel_loop3A_693 : vector<16xf32>
        %parallel_loop3A_703 = arith.addf %parallel_loop3A_661, %parallel_loop3A_702 : vector<16xf32>
        %parallel_loop3A_704 = arith.constant 1792 : i32
        %parallel_loop3A_705 = vector.broadcast %parallel_loop3A_704 : i32 to vector<16xi32>
        %parallel_loop3A_706 = arith.addi %parallel_loop3A_111, %parallel_loop3A_705 : vector<16xi32>
        %parallel_loop3A_707 = tpu.vector_load_idx %arg9[%parallel_loop3A_706] : memref<4096xf32, #tpu.memory_space<vmem>>[vector<16xi32>], vector<16xf32>,
        %parallel_loop3A_708 = tpu.vector_load_idx %arg10[%parallel_loop3A_706] : memref<4096xf32, #tpu.memory_space<vmem>>[vector<16xi32>], vector<16xf32>,
        %parallel_loop3A_709 = arith.constant 16 : i32
        %parallel_loop3A_710 = arith.muli %parallel_loop3A_107, %parallel_loop3A_709 : i32
        %parallel_loop3A_711 = arith.constant 28 : i32
        %parallel_loop3A_712 = arith.index_cast %parallel_loop3A_711 : i32 to index
        %parallel_loop3A_713 = arith.index_cast %parallel_loop3A_710 : i32 to index
        %parallel_loop3A_714 = tpu.vector_load %arg14[%parallel_loop3A_712, %parallel_loop3A_713] {strides = array<i32>} : memref<64x256xf32, #tpu.memory_space<vmem>>, vector<16xf32>,
        %parallel_loop3A_715 = arith.mulf %parallel_loop3A_714, %parallel_loop3A_707 : vector<16xf32>
        %parallel_loop3A_716 = arith.addf %parallel_loop3A_715, %parallel_loop3A_708 : vector<16xf32>
        %parallel_loop3A_717 = arith.constant 16 : i32
        %parallel_loop3A_718 = arith.muli %parallel_loop3A_107, %parallel_loop3A_717 : i32
        %parallel_loop3A_719 = arith.constant 28 : i32
        %parallel_loop3A_720 = arith.index_cast %parallel_loop3A_719 : i32 to index
        %parallel_loop3A_721 = arith.index_cast %parallel_loop3A_718 : i32 to index
        %parallel_loop3A_722 = tpu.vector_load %arg16[%parallel_loop3A_720, %parallel_loop3A_721] {strides = array<i32>} : memref<64x256xf32, #tpu.memory_space<vmem>>, vector<16xf32>,
        tpu.vector_store %arg16[%parallel_loop3A_720, %parallel_loop3A_721], %parallel_loop3A_716 {strides = array<i32>} : memref<64x256xf32, #tpu.memory_space<vmem>>, vector<16xf32>,
        %parallel_loop3A_723 = arith.mulf %parallel_loop3A_714, %parallel_loop3A_714 : vector<16xf32>
        %parallel_loop3A_724 = arith.addf %parallel_loop3A_682, %parallel_loop3A_723 : vector<16xf32>
        %parallel_loop3A_725 = arith.constant 1856 : i32
        %parallel_loop3A_726 = vector.broadcast %parallel_loop3A_725 : i32 to vector<16xi32>
        %parallel_loop3A_727 = arith.addi %parallel_loop3A_111, %parallel_loop3A_726 : vector<16xi32>
        %parallel_loop3A_728 = tpu.vector_load_idx %arg9[%parallel_loop3A_727] : memref<4096xf32, #tpu.memory_space<vmem>>[vector<16xi32>], vector<16xf32>,
        %parallel_loop3A_729 = tpu.vector_load_idx %arg10[%parallel_loop3A_727] : memref<4096xf32, #tpu.memory_space<vmem>>[vector<16xi32>], vector<16xf32>,
        %parallel_loop3A_730 = arith.constant 16 : i32
        %parallel_loop3A_731 = arith.muli %parallel_loop3A_107, %parallel_loop3A_730 : i32
        %parallel_loop3A_732 = arith.constant 29 : i32
        %parallel_loop3A_733 = arith.index_cast %parallel_loop3A_732 : i32 to index
        %parallel_loop3A_734 = arith.index_cast %parallel_loop3A_731 : i32 to index
        %parallel_loop3A_735 = tpu.vector_load %arg14[%parallel_loop3A_733, %parallel_loop3A_734] {strides = array<i32>} : memref<64x256xf32, #tpu.memory_space<vmem>>, vector<16xf32>,
        %parallel_loop3A_736 = arith.mulf %parallel_loop3A_735, %parallel_loop3A_728 : vector<16xf32>
        %parallel_loop3A_737 = arith.addf %parallel_loop3A_736, %parallel_loop3A_729 : vector<16xf32>
        %parallel_loop3A_738 = arith.constant 16 : i32
        %parallel_loop3A_739 = arith.muli %parallel_loop3A_107, %parallel_loop3A_738 : i32
        %parallel_loop3A_740 = arith.constant 29 : i32
        %parallel_loop3A_741 = arith.index_cast %parallel_loop3A_740 : i32 to index
        %parallel_loop3A_742 = arith.index_cast %parallel_loop3A_739 : i32 to index
        %parallel_loop3A_743 = tpu.vector_load %arg16[%parallel_loop3A_741, %parallel_loop3A_742] {strides = array<i32>} : memref<64x256xf32, #tpu.memory_space<vmem>>, vector<16xf32>,
        tpu.vector_store %arg16[%parallel_loop3A_741, %parallel_loop3A_742], %parallel_loop3A_737 {strides = array<i32>} : memref<64x256xf32, #tpu.memory_space<vmem>>, vector<16xf32>,
        %parallel_loop3A_744 = arith.mulf %parallel_loop3A_735, %parallel_loop3A_735 : vector<16xf32>
        %parallel_loop3A_745 = arith.addf %parallel_loop3A_703, %parallel_loop3A_744 : vector<16xf32>
        %parallel_loop3A_746 = arith.constant 1920 : i32
        %parallel_loop3A_747 = vector.broadcast %parallel_loop3A_746 : i32 to vector<16xi32>
        %parallel_loop3A_748 = arith.addi %parallel_loop3A_111, %parallel_loop3A_747 : vector<16xi32>
        %parallel_loop3A_749 = tpu.vector_load_idx %arg9[%parallel_loop3A_748] : memref<4096xf32, #tpu.memory_space<vmem>>[vector<16xi32>], vector<16xf32>,
        %parallel_loop3A_750 = tpu.vector_load_idx %arg10[%parallel_loop3A_748] : memref<4096xf32, #tpu.memory_space<vmem>>[vector<16xi32>], vector<16xf32>,
        %parallel_loop3A_751 = arith.constant 16 : i32
        %parallel_loop3A_752 = arith.muli %parallel_loop3A_107, %parallel_loop3A_751 : i32
        %parallel_loop3A_753 = arith.constant 30 : i32
        %parallel_loop3A_754 = arith.index_cast %parallel_loop3A_753 : i32 to index
        %parallel_loop3A_755 = arith.index_cast %parallel_loop3A_752 : i32 to index
        %parallel_loop3A_756 = tpu.vector_load %arg14[%parallel_loop3A_754, %parallel_loop3A_755] {strides = array<i32>} : memref<64x256xf32, #tpu.memory_space<vmem>>, vector<16xf32>,
        %parallel_loop3A_757 = arith.mulf %parallel_loop3A_756, %parallel_loop3A_749 : vector<16xf32>
        %parallel_loop3A_758 = arith.addf %parallel_loop3A_757, %parallel_loop3A_750 : vector<16xf32>
        %parallel_loop3A_759 = arith.constant 16 : i32
        %parallel_loop3A_760 = arith.muli %parallel_loop3A_107, %parallel_loop3A_759 : i32
        %parallel_loop3A_761 = arith.constant 30 : i32
        %parallel_loop3A_762 = arith.index_cast %parallel_loop3A_761 : i32 to index
        %parallel_loop3A_763 = arith.index_cast %parallel_loop3A_760 : i32 to index
        %parallel_loop3A_764 = tpu.vector_load %arg16[%parallel_loop3A_762, %parallel_loop3A_763] {strides = array<i32>} : memref<64x256xf32, #tpu.memory_space<vmem>>, vector<16xf32>,
        tpu.vector_store %arg16[%parallel_loop3A_762, %parallel_loop3A_763], %parallel_loop3A_758 {strides = array<i32>} : memref<64x256xf32, #tpu.memory_space<vmem>>, vector<16xf32>,
        %parallel_loop3A_765 = arith.mulf %parallel_loop3A_756, %parallel_loop3A_756 : vector<16xf32>
        %parallel_loop3A_766 = arith.addf %parallel_loop3A_724, %parallel_loop3A_765 : vector<16xf32>
        %parallel_loop3A_767 = arith.constant 1984 : i32
        %parallel_loop3A_768 = vector.broadcast %parallel_loop3A_767 : i32 to vector<16xi32>
        %parallel_loop3A_769 = arith.addi %parallel_loop3A_111, %parallel_loop3A_768 : vector<16xi32>
        %parallel_loop3A_770 = tpu.vector_load_idx %arg9[%parallel_loop3A_769] : memref<4096xf32, #tpu.memory_space<vmem>>[vector<16xi32>], vector<16xf32>,
        %parallel_loop3A_771 = tpu.vector_load_idx %arg10[%parallel_loop3A_769] : memref<4096xf32, #tpu.memory_space<vmem>>[vector<16xi32>], vector<16xf32>,
        %parallel_loop3A_772 = arith.constant 16 : i32
        %parallel_loop3A_773 = arith.muli %parallel_loop3A_107, %parallel_loop3A_772 : i32
        %parallel_loop3A_774 = arith.constant 31 : i32
        %parallel_loop3A_775 = arith.index_cast %parallel_loop3A_774 : i32 to index
        %parallel_loop3A_776 = arith.index_cast %parallel_loop3A_773 : i32 to index
        %parallel_loop3A_777 = tpu.vector_load %arg14[%parallel_loop3A_775, %parallel_loop3A_776] {strides = array<i32>} : memref<64x256xf32, #tpu.memory_space<vmem>>, vector<16xf32>,
        %parallel_loop3A_778 = arith.mulf %parallel_loop3A_777, %parallel_loop3A_770 : vector<16xf32>
        %parallel_loop3A_779 = arith.addf %parallel_loop3A_778, %parallel_loop3A_771 : vector<16xf32>
        %parallel_loop3A_780 = arith.constant 16 : i32
        %parallel_loop3A_781 = arith.muli %parallel_loop3A_107, %parallel_loop3A_780 : i32
        %parallel_loop3A_782 = arith.constant 31 : i32
        %parallel_loop3A_783 = arith.index_cast %parallel_loop3A_782 : i32 to index
        %parallel_loop3A_784 = arith.index_cast %parallel_loop3A_781 : i32 to index
        %parallel_loop3A_785 = tpu.vector_load %arg16[%parallel_loop3A_783, %parallel_loop3A_784] {strides = array<i32>} : memref<64x256xf32, #tpu.memory_space<vmem>>, vector<16xf32>,
        tpu.vector_store %arg16[%parallel_loop3A_783, %parallel_loop3A_784], %parallel_loop3A_779 {strides = array<i32>} : memref<64x256xf32, #tpu.memory_space<vmem>>, vector<16xf32>,
        %parallel_loop3A_786 = arith.mulf %parallel_loop3A_777, %parallel_loop3A_777 : vector<16xf32>
        %parallel_loop3A_787 = arith.addf %parallel_loop3A_745, %parallel_loop3A_786 : vector<16xf32>
        %parallel_loop3A_788 = arith.constant 2048 : i32
        %parallel_loop3A_789 = vector.broadcast %parallel_loop3A_788 : i32 to vector<16xi32>
        %parallel_loop3A_790 = arith.addi %parallel_loop3A_111, %parallel_loop3A_789 : vector<16xi32>
        %parallel_loop3A_791 = tpu.vector_load_idx %arg9[%parallel_loop3A_790] : memref<4096xf32, #tpu.memory_space<vmem>>[vector<16xi32>], vector<16xf32>,
        %parallel_loop3A_792 = tpu.vector_load_idx %arg10[%parallel_loop3A_790] : memref<4096xf32, #tpu.memory_space<vmem>>[vector<16xi32>], vector<16xf32>,
        %parallel_loop3A_793 = arith.constant 16 : i32
        %parallel_loop3A_794 = arith.muli %parallel_loop3A_107, %parallel_loop3A_793 : i32
        %parallel_loop3A_795 = arith.constant 32 : i32
        %parallel_loop3A_796 = arith.index_cast %parallel_loop3A_795 : i32 to index
        %parallel_loop3A_797 = arith.index_cast %parallel_loop3A_794 : i32 to index
        %parallel_loop3A_798 = tpu.vector_load %arg14[%parallel_loop3A_796, %parallel_loop3A_797] {strides = array<i32>} : memref<64x256xf32, #tpu.memory_space<vmem>>, vector<16xf32>,
        %parallel_loop3A_799 = arith.mulf %parallel_loop3A_798, %parallel_loop3A_791 : vector<16xf32>
        %parallel_loop3A_800 = arith.addf %parallel_loop3A_799, %parallel_loop3A_792 : vector<16xf32>
        %parallel_loop3A_801 = arith.constant 16 : i32
        %parallel_loop3A_802 = arith.muli %parallel_loop3A_107, %parallel_loop3A_801 : i32
        %parallel_loop3A_803 = arith.constant 32 : i32
        %parallel_loop3A_804 = arith.index_cast %parallel_loop3A_803 : i32 to index
        %parallel_loop3A_805 = arith.index_cast %parallel_loop3A_802 : i32 to index
        %parallel_loop3A_806 = tpu.vector_load %arg16[%parallel_loop3A_804, %parallel_loop3A_805] {strides = array<i32>} : memref<64x256xf32, #tpu.memory_space<vmem>>, vector<16xf32>,
        tpu.vector_store %arg16[%parallel_loop3A_804, %parallel_loop3A_805], %parallel_loop3A_800 {strides = array<i32>} : memref<64x256xf32, #tpu.memory_space<vmem>>, vector<16xf32>,
        %parallel_loop3A_807 = arith.mulf %parallel_loop3A_798, %parallel_loop3A_798 : vector<16xf32>
        %parallel_loop3A_808 = arith.addf %parallel_loop3A_766, %parallel_loop3A_807 : vector<16xf32>
        %parallel_loop3A_809 = arith.constant 2112 : i32
        %parallel_loop3A_810 = vector.broadcast %parallel_loop3A_809 : i32 to vector<16xi32>
        %parallel_loop3A_811 = arith.addi %parallel_loop3A_111, %parallel_loop3A_810 : vector<16xi32>
        %parallel_loop3A_812 = tpu.vector_load_idx %arg9[%parallel_loop3A_811] : memref<4096xf32, #tpu.memory_space<vmem>>[vector<16xi32>], vector<16xf32>,
        %parallel_loop3A_813 = tpu.vector_load_idx %arg10[%parallel_loop3A_811] : memref<4096xf32, #tpu.memory_space<vmem>>[vector<16xi32>], vector<16xf32>,
        %parallel_loop3A_814 = arith.constant 16 : i32
        %parallel_loop3A_815 = arith.muli %parallel_loop3A_107, %parallel_loop3A_814 : i32
        %parallel_loop3A_816 = arith.constant 33 : i32
        %parallel_loop3A_817 = arith.index_cast %parallel_loop3A_816 : i32 to index
        %parallel_loop3A_818 = arith.index_cast %parallel_loop3A_815 : i32 to index
        %parallel_loop3A_819 = tpu.vector_load %arg14[%parallel_loop3A_817, %parallel_loop3A_818] {strides = array<i32>} : memref<64x256xf32, #tpu.memory_space<vmem>>, vector<16xf32>,
        %parallel_loop3A_820 = arith.mulf %parallel_loop3A_819, %parallel_loop3A_812 : vector<16xf32>
        %parallel_loop3A_821 = arith.addf %parallel_loop3A_820, %parallel_loop3A_813 : vector<16xf32>
        %parallel_loop3A_822 = arith.constant 16 : i32
        %parallel_loop3A_823 = arith.muli %parallel_loop3A_107, %parallel_loop3A_822 : i32
        %parallel_loop3A_824 = arith.constant 33 : i32
        %parallel_loop3A_825 = arith.index_cast %parallel_loop3A_824 : i32 to index
        %parallel_loop3A_826 = arith.index_cast %parallel_loop3A_823 : i32 to index
        %parallel_loop3A_827 = tpu.vector_load %arg16[%parallel_loop3A_825, %parallel_loop3A_826] {strides = array<i32>} : memref<64x256xf32, #tpu.memory_space<vmem>>, vector<16xf32>,
        tpu.vector_store %arg16[%parallel_loop3A_825, %parallel_loop3A_826], %parallel_loop3A_821 {strides = array<i32>} : memref<64x256xf32, #tpu.memory_space<vmem>>, vector<16xf32>,
        %parallel_loop3A_828 = arith.mulf %parallel_loop3A_819, %parallel_loop3A_819 : vector<16xf32>
        %parallel_loop3A_829 = arith.addf %parallel_loop3A_787, %parallel_loop3A_828 : vector<16xf32>
        %parallel_loop3A_830 = arith.constant 2176 : i32
        %parallel_loop3A_831 = vector.broadcast %parallel_loop3A_830 : i32 to vector<16xi32>
        %parallel_loop3A_832 = arith.addi %parallel_loop3A_111, %parallel_loop3A_831 : vector<16xi32>
        %parallel_loop3A_833 = tpu.vector_load_idx %arg9[%parallel_loop3A_832] : memref<4096xf32, #tpu.memory_space<vmem>>[vector<16xi32>], vector<16xf32>,
        %parallel_loop3A_834 = tpu.vector_load_idx %arg10[%parallel_loop3A_832] : memref<4096xf32, #tpu.memory_space<vmem>>[vector<16xi32>], vector<16xf32>,
        %parallel_loop3A_835 = arith.constant 16 : i32
        %parallel_loop3A_836 = arith.muli %parallel_loop3A_107, %parallel_loop3A_835 : i32
        %parallel_loop3A_837 = arith.constant 34 : i32
        %parallel_loop3A_838 = arith.index_cast %parallel_loop3A_837 : i32 to index
        %parallel_loop3A_839 = arith.index_cast %parallel_loop3A_836 : i32 to index
        %parallel_loop3A_840 = tpu.vector_load %arg14[%parallel_loop3A_838, %parallel_loop3A_839] {strides = array<i32>} : memref<64x256xf32, #tpu.memory_space<vmem>>, vector<16xf32>,
        %parallel_loop3A_841 = arith.mulf %parallel_loop3A_840, %parallel_loop3A_833 : vector<16xf32>
        %parallel_loop3A_842 = arith.addf %parallel_loop3A_841, %parallel_loop3A_834 : vector<16xf32>
        %parallel_loop3A_843 = arith.constant 16 : i32
        %parallel_loop3A_844 = arith.muli %parallel_loop3A_107, %parallel_loop3A_843 : i32
        %parallel_loop3A_845 = arith.constant 34 : i32
        %parallel_loop3A_846 = arith.index_cast %parallel_loop3A_845 : i32 to index
        %parallel_loop3A_847 = arith.index_cast %parallel_loop3A_844 : i32 to index
        %parallel_loop3A_848 = tpu.vector_load %arg16[%parallel_loop3A_846, %parallel_loop3A_847] {strides = array<i32>} : memref<64x256xf32, #tpu.memory_space<vmem>>, vector<16xf32>,
        tpu.vector_store %arg16[%parallel_loop3A_846, %parallel_loop3A_847], %parallel_loop3A_842 {strides = array<i32>} : memref<64x256xf32, #tpu.memory_space<vmem>>, vector<16xf32>,
        %parallel_loop3A_849 = arith.mulf %parallel_loop3A_840, %parallel_loop3A_840 : vector<16xf32>
        %parallel_loop3A_850 = arith.addf %parallel_loop3A_808, %parallel_loop3A_849 : vector<16xf32>
        %parallel_loop3A_851 = arith.constant 2240 : i32
        %parallel_loop3A_852 = vector.broadcast %parallel_loop3A_851 : i32 to vector<16xi32>
        %parallel_loop3A_853 = arith.addi %parallel_loop3A_111, %parallel_loop3A_852 : vector<16xi32>
        %parallel_loop3A_854 = tpu.vector_load_idx %arg9[%parallel_loop3A_853] : memref<4096xf32, #tpu.memory_space<vmem>>[vector<16xi32>], vector<16xf32>,
        %parallel_loop3A_855 = tpu.vector_load_idx %arg10[%parallel_loop3A_853] : memref<4096xf32, #tpu.memory_space<vmem>>[vector<16xi32>], vector<16xf32>,
        %parallel_loop3A_856 = arith.constant 16 : i32
        %parallel_loop3A_857 = arith.muli %parallel_loop3A_107, %parallel_loop3A_856 : i32
        %parallel_loop3A_858 = arith.constant 35 : i32
        %parallel_loop3A_859 = arith.index_cast %parallel_loop3A_858 : i32 to index
        %parallel_loop3A_860 = arith.index_cast %parallel_loop3A_857 : i32 to index
        %parallel_loop3A_861 = tpu.vector_load %arg14[%parallel_loop3A_859, %parallel_loop3A_860] {strides = array<i32>} : memref<64x256xf32, #tpu.memory_space<vmem>>, vector<16xf32>,
        %parallel_loop3A_862 = arith.mulf %parallel_loop3A_861, %parallel_loop3A_854 : vector<16xf32>
        %parallel_loop3A_863 = arith.addf %parallel_loop3A_862, %parallel_loop3A_855 : vector<16xf32>
        %parallel_loop3A_864 = arith.constant 16 : i32
        %parallel_loop3A_865 = arith.muli %parallel_loop3A_107, %parallel_loop3A_864 : i32
        %parallel_loop3A_866 = arith.constant 35 : i32
        %parallel_loop3A_867 = arith.index_cast %parallel_loop3A_866 : i32 to index
        %parallel_loop3A_868 = arith.index_cast %parallel_loop3A_865 : i32 to index
        %parallel_loop3A_869 = tpu.vector_load %arg16[%parallel_loop3A_867, %parallel_loop3A_868] {strides = array<i32>} : memref<64x256xf32, #tpu.memory_space<vmem>>, vector<16xf32>,
        tpu.vector_store %arg16[%parallel_loop3A_867, %parallel_loop3A_868], %parallel_loop3A_863 {strides = array<i32>} : memref<64x256xf32, #tpu.memory_space<vmem>>, vector<16xf32>,
        %parallel_loop3A_870 = arith.mulf %parallel_loop3A_861, %parallel_loop3A_861 : vector<16xf32>
        %parallel_loop3A_871 = arith.addf %parallel_loop3A_829, %parallel_loop3A_870 : vector<16xf32>
        %parallel_loop3A_872 = arith.constant 2304 : i32
        %parallel_loop3A_873 = vector.broadcast %parallel_loop3A_872 : i32 to vector<16xi32>
        %parallel_loop3A_874 = arith.addi %parallel_loop3A_111, %parallel_loop3A_873 : vector<16xi32>
        %parallel_loop3A_875 = tpu.vector_load_idx %arg9[%parallel_loop3A_874] : memref<4096xf32, #tpu.memory_space<vmem>>[vector<16xi32>], vector<16xf32>,
        %parallel_loop3A_876 = tpu.vector_load_idx %arg10[%parallel_loop3A_874] : memref<4096xf32, #tpu.memory_space<vmem>>[vector<16xi32>], vector<16xf32>,
        %parallel_loop3A_877 = arith.constant 16 : i32
        %parallel_loop3A_878 = arith.muli %parallel_loop3A_107, %parallel_loop3A_877 : i32
        %parallel_loop3A_879 = arith.constant 36 : i32
        %parallel_loop3A_880 = arith.index_cast %parallel_loop3A_879 : i32 to index
        %parallel_loop3A_881 = arith.index_cast %parallel_loop3A_878 : i32 to index
        %parallel_loop3A_882 = tpu.vector_load %arg14[%parallel_loop3A_880, %parallel_loop3A_881] {strides = array<i32>} : memref<64x256xf32, #tpu.memory_space<vmem>>, vector<16xf32>,
        %parallel_loop3A_883 = arith.mulf %parallel_loop3A_882, %parallel_loop3A_875 : vector<16xf32>
        %parallel_loop3A_884 = arith.addf %parallel_loop3A_883, %parallel_loop3A_876 : vector<16xf32>
        %parallel_loop3A_885 = arith.constant 16 : i32
        %parallel_loop3A_886 = arith.muli %parallel_loop3A_107, %parallel_loop3A_885 : i32
        %parallel_loop3A_887 = arith.constant 36 : i32
        %parallel_loop3A_888 = arith.index_cast %parallel_loop3A_887 : i32 to index
        %parallel_loop3A_889 = arith.index_cast %parallel_loop3A_886 : i32 to index
        %parallel_loop3A_890 = tpu.vector_load %arg16[%parallel_loop3A_888, %parallel_loop3A_889] {strides = array<i32>} : memref<64x256xf32, #tpu.memory_space<vmem>>, vector<16xf32>,
        tpu.vector_store %arg16[%parallel_loop3A_888, %parallel_loop3A_889], %parallel_loop3A_884 {strides = array<i32>} : memref<64x256xf32, #tpu.memory_space<vmem>>, vector<16xf32>,
        %parallel_loop3A_891 = arith.mulf %parallel_loop3A_882, %parallel_loop3A_882 : vector<16xf32>
        %parallel_loop3A_892 = arith.addf %parallel_loop3A_850, %parallel_loop3A_891 : vector<16xf32>
        %parallel_loop3A_893 = arith.constant 2368 : i32
        %parallel_loop3A_894 = vector.broadcast %parallel_loop3A_893 : i32 to vector<16xi32>
        %parallel_loop3A_895 = arith.addi %parallel_loop3A_111, %parallel_loop3A_894 : vector<16xi32>
        %parallel_loop3A_896 = tpu.vector_load_idx %arg9[%parallel_loop3A_895] : memref<4096xf32, #tpu.memory_space<vmem>>[vector<16xi32>], vector<16xf32>,
        %parallel_loop3A_897 = tpu.vector_load_idx %arg10[%parallel_loop3A_895] : memref<4096xf32, #tpu.memory_space<vmem>>[vector<16xi32>], vector<16xf32>,
        %parallel_loop3A_898 = arith.constant 16 : i32
        %parallel_loop3A_899 = arith.muli %parallel_loop3A_107, %parallel_loop3A_898 : i32
        %parallel_loop3A_900 = arith.constant 37 : i32
        %parallel_loop3A_901 = arith.index_cast %parallel_loop3A_900 : i32 to index
        %parallel_loop3A_902 = arith.index_cast %parallel_loop3A_899 : i32 to index
        %parallel_loop3A_903 = tpu.vector_load %arg14[%parallel_loop3A_901, %parallel_loop3A_902] {strides = array<i32>} : memref<64x256xf32, #tpu.memory_space<vmem>>, vector<16xf32>,
        %parallel_loop3A_904 = arith.mulf %parallel_loop3A_903, %parallel_loop3A_896 : vector<16xf32>
        %parallel_loop3A_905 = arith.addf %parallel_loop3A_904, %parallel_loop3A_897 : vector<16xf32>
        %parallel_loop3A_906 = arith.constant 16 : i32
        %parallel_loop3A_907 = arith.muli %parallel_loop3A_107, %parallel_loop3A_906 : i32
        %parallel_loop3A_908 = arith.constant 37 : i32
        %parallel_loop3A_909 = arith.index_cast %parallel_loop3A_908 : i32 to index
        %parallel_loop3A_910 = arith.index_cast %parallel_loop3A_907 : i32 to index
        %parallel_loop3A_911 = tpu.vector_load %arg16[%parallel_loop3A_909, %parallel_loop3A_910] {strides = array<i32>} : memref<64x256xf32, #tpu.memory_space<vmem>>, vector<16xf32>,
        tpu.vector_store %arg16[%parallel_loop3A_909, %parallel_loop3A_910], %parallel_loop3A_905 {strides = array<i32>} : memref<64x256xf32, #tpu.memory_space<vmem>>, vector<16xf32>,
        %parallel_loop3A_912 = arith.mulf %parallel_loop3A_903, %parallel_loop3A_903 : vector<16xf32>
        %parallel_loop3A_913 = arith.addf %parallel_loop3A_871, %parallel_loop3A_912 : vector<16xf32>
        %parallel_loop3A_914 = arith.constant 2432 : i32
        %parallel_loop3A_915 = vector.broadcast %parallel_loop3A_914 : i32 to vector<16xi32>
        %parallel_loop3A_916 = arith.addi %parallel_loop3A_111, %parallel_loop3A_915 : vector<16xi32>
        %parallel_loop3A_917 = tpu.vector_load_idx %arg9[%parallel_loop3A_916] : memref<4096xf32, #tpu.memory_space<vmem>>[vector<16xi32>], vector<16xf32>,
        %parallel_loop3A_918 = tpu.vector_load_idx %arg10[%parallel_loop3A_916] : memref<4096xf32, #tpu.memory_space<vmem>>[vector<16xi32>], vector<16xf32>,
        %parallel_loop3A_919 = arith.constant 16 : i32
        %parallel_loop3A_920 = arith.muli %parallel_loop3A_107, %parallel_loop3A_919 : i32
        %parallel_loop3A_921 = arith.constant 38 : i32
        %parallel_loop3A_922 = arith.index_cast %parallel_loop3A_921 : i32 to index
        %parallel_loop3A_923 = arith.index_cast %parallel_loop3A_920 : i32 to index
        %parallel_loop3A_924 = tpu.vector_load %arg14[%parallel_loop3A_922, %parallel_loop3A_923] {strides = array<i32>} : memref<64x256xf32, #tpu.memory_space<vmem>>, vector<16xf32>,
        %parallel_loop3A_925 = arith.mulf %parallel_loop3A_924, %parallel_loop3A_917 : vector<16xf32>
        %parallel_loop3A_926 = arith.addf %parallel_loop3A_925, %parallel_loop3A_918 : vector<16xf32>
        %parallel_loop3A_927 = arith.constant 16 : i32
        %parallel_loop3A_928 = arith.muli %parallel_loop3A_107, %parallel_loop3A_927 : i32
        %parallel_loop3A_929 = arith.constant 38 : i32
        %parallel_loop3A_930 = arith.index_cast %parallel_loop3A_929 : i32 to index
        %parallel_loop3A_931 = arith.index_cast %parallel_loop3A_928 : i32 to index
        %parallel_loop3A_932 = tpu.vector_load %arg16[%parallel_loop3A_930, %parallel_loop3A_931] {strides = array<i32>} : memref<64x256xf32, #tpu.memory_space<vmem>>, vector<16xf32>,
        tpu.vector_store %arg16[%parallel_loop3A_930, %parallel_loop3A_931], %parallel_loop3A_926 {strides = array<i32>} : memref<64x256xf32, #tpu.memory_space<vmem>>, vector<16xf32>,
        %parallel_loop3A_933 = arith.mulf %parallel_loop3A_924, %parallel_loop3A_924 : vector<16xf32>
        %parallel_loop3A_934 = arith.addf %parallel_loop3A_892, %parallel_loop3A_933 : vector<16xf32>
        %parallel_loop3A_935 = arith.constant 2496 : i32
        %parallel_loop3A_936 = vector.broadcast %parallel_loop3A_935 : i32 to vector<16xi32>
        %parallel_loop3A_937 = arith.addi %parallel_loop3A_111, %parallel_loop3A_936 : vector<16xi32>
        %parallel_loop3A_938 = tpu.vector_load_idx %arg9[%parallel_loop3A_937] : memref<4096xf32, #tpu.memory_space<vmem>>[vector<16xi32>], vector<16xf32>,
        %parallel_loop3A_939 = tpu.vector_load_idx %arg10[%parallel_loop3A_937] : memref<4096xf32, #tpu.memory_space<vmem>>[vector<16xi32>], vector<16xf32>,
        %parallel_loop3A_940 = arith.constant 16 : i32
        %parallel_loop3A_941 = arith.muli %parallel_loop3A_107, %parallel_loop3A_940 : i32
        %parallel_loop3A_942 = arith.constant 39 : i32
        %parallel_loop3A_943 = arith.index_cast %parallel_loop3A_942 : i32 to index
        %parallel_loop3A_944 = arith.index_cast %parallel_loop3A_941 : i32 to index
        %parallel_loop3A_945 = tpu.vector_load %arg14[%parallel_loop3A_943, %parallel_loop3A_944] {strides = array<i32>} : memref<64x256xf32, #tpu.memory_space<vmem>>, vector<16xf32>,
        %parallel_loop3A_946 = arith.mulf %parallel_loop3A_945, %parallel_loop3A_938 : vector<16xf32>
        %parallel_loop3A_947 = arith.addf %parallel_loop3A_946, %parallel_loop3A_939 : vector<16xf32>
        %parallel_loop3A_948 = arith.constant 16 : i32
        %parallel_loop3A_949 = arith.muli %parallel_loop3A_107, %parallel_loop3A_948 : i32
        %parallel_loop3A_950 = arith.constant 39 : i32
        %parallel_loop3A_951 = arith.index_cast %parallel_loop3A_950 : i32 to index
        %parallel_loop3A_952 = arith.index_cast %parallel_loop3A_949 : i32 to index
        %parallel_loop3A_953 = tpu.vector_load %arg16[%parallel_loop3A_951, %parallel_loop3A_952] {strides = array<i32>} : memref<64x256xf32, #tpu.memory_space<vmem>>, vector<16xf32>,
        tpu.vector_store %arg16[%parallel_loop3A_951, %parallel_loop3A_952], %parallel_loop3A_947 {strides = array<i32>} : memref<64x256xf32, #tpu.memory_space<vmem>>, vector<16xf32>,
        %parallel_loop3A_954 = arith.mulf %parallel_loop3A_945, %parallel_loop3A_945 : vector<16xf32>
        %parallel_loop3A_955 = arith.addf %parallel_loop3A_913, %parallel_loop3A_954 : vector<16xf32>
        %parallel_loop3A_956 = arith.constant 2560 : i32
        %parallel_loop3A_957 = vector.broadcast %parallel_loop3A_956 : i32 to vector<16xi32>
        %parallel_loop3A_958 = arith.addi %parallel_loop3A_111, %parallel_loop3A_957 : vector<16xi32>
        %parallel_loop3A_959 = tpu.vector_load_idx %arg9[%parallel_loop3A_958] : memref<4096xf32, #tpu.memory_space<vmem>>[vector<16xi32>], vector<16xf32>,
        %parallel_loop3A_960 = tpu.vector_load_idx %arg10[%parallel_loop3A_958] : memref<4096xf32, #tpu.memory_space<vmem>>[vector<16xi32>], vector<16xf32>,
        %parallel_loop3A_961 = arith.constant 16 : i32
        %parallel_loop3A_962 = arith.muli %parallel_loop3A_107, %parallel_loop3A_961 : i32
        %parallel_loop3A_963 = arith.constant 40 : i32
        %parallel_loop3A_964 = arith.index_cast %parallel_loop3A_963 : i32 to index
        %parallel_loop3A_965 = arith.index_cast %parallel_loop3A_962 : i32 to index
        %parallel_loop3A_966 = tpu.vector_load %arg14[%parallel_loop3A_964, %parallel_loop3A_965] {strides = array<i32>} : memref<64x256xf32, #tpu.memory_space<vmem>>, vector<16xf32>,
        %parallel_loop3A_967 = arith.mulf %parallel_loop3A_966, %parallel_loop3A_959 : vector<16xf32>
        %parallel_loop3A_968 = arith.addf %parallel_loop3A_967, %parallel_loop3A_960 : vector<16xf32>
        %parallel_loop3A_969 = arith.constant 16 : i32
        %parallel_loop3A_970 = arith.muli %parallel_loop3A_107, %parallel_loop3A_969 : i32
        %parallel_loop3A_971 = arith.constant 40 : i32
        %parallel_loop3A_972 = arith.index_cast %parallel_loop3A_971 : i32 to index
        %parallel_loop3A_973 = arith.index_cast %parallel_loop3A_970 : i32 to index
        %parallel_loop3A_974 = tpu.vector_load %arg16[%parallel_loop3A_972, %parallel_loop3A_973] {strides = array<i32>} : memref<64x256xf32, #tpu.memory_space<vmem>>, vector<16xf32>,
        tpu.vector_store %arg16[%parallel_loop3A_972, %parallel_loop3A_973], %parallel_loop3A_968 {strides = array<i32>} : memref<64x256xf32, #tpu.memory_space<vmem>>, vector<16xf32>,
        %parallel_loop3A_975 = arith.mulf %parallel_loop3A_966, %parallel_loop3A_966 : vector<16xf32>
        %parallel_loop3A_976 = arith.addf %parallel_loop3A_934, %parallel_loop3A_975 : vector<16xf32>
        %parallel_loop3A_977 = arith.constant 2624 : i32
        %parallel_loop3A_978 = vector.broadcast %parallel_loop3A_977 : i32 to vector<16xi32>
        %parallel_loop3A_979 = arith.addi %parallel_loop3A_111, %parallel_loop3A_978 : vector<16xi32>
        %parallel_loop3A_980 = tpu.vector_load_idx %arg9[%parallel_loop3A_979] : memref<4096xf32, #tpu.memory_space<vmem>>[vector<16xi32>], vector<16xf32>,
        %parallel_loop3A_981 = tpu.vector_load_idx %arg10[%parallel_loop3A_979] : memref<4096xf32, #tpu.memory_space<vmem>>[vector<16xi32>], vector<16xf32>,
        %parallel_loop3A_982 = arith.constant 16 : i32
        %parallel_loop3A_983 = arith.muli %parallel_loop3A_107, %parallel_loop3A_982 : i32
        %parallel_loop3A_984 = arith.constant 41 : i32
        %parallel_loop3A_985 = arith.index_cast %parallel_loop3A_984 : i32 to index
        %parallel_loop3A_986 = arith.index_cast %parallel_loop3A_983 : i32 to index
        %parallel_loop3A_987 = tpu.vector_load %arg14[%parallel_loop3A_985, %parallel_loop3A_986] {strides = array<i32>} : memref<64x256xf32, #tpu.memory_space<vmem>>, vector<16xf32>,
        %parallel_loop3A_988 = arith.mulf %parallel_loop3A_987, %parallel_loop3A_980 : vector<16xf32>
        %parallel_loop3A_989 = arith.addf %parallel_loop3A_988, %parallel_loop3A_981 : vector<16xf32>
        %parallel_loop3A_990 = arith.constant 16 : i32
        %parallel_loop3A_991 = arith.muli %parallel_loop3A_107, %parallel_loop3A_990 : i32
        %parallel_loop3A_992 = arith.constant 41 : i32
        %parallel_loop3A_993 = arith.index_cast %parallel_loop3A_992 : i32 to index
        %parallel_loop3A_994 = arith.index_cast %parallel_loop3A_991 : i32 to index
        %parallel_loop3A_995 = tpu.vector_load %arg16[%parallel_loop3A_993, %parallel_loop3A_994] {strides = array<i32>} : memref<64x256xf32, #tpu.memory_space<vmem>>, vector<16xf32>,
        tpu.vector_store %arg16[%parallel_loop3A_993, %parallel_loop3A_994], %parallel_loop3A_989 {strides = array<i32>} : memref<64x256xf32, #tpu.memory_space<vmem>>, vector<16xf32>,
        %parallel_loop3A_996 = arith.mulf %parallel_loop3A_987, %parallel_loop3A_987 : vector<16xf32>
        %parallel_loop3A_997 = arith.addf %parallel_loop3A_955, %parallel_loop3A_996 : vector<16xf32>
        %parallel_loop3A_998 = arith.constant 2688 : i32
        %parallel_loop3A_999 = vector.broadcast %parallel_loop3A_998 : i32 to vector<16xi32>
        %parallel_loop3A_1000 = arith.addi %parallel_loop3A_111, %parallel_loop3A_999 : vector<16xi32>
        %parallel_loop3A_1001 = tpu.vector_load_idx %arg9[%parallel_loop3A_1000] : memref<4096xf32, #tpu.memory_space<vmem>>[vector<16xi32>], vector<16xf32>,
        %parallel_loop3A_1002 = tpu.vector_load_idx %arg10[%parallel_loop3A_1000] : memref<4096xf32, #tpu.memory_space<vmem>>[vector<16xi32>], vector<16xf32>,
        %parallel_loop3A_1003 = arith.constant 16 : i32
        %parallel_loop3A_1004 = arith.muli %parallel_loop3A_107, %parallel_loop3A_1003 : i32
        %parallel_loop3A_1005 = arith.constant 42 : i32
        %parallel_loop3A_1006 = arith.index_cast %parallel_loop3A_1005 : i32 to index
        %parallel_loop3A_1007 = arith.index_cast %parallel_loop3A_1004 : i32 to index
        %parallel_loop3A_1008 = tpu.vector_load %arg14[%parallel_loop3A_1006, %parallel_loop3A_1007] {strides = array<i32>} : memref<64x256xf32, #tpu.memory_space<vmem>>, vector<16xf32>,
        %parallel_loop3A_1009 = arith.mulf %parallel_loop3A_1008, %parallel_loop3A_1001 : vector<16xf32>
        %parallel_loop3A_1010 = arith.addf %parallel_loop3A_1009, %parallel_loop3A_1002 : vector<16xf32>
        %parallel_loop3A_1011 = arith.constant 16 : i32
        %parallel_loop3A_1012 = arith.muli %parallel_loop3A_107, %parallel_loop3A_1011 : i32
        %parallel_loop3A_1013 = arith.constant 42 : i32
        %parallel_loop3A_1014 = arith.index_cast %parallel_loop3A_1013 : i32 to index
        %parallel_loop3A_1015 = arith.index_cast %parallel_loop3A_1012 : i32 to index
        %parallel_loop3A_1016 = tpu.vector_load %arg16[%parallel_loop3A_1014, %parallel_loop3A_1015] {strides = array<i32>} : memref<64x256xf32, #tpu.memory_space<vmem>>, vector<16xf32>,
        tpu.vector_store %arg16[%parallel_loop3A_1014, %parallel_loop3A_1015], %parallel_loop3A_1010 {strides = array<i32>} : memref<64x256xf32, #tpu.memory_space<vmem>>, vector<16xf32>,
        %parallel_loop3A_1017 = arith.mulf %parallel_loop3A_1008, %parallel_loop3A_1008 : vector<16xf32>
        %parallel_loop3A_1018 = arith.addf %parallel_loop3A_976, %parallel_loop3A_1017 : vector<16xf32>
        %parallel_loop3A_1019 = arith.constant 2752 : i32
        %parallel_loop3A_1020 = vector.broadcast %parallel_loop3A_1019 : i32 to vector<16xi32>
        %parallel_loop3A_1021 = arith.addi %parallel_loop3A_111, %parallel_loop3A_1020 : vector<16xi32>
        %parallel_loop3A_1022 = tpu.vector_load_idx %arg9[%parallel_loop3A_1021] : memref<4096xf32, #tpu.memory_space<vmem>>[vector<16xi32>], vector<16xf32>,
        %parallel_loop3A_1023 = tpu.vector_load_idx %arg10[%parallel_loop3A_1021] : memref<4096xf32, #tpu.memory_space<vmem>>[vector<16xi32>], vector<16xf32>,
        %parallel_loop3A_1024 = arith.constant 16 : i32
        %parallel_loop3A_1025 = arith.muli %parallel_loop3A_107, %parallel_loop3A_1024 : i32
        %parallel_loop3A_1026 = arith.constant 43 : i32
        %parallel_loop3A_1027 = arith.index_cast %parallel_loop3A_1026 : i32 to index
        %parallel_loop3A_1028 = arith.index_cast %parallel_loop3A_1025 : i32 to index
        %parallel_loop3A_1029 = tpu.vector_load %arg14[%parallel_loop3A_1027, %parallel_loop3A_1028] {strides = array<i32>} : memref<64x256xf32, #tpu.memory_space<vmem>>, vector<16xf32>,
        %parallel_loop3A_1030 = arith.mulf %parallel_loop3A_1029, %parallel_loop3A_1022 : vector<16xf32>
        %parallel_loop3A_1031 = arith.addf %parallel_loop3A_1030, %parallel_loop3A_1023 : vector<16xf32>
        %parallel_loop3A_1032 = arith.constant 16 : i32
        %parallel_loop3A_1033 = arith.muli %parallel_loop3A_107, %parallel_loop3A_1032 : i32
        %parallel_loop3A_1034 = arith.constant 43 : i32
        %parallel_loop3A_1035 = arith.index_cast %parallel_loop3A_1034 : i32 to index
        %parallel_loop3A_1036 = arith.index_cast %parallel_loop3A_1033 : i32 to index
        %parallel_loop3A_1037 = tpu.vector_load %arg16[%parallel_loop3A_1035, %parallel_loop3A_1036] {strides = array<i32>} : memref<64x256xf32, #tpu.memory_space<vmem>>, vector<16xf32>,
        tpu.vector_store %arg16[%parallel_loop3A_1035, %parallel_loop3A_1036], %parallel_loop3A_1031 {strides = array<i32>} : memref<64x256xf32, #tpu.memory_space<vmem>>, vector<16xf32>,
        %parallel_loop3A_1038 = arith.mulf %parallel_loop3A_1029, %parallel_loop3A_1029 : vector<16xf32>
        %parallel_loop3A_1039 = arith.addf %parallel_loop3A_997, %parallel_loop3A_1038 : vector<16xf32>
        %parallel_loop3A_1040 = arith.constant 2816 : i32
        %parallel_loop3A_1041 = vector.broadcast %parallel_loop3A_1040 : i32 to vector<16xi32>
        %parallel_loop3A_1042 = arith.addi %parallel_loop3A_111, %parallel_loop3A_1041 : vector<16xi32>
        %parallel_loop3A_1043 = tpu.vector_load_idx %arg9[%parallel_loop3A_1042] : memref<4096xf32, #tpu.memory_space<vmem>>[vector<16xi32>], vector<16xf32>,
        %parallel_loop3A_1044 = tpu.vector_load_idx %arg10[%parallel_loop3A_1042] : memref<4096xf32, #tpu.memory_space<vmem>>[vector<16xi32>], vector<16xf32>,
        %parallel_loop3A_1045 = arith.constant 16 : i32
        %parallel_loop3A_1046 = arith.muli %parallel_loop3A_107, %parallel_loop3A_1045 : i32
        %parallel_loop3A_1047 = arith.constant 44 : i32
        %parallel_loop3A_1048 = arith.index_cast %parallel_loop3A_1047 : i32 to index
        %parallel_loop3A_1049 = arith.index_cast %parallel_loop3A_1046 : i32 to index
        %parallel_loop3A_1050 = tpu.vector_load %arg14[%parallel_loop3A_1048, %parallel_loop3A_1049] {strides = array<i32>} : memref<64x256xf32, #tpu.memory_space<vmem>>, vector<16xf32>,
        %parallel_loop3A_1051 = arith.mulf %parallel_loop3A_1050, %parallel_loop3A_1043 : vector<16xf32>
        %parallel_loop3A_1052 = arith.addf %parallel_loop3A_1051, %parallel_loop3A_1044 : vector<16xf32>
        %parallel_loop3A_1053 = arith.constant 16 : i32
        %parallel_loop3A_1054 = arith.muli %parallel_loop3A_107, %parallel_loop3A_1053 : i32
        %parallel_loop3A_1055 = arith.constant 44 : i32
        %parallel_loop3A_1056 = arith.index_cast %parallel_loop3A_1055 : i32 to index
        %parallel_loop3A_1057 = arith.index_cast %parallel_loop3A_1054 : i32 to index
        %parallel_loop3A_1058 = tpu.vector_load %arg16[%parallel_loop3A_1056, %parallel_loop3A_1057] {strides = array<i32>} : memref<64x256xf32, #tpu.memory_space<vmem>>, vector<16xf32>,
        tpu.vector_store %arg16[%parallel_loop3A_1056, %parallel_loop3A_1057], %parallel_loop3A_1052 {strides = array<i32>} : memref<64x256xf32, #tpu.memory_space<vmem>>, vector<16xf32>,
        %parallel_loop3A_1059 = arith.mulf %parallel_loop3A_1050, %parallel_loop3A_1050 : vector<16xf32>
        %parallel_loop3A_1060 = arith.addf %parallel_loop3A_1018, %parallel_loop3A_1059 : vector<16xf32>
        %parallel_loop3A_1061 = arith.constant 2880 : i32
        %parallel_loop3A_1062 = vector.broadcast %parallel_loop3A_1061 : i32 to vector<16xi32>
        %parallel_loop3A_1063 = arith.addi %parallel_loop3A_111, %parallel_loop3A_1062 : vector<16xi32>
        %parallel_loop3A_1064 = tpu.vector_load_idx %arg9[%parallel_loop3A_1063] : memref<4096xf32, #tpu.memory_space<vmem>>[vector<16xi32>], vector<16xf32>,
        %parallel_loop3A_1065 = tpu.vector_load_idx %arg10[%parallel_loop3A_1063] : memref<4096xf32, #tpu.memory_space<vmem>>[vector<16xi32>], vector<16xf32>,
        %parallel_loop3A_1066 = arith.constant 16 : i32
        %parallel_loop3A_1067 = arith.muli %parallel_loop3A_107, %parallel_loop3A_1066 : i32
        %parallel_loop3A_1068 = arith.constant 45 : i32
        %parallel_loop3A_1069 = arith.index_cast %parallel_loop3A_1068 : i32 to index
        %parallel_loop3A_1070 = arith.index_cast %parallel_loop3A_1067 : i32 to index
        %parallel_loop3A_1071 = tpu.vector_load %arg14[%parallel_loop3A_1069, %parallel_loop3A_1070] {strides = array<i32>} : memref<64x256xf32, #tpu.memory_space<vmem>>, vector<16xf32>,
        %parallel_loop3A_1072 = arith.mulf %parallel_loop3A_1071, %parallel_loop3A_1064 : vector<16xf32>
        %parallel_loop3A_1073 = arith.addf %parallel_loop3A_1072, %parallel_loop3A_1065 : vector<16xf32>
        %parallel_loop3A_1074 = arith.constant 16 : i32
        %parallel_loop3A_1075 = arith.muli %parallel_loop3A_107, %parallel_loop3A_1074 : i32
        %parallel_loop3A_1076 = arith.constant 45 : i32
        %parallel_loop3A_1077 = arith.index_cast %parallel_loop3A_1076 : i32 to index
        %parallel_loop3A_1078 = arith.index_cast %parallel_loop3A_1075 : i32 to index
        %parallel_loop3A_1079 = tpu.vector_load %arg16[%parallel_loop3A_1077, %parallel_loop3A_1078] {strides = array<i32>} : memref<64x256xf32, #tpu.memory_space<vmem>>, vector<16xf32>,
        tpu.vector_store %arg16[%parallel_loop3A_1077, %parallel_loop3A_1078], %parallel_loop3A_1073 {strides = array<i32>} : memref<64x256xf32, #tpu.memory_space<vmem>>, vector<16xf32>,
        %parallel_loop3A_1080 = arith.mulf %parallel_loop3A_1071, %parallel_loop3A_1071 : vector<16xf32>
        %parallel_loop3A_1081 = arith.addf %parallel_loop3A_1039, %parallel_loop3A_1080 : vector<16xf32>
        %parallel_loop3A_1082 = arith.constant 2944 : i32
        %parallel_loop3A_1083 = vector.broadcast %parallel_loop3A_1082 : i32 to vector<16xi32>
        %parallel_loop3A_1084 = arith.addi %parallel_loop3A_111, %parallel_loop3A_1083 : vector<16xi32>
        %parallel_loop3A_1085 = tpu.vector_load_idx %arg9[%parallel_loop3A_1084] : memref<4096xf32, #tpu.memory_space<vmem>>[vector<16xi32>], vector<16xf32>,
        %parallel_loop3A_1086 = tpu.vector_load_idx %arg10[%parallel_loop3A_1084] : memref<4096xf32, #tpu.memory_space<vmem>>[vector<16xi32>], vector<16xf32>,
        %parallel_loop3A_1087 = arith.constant 16 : i32
        %parallel_loop3A_1088 = arith.muli %parallel_loop3A_107, %parallel_loop3A_1087 : i32
        %parallel_loop3A_1089 = arith.constant 46 : i32
        %parallel_loop3A_1090 = arith.index_cast %parallel_loop3A_1089 : i32 to index
        %parallel_loop3A_1091 = arith.index_cast %parallel_loop3A_1088 : i32 to index
        %parallel_loop3A_1092 = tpu.vector_load %arg14[%parallel_loop3A_1090, %parallel_loop3A_1091] {strides = array<i32>} : memref<64x256xf32, #tpu.memory_space<vmem>>, vector<16xf32>,
        %parallel_loop3A_1093 = arith.mulf %parallel_loop3A_1092, %parallel_loop3A_1085 : vector<16xf32>
        %parallel_loop3A_1094 = arith.addf %parallel_loop3A_1093, %parallel_loop3A_1086 : vector<16xf32>
        %parallel_loop3A_1095 = arith.constant 16 : i32
        %parallel_loop3A_1096 = arith.muli %parallel_loop3A_107, %parallel_loop3A_1095 : i32
        %parallel_loop3A_1097 = arith.constant 46 : i32
        %parallel_loop3A_1098 = arith.index_cast %parallel_loop3A_1097 : i32 to index
        %parallel_loop3A_1099 = arith.index_cast %parallel_loop3A_1096 : i32 to index
        %parallel_loop3A_1100 = tpu.vector_load %arg16[%parallel_loop3A_1098, %parallel_loop3A_1099] {strides = array<i32>} : memref<64x256xf32, #tpu.memory_space<vmem>>, vector<16xf32>,
        tpu.vector_store %arg16[%parallel_loop3A_1098, %parallel_loop3A_1099], %parallel_loop3A_1094 {strides = array<i32>} : memref<64x256xf32, #tpu.memory_space<vmem>>, vector<16xf32>,
        %parallel_loop3A_1101 = arith.mulf %parallel_loop3A_1092, %parallel_loop3A_1092 : vector<16xf32>
        %parallel_loop3A_1102 = arith.addf %parallel_loop3A_1060, %parallel_loop3A_1101 : vector<16xf32>
        %parallel_loop3A_1103 = arith.constant 3008 : i32
        %parallel_loop3A_1104 = vector.broadcast %parallel_loop3A_1103 : i32 to vector<16xi32>
        %parallel_loop3A_1105 = arith.addi %parallel_loop3A_111, %parallel_loop3A_1104 : vector<16xi32>
        %parallel_loop3A_1106 = tpu.vector_load_idx %arg9[%parallel_loop3A_1105] : memref<4096xf32, #tpu.memory_space<vmem>>[vector<16xi32>], vector<16xf32>,
        %parallel_loop3A_1107 = tpu.vector_load_idx %arg10[%parallel_loop3A_1105] : memref<4096xf32, #tpu.memory_space<vmem>>[vector<16xi32>], vector<16xf32>,
        %parallel_loop3A_1108 = arith.constant 16 : i32
        %parallel_loop3A_1109 = arith.muli %parallel_loop3A_107, %parallel_loop3A_1108 : i32
        %parallel_loop3A_1110 = arith.constant 47 : i32
        %parallel_loop3A_1111 = arith.index_cast %parallel_loop3A_1110 : i32 to index
        %parallel_loop3A_1112 = arith.index_cast %parallel_loop3A_1109 : i32 to index
        %parallel_loop3A_1113 = tpu.vector_load %arg14[%parallel_loop3A_1111, %parallel_loop3A_1112] {strides = array<i32>} : memref<64x256xf32, #tpu.memory_space<vmem>>, vector<16xf32>,
        %parallel_loop3A_1114 = arith.mulf %parallel_loop3A_1113, %parallel_loop3A_1106 : vector<16xf32>
        %parallel_loop3A_1115 = arith.addf %parallel_loop3A_1114, %parallel_loop3A_1107 : vector<16xf32>
        %parallel_loop3A_1116 = arith.constant 16 : i32
        %parallel_loop3A_1117 = arith.muli %parallel_loop3A_107, %parallel_loop3A_1116 : i32
        %parallel_loop3A_1118 = arith.constant 47 : i32
        %parallel_loop3A_1119 = arith.index_cast %parallel_loop3A_1118 : i32 to index
        %parallel_loop3A_1120 = arith.index_cast %parallel_loop3A_1117 : i32 to index
        %parallel_loop3A_1121 = tpu.vector_load %arg16[%parallel_loop3A_1119, %parallel_loop3A_1120] {strides = array<i32>} : memref<64x256xf32, #tpu.memory_space<vmem>>, vector<16xf32>,
        tpu.vector_store %arg16[%parallel_loop3A_1119, %parallel_loop3A_1120], %parallel_loop3A_1115 {strides = array<i32>} : memref<64x256xf32, #tpu.memory_space<vmem>>, vector<16xf32>,
        %parallel_loop3A_1122 = arith.mulf %parallel_loop3A_1113, %parallel_loop3A_1113 : vector<16xf32>
        %parallel_loop3A_1123 = arith.addf %parallel_loop3A_1081, %parallel_loop3A_1122 : vector<16xf32>
        %parallel_loop3A_1124 = arith.constant 3072 : i32
        %parallel_loop3A_1125 = vector.broadcast %parallel_loop3A_1124 : i32 to vector<16xi32>
        %parallel_loop3A_1126 = arith.addi %parallel_loop3A_111, %parallel_loop3A_1125 : vector<16xi32>
        %parallel_loop3A_1127 = tpu.vector_load_idx %arg9[%parallel_loop3A_1126] : memref<4096xf32, #tpu.memory_space<vmem>>[vector<16xi32>], vector<16xf32>,
        %parallel_loop3A_1128 = tpu.vector_load_idx %arg10[%parallel_loop3A_1126] : memref<4096xf32, #tpu.memory_space<vmem>>[vector<16xi32>], vector<16xf32>,
        %parallel_loop3A_1129 = arith.constant 16 : i32
        %parallel_loop3A_1130 = arith.muli %parallel_loop3A_107, %parallel_loop3A_1129 : i32
        %parallel_loop3A_1131 = arith.constant 48 : i32
        %parallel_loop3A_1132 = arith.index_cast %parallel_loop3A_1131 : i32 to index
        %parallel_loop3A_1133 = arith.index_cast %parallel_loop3A_1130 : i32 to index
        %parallel_loop3A_1134 = tpu.vector_load %arg14[%parallel_loop3A_1132, %parallel_loop3A_1133] {strides = array<i32>} : memref<64x256xf32, #tpu.memory_space<vmem>>, vector<16xf32>,
        %parallel_loop3A_1135 = arith.mulf %parallel_loop3A_1134, %parallel_loop3A_1127 : vector<16xf32>
        %parallel_loop3A_1136 = arith.addf %parallel_loop3A_1135, %parallel_loop3A_1128 : vector<16xf32>
        %parallel_loop3A_1137 = arith.constant 16 : i32
        %parallel_loop3A_1138 = arith.muli %parallel_loop3A_107, %parallel_loop3A_1137 : i32
        %parallel_loop3A_1139 = arith.constant 48 : i32
        %parallel_loop3A_1140 = arith.index_cast %parallel_loop3A_1139 : i32 to index
        %parallel_loop3A_1141 = arith.index_cast %parallel_loop3A_1138 : i32 to index
        %parallel_loop3A_1142 = tpu.vector_load %arg16[%parallel_loop3A_1140, %parallel_loop3A_1141] {strides = array<i32>} : memref<64x256xf32, #tpu.memory_space<vmem>>, vector<16xf32>,
        tpu.vector_store %arg16[%parallel_loop3A_1140, %parallel_loop3A_1141], %parallel_loop3A_1136 {strides = array<i32>} : memref<64x256xf32, #tpu.memory_space<vmem>>, vector<16xf32>,
        %parallel_loop3A_1143 = arith.mulf %parallel_loop3A_1134, %parallel_loop3A_1134 : vector<16xf32>
        %parallel_loop3A_1144 = arith.addf %parallel_loop3A_1102, %parallel_loop3A_1143 : vector<16xf32>
        %parallel_loop3A_1145 = arith.constant 3136 : i32
        %parallel_loop3A_1146 = vector.broadcast %parallel_loop3A_1145 : i32 to vector<16xi32>
        %parallel_loop3A_1147 = arith.addi %parallel_loop3A_111, %parallel_loop3A_1146 : vector<16xi32>
        %parallel_loop3A_1148 = tpu.vector_load_idx %arg9[%parallel_loop3A_1147] : memref<4096xf32, #tpu.memory_space<vmem>>[vector<16xi32>], vector<16xf32>,
        %parallel_loop3A_1149 = tpu.vector_load_idx %arg10[%parallel_loop3A_1147] : memref<4096xf32, #tpu.memory_space<vmem>>[vector<16xi32>], vector<16xf32>,
        %parallel_loop3A_1150 = arith.constant 16 : i32
        %parallel_loop3A_1151 = arith.muli %parallel_loop3A_107, %parallel_loop3A_1150 : i32
        %parallel_loop3A_1152 = arith.constant 49 : i32
        %parallel_loop3A_1153 = arith.index_cast %parallel_loop3A_1152 : i32 to index
        %parallel_loop3A_1154 = arith.index_cast %parallel_loop3A_1151 : i32 to index
        %parallel_loop3A_1155 = tpu.vector_load %arg14[%parallel_loop3A_1153, %parallel_loop3A_1154] {strides = array<i32>} : memref<64x256xf32, #tpu.memory_space<vmem>>, vector<16xf32>,
        %parallel_loop3A_1156 = arith.mulf %parallel_loop3A_1155, %parallel_loop3A_1148 : vector<16xf32>
        %parallel_loop3A_1157 = arith.addf %parallel_loop3A_1156, %parallel_loop3A_1149 : vector<16xf32>
        %parallel_loop3A_1158 = arith.constant 16 : i32
        %parallel_loop3A_1159 = arith.muli %parallel_loop3A_107, %parallel_loop3A_1158 : i32
        %parallel_loop3A_1160 = arith.constant 49 : i32
        %parallel_loop3A_1161 = arith.index_cast %parallel_loop3A_1160 : i32 to index
        %parallel_loop3A_1162 = arith.index_cast %parallel_loop3A_1159 : i32 to index
        %parallel_loop3A_1163 = tpu.vector_load %arg16[%parallel_loop3A_1161, %parallel_loop3A_1162] {strides = array<i32>} : memref<64x256xf32, #tpu.memory_space<vmem>>, vector<16xf32>,
        tpu.vector_store %arg16[%parallel_loop3A_1161, %parallel_loop3A_1162], %parallel_loop3A_1157 {strides = array<i32>} : memref<64x256xf32, #tpu.memory_space<vmem>>, vector<16xf32>,
        %parallel_loop3A_1164 = arith.mulf %parallel_loop3A_1155, %parallel_loop3A_1155 : vector<16xf32>
        %parallel_loop3A_1165 = arith.addf %parallel_loop3A_1123, %parallel_loop3A_1164 : vector<16xf32>
        %parallel_loop3A_1166 = arith.constant 3200 : i32
        %parallel_loop3A_1167 = vector.broadcast %parallel_loop3A_1166 : i32 to vector<16xi32>
        %parallel_loop3A_1168 = arith.addi %parallel_loop3A_111, %parallel_loop3A_1167 : vector<16xi32>
        %parallel_loop3A_1169 = tpu.vector_load_idx %arg9[%parallel_loop3A_1168] : memref<4096xf32, #tpu.memory_space<vmem>>[vector<16xi32>], vector<16xf32>,
        %parallel_loop3A_1170 = tpu.vector_load_idx %arg10[%parallel_loop3A_1168] : memref<4096xf32, #tpu.memory_space<vmem>>[vector<16xi32>], vector<16xf32>,
        %parallel_loop3A_1171 = arith.constant 16 : i32
        %parallel_loop3A_1172 = arith.muli %parallel_loop3A_107, %parallel_loop3A_1171 : i32
        %parallel_loop3A_1173 = arith.constant 50 : i32
        %parallel_loop3A_1174 = arith.index_cast %parallel_loop3A_1173 : i32 to index
        %parallel_loop3A_1175 = arith.index_cast %parallel_loop3A_1172 : i32 to index
        %parallel_loop3A_1176 = tpu.vector_load %arg14[%parallel_loop3A_1174, %parallel_loop3A_1175] {strides = array<i32>} : memref<64x256xf32, #tpu.memory_space<vmem>>, vector<16xf32>,
        %parallel_loop3A_1177 = arith.mulf %parallel_loop3A_1176, %parallel_loop3A_1169 : vector<16xf32>
        %parallel_loop3A_1178 = arith.addf %parallel_loop3A_1177, %parallel_loop3A_1170 : vector<16xf32>
        %parallel_loop3A_1179 = arith.constant 16 : i32
        %parallel_loop3A_1180 = arith.muli %parallel_loop3A_107, %parallel_loop3A_1179 : i32
        %parallel_loop3A_1181 = arith.constant 50 : i32
        %parallel_loop3A_1182 = arith.index_cast %parallel_loop3A_1181 : i32 to index
        %parallel_loop3A_1183 = arith.index_cast %parallel_loop3A_1180 : i32 to index
        %parallel_loop3A_1184 = tpu.vector_load %arg16[%parallel_loop3A_1182, %parallel_loop3A_1183] {strides = array<i32>} : memref<64x256xf32, #tpu.memory_space<vmem>>, vector<16xf32>,
        tpu.vector_store %arg16[%parallel_loop3A_1182, %parallel_loop3A_1183], %parallel_loop3A_1178 {strides = array<i32>} : memref<64x256xf32, #tpu.memory_space<vmem>>, vector<16xf32>,
        %parallel_loop3A_1185 = arith.mulf %parallel_loop3A_1176, %parallel_loop3A_1176 : vector<16xf32>
        %parallel_loop3A_1186 = arith.addf %parallel_loop3A_1144, %parallel_loop3A_1185 : vector<16xf32>
        %parallel_loop3A_1187 = arith.constant 3264 : i32
        %parallel_loop3A_1188 = vector.broadcast %parallel_loop3A_1187 : i32 to vector<16xi32>
        %parallel_loop3A_1189 = arith.addi %parallel_loop3A_111, %parallel_loop3A_1188 : vector<16xi32>
        %parallel_loop3A_1190 = tpu.vector_load_idx %arg9[%parallel_loop3A_1189] : memref<4096xf32, #tpu.memory_space<vmem>>[vector<16xi32>], vector<16xf32>,
        %parallel_loop3A_1191 = tpu.vector_load_idx %arg10[%parallel_loop3A_1189] : memref<4096xf32, #tpu.memory_space<vmem>>[vector<16xi32>], vector<16xf32>,
        %parallel_loop3A_1192 = arith.constant 16 : i32
        %parallel_loop3A_1193 = arith.muli %parallel_loop3A_107, %parallel_loop3A_1192 : i32
        %parallel_loop3A_1194 = arith.constant 51 : i32
        %parallel_loop3A_1195 = arith.index_cast %parallel_loop3A_1194 : i32 to index
        %parallel_loop3A_1196 = arith.index_cast %parallel_loop3A_1193 : i32 to index
        %parallel_loop3A_1197 = tpu.vector_load %arg14[%parallel_loop3A_1195, %parallel_loop3A_1196] {strides = array<i32>} : memref<64x256xf32, #tpu.memory_space<vmem>>, vector<16xf32>,
        %parallel_loop3A_1198 = arith.mulf %parallel_loop3A_1197, %parallel_loop3A_1190 : vector<16xf32>
        %parallel_loop3A_1199 = arith.addf %parallel_loop3A_1198, %parallel_loop3A_1191 : vector<16xf32>
        %parallel_loop3A_1200 = arith.constant 16 : i32
        %parallel_loop3A_1201 = arith.muli %parallel_loop3A_107, %parallel_loop3A_1200 : i32
        %parallel_loop3A_1202 = arith.constant 51 : i32
        %parallel_loop3A_1203 = arith.index_cast %parallel_loop3A_1202 : i32 to index
        %parallel_loop3A_1204 = arith.index_cast %parallel_loop3A_1201 : i32 to index
        %parallel_loop3A_1205 = tpu.vector_load %arg16[%parallel_loop3A_1203, %parallel_loop3A_1204] {strides = array<i32>} : memref<64x256xf32, #tpu.memory_space<vmem>>, vector<16xf32>,
        tpu.vector_store %arg16[%parallel_loop3A_1203, %parallel_loop3A_1204], %parallel_loop3A_1199 {strides = array<i32>} : memref<64x256xf32, #tpu.memory_space<vmem>>, vector<16xf32>,
        %parallel_loop3A_1206 = arith.mulf %parallel_loop3A_1197, %parallel_loop3A_1197 : vector<16xf32>
        %parallel_loop3A_1207 = arith.addf %parallel_loop3A_1165, %parallel_loop3A_1206 : vector<16xf32>
        %parallel_loop3A_1208 = arith.constant 3328 : i32
        %parallel_loop3A_1209 = vector.broadcast %parallel_loop3A_1208 : i32 to vector<16xi32>
        %parallel_loop3A_1210 = arith.addi %parallel_loop3A_111, %parallel_loop3A_1209 : vector<16xi32>
        %parallel_loop3A_1211 = tpu.vector_load_idx %arg9[%parallel_loop3A_1210] : memref<4096xf32, #tpu.memory_space<vmem>>[vector<16xi32>], vector<16xf32>,
        %parallel_loop3A_1212 = tpu.vector_load_idx %arg10[%parallel_loop3A_1210] : memref<4096xf32, #tpu.memory_space<vmem>>[vector<16xi32>], vector<16xf32>,
        %parallel_loop3A_1213 = arith.constant 16 : i32
        %parallel_loop3A_1214 = arith.muli %parallel_loop3A_107, %parallel_loop3A_1213 : i32
        %parallel_loop3A_1215 = arith.constant 52 : i32
        %parallel_loop3A_1216 = arith.index_cast %parallel_loop3A_1215 : i32 to index
        %parallel_loop3A_1217 = arith.index_cast %parallel_loop3A_1214 : i32 to index
        %parallel_loop3A_1218 = tpu.vector_load %arg14[%parallel_loop3A_1216, %parallel_loop3A_1217] {strides = array<i32>} : memref<64x256xf32, #tpu.memory_space<vmem>>, vector<16xf32>,
        %parallel_loop3A_1219 = arith.mulf %parallel_loop3A_1218, %parallel_loop3A_1211 : vector<16xf32>
        %parallel_loop3A_1220 = arith.addf %parallel_loop3A_1219, %parallel_loop3A_1212 : vector<16xf32>
        %parallel_loop3A_1221 = arith.constant 16 : i32
        %parallel_loop3A_1222 = arith.muli %parallel_loop3A_107, %parallel_loop3A_1221 : i32
        %parallel_loop3A_1223 = arith.constant 52 : i32
        %parallel_loop3A_1224 = arith.index_cast %parallel_loop3A_1223 : i32 to index
        %parallel_loop3A_1225 = arith.index_cast %parallel_loop3A_1222 : i32 to index
        %parallel_loop3A_1226 = tpu.vector_load %arg16[%parallel_loop3A_1224, %parallel_loop3A_1225] {strides = array<i32>} : memref<64x256xf32, #tpu.memory_space<vmem>>, vector<16xf32>,
        tpu.vector_store %arg16[%parallel_loop3A_1224, %parallel_loop3A_1225], %parallel_loop3A_1220 {strides = array<i32>} : memref<64x256xf32, #tpu.memory_space<vmem>>, vector<16xf32>,
        %parallel_loop3A_1227 = arith.mulf %parallel_loop3A_1218, %parallel_loop3A_1218 : vector<16xf32>
        %parallel_loop3A_1228 = arith.addf %parallel_loop3A_1186, %parallel_loop3A_1227 : vector<16xf32>
        %parallel_loop3A_1229 = arith.constant 3392 : i32
        %parallel_loop3A_1230 = vector.broadcast %parallel_loop3A_1229 : i32 to vector<16xi32>
        %parallel_loop3A_1231 = arith.addi %parallel_loop3A_111, %parallel_loop3A_1230 : vector<16xi32>
        %parallel_loop3A_1232 = tpu.vector_load_idx %arg9[%parallel_loop3A_1231] : memref<4096xf32, #tpu.memory_space<vmem>>[vector<16xi32>], vector<16xf32>,
        %parallel_loop3A_1233 = tpu.vector_load_idx %arg10[%parallel_loop3A_1231] : memref<4096xf32, #tpu.memory_space<vmem>>[vector<16xi32>], vector<16xf32>,
        %parallel_loop3A_1234 = arith.constant 16 : i32
        %parallel_loop3A_1235 = arith.muli %parallel_loop3A_107, %parallel_loop3A_1234 : i32
        %parallel_loop3A_1236 = arith.constant 53 : i32
        %parallel_loop3A_1237 = arith.index_cast %parallel_loop3A_1236 : i32 to index
        %parallel_loop3A_1238 = arith.index_cast %parallel_loop3A_1235 : i32 to index
        %parallel_loop3A_1239 = tpu.vector_load %arg14[%parallel_loop3A_1237, %parallel_loop3A_1238] {strides = array<i32>} : memref<64x256xf32, #tpu.memory_space<vmem>>, vector<16xf32>,
        %parallel_loop3A_1240 = arith.mulf %parallel_loop3A_1239, %parallel_loop3A_1232 : vector<16xf32>
        %parallel_loop3A_1241 = arith.addf %parallel_loop3A_1240, %parallel_loop3A_1233 : vector<16xf32>
        %parallel_loop3A_1242 = arith.constant 16 : i32
        %parallel_loop3A_1243 = arith.muli %parallel_loop3A_107, %parallel_loop3A_1242 : i32
        %parallel_loop3A_1244 = arith.constant 53 : i32
        %parallel_loop3A_1245 = arith.index_cast %parallel_loop3A_1244 : i32 to index
        %parallel_loop3A_1246 = arith.index_cast %parallel_loop3A_1243 : i32 to index
        %parallel_loop3A_1247 = tpu.vector_load %arg16[%parallel_loop3A_1245, %parallel_loop3A_1246] {strides = array<i32>} : memref<64x256xf32, #tpu.memory_space<vmem>>, vector<16xf32>,
        tpu.vector_store %arg16[%parallel_loop3A_1245, %parallel_loop3A_1246], %parallel_loop3A_1241 {strides = array<i32>} : memref<64x256xf32, #tpu.memory_space<vmem>>, vector<16xf32>,
        %parallel_loop3A_1248 = arith.mulf %parallel_loop3A_1239, %parallel_loop3A_1239 : vector<16xf32>
        %parallel_loop3A_1249 = arith.addf %parallel_loop3A_1207, %parallel_loop3A_1248 : vector<16xf32>
        %parallel_loop3A_1250 = arith.constant 3456 : i32
        %parallel_loop3A_1251 = vector.broadcast %parallel_loop3A_1250 : i32 to vector<16xi32>
        %parallel_loop3A_1252 = arith.addi %parallel_loop3A_111, %parallel_loop3A_1251 : vector<16xi32>
        %parallel_loop3A_1253 = tpu.vector_load_idx %arg9[%parallel_loop3A_1252] : memref<4096xf32, #tpu.memory_space<vmem>>[vector<16xi32>], vector<16xf32>,
        %parallel_loop3A_1254 = tpu.vector_load_idx %arg10[%parallel_loop3A_1252] : memref<4096xf32, #tpu.memory_space<vmem>>[vector<16xi32>], vector<16xf32>,
        %parallel_loop3A_1255 = arith.constant 16 : i32
        %parallel_loop3A_1256 = arith.muli %parallel_loop3A_107, %parallel_loop3A_1255 : i32
        %parallel_loop3A_1257 = arith.constant 54 : i32
        %parallel_loop3A_1258 = arith.index_cast %parallel_loop3A_1257 : i32 to index
        %parallel_loop3A_1259 = arith.index_cast %parallel_loop3A_1256 : i32 to index
        %parallel_loop3A_1260 = tpu.vector_load %arg14[%parallel_loop3A_1258, %parallel_loop3A_1259] {strides = array<i32>} : memref<64x256xf32, #tpu.memory_space<vmem>>, vector<16xf32>,
        %parallel_loop3A_1261 = arith.mulf %parallel_loop3A_1260, %parallel_loop3A_1253 : vector<16xf32>
        %parallel_loop3A_1262 = arith.addf %parallel_loop3A_1261, %parallel_loop3A_1254 : vector<16xf32>
        %parallel_loop3A_1263 = arith.constant 16 : i32
        %parallel_loop3A_1264 = arith.muli %parallel_loop3A_107, %parallel_loop3A_1263 : i32
        %parallel_loop3A_1265 = arith.constant 54 : i32
        %parallel_loop3A_1266 = arith.index_cast %parallel_loop3A_1265 : i32 to index
        %parallel_loop3A_1267 = arith.index_cast %parallel_loop3A_1264 : i32 to index
        %parallel_loop3A_1268 = tpu.vector_load %arg16[%parallel_loop3A_1266, %parallel_loop3A_1267] {strides = array<i32>} : memref<64x256xf32, #tpu.memory_space<vmem>>, vector<16xf32>,
        tpu.vector_store %arg16[%parallel_loop3A_1266, %parallel_loop3A_1267], %parallel_loop3A_1262 {strides = array<i32>} : memref<64x256xf32, #tpu.memory_space<vmem>>, vector<16xf32>,
        %parallel_loop3A_1269 = arith.mulf %parallel_loop3A_1260, %parallel_loop3A_1260 : vector<16xf32>
        %parallel_loop3A_1270 = arith.addf %parallel_loop3A_1228, %parallel_loop3A_1269 : vector<16xf32>
        %parallel_loop3A_1271 = arith.constant 3520 : i32
        %parallel_loop3A_1272 = vector.broadcast %parallel_loop3A_1271 : i32 to vector<16xi32>
        %parallel_loop3A_1273 = arith.addi %parallel_loop3A_111, %parallel_loop3A_1272 : vector<16xi32>
        %parallel_loop3A_1274 = tpu.vector_load_idx %arg9[%parallel_loop3A_1273] : memref<4096xf32, #tpu.memory_space<vmem>>[vector<16xi32>], vector<16xf32>,
        %parallel_loop3A_1275 = tpu.vector_load_idx %arg10[%parallel_loop3A_1273] : memref<4096xf32, #tpu.memory_space<vmem>>[vector<16xi32>], vector<16xf32>,
        %parallel_loop3A_1276 = arith.constant 16 : i32
        %parallel_loop3A_1277 = arith.muli %parallel_loop3A_107, %parallel_loop3A_1276 : i32
        %parallel_loop3A_1278 = arith.constant 55 : i32
        %parallel_loop3A_1279 = arith.index_cast %parallel_loop3A_1278 : i32 to index
        %parallel_loop3A_1280 = arith.index_cast %parallel_loop3A_1277 : i32 to index
        %parallel_loop3A_1281 = tpu.vector_load %arg14[%parallel_loop3A_1279, %parallel_loop3A_1280] {strides = array<i32>} : memref<64x256xf32, #tpu.memory_space<vmem>>, vector<16xf32>,
        %parallel_loop3A_1282 = arith.mulf %parallel_loop3A_1281, %parallel_loop3A_1274 : vector<16xf32>
        %parallel_loop3A_1283 = arith.addf %parallel_loop3A_1282, %parallel_loop3A_1275 : vector<16xf32>
        %parallel_loop3A_1284 = arith.constant 16 : i32
        %parallel_loop3A_1285 = arith.muli %parallel_loop3A_107, %parallel_loop3A_1284 : i32
        %parallel_loop3A_1286 = arith.constant 55 : i32
        %parallel_loop3A_1287 = arith.index_cast %parallel_loop3A_1286 : i32 to index
        %parallel_loop3A_1288 = arith.index_cast %parallel_loop3A_1285 : i32 to index
        %parallel_loop3A_1289 = tpu.vector_load %arg16[%parallel_loop3A_1287, %parallel_loop3A_1288] {strides = array<i32>} : memref<64x256xf32, #tpu.memory_space<vmem>>, vector<16xf32>,
        tpu.vector_store %arg16[%parallel_loop3A_1287, %parallel_loop3A_1288], %parallel_loop3A_1283 {strides = array<i32>} : memref<64x256xf32, #tpu.memory_space<vmem>>, vector<16xf32>,
        %parallel_loop3A_1290 = arith.mulf %parallel_loop3A_1281, %parallel_loop3A_1281 : vector<16xf32>
        %parallel_loop3A_1291 = arith.addf %parallel_loop3A_1249, %parallel_loop3A_1290 : vector<16xf32>
        %parallel_loop3A_1292 = arith.constant 3584 : i32
        %parallel_loop3A_1293 = vector.broadcast %parallel_loop3A_1292 : i32 to vector<16xi32>
        %parallel_loop3A_1294 = arith.addi %parallel_loop3A_111, %parallel_loop3A_1293 : vector<16xi32>
        %parallel_loop3A_1295 = tpu.vector_load_idx %arg9[%parallel_loop3A_1294] : memref<4096xf32, #tpu.memory_space<vmem>>[vector<16xi32>], vector<16xf32>,
        %parallel_loop3A_1296 = tpu.vector_load_idx %arg10[%parallel_loop3A_1294] : memref<4096xf32, #tpu.memory_space<vmem>>[vector<16xi32>], vector<16xf32>,
        %parallel_loop3A_1297 = arith.constant 16 : i32
        %parallel_loop3A_1298 = arith.muli %parallel_loop3A_107, %parallel_loop3A_1297 : i32
        %parallel_loop3A_1299 = arith.constant 56 : i32
        %parallel_loop3A_1300 = arith.index_cast %parallel_loop3A_1299 : i32 to index
        %parallel_loop3A_1301 = arith.index_cast %parallel_loop3A_1298 : i32 to index
        %parallel_loop3A_1302 = tpu.vector_load %arg14[%parallel_loop3A_1300, %parallel_loop3A_1301] {strides = array<i32>} : memref<64x256xf32, #tpu.memory_space<vmem>>, vector<16xf32>,
        %parallel_loop3A_1303 = arith.mulf %parallel_loop3A_1302, %parallel_loop3A_1295 : vector<16xf32>
        %parallel_loop3A_1304 = arith.addf %parallel_loop3A_1303, %parallel_loop3A_1296 : vector<16xf32>
        %parallel_loop3A_1305 = arith.constant 16 : i32
        %parallel_loop3A_1306 = arith.muli %parallel_loop3A_107, %parallel_loop3A_1305 : i32
        %parallel_loop3A_1307 = arith.constant 56 : i32
        %parallel_loop3A_1308 = arith.index_cast %parallel_loop3A_1307 : i32 to index
        %parallel_loop3A_1309 = arith.index_cast %parallel_loop3A_1306 : i32 to index
        %parallel_loop3A_1310 = tpu.vector_load %arg16[%parallel_loop3A_1308, %parallel_loop3A_1309] {strides = array<i32>} : memref<64x256xf32, #tpu.memory_space<vmem>>, vector<16xf32>,
        tpu.vector_store %arg16[%parallel_loop3A_1308, %parallel_loop3A_1309], %parallel_loop3A_1304 {strides = array<i32>} : memref<64x256xf32, #tpu.memory_space<vmem>>, vector<16xf32>,
        %parallel_loop3A_1311 = arith.mulf %parallel_loop3A_1302, %parallel_loop3A_1302 : vector<16xf32>
        %parallel_loop3A_1312 = arith.addf %parallel_loop3A_1270, %parallel_loop3A_1311 : vector<16xf32>
        %parallel_loop3A_1313 = arith.constant 3648 : i32
        %parallel_loop3A_1314 = vector.broadcast %parallel_loop3A_1313 : i32 to vector<16xi32>
        %parallel_loop3A_1315 = arith.addi %parallel_loop3A_111, %parallel_loop3A_1314 : vector<16xi32>
        %parallel_loop3A_1316 = tpu.vector_load_idx %arg9[%parallel_loop3A_1315] : memref<4096xf32, #tpu.memory_space<vmem>>[vector<16xi32>], vector<16xf32>,
        %parallel_loop3A_1317 = tpu.vector_load_idx %arg10[%parallel_loop3A_1315] : memref<4096xf32, #tpu.memory_space<vmem>>[vector<16xi32>], vector<16xf32>,
        %parallel_loop3A_1318 = arith.constant 16 : i32
        %parallel_loop3A_1319 = arith.muli %parallel_loop3A_107, %parallel_loop3A_1318 : i32
        %parallel_loop3A_1320 = arith.constant 57 : i32
        %parallel_loop3A_1321 = arith.index_cast %parallel_loop3A_1320 : i32 to index
        %parallel_loop3A_1322 = arith.index_cast %parallel_loop3A_1319 : i32 to index
        %parallel_loop3A_1323 = tpu.vector_load %arg14[%parallel_loop3A_1321, %parallel_loop3A_1322] {strides = array<i32>} : memref<64x256xf32, #tpu.memory_space<vmem>>, vector<16xf32>,
        %parallel_loop3A_1324 = arith.mulf %parallel_loop3A_1323, %parallel_loop3A_1316 : vector<16xf32>
        %parallel_loop3A_1325 = arith.addf %parallel_loop3A_1324, %parallel_loop3A_1317 : vector<16xf32>
        %parallel_loop3A_1326 = arith.constant 16 : i32
        %parallel_loop3A_1327 = arith.muli %parallel_loop3A_107, %parallel_loop3A_1326 : i32
        %parallel_loop3A_1328 = arith.constant 57 : i32
        %parallel_loop3A_1329 = arith.index_cast %parallel_loop3A_1328 : i32 to index
        %parallel_loop3A_1330 = arith.index_cast %parallel_loop3A_1327 : i32 to index
        %parallel_loop3A_1331 = tpu.vector_load %arg16[%parallel_loop3A_1329, %parallel_loop3A_1330] {strides = array<i32>} : memref<64x256xf32, #tpu.memory_space<vmem>>, vector<16xf32>,
        tpu.vector_store %arg16[%parallel_loop3A_1329, %parallel_loop3A_1330], %parallel_loop3A_1325 {strides = array<i32>} : memref<64x256xf32, #tpu.memory_space<vmem>>, vector<16xf32>,
        %parallel_loop3A_1332 = arith.mulf %parallel_loop3A_1323, %parallel_loop3A_1323 : vector<16xf32>
        %parallel_loop3A_1333 = arith.addf %parallel_loop3A_1291, %parallel_loop3A_1332 : vector<16xf32>
        %parallel_loop3A_1334 = arith.constant 3712 : i32
        %parallel_loop3A_1335 = vector.broadcast %parallel_loop3A_1334 : i32 to vector<16xi32>
        %parallel_loop3A_1336 = arith.addi %parallel_loop3A_111, %parallel_loop3A_1335 : vector<16xi32>
        %parallel_loop3A_1337 = tpu.vector_load_idx %arg9[%parallel_loop3A_1336] : memref<4096xf32, #tpu.memory_space<vmem>>[vector<16xi32>], vector<16xf32>,
        %parallel_loop3A_1338 = tpu.vector_load_idx %arg10[%parallel_loop3A_1336] : memref<4096xf32, #tpu.memory_space<vmem>>[vector<16xi32>], vector<16xf32>,
        %parallel_loop3A_1339 = arith.constant 16 : i32
        %parallel_loop3A_1340 = arith.muli %parallel_loop3A_107, %parallel_loop3A_1339 : i32
        %parallel_loop3A_1341 = arith.constant 58 : i32
        %parallel_loop3A_1342 = arith.index_cast %parallel_loop3A_1341 : i32 to index
        %parallel_loop3A_1343 = arith.index_cast %parallel_loop3A_1340 : i32 to index
        %parallel_loop3A_1344 = tpu.vector_load %arg14[%parallel_loop3A_1342, %parallel_loop3A_1343] {strides = array<i32>} : memref<64x256xf32, #tpu.memory_space<vmem>>, vector<16xf32>,
        %parallel_loop3A_1345 = arith.mulf %parallel_loop3A_1344, %parallel_loop3A_1337 : vector<16xf32>
        %parallel_loop3A_1346 = arith.addf %parallel_loop3A_1345, %parallel_loop3A_1338 : vector<16xf32>
        %parallel_loop3A_1347 = arith.constant 16 : i32
        %parallel_loop3A_1348 = arith.muli %parallel_loop3A_107, %parallel_loop3A_1347 : i32
        %parallel_loop3A_1349 = arith.constant 58 : i32
        %parallel_loop3A_1350 = arith.index_cast %parallel_loop3A_1349 : i32 to index
        %parallel_loop3A_1351 = arith.index_cast %parallel_loop3A_1348 : i32 to index
        %parallel_loop3A_1352 = tpu.vector_load %arg16[%parallel_loop3A_1350, %parallel_loop3A_1351] {strides = array<i32>} : memref<64x256xf32, #tpu.memory_space<vmem>>, vector<16xf32>,
        tpu.vector_store %arg16[%parallel_loop3A_1350, %parallel_loop3A_1351], %parallel_loop3A_1346 {strides = array<i32>} : memref<64x256xf32, #tpu.memory_space<vmem>>, vector<16xf32>,
        %parallel_loop3A_1353 = arith.mulf %parallel_loop3A_1344, %parallel_loop3A_1344 : vector<16xf32>
        %parallel_loop3A_1354 = arith.addf %parallel_loop3A_1312, %parallel_loop3A_1353 : vector<16xf32>
        %parallel_loop3A_1355 = arith.constant 3776 : i32
        %parallel_loop3A_1356 = vector.broadcast %parallel_loop3A_1355 : i32 to vector<16xi32>
        %parallel_loop3A_1357 = arith.addi %parallel_loop3A_111, %parallel_loop3A_1356 : vector<16xi32>
        %parallel_loop3A_1358 = tpu.vector_load_idx %arg9[%parallel_loop3A_1357] : memref<4096xf32, #tpu.memory_space<vmem>>[vector<16xi32>], vector<16xf32>,
        %parallel_loop3A_1359 = tpu.vector_load_idx %arg10[%parallel_loop3A_1357] : memref<4096xf32, #tpu.memory_space<vmem>>[vector<16xi32>], vector<16xf32>,
        %parallel_loop3A_1360 = arith.constant 16 : i32
        %parallel_loop3A_1361 = arith.muli %parallel_loop3A_107, %parallel_loop3A_1360 : i32
        %parallel_loop3A_1362 = arith.constant 59 : i32
        %parallel_loop3A_1363 = arith.index_cast %parallel_loop3A_1362 : i32 to index
        %parallel_loop3A_1364 = arith.index_cast %parallel_loop3A_1361 : i32 to index
        %parallel_loop3A_1365 = tpu.vector_load %arg14[%parallel_loop3A_1363, %parallel_loop3A_1364] {strides = array<i32>} : memref<64x256xf32, #tpu.memory_space<vmem>>, vector<16xf32>,
        %parallel_loop3A_1366 = arith.mulf %parallel_loop3A_1365, %parallel_loop3A_1358 : vector<16xf32>
        %parallel_loop3A_1367 = arith.addf %parallel_loop3A_1366, %parallel_loop3A_1359 : vector<16xf32>
        %parallel_loop3A_1368 = arith.constant 16 : i32
        %parallel_loop3A_1369 = arith.muli %parallel_loop3A_107, %parallel_loop3A_1368 : i32
        %parallel_loop3A_1370 = arith.constant 59 : i32
        %parallel_loop3A_1371 = arith.index_cast %parallel_loop3A_1370 : i32 to index
        %parallel_loop3A_1372 = arith.index_cast %parallel_loop3A_1369 : i32 to index
        %parallel_loop3A_1373 = tpu.vector_load %arg16[%parallel_loop3A_1371, %parallel_loop3A_1372] {strides = array<i32>} : memref<64x256xf32, #tpu.memory_space<vmem>>, vector<16xf32>,
        tpu.vector_store %arg16[%parallel_loop3A_1371, %parallel_loop3A_1372], %parallel_loop3A_1367 {strides = array<i32>} : memref<64x256xf32, #tpu.memory_space<vmem>>, vector<16xf32>,
        %parallel_loop3A_1374 = arith.mulf %parallel_loop3A_1365, %parallel_loop3A_1365 : vector<16xf32>
        %parallel_loop3A_1375 = arith.addf %parallel_loop3A_1333, %parallel_loop3A_1374 : vector<16xf32>
        %parallel_loop3A_1376 = arith.constant 3840 : i32
        %parallel_loop3A_1377 = vector.broadcast %parallel_loop3A_1376 : i32 to vector<16xi32>
        %parallel_loop3A_1378 = arith.addi %parallel_loop3A_111, %parallel_loop3A_1377 : vector<16xi32>
        %parallel_loop3A_1379 = tpu.vector_load_idx %arg9[%parallel_loop3A_1378] : memref<4096xf32, #tpu.memory_space<vmem>>[vector<16xi32>], vector<16xf32>,
        %parallel_loop3A_1380 = tpu.vector_load_idx %arg10[%parallel_loop3A_1378] : memref<4096xf32, #tpu.memory_space<vmem>>[vector<16xi32>], vector<16xf32>,
        %parallel_loop3A_1381 = arith.constant 16 : i32
        %parallel_loop3A_1382 = arith.muli %parallel_loop3A_107, %parallel_loop3A_1381 : i32
        %parallel_loop3A_1383 = arith.constant 60 : i32
        %parallel_loop3A_1384 = arith.index_cast %parallel_loop3A_1383 : i32 to index
        %parallel_loop3A_1385 = arith.index_cast %parallel_loop3A_1382 : i32 to index
        %parallel_loop3A_1386 = tpu.vector_load %arg14[%parallel_loop3A_1384, %parallel_loop3A_1385] {strides = array<i32>} : memref<64x256xf32, #tpu.memory_space<vmem>>, vector<16xf32>,
        %parallel_loop3A_1387 = arith.mulf %parallel_loop3A_1386, %parallel_loop3A_1379 : vector<16xf32>
        %parallel_loop3A_1388 = arith.addf %parallel_loop3A_1387, %parallel_loop3A_1380 : vector<16xf32>
        %parallel_loop3A_1389 = arith.constant 16 : i32
        %parallel_loop3A_1390 = arith.muli %parallel_loop3A_107, %parallel_loop3A_1389 : i32
        %parallel_loop3A_1391 = arith.constant 60 : i32
        %parallel_loop3A_1392 = arith.index_cast %parallel_loop3A_1391 : i32 to index
        %parallel_loop3A_1393 = arith.index_cast %parallel_loop3A_1390 : i32 to index
        %parallel_loop3A_1394 = tpu.vector_load %arg16[%parallel_loop3A_1392, %parallel_loop3A_1393] {strides = array<i32>} : memref<64x256xf32, #tpu.memory_space<vmem>>, vector<16xf32>,
        tpu.vector_store %arg16[%parallel_loop3A_1392, %parallel_loop3A_1393], %parallel_loop3A_1388 {strides = array<i32>} : memref<64x256xf32, #tpu.memory_space<vmem>>, vector<16xf32>,
        %parallel_loop3A_1395 = arith.mulf %parallel_loop3A_1386, %parallel_loop3A_1386 : vector<16xf32>
        %parallel_loop3A_1396 = arith.addf %parallel_loop3A_1354, %parallel_loop3A_1395 : vector<16xf32>
        %parallel_loop3A_1397 = arith.constant 3904 : i32
        %parallel_loop3A_1398 = vector.broadcast %parallel_loop3A_1397 : i32 to vector<16xi32>
        %parallel_loop3A_1399 = arith.addi %parallel_loop3A_111, %parallel_loop3A_1398 : vector<16xi32>
        %parallel_loop3A_1400 = tpu.vector_load_idx %arg9[%parallel_loop3A_1399] : memref<4096xf32, #tpu.memory_space<vmem>>[vector<16xi32>], vector<16xf32>,
        %parallel_loop3A_1401 = tpu.vector_load_idx %arg10[%parallel_loop3A_1399] : memref<4096xf32, #tpu.memory_space<vmem>>[vector<16xi32>], vector<16xf32>,
        %parallel_loop3A_1402 = arith.constant 16 : i32
        %parallel_loop3A_1403 = arith.muli %parallel_loop3A_107, %parallel_loop3A_1402 : i32
        %parallel_loop3A_1404 = arith.constant 61 : i32
        %parallel_loop3A_1405 = arith.index_cast %parallel_loop3A_1404 : i32 to index
        %parallel_loop3A_1406 = arith.index_cast %parallel_loop3A_1403 : i32 to index
        %parallel_loop3A_1407 = tpu.vector_load %arg14[%parallel_loop3A_1405, %parallel_loop3A_1406] {strides = array<i32>} : memref<64x256xf32, #tpu.memory_space<vmem>>, vector<16xf32>,
        %parallel_loop3A_1408 = arith.mulf %parallel_loop3A_1407, %parallel_loop3A_1400 : vector<16xf32>
        %parallel_loop3A_1409 = arith.addf %parallel_loop3A_1408, %parallel_loop3A_1401 : vector<16xf32>
        %parallel_loop3A_1410 = arith.constant 16 : i32
        %parallel_loop3A_1411 = arith.muli %parallel_loop3A_107, %parallel_loop3A_1410 : i32
        %parallel_loop3A_1412 = arith.constant 61 : i32
        %parallel_loop3A_1413 = arith.index_cast %parallel_loop3A_1412 : i32 to index
        %parallel_loop3A_1414 = arith.index_cast %parallel_loop3A_1411 : i32 to index
        %parallel_loop3A_1415 = tpu.vector_load %arg16[%parallel_loop3A_1413, %parallel_loop3A_1414] {strides = array<i32>} : memref<64x256xf32, #tpu.memory_space<vmem>>, vector<16xf32>,
        tpu.vector_store %arg16[%parallel_loop3A_1413, %parallel_loop3A_1414], %parallel_loop3A_1409 {strides = array<i32>} : memref<64x256xf32, #tpu.memory_space<vmem>>, vector<16xf32>,
        %parallel_loop3A_1416 = arith.mulf %parallel_loop3A_1407, %parallel_loop3A_1407 : vector<16xf32>
        %parallel_loop3A_1417 = arith.addf %parallel_loop3A_1375, %parallel_loop3A_1416 : vector<16xf32>
        %parallel_loop3A_1418 = arith.constant 3968 : i32
        %parallel_loop3A_1419 = vector.broadcast %parallel_loop3A_1418 : i32 to vector<16xi32>
        %parallel_loop3A_1420 = arith.addi %parallel_loop3A_111, %parallel_loop3A_1419 : vector<16xi32>
        %parallel_loop3A_1421 = tpu.vector_load_idx %arg9[%parallel_loop3A_1420] : memref<4096xf32, #tpu.memory_space<vmem>>[vector<16xi32>], vector<16xf32>,
        %parallel_loop3A_1422 = tpu.vector_load_idx %arg10[%parallel_loop3A_1420] : memref<4096xf32, #tpu.memory_space<vmem>>[vector<16xi32>], vector<16xf32>,
        %parallel_loop3A_1423 = arith.constant 16 : i32
        %parallel_loop3A_1424 = arith.muli %parallel_loop3A_107, %parallel_loop3A_1423 : i32
        %parallel_loop3A_1425 = arith.constant 62 : i32
        %parallel_loop3A_1426 = arith.index_cast %parallel_loop3A_1425 : i32 to index
        %parallel_loop3A_1427 = arith.index_cast %parallel_loop3A_1424 : i32 to index
        %parallel_loop3A_1428 = tpu.vector_load %arg14[%parallel_loop3A_1426, %parallel_loop3A_1427] {strides = array<i32>} : memref<64x256xf32, #tpu.memory_space<vmem>>, vector<16xf32>,
        %parallel_loop3A_1429 = arith.mulf %parallel_loop3A_1428, %parallel_loop3A_1421 : vector<16xf32>
        %parallel_loop3A_1430 = arith.addf %parallel_loop3A_1429, %parallel_loop3A_1422 : vector<16xf32>
        %parallel_loop3A_1431 = arith.constant 16 : i32
        %parallel_loop3A_1432 = arith.muli %parallel_loop3A_107, %parallel_loop3A_1431 : i32
        %parallel_loop3A_1433 = arith.constant 62 : i32
        %parallel_loop3A_1434 = arith.index_cast %parallel_loop3A_1433 : i32 to index
        %parallel_loop3A_1435 = arith.index_cast %parallel_loop3A_1432 : i32 to index
        %parallel_loop3A_1436 = tpu.vector_load %arg16[%parallel_loop3A_1434, %parallel_loop3A_1435] {strides = array<i32>} : memref<64x256xf32, #tpu.memory_space<vmem>>, vector<16xf32>,
        tpu.vector_store %arg16[%parallel_loop3A_1434, %parallel_loop3A_1435], %parallel_loop3A_1430 {strides = array<i32>} : memref<64x256xf32, #tpu.memory_space<vmem>>, vector<16xf32>,
        %parallel_loop3A_1437 = arith.mulf %parallel_loop3A_1428, %parallel_loop3A_1428 : vector<16xf32>
        %parallel_loop3A_1438 = arith.addf %parallel_loop3A_1396, %parallel_loop3A_1437 : vector<16xf32>
        %parallel_loop3A_1439 = arith.constant 4032 : i32
        %parallel_loop3A_1440 = vector.broadcast %parallel_loop3A_1439 : i32 to vector<16xi32>
        %parallel_loop3A_1441 = arith.addi %parallel_loop3A_111, %parallel_loop3A_1440 : vector<16xi32>
        %parallel_loop3A_1442 = tpu.vector_load_idx %arg9[%parallel_loop3A_1441] : memref<4096xf32, #tpu.memory_space<vmem>>[vector<16xi32>], vector<16xf32>,
        %parallel_loop3A_1443 = tpu.vector_load_idx %arg10[%parallel_loop3A_1441] : memref<4096xf32, #tpu.memory_space<vmem>>[vector<16xi32>], vector<16xf32>,
        %parallel_loop3A_1444 = arith.constant 16 : i32
        %parallel_loop3A_1445 = arith.muli %parallel_loop3A_107, %parallel_loop3A_1444 : i32
        %parallel_loop3A_1446 = arith.constant 63 : i32
        %parallel_loop3A_1447 = arith.index_cast %parallel_loop3A_1446 : i32 to index
        %parallel_loop3A_1448 = arith.index_cast %parallel_loop3A_1445 : i32 to index
        %parallel_loop3A_1449 = tpu.vector_load %arg14[%parallel_loop3A_1447, %parallel_loop3A_1448] {strides = array<i32>} : memref<64x256xf32, #tpu.memory_space<vmem>>, vector<16xf32>,
        %parallel_loop3A_1450 = arith.mulf %parallel_loop3A_1449, %parallel_loop3A_1442 : vector<16xf32>
        %parallel_loop3A_1451 = arith.addf %parallel_loop3A_1450, %parallel_loop3A_1443 : vector<16xf32>
        %parallel_loop3A_1452 = arith.constant 16 : i32
        %parallel_loop3A_1453 = arith.muli %parallel_loop3A_107, %parallel_loop3A_1452 : i32
        %parallel_loop3A_1454 = arith.constant 63 : i32
        %parallel_loop3A_1455 = arith.index_cast %parallel_loop3A_1454 : i32 to index
        %parallel_loop3A_1456 = arith.index_cast %parallel_loop3A_1453 : i32 to index
        %parallel_loop3A_1457 = tpu.vector_load %arg16[%parallel_loop3A_1455, %parallel_loop3A_1456] {strides = array<i32>} : memref<64x256xf32, #tpu.memory_space<vmem>>, vector<16xf32>,
        tpu.vector_store %arg16[%parallel_loop3A_1455, %parallel_loop3A_1456], %parallel_loop3A_1451 {strides = array<i32>} : memref<64x256xf32, #tpu.memory_space<vmem>>, vector<16xf32>,
        %parallel_loop3A_1458 = arith.mulf %parallel_loop3A_1449, %parallel_loop3A_1449 : vector<16xf32>
        %parallel_loop3A_1459 = arith.addf %parallel_loop3A_1417, %parallel_loop3A_1458 : vector<16xf32>
        %parallel_loop3A_1460 = arith.addf %parallel_loop3A_1438, %parallel_loop3A_1459 : vector<16xf32>
        %parallel_loop3A_1461 = arith.constant 5.000000e-01 : f32
        %parallel_loop3A_1462 = vector.broadcast %parallel_loop3A_1461 : f32 to vector<16xf32>
        %parallel_loop3A_1463 = arith.mulf %parallel_loop3A_1462, %parallel_loop3A_1460 : vector<16xf32>
        %parallel_loop3A_1464 = arith.subf %get3A_7, %parallel_loop3A_1463 : vector<16xf32>
        %parallel_loop3A_1465 = arith.constant 16 : i32
        %parallel_loop3A_1466 = arith.muli %parallel_loop3A_107, %parallel_loop3A_1465 : i32
        %parallel_loop3A_1467 = arith.index_cast %parallel_loop3A_1466 : i32 to index
        %parallel_loop3A_1468 = tpu.vector_load %arg18[%parallel_loop3A_1467] {strides = array<i32>} : memref<256xf32, #tpu.memory_space<vmem>>, vector<16xf32>,
        tpu.vector_store %arg18[%parallel_loop3A_1467], %parallel_loop3A_1464 {strides = array<i32>} : memref<256xf32, #tpu.memory_space<vmem>>, vector<16xf32>,
      } {sc.loop_unroll_factor = 2 : i64, sc.parallel_access}
      %mul3A_67 = arith.constant 256 : i32
      %mul3A_68 = arith.muli %mul3A_42, %mul3A_67 : i32
      %add3A_69 = arith.addi %mul3A_9, %mul3A_68 : i32
      %dma_start3A_70 = arith.constant 0 : i32
      %dma_start3A_71 = tpu.memref_slice %arg7[%dma_start3A_70, %add3A_69] : memref<64x262144xf32, #tpu.memory_space<hbm>> -> memref<64x256xf32, #tpu.memory_space<hbm>>
      %dma_start3A_72 = arith.constant 0 : i32
      %dma_start3A_73 = tpu.memref_slice %arg7[%dma_start3A_72, %add3A_69] : memref<64x262144xf32, #tpu.memory_space<hbm>> -> memref<64x256xf32, #tpu.memory_space<hbm>>
      tpu.enqueue_dma source(%arg16 : memref<64x256xf32, #tpu.memory_space<vmem>>) target(%dma_start3A_73 : memref<64x256xf32, #tpu.memory_space<hbm>>) target_semaphore(%arg24 : memref<!tpu.dma_semaphore, #tpu.memory_space<semaphore_mem>>)
      %dma_start3A_74 = tpu.memref_slice %arg8[%add3A_69] : memref<262144xf32, #tpu.memory_space<hbm>> -> memref<256xf32, #tpu.memory_space<hbm>>
      %dma_start3A_75 = tpu.memref_slice %arg8[%add3A_69] : memref<262144xf32, #tpu.memory_space<hbm>> -> memref<256xf32, #tpu.memory_space<hbm>>
      tpu.enqueue_dma source(%arg18 : memref<256xf32, #tpu.memory_space<vmem>>) target(%dma_start3A_75 : memref<256xf32, #tpu.memory_space<hbm>>) target_semaphore(%arg26 : memref<!tpu.dma_semaphore, #tpu.memory_space<semaphore_mem>>)
      %lt3A = arith.constant 15 : i32
      %lt3A_76 = arith.cmpi slt, %scan3A_39, %lt3A : i32
      %convert_element_type3A_77 = arith.extui %lt3A_76 : i1 to i32
      %cond3A_78 = arith.constant 0 : i32
      %cond3A_79 = arith.cmpi ne, %convert_element_type3A_77, %cond3A_78 : i32
      scf.if %cond3A_79 {
        %add3A_107 = arith.constant 2 : i32
        %add3A_108 = arith.addi %mul3A_42, %add3A_107 : i32
        %mul3A_109 = arith.constant 256 : i32
        %mul3A_110 = arith.muli %add3A_108, %mul3A_109 : i32
        %add3A_111 = arith.addi %mul3A_9, %mul3A_110 : i32
        %dma_start3A_112 = arith.constant 0 : i32
        %dma_start3A_113 = tpu.memref_slice %arg6[%dma_start3A_112, %add3A_111] : memref<64x262144xf32, #tpu.memory_space<hbm>> -> memref<64x256xf32, #tpu.memory_space<hbm>>
        %dma_start3A_114 = arith.constant 0 : i32
        %dma_start3A_115 = tpu.memref_slice %arg6[%dma_start3A_114, %add3A_111] : memref<64x262144xf32, #tpu.memory_space<hbm>> -> memref<64x256xf32, #tpu.memory_space<hbm>>
        tpu.enqueue_dma source(%dma_start3A_115 : memref<64x256xf32, #tpu.memory_space<hbm>>) target(%arg14 : memref<64x256xf32, #tpu.memory_space<vmem>>) target_semaphore(%arg20 : memref<!tpu.dma_semaphore, #tpu.memory_space<semaphore_mem>>)
        %dma_start3A_116 = tpu.memref_slice %arg5[%add3A_111] : memref<262144xi32, #tpu.memory_space<hbm>> -> memref<256xi32, #tpu.memory_space<hbm>>
        %dma_start3A_117 = tpu.memref_slice %arg5[%add3A_111] : memref<262144xi32, #tpu.memory_space<hbm>> -> memref<256xi32, #tpu.memory_space<hbm>>
        tpu.enqueue_dma source(%dma_start3A_117 : memref<256xi32, #tpu.memory_space<hbm>>) target(%arg12 : memref<256xi32, #tpu.memory_space<vmem>>) target_semaphore(%arg22 : memref<!tpu.dma_semaphore, #tpu.memory_space<semaphore_mem>>)
      } else {
      }
      %mul3A_80 = arith.constant 256 : i32
      %mul3A_81 = arith.muli %add3A_44, %mul3A_80 : i32
      %add3A_82 = arith.addi %mul3A_9, %mul3A_81 : i32
      %dma_wait3A_83 = arith.constant 0 : i32
      %dma_wait3A_84 = tpu.memref_slice %arg6[%dma_wait3A_83, %add3A_82] : memref<64x262144xf32, #tpu.memory_space<hbm>> -> memref<64x256xf32, #tpu.memory_space<hbm>>
      %dma_wait3A_85 = arith.constant 0 : i32
      %dma_wait3A_86 = tpu.memref_slice %arg6[%dma_wait3A_85, %add3A_82] : memref<64x262144xf32, #tpu.memory_space<hbm>> -> memref<64x256xf32, #tpu.memory_space<hbm>>
      tpu.wait_dma2 semaphore(%arg21 : memref<!tpu.dma_semaphore, #tpu.memory_space<semaphore_mem>>) src(%dma_wait3A_86 : memref<64x256xf32, #tpu.memory_space<hbm>>) dst(%arg15 : memref<64x256xf32, #tpu.memory_space<vmem>>)
      %dma_wait3A_87 = tpu.memref_slice %arg5[%add3A_82] : memref<262144xi32, #tpu.memory_space<hbm>> -> memref<256xi32, #tpu.memory_space<hbm>>
      %dma_wait3A_88 = tpu.memref_slice %arg5[%add3A_82] : memref<262144xi32, #tpu.memory_space<hbm>> -> memref<256xi32, #tpu.memory_space<hbm>>
      tpu.wait_dma2 semaphore(%arg23 : memref<!tpu.dma_semaphore, #tpu.memory_space<semaphore_mem>>) src(%dma_wait3A_88 : memref<256xi32, #tpu.memory_space<hbm>>) dst(%arg13 : memref<256xi32, #tpu.memory_space<vmem>>)
      %gt3A_89 = arith.constant 0 : i32
      %gt3A_90 = arith.cmpi sgt, %scan3A_39, %gt3A_89 : i32
      %convert_element_type3A_91 = arith.extui %gt3A_90 : i1 to i32
      %cond3A_92 = arith.constant 0 : i32
      %cond3A_93 = arith.cmpi ne, %convert_element_type3A_91, %cond3A_92 : i32
      scf.if %cond3A_93 {
        %sub3A = arith.constant 2 : i32
        %sub3A_107 = arith.subi %add3A_44, %sub3A : i32
        %mul3A_108 = arith.constant 256 : i32
        %mul3A_109 = arith.muli %sub3A_107, %mul3A_108 : i32
        %add3A_110 = arith.addi %mul3A_9, %mul3A_109 : i32
        %dma_wait3A_111 = arith.constant 0 : i32
        %dma_wait3A_112 = tpu.memref_slice %arg7[%dma_wait3A_111, %add3A_110] : memref<64x262144xf32, #tpu.memory_space<hbm>> -> memref<64x256xf32, #tpu.memory_space<hbm>>
        %dma_wait3A_113 = arith.constant 0 : i32
        %dma_wait3A_114 = tpu.memref_slice %arg7[%dma_wait3A_113, %add3A_110] : memref<64x262144xf32, #tpu.memory_space<hbm>> -> memref<64x256xf32, #tpu.memory_space<hbm>>
        tpu.wait_dma2 semaphore(%arg25 : memref<!tpu.dma_semaphore, #tpu.memory_space<semaphore_mem>>) src(%arg17 : memref<64x256xf32, #tpu.memory_space<vmem>>) dst(%dma_wait3A_114 : memref<64x256xf32, #tpu.memory_space<hbm>>)
        %dma_wait3A_115 = tpu.memref_slice %arg8[%add3A_110] : memref<262144xf32, #tpu.memory_space<hbm>> -> memref<256xf32, #tpu.memory_space<hbm>>
        %dma_wait3A_116 = tpu.memref_slice %arg8[%add3A_110] : memref<262144xf32, #tpu.memory_space<hbm>> -> memref<256xf32, #tpu.memory_space<hbm>>
        tpu.wait_dma2 semaphore(%arg27 : memref<!tpu.dma_semaphore, #tpu.memory_space<semaphore_mem>>) src(%arg19 : memref<256xf32, #tpu.memory_space<vmem>>) dst(%dma_wait3A_116 : memref<256xf32, #tpu.memory_space<hbm>>)
      } else {
      }
      %parallel_loop3A_94 = arith.constant 0 : i32
      %parallel_loop3A_95 = arith.constant 16 : i32
      %parallel_loop3A_96 = arith.constant 1 : i32
      scf.for %parallel_loop3A_107 = %parallel_loop3A_94 to %parallel_loop3A_95 step %parallel_loop3A_96  : i32 {
        %parallel_loop3A_108 = arith.constant 16 : i32
        %parallel_loop3A_109 = arith.muli %parallel_loop3A_107, %parallel_loop3A_108 : i32
        %parallel_loop3A_110 = arith.index_cast %parallel_loop3A_109 : i32 to index
        %parallel_loop3A_111 = tpu.vector_load %arg13[%parallel_loop3A_110] {strides = array<i32>} : memref<256xi32, #tpu.memory_space<vmem>>, vector<16xi32>,
        %parallel_loop3A_112 = arith.constant 0.000000e+00 : f32
        %parallel_loop3A_113 = vector.broadcast %parallel_loop3A_112 : f32 to vector<16xf32>
        %parallel_loop3A_114 = arith.constant 0.000000e+00 : f32
        %parallel_loop3A_115 = vector.broadcast %parallel_loop3A_114 : f32 to vector<16xf32>
        %parallel_loop3A_116 = arith.constant 0 : i32
        %parallel_loop3A_117 = vector.broadcast %parallel_loop3A_116 : i32 to vector<16xi32>
        %parallel_loop3A_118 = arith.addi %parallel_loop3A_111, %parallel_loop3A_117 : vector<16xi32>
        %parallel_loop3A_119 = tpu.vector_load_idx %arg9[%parallel_loop3A_118] : memref<4096xf32, #tpu.memory_space<vmem>>[vector<16xi32>], vector<16xf32>,
        %parallel_loop3A_120 = tpu.vector_load_idx %arg10[%parallel_loop3A_118] : memref<4096xf32, #tpu.memory_space<vmem>>[vector<16xi32>], vector<16xf32>,
        %parallel_loop3A_121 = arith.constant 16 : i32
        %parallel_loop3A_122 = arith.muli %parallel_loop3A_107, %parallel_loop3A_121 : i32
        %parallel_loop3A_123 = arith.constant 0 : i32
        %parallel_loop3A_124 = arith.index_cast %parallel_loop3A_123 : i32 to index
        %parallel_loop3A_125 = arith.index_cast %parallel_loop3A_122 : i32 to index
        %parallel_loop3A_126 = tpu.vector_load %arg15[%parallel_loop3A_124, %parallel_loop3A_125] {strides = array<i32>} : memref<64x256xf32, #tpu.memory_space<vmem>>, vector<16xf32>,
        %parallel_loop3A_127 = arith.mulf %parallel_loop3A_126, %parallel_loop3A_119 : vector<16xf32>
        %parallel_loop3A_128 = arith.addf %parallel_loop3A_127, %parallel_loop3A_120 : vector<16xf32>
        %parallel_loop3A_129 = arith.constant 16 : i32
        %parallel_loop3A_130 = arith.muli %parallel_loop3A_107, %parallel_loop3A_129 : i32
        %parallel_loop3A_131 = arith.constant 0 : i32
        %parallel_loop3A_132 = arith.index_cast %parallel_loop3A_131 : i32 to index
        %parallel_loop3A_133 = arith.index_cast %parallel_loop3A_130 : i32 to index
        %parallel_loop3A_134 = tpu.vector_load %arg17[%parallel_loop3A_132, %parallel_loop3A_133] {strides = array<i32>} : memref<64x256xf32, #tpu.memory_space<vmem>>, vector<16xf32>,
        tpu.vector_store %arg17[%parallel_loop3A_132, %parallel_loop3A_133], %parallel_loop3A_128 {strides = array<i32>} : memref<64x256xf32, #tpu.memory_space<vmem>>, vector<16xf32>,
        %parallel_loop3A_135 = arith.mulf %parallel_loop3A_126, %parallel_loop3A_126 : vector<16xf32>
        %parallel_loop3A_136 = arith.addf %parallel_loop3A_113, %parallel_loop3A_135 : vector<16xf32>
        %parallel_loop3A_137 = arith.constant 64 : i32
        %parallel_loop3A_138 = vector.broadcast %parallel_loop3A_137 : i32 to vector<16xi32>
        %parallel_loop3A_139 = arith.addi %parallel_loop3A_111, %parallel_loop3A_138 : vector<16xi32>
        %parallel_loop3A_140 = tpu.vector_load_idx %arg9[%parallel_loop3A_139] : memref<4096xf32, #tpu.memory_space<vmem>>[vector<16xi32>], vector<16xf32>,
        %parallel_loop3A_141 = tpu.vector_load_idx %arg10[%parallel_loop3A_139] : memref<4096xf32, #tpu.memory_space<vmem>>[vector<16xi32>], vector<16xf32>,
        %parallel_loop3A_142 = arith.constant 16 : i32
        %parallel_loop3A_143 = arith.muli %parallel_loop3A_107, %parallel_loop3A_142 : i32
        %parallel_loop3A_144 = arith.constant 1 : i32
        %parallel_loop3A_145 = arith.index_cast %parallel_loop3A_144 : i32 to index
        %parallel_loop3A_146 = arith.index_cast %parallel_loop3A_143 : i32 to index
        %parallel_loop3A_147 = tpu.vector_load %arg15[%parallel_loop3A_145, %parallel_loop3A_146] {strides = array<i32>} : memref<64x256xf32, #tpu.memory_space<vmem>>, vector<16xf32>,
        %parallel_loop3A_148 = arith.mulf %parallel_loop3A_147, %parallel_loop3A_140 : vector<16xf32>
        %parallel_loop3A_149 = arith.addf %parallel_loop3A_148, %parallel_loop3A_141 : vector<16xf32>
        %parallel_loop3A_150 = arith.constant 16 : i32
        %parallel_loop3A_151 = arith.muli %parallel_loop3A_107, %parallel_loop3A_150 : i32
        %parallel_loop3A_152 = arith.constant 1 : i32
        %parallel_loop3A_153 = arith.index_cast %parallel_loop3A_152 : i32 to index
        %parallel_loop3A_154 = arith.index_cast %parallel_loop3A_151 : i32 to index
        %parallel_loop3A_155 = tpu.vector_load %arg17[%parallel_loop3A_153, %parallel_loop3A_154] {strides = array<i32>} : memref<64x256xf32, #tpu.memory_space<vmem>>, vector<16xf32>,
        tpu.vector_store %arg17[%parallel_loop3A_153, %parallel_loop3A_154], %parallel_loop3A_149 {strides = array<i32>} : memref<64x256xf32, #tpu.memory_space<vmem>>, vector<16xf32>,
        %parallel_loop3A_156 = arith.mulf %parallel_loop3A_147, %parallel_loop3A_147 : vector<16xf32>
        %parallel_loop3A_157 = arith.addf %parallel_loop3A_115, %parallel_loop3A_156 : vector<16xf32>
        %parallel_loop3A_158 = arith.constant 128 : i32
        %parallel_loop3A_159 = vector.broadcast %parallel_loop3A_158 : i32 to vector<16xi32>
        %parallel_loop3A_160 = arith.addi %parallel_loop3A_111, %parallel_loop3A_159 : vector<16xi32>
        %parallel_loop3A_161 = tpu.vector_load_idx %arg9[%parallel_loop3A_160] : memref<4096xf32, #tpu.memory_space<vmem>>[vector<16xi32>], vector<16xf32>,
        %parallel_loop3A_162 = tpu.vector_load_idx %arg10[%parallel_loop3A_160] : memref<4096xf32, #tpu.memory_space<vmem>>[vector<16xi32>], vector<16xf32>,
        %parallel_loop3A_163 = arith.constant 16 : i32
        %parallel_loop3A_164 = arith.muli %parallel_loop3A_107, %parallel_loop3A_163 : i32
        %parallel_loop3A_165 = arith.constant 2 : i32
        %parallel_loop3A_166 = arith.index_cast %parallel_loop3A_165 : i32 to index
        %parallel_loop3A_167 = arith.index_cast %parallel_loop3A_164 : i32 to index
        %parallel_loop3A_168 = tpu.vector_load %arg15[%parallel_loop3A_166, %parallel_loop3A_167] {strides = array<i32>} : memref<64x256xf32, #tpu.memory_space<vmem>>, vector<16xf32>,
        %parallel_loop3A_169 = arith.mulf %parallel_loop3A_168, %parallel_loop3A_161 : vector<16xf32>
        %parallel_loop3A_170 = arith.addf %parallel_loop3A_169, %parallel_loop3A_162 : vector<16xf32>
        %parallel_loop3A_171 = arith.constant 16 : i32
        %parallel_loop3A_172 = arith.muli %parallel_loop3A_107, %parallel_loop3A_171 : i32
        %parallel_loop3A_173 = arith.constant 2 : i32
        %parallel_loop3A_174 = arith.index_cast %parallel_loop3A_173 : i32 to index
        %parallel_loop3A_175 = arith.index_cast %parallel_loop3A_172 : i32 to index
        %parallel_loop3A_176 = tpu.vector_load %arg17[%parallel_loop3A_174, %parallel_loop3A_175] {strides = array<i32>} : memref<64x256xf32, #tpu.memory_space<vmem>>, vector<16xf32>,
        tpu.vector_store %arg17[%parallel_loop3A_174, %parallel_loop3A_175], %parallel_loop3A_170 {strides = array<i32>} : memref<64x256xf32, #tpu.memory_space<vmem>>, vector<16xf32>,
        %parallel_loop3A_177 = arith.mulf %parallel_loop3A_168, %parallel_loop3A_168 : vector<16xf32>
        %parallel_loop3A_178 = arith.addf %parallel_loop3A_136, %parallel_loop3A_177 : vector<16xf32>
        %parallel_loop3A_179 = arith.constant 192 : i32
        %parallel_loop3A_180 = vector.broadcast %parallel_loop3A_179 : i32 to vector<16xi32>
        %parallel_loop3A_181 = arith.addi %parallel_loop3A_111, %parallel_loop3A_180 : vector<16xi32>
        %parallel_loop3A_182 = tpu.vector_load_idx %arg9[%parallel_loop3A_181] : memref<4096xf32, #tpu.memory_space<vmem>>[vector<16xi32>], vector<16xf32>,
        %parallel_loop3A_183 = tpu.vector_load_idx %arg10[%parallel_loop3A_181] : memref<4096xf32, #tpu.memory_space<vmem>>[vector<16xi32>], vector<16xf32>,
        %parallel_loop3A_184 = arith.constant 16 : i32
        %parallel_loop3A_185 = arith.muli %parallel_loop3A_107, %parallel_loop3A_184 : i32
        %parallel_loop3A_186 = arith.constant 3 : i32
        %parallel_loop3A_187 = arith.index_cast %parallel_loop3A_186 : i32 to index
        %parallel_loop3A_188 = arith.index_cast %parallel_loop3A_185 : i32 to index
        %parallel_loop3A_189 = tpu.vector_load %arg15[%parallel_loop3A_187, %parallel_loop3A_188] {strides = array<i32>} : memref<64x256xf32, #tpu.memory_space<vmem>>, vector<16xf32>,
        %parallel_loop3A_190 = arith.mulf %parallel_loop3A_189, %parallel_loop3A_182 : vector<16xf32>
        %parallel_loop3A_191 = arith.addf %parallel_loop3A_190, %parallel_loop3A_183 : vector<16xf32>
        %parallel_loop3A_192 = arith.constant 16 : i32
        %parallel_loop3A_193 = arith.muli %parallel_loop3A_107, %parallel_loop3A_192 : i32
        %parallel_loop3A_194 = arith.constant 3 : i32
        %parallel_loop3A_195 = arith.index_cast %parallel_loop3A_194 : i32 to index
        %parallel_loop3A_196 = arith.index_cast %parallel_loop3A_193 : i32 to index
        %parallel_loop3A_197 = tpu.vector_load %arg17[%parallel_loop3A_195, %parallel_loop3A_196] {strides = array<i32>} : memref<64x256xf32, #tpu.memory_space<vmem>>, vector<16xf32>,
        tpu.vector_store %arg17[%parallel_loop3A_195, %parallel_loop3A_196], %parallel_loop3A_191 {strides = array<i32>} : memref<64x256xf32, #tpu.memory_space<vmem>>, vector<16xf32>,
        %parallel_loop3A_198 = arith.mulf %parallel_loop3A_189, %parallel_loop3A_189 : vector<16xf32>
        %parallel_loop3A_199 = arith.addf %parallel_loop3A_157, %parallel_loop3A_198 : vector<16xf32>
        %parallel_loop3A_200 = arith.constant 256 : i32
        %parallel_loop3A_201 = vector.broadcast %parallel_loop3A_200 : i32 to vector<16xi32>
        %parallel_loop3A_202 = arith.addi %parallel_loop3A_111, %parallel_loop3A_201 : vector<16xi32>
        %parallel_loop3A_203 = tpu.vector_load_idx %arg9[%parallel_loop3A_202] : memref<4096xf32, #tpu.memory_space<vmem>>[vector<16xi32>], vector<16xf32>,
        %parallel_loop3A_204 = tpu.vector_load_idx %arg10[%parallel_loop3A_202] : memref<4096xf32, #tpu.memory_space<vmem>>[vector<16xi32>], vector<16xf32>,
        %parallel_loop3A_205 = arith.constant 16 : i32
        %parallel_loop3A_206 = arith.muli %parallel_loop3A_107, %parallel_loop3A_205 : i32
        %parallel_loop3A_207 = arith.constant 4 : i32
        %parallel_loop3A_208 = arith.index_cast %parallel_loop3A_207 : i32 to index
        %parallel_loop3A_209 = arith.index_cast %parallel_loop3A_206 : i32 to index
        %parallel_loop3A_210 = tpu.vector_load %arg15[%parallel_loop3A_208, %parallel_loop3A_209] {strides = array<i32>} : memref<64x256xf32, #tpu.memory_space<vmem>>, vector<16xf32>,
        %parallel_loop3A_211 = arith.mulf %parallel_loop3A_210, %parallel_loop3A_203 : vector<16xf32>
        %parallel_loop3A_212 = arith.addf %parallel_loop3A_211, %parallel_loop3A_204 : vector<16xf32>
        %parallel_loop3A_213 = arith.constant 16 : i32
        %parallel_loop3A_214 = arith.muli %parallel_loop3A_107, %parallel_loop3A_213 : i32
        %parallel_loop3A_215 = arith.constant 4 : i32
        %parallel_loop3A_216 = arith.index_cast %parallel_loop3A_215 : i32 to index
        %parallel_loop3A_217 = arith.index_cast %parallel_loop3A_214 : i32 to index
        %parallel_loop3A_218 = tpu.vector_load %arg17[%parallel_loop3A_216, %parallel_loop3A_217] {strides = array<i32>} : memref<64x256xf32, #tpu.memory_space<vmem>>, vector<16xf32>,
        tpu.vector_store %arg17[%parallel_loop3A_216, %parallel_loop3A_217], %parallel_loop3A_212 {strides = array<i32>} : memref<64x256xf32, #tpu.memory_space<vmem>>, vector<16xf32>,
        %parallel_loop3A_219 = arith.mulf %parallel_loop3A_210, %parallel_loop3A_210 : vector<16xf32>
        %parallel_loop3A_220 = arith.addf %parallel_loop3A_178, %parallel_loop3A_219 : vector<16xf32>
        %parallel_loop3A_221 = arith.constant 320 : i32
        %parallel_loop3A_222 = vector.broadcast %parallel_loop3A_221 : i32 to vector<16xi32>
        %parallel_loop3A_223 = arith.addi %parallel_loop3A_111, %parallel_loop3A_222 : vector<16xi32>
        %parallel_loop3A_224 = tpu.vector_load_idx %arg9[%parallel_loop3A_223] : memref<4096xf32, #tpu.memory_space<vmem>>[vector<16xi32>], vector<16xf32>,
        %parallel_loop3A_225 = tpu.vector_load_idx %arg10[%parallel_loop3A_223] : memref<4096xf32, #tpu.memory_space<vmem>>[vector<16xi32>], vector<16xf32>,
        %parallel_loop3A_226 = arith.constant 16 : i32
        %parallel_loop3A_227 = arith.muli %parallel_loop3A_107, %parallel_loop3A_226 : i32
        %parallel_loop3A_228 = arith.constant 5 : i32
        %parallel_loop3A_229 = arith.index_cast %parallel_loop3A_228 : i32 to index
        %parallel_loop3A_230 = arith.index_cast %parallel_loop3A_227 : i32 to index
        %parallel_loop3A_231 = tpu.vector_load %arg15[%parallel_loop3A_229, %parallel_loop3A_230] {strides = array<i32>} : memref<64x256xf32, #tpu.memory_space<vmem>>, vector<16xf32>,
        %parallel_loop3A_232 = arith.mulf %parallel_loop3A_231, %parallel_loop3A_224 : vector<16xf32>
        %parallel_loop3A_233 = arith.addf %parallel_loop3A_232, %parallel_loop3A_225 : vector<16xf32>
        %parallel_loop3A_234 = arith.constant 16 : i32
        %parallel_loop3A_235 = arith.muli %parallel_loop3A_107, %parallel_loop3A_234 : i32
        %parallel_loop3A_236 = arith.constant 5 : i32
        %parallel_loop3A_237 = arith.index_cast %parallel_loop3A_236 : i32 to index
        %parallel_loop3A_238 = arith.index_cast %parallel_loop3A_235 : i32 to index
        %parallel_loop3A_239 = tpu.vector_load %arg17[%parallel_loop3A_237, %parallel_loop3A_238] {strides = array<i32>} : memref<64x256xf32, #tpu.memory_space<vmem>>, vector<16xf32>,
        tpu.vector_store %arg17[%parallel_loop3A_237, %parallel_loop3A_238], %parallel_loop3A_233 {strides = array<i32>} : memref<64x256xf32, #tpu.memory_space<vmem>>, vector<16xf32>,
        %parallel_loop3A_240 = arith.mulf %parallel_loop3A_231, %parallel_loop3A_231 : vector<16xf32>
        %parallel_loop3A_241 = arith.addf %parallel_loop3A_199, %parallel_loop3A_240 : vector<16xf32>
        %parallel_loop3A_242 = arith.constant 384 : i32
        %parallel_loop3A_243 = vector.broadcast %parallel_loop3A_242 : i32 to vector<16xi32>
        %parallel_loop3A_244 = arith.addi %parallel_loop3A_111, %parallel_loop3A_243 : vector<16xi32>
        %parallel_loop3A_245 = tpu.vector_load_idx %arg9[%parallel_loop3A_244] : memref<4096xf32, #tpu.memory_space<vmem>>[vector<16xi32>], vector<16xf32>,
        %parallel_loop3A_246 = tpu.vector_load_idx %arg10[%parallel_loop3A_244] : memref<4096xf32, #tpu.memory_space<vmem>>[vector<16xi32>], vector<16xf32>,
        %parallel_loop3A_247 = arith.constant 16 : i32
        %parallel_loop3A_248 = arith.muli %parallel_loop3A_107, %parallel_loop3A_247 : i32
        %parallel_loop3A_249 = arith.constant 6 : i32
        %parallel_loop3A_250 = arith.index_cast %parallel_loop3A_249 : i32 to index
        %parallel_loop3A_251 = arith.index_cast %parallel_loop3A_248 : i32 to index
        %parallel_loop3A_252 = tpu.vector_load %arg15[%parallel_loop3A_250, %parallel_loop3A_251] {strides = array<i32>} : memref<64x256xf32, #tpu.memory_space<vmem>>, vector<16xf32>,
        %parallel_loop3A_253 = arith.mulf %parallel_loop3A_252, %parallel_loop3A_245 : vector<16xf32>
        %parallel_loop3A_254 = arith.addf %parallel_loop3A_253, %parallel_loop3A_246 : vector<16xf32>
        %parallel_loop3A_255 = arith.constant 16 : i32
        %parallel_loop3A_256 = arith.muli %parallel_loop3A_107, %parallel_loop3A_255 : i32
        %parallel_loop3A_257 = arith.constant 6 : i32
        %parallel_loop3A_258 = arith.index_cast %parallel_loop3A_257 : i32 to index
        %parallel_loop3A_259 = arith.index_cast %parallel_loop3A_256 : i32 to index
        %parallel_loop3A_260 = tpu.vector_load %arg17[%parallel_loop3A_258, %parallel_loop3A_259] {strides = array<i32>} : memref<64x256xf32, #tpu.memory_space<vmem>>, vector<16xf32>,
        tpu.vector_store %arg17[%parallel_loop3A_258, %parallel_loop3A_259], %parallel_loop3A_254 {strides = array<i32>} : memref<64x256xf32, #tpu.memory_space<vmem>>, vector<16xf32>,
        %parallel_loop3A_261 = arith.mulf %parallel_loop3A_252, %parallel_loop3A_252 : vector<16xf32>
        %parallel_loop3A_262 = arith.addf %parallel_loop3A_220, %parallel_loop3A_261 : vector<16xf32>
        %parallel_loop3A_263 = arith.constant 448 : i32
        %parallel_loop3A_264 = vector.broadcast %parallel_loop3A_263 : i32 to vector<16xi32>
        %parallel_loop3A_265 = arith.addi %parallel_loop3A_111, %parallel_loop3A_264 : vector<16xi32>
        %parallel_loop3A_266 = tpu.vector_load_idx %arg9[%parallel_loop3A_265] : memref<4096xf32, #tpu.memory_space<vmem>>[vector<16xi32>], vector<16xf32>,
        %parallel_loop3A_267 = tpu.vector_load_idx %arg10[%parallel_loop3A_265] : memref<4096xf32, #tpu.memory_space<vmem>>[vector<16xi32>], vector<16xf32>,
        %parallel_loop3A_268 = arith.constant 16 : i32
        %parallel_loop3A_269 = arith.muli %parallel_loop3A_107, %parallel_loop3A_268 : i32
        %parallel_loop3A_270 = arith.constant 7 : i32
        %parallel_loop3A_271 = arith.index_cast %parallel_loop3A_270 : i32 to index
        %parallel_loop3A_272 = arith.index_cast %parallel_loop3A_269 : i32 to index
        %parallel_loop3A_273 = tpu.vector_load %arg15[%parallel_loop3A_271, %parallel_loop3A_272] {strides = array<i32>} : memref<64x256xf32, #tpu.memory_space<vmem>>, vector<16xf32>,
        %parallel_loop3A_274 = arith.mulf %parallel_loop3A_273, %parallel_loop3A_266 : vector<16xf32>
        %parallel_loop3A_275 = arith.addf %parallel_loop3A_274, %parallel_loop3A_267 : vector<16xf32>
        %parallel_loop3A_276 = arith.constant 16 : i32
        %parallel_loop3A_277 = arith.muli %parallel_loop3A_107, %parallel_loop3A_276 : i32
        %parallel_loop3A_278 = arith.constant 7 : i32
        %parallel_loop3A_279 = arith.index_cast %parallel_loop3A_278 : i32 to index
        %parallel_loop3A_280 = arith.index_cast %parallel_loop3A_277 : i32 to index
        %parallel_loop3A_281 = tpu.vector_load %arg17[%parallel_loop3A_279, %parallel_loop3A_280] {strides = array<i32>} : memref<64x256xf32, #tpu.memory_space<vmem>>, vector<16xf32>,
        tpu.vector_store %arg17[%parallel_loop3A_279, %parallel_loop3A_280], %parallel_loop3A_275 {strides = array<i32>} : memref<64x256xf32, #tpu.memory_space<vmem>>, vector<16xf32>,
        %parallel_loop3A_282 = arith.mulf %parallel_loop3A_273, %parallel_loop3A_273 : vector<16xf32>
        %parallel_loop3A_283 = arith.addf %parallel_loop3A_241, %parallel_loop3A_282 : vector<16xf32>
        %parallel_loop3A_284 = arith.constant 512 : i32
        %parallel_loop3A_285 = vector.broadcast %parallel_loop3A_284 : i32 to vector<16xi32>
        %parallel_loop3A_286 = arith.addi %parallel_loop3A_111, %parallel_loop3A_285 : vector<16xi32>
        %parallel_loop3A_287 = tpu.vector_load_idx %arg9[%parallel_loop3A_286] : memref<4096xf32, #tpu.memory_space<vmem>>[vector<16xi32>], vector<16xf32>,
        %parallel_loop3A_288 = tpu.vector_load_idx %arg10[%parallel_loop3A_286] : memref<4096xf32, #tpu.memory_space<vmem>>[vector<16xi32>], vector<16xf32>,
        %parallel_loop3A_289 = arith.constant 16 : i32
        %parallel_loop3A_290 = arith.muli %parallel_loop3A_107, %parallel_loop3A_289 : i32
        %parallel_loop3A_291 = arith.constant 8 : i32
        %parallel_loop3A_292 = arith.index_cast %parallel_loop3A_291 : i32 to index
        %parallel_loop3A_293 = arith.index_cast %parallel_loop3A_290 : i32 to index
        %parallel_loop3A_294 = tpu.vector_load %arg15[%parallel_loop3A_292, %parallel_loop3A_293] {strides = array<i32>} : memref<64x256xf32, #tpu.memory_space<vmem>>, vector<16xf32>,
        %parallel_loop3A_295 = arith.mulf %parallel_loop3A_294, %parallel_loop3A_287 : vector<16xf32>
        %parallel_loop3A_296 = arith.addf %parallel_loop3A_295, %parallel_loop3A_288 : vector<16xf32>
        %parallel_loop3A_297 = arith.constant 16 : i32
        %parallel_loop3A_298 = arith.muli %parallel_loop3A_107, %parallel_loop3A_297 : i32
        %parallel_loop3A_299 = arith.constant 8 : i32
        %parallel_loop3A_300 = arith.index_cast %parallel_loop3A_299 : i32 to index
        %parallel_loop3A_301 = arith.index_cast %parallel_loop3A_298 : i32 to index
        %parallel_loop3A_302 = tpu.vector_load %arg17[%parallel_loop3A_300, %parallel_loop3A_301] {strides = array<i32>} : memref<64x256xf32, #tpu.memory_space<vmem>>, vector<16xf32>,
        tpu.vector_store %arg17[%parallel_loop3A_300, %parallel_loop3A_301], %parallel_loop3A_296 {strides = array<i32>} : memref<64x256xf32, #tpu.memory_space<vmem>>, vector<16xf32>,
        %parallel_loop3A_303 = arith.mulf %parallel_loop3A_294, %parallel_loop3A_294 : vector<16xf32>
        %parallel_loop3A_304 = arith.addf %parallel_loop3A_262, %parallel_loop3A_303 : vector<16xf32>
        %parallel_loop3A_305 = arith.constant 576 : i32
        %parallel_loop3A_306 = vector.broadcast %parallel_loop3A_305 : i32 to vector<16xi32>
        %parallel_loop3A_307 = arith.addi %parallel_loop3A_111, %parallel_loop3A_306 : vector<16xi32>
        %parallel_loop3A_308 = tpu.vector_load_idx %arg9[%parallel_loop3A_307] : memref<4096xf32, #tpu.memory_space<vmem>>[vector<16xi32>], vector<16xf32>,
        %parallel_loop3A_309 = tpu.vector_load_idx %arg10[%parallel_loop3A_307] : memref<4096xf32, #tpu.memory_space<vmem>>[vector<16xi32>], vector<16xf32>,
        %parallel_loop3A_310 = arith.constant 16 : i32
        %parallel_loop3A_311 = arith.muli %parallel_loop3A_107, %parallel_loop3A_310 : i32
        %parallel_loop3A_312 = arith.constant 9 : i32
        %parallel_loop3A_313 = arith.index_cast %parallel_loop3A_312 : i32 to index
        %parallel_loop3A_314 = arith.index_cast %parallel_loop3A_311 : i32 to index
        %parallel_loop3A_315 = tpu.vector_load %arg15[%parallel_loop3A_313, %parallel_loop3A_314] {strides = array<i32>} : memref<64x256xf32, #tpu.memory_space<vmem>>, vector<16xf32>,
        %parallel_loop3A_316 = arith.mulf %parallel_loop3A_315, %parallel_loop3A_308 : vector<16xf32>
        %parallel_loop3A_317 = arith.addf %parallel_loop3A_316, %parallel_loop3A_309 : vector<16xf32>
        %parallel_loop3A_318 = arith.constant 16 : i32
        %parallel_loop3A_319 = arith.muli %parallel_loop3A_107, %parallel_loop3A_318 : i32
        %parallel_loop3A_320 = arith.constant 9 : i32
        %parallel_loop3A_321 = arith.index_cast %parallel_loop3A_320 : i32 to index
        %parallel_loop3A_322 = arith.index_cast %parallel_loop3A_319 : i32 to index
        %parallel_loop3A_323 = tpu.vector_load %arg17[%parallel_loop3A_321, %parallel_loop3A_322] {strides = array<i32>} : memref<64x256xf32, #tpu.memory_space<vmem>>, vector<16xf32>,
        tpu.vector_store %arg17[%parallel_loop3A_321, %parallel_loop3A_322], %parallel_loop3A_317 {strides = array<i32>} : memref<64x256xf32, #tpu.memory_space<vmem>>, vector<16xf32>,
        %parallel_loop3A_324 = arith.mulf %parallel_loop3A_315, %parallel_loop3A_315 : vector<16xf32>
        %parallel_loop3A_325 = arith.addf %parallel_loop3A_283, %parallel_loop3A_324 : vector<16xf32>
        %parallel_loop3A_326 = arith.constant 640 : i32
        %parallel_loop3A_327 = vector.broadcast %parallel_loop3A_326 : i32 to vector<16xi32>
        %parallel_loop3A_328 = arith.addi %parallel_loop3A_111, %parallel_loop3A_327 : vector<16xi32>
        %parallel_loop3A_329 = tpu.vector_load_idx %arg9[%parallel_loop3A_328] : memref<4096xf32, #tpu.memory_space<vmem>>[vector<16xi32>], vector<16xf32>,
        %parallel_loop3A_330 = tpu.vector_load_idx %arg10[%parallel_loop3A_328] : memref<4096xf32, #tpu.memory_space<vmem>>[vector<16xi32>], vector<16xf32>,
        %parallel_loop3A_331 = arith.constant 16 : i32
        %parallel_loop3A_332 = arith.muli %parallel_loop3A_107, %parallel_loop3A_331 : i32
        %parallel_loop3A_333 = arith.constant 10 : i32
        %parallel_loop3A_334 = arith.index_cast %parallel_loop3A_333 : i32 to index
        %parallel_loop3A_335 = arith.index_cast %parallel_loop3A_332 : i32 to index
        %parallel_loop3A_336 = tpu.vector_load %arg15[%parallel_loop3A_334, %parallel_loop3A_335] {strides = array<i32>} : memref<64x256xf32, #tpu.memory_space<vmem>>, vector<16xf32>,
        %parallel_loop3A_337 = arith.mulf %parallel_loop3A_336, %parallel_loop3A_329 : vector<16xf32>
        %parallel_loop3A_338 = arith.addf %parallel_loop3A_337, %parallel_loop3A_330 : vector<16xf32>
        %parallel_loop3A_339 = arith.constant 16 : i32
        %parallel_loop3A_340 = arith.muli %parallel_loop3A_107, %parallel_loop3A_339 : i32
        %parallel_loop3A_341 = arith.constant 10 : i32
        %parallel_loop3A_342 = arith.index_cast %parallel_loop3A_341 : i32 to index
        %parallel_loop3A_343 = arith.index_cast %parallel_loop3A_340 : i32 to index
        %parallel_loop3A_344 = tpu.vector_load %arg17[%parallel_loop3A_342, %parallel_loop3A_343] {strides = array<i32>} : memref<64x256xf32, #tpu.memory_space<vmem>>, vector<16xf32>,
        tpu.vector_store %arg17[%parallel_loop3A_342, %parallel_loop3A_343], %parallel_loop3A_338 {strides = array<i32>} : memref<64x256xf32, #tpu.memory_space<vmem>>, vector<16xf32>,
        %parallel_loop3A_345 = arith.mulf %parallel_loop3A_336, %parallel_loop3A_336 : vector<16xf32>
        %parallel_loop3A_346 = arith.addf %parallel_loop3A_304, %parallel_loop3A_345 : vector<16xf32>
        %parallel_loop3A_347 = arith.constant 704 : i32
        %parallel_loop3A_348 = vector.broadcast %parallel_loop3A_347 : i32 to vector<16xi32>
        %parallel_loop3A_349 = arith.addi %parallel_loop3A_111, %parallel_loop3A_348 : vector<16xi32>
        %parallel_loop3A_350 = tpu.vector_load_idx %arg9[%parallel_loop3A_349] : memref<4096xf32, #tpu.memory_space<vmem>>[vector<16xi32>], vector<16xf32>,
        %parallel_loop3A_351 = tpu.vector_load_idx %arg10[%parallel_loop3A_349] : memref<4096xf32, #tpu.memory_space<vmem>>[vector<16xi32>], vector<16xf32>,
        %parallel_loop3A_352 = arith.constant 16 : i32
        %parallel_loop3A_353 = arith.muli %parallel_loop3A_107, %parallel_loop3A_352 : i32
        %parallel_loop3A_354 = arith.constant 11 : i32
        %parallel_loop3A_355 = arith.index_cast %parallel_loop3A_354 : i32 to index
        %parallel_loop3A_356 = arith.index_cast %parallel_loop3A_353 : i32 to index
        %parallel_loop3A_357 = tpu.vector_load %arg15[%parallel_loop3A_355, %parallel_loop3A_356] {strides = array<i32>} : memref<64x256xf32, #tpu.memory_space<vmem>>, vector<16xf32>,
        %parallel_loop3A_358 = arith.mulf %parallel_loop3A_357, %parallel_loop3A_350 : vector<16xf32>
        %parallel_loop3A_359 = arith.addf %parallel_loop3A_358, %parallel_loop3A_351 : vector<16xf32>
        %parallel_loop3A_360 = arith.constant 16 : i32
        %parallel_loop3A_361 = arith.muli %parallel_loop3A_107, %parallel_loop3A_360 : i32
        %parallel_loop3A_362 = arith.constant 11 : i32
        %parallel_loop3A_363 = arith.index_cast %parallel_loop3A_362 : i32 to index
        %parallel_loop3A_364 = arith.index_cast %parallel_loop3A_361 : i32 to index
        %parallel_loop3A_365 = tpu.vector_load %arg17[%parallel_loop3A_363, %parallel_loop3A_364] {strides = array<i32>} : memref<64x256xf32, #tpu.memory_space<vmem>>, vector<16xf32>,
        tpu.vector_store %arg17[%parallel_loop3A_363, %parallel_loop3A_364], %parallel_loop3A_359 {strides = array<i32>} : memref<64x256xf32, #tpu.memory_space<vmem>>, vector<16xf32>,
        %parallel_loop3A_366 = arith.mulf %parallel_loop3A_357, %parallel_loop3A_357 : vector<16xf32>
        %parallel_loop3A_367 = arith.addf %parallel_loop3A_325, %parallel_loop3A_366 : vector<16xf32>
        %parallel_loop3A_368 = arith.constant 768 : i32
        %parallel_loop3A_369 = vector.broadcast %parallel_loop3A_368 : i32 to vector<16xi32>
        %parallel_loop3A_370 = arith.addi %parallel_loop3A_111, %parallel_loop3A_369 : vector<16xi32>
        %parallel_loop3A_371 = tpu.vector_load_idx %arg9[%parallel_loop3A_370] : memref<4096xf32, #tpu.memory_space<vmem>>[vector<16xi32>], vector<16xf32>,
        %parallel_loop3A_372 = tpu.vector_load_idx %arg10[%parallel_loop3A_370] : memref<4096xf32, #tpu.memory_space<vmem>>[vector<16xi32>], vector<16xf32>,
        %parallel_loop3A_373 = arith.constant 16 : i32
        %parallel_loop3A_374 = arith.muli %parallel_loop3A_107, %parallel_loop3A_373 : i32
        %parallel_loop3A_375 = arith.constant 12 : i32
        %parallel_loop3A_376 = arith.index_cast %parallel_loop3A_375 : i32 to index
        %parallel_loop3A_377 = arith.index_cast %parallel_loop3A_374 : i32 to index
        %parallel_loop3A_378 = tpu.vector_load %arg15[%parallel_loop3A_376, %parallel_loop3A_377] {strides = array<i32>} : memref<64x256xf32, #tpu.memory_space<vmem>>, vector<16xf32>,
        %parallel_loop3A_379 = arith.mulf %parallel_loop3A_378, %parallel_loop3A_371 : vector<16xf32>
        %parallel_loop3A_380 = arith.addf %parallel_loop3A_379, %parallel_loop3A_372 : vector<16xf32>
        %parallel_loop3A_381 = arith.constant 16 : i32
        %parallel_loop3A_382 = arith.muli %parallel_loop3A_107, %parallel_loop3A_381 : i32
        %parallel_loop3A_383 = arith.constant 12 : i32
        %parallel_loop3A_384 = arith.index_cast %parallel_loop3A_383 : i32 to index
        %parallel_loop3A_385 = arith.index_cast %parallel_loop3A_382 : i32 to index
        %parallel_loop3A_386 = tpu.vector_load %arg17[%parallel_loop3A_384, %parallel_loop3A_385] {strides = array<i32>} : memref<64x256xf32, #tpu.memory_space<vmem>>, vector<16xf32>,
        tpu.vector_store %arg17[%parallel_loop3A_384, %parallel_loop3A_385], %parallel_loop3A_380 {strides = array<i32>} : memref<64x256xf32, #tpu.memory_space<vmem>>, vector<16xf32>,
        %parallel_loop3A_387 = arith.mulf %parallel_loop3A_378, %parallel_loop3A_378 : vector<16xf32>
        %parallel_loop3A_388 = arith.addf %parallel_loop3A_346, %parallel_loop3A_387 : vector<16xf32>
        %parallel_loop3A_389 = arith.constant 832 : i32
        %parallel_loop3A_390 = vector.broadcast %parallel_loop3A_389 : i32 to vector<16xi32>
        %parallel_loop3A_391 = arith.addi %parallel_loop3A_111, %parallel_loop3A_390 : vector<16xi32>
        %parallel_loop3A_392 = tpu.vector_load_idx %arg9[%parallel_loop3A_391] : memref<4096xf32, #tpu.memory_space<vmem>>[vector<16xi32>], vector<16xf32>,
        %parallel_loop3A_393 = tpu.vector_load_idx %arg10[%parallel_loop3A_391] : memref<4096xf32, #tpu.memory_space<vmem>>[vector<16xi32>], vector<16xf32>,
        %parallel_loop3A_394 = arith.constant 16 : i32
        %parallel_loop3A_395 = arith.muli %parallel_loop3A_107, %parallel_loop3A_394 : i32
        %parallel_loop3A_396 = arith.constant 13 : i32
        %parallel_loop3A_397 = arith.index_cast %parallel_loop3A_396 : i32 to index
        %parallel_loop3A_398 = arith.index_cast %parallel_loop3A_395 : i32 to index
        %parallel_loop3A_399 = tpu.vector_load %arg15[%parallel_loop3A_397, %parallel_loop3A_398] {strides = array<i32>} : memref<64x256xf32, #tpu.memory_space<vmem>>, vector<16xf32>,
        %parallel_loop3A_400 = arith.mulf %parallel_loop3A_399, %parallel_loop3A_392 : vector<16xf32>
        %parallel_loop3A_401 = arith.addf %parallel_loop3A_400, %parallel_loop3A_393 : vector<16xf32>
        %parallel_loop3A_402 = arith.constant 16 : i32
        %parallel_loop3A_403 = arith.muli %parallel_loop3A_107, %parallel_loop3A_402 : i32
        %parallel_loop3A_404 = arith.constant 13 : i32
        %parallel_loop3A_405 = arith.index_cast %parallel_loop3A_404 : i32 to index
        %parallel_loop3A_406 = arith.index_cast %parallel_loop3A_403 : i32 to index
        %parallel_loop3A_407 = tpu.vector_load %arg17[%parallel_loop3A_405, %parallel_loop3A_406] {strides = array<i32>} : memref<64x256xf32, #tpu.memory_space<vmem>>, vector<16xf32>,
        tpu.vector_store %arg17[%parallel_loop3A_405, %parallel_loop3A_406], %parallel_loop3A_401 {strides = array<i32>} : memref<64x256xf32, #tpu.memory_space<vmem>>, vector<16xf32>,
        %parallel_loop3A_408 = arith.mulf %parallel_loop3A_399, %parallel_loop3A_399 : vector<16xf32>
        %parallel_loop3A_409 = arith.addf %parallel_loop3A_367, %parallel_loop3A_408 : vector<16xf32>
        %parallel_loop3A_410 = arith.constant 896 : i32
        %parallel_loop3A_411 = vector.broadcast %parallel_loop3A_410 : i32 to vector<16xi32>
        %parallel_loop3A_412 = arith.addi %parallel_loop3A_111, %parallel_loop3A_411 : vector<16xi32>
        %parallel_loop3A_413 = tpu.vector_load_idx %arg9[%parallel_loop3A_412] : memref<4096xf32, #tpu.memory_space<vmem>>[vector<16xi32>], vector<16xf32>,
        %parallel_loop3A_414 = tpu.vector_load_idx %arg10[%parallel_loop3A_412] : memref<4096xf32, #tpu.memory_space<vmem>>[vector<16xi32>], vector<16xf32>,
        %parallel_loop3A_415 = arith.constant 16 : i32
        %parallel_loop3A_416 = arith.muli %parallel_loop3A_107, %parallel_loop3A_415 : i32
        %parallel_loop3A_417 = arith.constant 14 : i32
        %parallel_loop3A_418 = arith.index_cast %parallel_loop3A_417 : i32 to index
        %parallel_loop3A_419 = arith.index_cast %parallel_loop3A_416 : i32 to index
        %parallel_loop3A_420 = tpu.vector_load %arg15[%parallel_loop3A_418, %parallel_loop3A_419] {strides = array<i32>} : memref<64x256xf32, #tpu.memory_space<vmem>>, vector<16xf32>,
        %parallel_loop3A_421 = arith.mulf %parallel_loop3A_420, %parallel_loop3A_413 : vector<16xf32>
        %parallel_loop3A_422 = arith.addf %parallel_loop3A_421, %parallel_loop3A_414 : vector<16xf32>
        %parallel_loop3A_423 = arith.constant 16 : i32
        %parallel_loop3A_424 = arith.muli %parallel_loop3A_107, %parallel_loop3A_423 : i32
        %parallel_loop3A_425 = arith.constant 14 : i32
        %parallel_loop3A_426 = arith.index_cast %parallel_loop3A_425 : i32 to index
        %parallel_loop3A_427 = arith.index_cast %parallel_loop3A_424 : i32 to index
        %parallel_loop3A_428 = tpu.vector_load %arg17[%parallel_loop3A_426, %parallel_loop3A_427] {strides = array<i32>} : memref<64x256xf32, #tpu.memory_space<vmem>>, vector<16xf32>,
        tpu.vector_store %arg17[%parallel_loop3A_426, %parallel_loop3A_427], %parallel_loop3A_422 {strides = array<i32>} : memref<64x256xf32, #tpu.memory_space<vmem>>, vector<16xf32>,
        %parallel_loop3A_429 = arith.mulf %parallel_loop3A_420, %parallel_loop3A_420 : vector<16xf32>
        %parallel_loop3A_430 = arith.addf %parallel_loop3A_388, %parallel_loop3A_429 : vector<16xf32>
        %parallel_loop3A_431 = arith.constant 960 : i32
        %parallel_loop3A_432 = vector.broadcast %parallel_loop3A_431 : i32 to vector<16xi32>
        %parallel_loop3A_433 = arith.addi %parallel_loop3A_111, %parallel_loop3A_432 : vector<16xi32>
        %parallel_loop3A_434 = tpu.vector_load_idx %arg9[%parallel_loop3A_433] : memref<4096xf32, #tpu.memory_space<vmem>>[vector<16xi32>], vector<16xf32>,
        %parallel_loop3A_435 = tpu.vector_load_idx %arg10[%parallel_loop3A_433] : memref<4096xf32, #tpu.memory_space<vmem>>[vector<16xi32>], vector<16xf32>,
        %parallel_loop3A_436 = arith.constant 16 : i32
        %parallel_loop3A_437 = arith.muli %parallel_loop3A_107, %parallel_loop3A_436 : i32
        %parallel_loop3A_438 = arith.constant 15 : i32
        %parallel_loop3A_439 = arith.index_cast %parallel_loop3A_438 : i32 to index
        %parallel_loop3A_440 = arith.index_cast %parallel_loop3A_437 : i32 to index
        %parallel_loop3A_441 = tpu.vector_load %arg15[%parallel_loop3A_439, %parallel_loop3A_440] {strides = array<i32>} : memref<64x256xf32, #tpu.memory_space<vmem>>, vector<16xf32>,
        %parallel_loop3A_442 = arith.mulf %parallel_loop3A_441, %parallel_loop3A_434 : vector<16xf32>
        %parallel_loop3A_443 = arith.addf %parallel_loop3A_442, %parallel_loop3A_435 : vector<16xf32>
        %parallel_loop3A_444 = arith.constant 16 : i32
        %parallel_loop3A_445 = arith.muli %parallel_loop3A_107, %parallel_loop3A_444 : i32
        %parallel_loop3A_446 = arith.constant 15 : i32
        %parallel_loop3A_447 = arith.index_cast %parallel_loop3A_446 : i32 to index
        %parallel_loop3A_448 = arith.index_cast %parallel_loop3A_445 : i32 to index
        %parallel_loop3A_449 = tpu.vector_load %arg17[%parallel_loop3A_447, %parallel_loop3A_448] {strides = array<i32>} : memref<64x256xf32, #tpu.memory_space<vmem>>, vector<16xf32>,
        tpu.vector_store %arg17[%parallel_loop3A_447, %parallel_loop3A_448], %parallel_loop3A_443 {strides = array<i32>} : memref<64x256xf32, #tpu.memory_space<vmem>>, vector<16xf32>,
        %parallel_loop3A_450 = arith.mulf %parallel_loop3A_441, %parallel_loop3A_441 : vector<16xf32>
        %parallel_loop3A_451 = arith.addf %parallel_loop3A_409, %parallel_loop3A_450 : vector<16xf32>
        %parallel_loop3A_452 = arith.constant 1024 : i32
        %parallel_loop3A_453 = vector.broadcast %parallel_loop3A_452 : i32 to vector<16xi32>
        %parallel_loop3A_454 = arith.addi %parallel_loop3A_111, %parallel_loop3A_453 : vector<16xi32>
        %parallel_loop3A_455 = tpu.vector_load_idx %arg9[%parallel_loop3A_454] : memref<4096xf32, #tpu.memory_space<vmem>>[vector<16xi32>], vector<16xf32>,
        %parallel_loop3A_456 = tpu.vector_load_idx %arg10[%parallel_loop3A_454] : memref<4096xf32, #tpu.memory_space<vmem>>[vector<16xi32>], vector<16xf32>,
        %parallel_loop3A_457 = arith.constant 16 : i32
        %parallel_loop3A_458 = arith.muli %parallel_loop3A_107, %parallel_loop3A_457 : i32
        %parallel_loop3A_459 = arith.constant 16 : i32
        %parallel_loop3A_460 = arith.index_cast %parallel_loop3A_459 : i32 to index
        %parallel_loop3A_461 = arith.index_cast %parallel_loop3A_458 : i32 to index
        %parallel_loop3A_462 = tpu.vector_load %arg15[%parallel_loop3A_460, %parallel_loop3A_461] {strides = array<i32>} : memref<64x256xf32, #tpu.memory_space<vmem>>, vector<16xf32>,
        %parallel_loop3A_463 = arith.mulf %parallel_loop3A_462, %parallel_loop3A_455 : vector<16xf32>
        %parallel_loop3A_464 = arith.addf %parallel_loop3A_463, %parallel_loop3A_456 : vector<16xf32>
        %parallel_loop3A_465 = arith.constant 16 : i32
        %parallel_loop3A_466 = arith.muli %parallel_loop3A_107, %parallel_loop3A_465 : i32
        %parallel_loop3A_467 = arith.constant 16 : i32
        %parallel_loop3A_468 = arith.index_cast %parallel_loop3A_467 : i32 to index
        %parallel_loop3A_469 = arith.index_cast %parallel_loop3A_466 : i32 to index
        %parallel_loop3A_470 = tpu.vector_load %arg17[%parallel_loop3A_468, %parallel_loop3A_469] {strides = array<i32>} : memref<64x256xf32, #tpu.memory_space<vmem>>, vector<16xf32>,
        tpu.vector_store %arg17[%parallel_loop3A_468, %parallel_loop3A_469], %parallel_loop3A_464 {strides = array<i32>} : memref<64x256xf32, #tpu.memory_space<vmem>>, vector<16xf32>,
        %parallel_loop3A_471 = arith.mulf %parallel_loop3A_462, %parallel_loop3A_462 : vector<16xf32>
        %parallel_loop3A_472 = arith.addf %parallel_loop3A_430, %parallel_loop3A_471 : vector<16xf32>
        %parallel_loop3A_473 = arith.constant 1088 : i32
        %parallel_loop3A_474 = vector.broadcast %parallel_loop3A_473 : i32 to vector<16xi32>
        %parallel_loop3A_475 = arith.addi %parallel_loop3A_111, %parallel_loop3A_474 : vector<16xi32>
        %parallel_loop3A_476 = tpu.vector_load_idx %arg9[%parallel_loop3A_475] : memref<4096xf32, #tpu.memory_space<vmem>>[vector<16xi32>], vector<16xf32>,
        %parallel_loop3A_477 = tpu.vector_load_idx %arg10[%parallel_loop3A_475] : memref<4096xf32, #tpu.memory_space<vmem>>[vector<16xi32>], vector<16xf32>,
        %parallel_loop3A_478 = arith.constant 16 : i32
        %parallel_loop3A_479 = arith.muli %parallel_loop3A_107, %parallel_loop3A_478 : i32
        %parallel_loop3A_480 = arith.constant 17 : i32
        %parallel_loop3A_481 = arith.index_cast %parallel_loop3A_480 : i32 to index
        %parallel_loop3A_482 = arith.index_cast %parallel_loop3A_479 : i32 to index
        %parallel_loop3A_483 = tpu.vector_load %arg15[%parallel_loop3A_481, %parallel_loop3A_482] {strides = array<i32>} : memref<64x256xf32, #tpu.memory_space<vmem>>, vector<16xf32>,
        %parallel_loop3A_484 = arith.mulf %parallel_loop3A_483, %parallel_loop3A_476 : vector<16xf32>
        %parallel_loop3A_485 = arith.addf %parallel_loop3A_484, %parallel_loop3A_477 : vector<16xf32>
        %parallel_loop3A_486 = arith.constant 16 : i32
        %parallel_loop3A_487 = arith.muli %parallel_loop3A_107, %parallel_loop3A_486 : i32
        %parallel_loop3A_488 = arith.constant 17 : i32
        %parallel_loop3A_489 = arith.index_cast %parallel_loop3A_488 : i32 to index
        %parallel_loop3A_490 = arith.index_cast %parallel_loop3A_487 : i32 to index
        %parallel_loop3A_491 = tpu.vector_load %arg17[%parallel_loop3A_489, %parallel_loop3A_490] {strides = array<i32>} : memref<64x256xf32, #tpu.memory_space<vmem>>, vector<16xf32>,
        tpu.vector_store %arg17[%parallel_loop3A_489, %parallel_loop3A_490], %parallel_loop3A_485 {strides = array<i32>} : memref<64x256xf32, #tpu.memory_space<vmem>>, vector<16xf32>,
        %parallel_loop3A_492 = arith.mulf %parallel_loop3A_483, %parallel_loop3A_483 : vector<16xf32>
        %parallel_loop3A_493 = arith.addf %parallel_loop3A_451, %parallel_loop3A_492 : vector<16xf32>
        %parallel_loop3A_494 = arith.constant 1152 : i32
        %parallel_loop3A_495 = vector.broadcast %parallel_loop3A_494 : i32 to vector<16xi32>
        %parallel_loop3A_496 = arith.addi %parallel_loop3A_111, %parallel_loop3A_495 : vector<16xi32>
        %parallel_loop3A_497 = tpu.vector_load_idx %arg9[%parallel_loop3A_496] : memref<4096xf32, #tpu.memory_space<vmem>>[vector<16xi32>], vector<16xf32>,
        %parallel_loop3A_498 = tpu.vector_load_idx %arg10[%parallel_loop3A_496] : memref<4096xf32, #tpu.memory_space<vmem>>[vector<16xi32>], vector<16xf32>,
        %parallel_loop3A_499 = arith.constant 16 : i32
        %parallel_loop3A_500 = arith.muli %parallel_loop3A_107, %parallel_loop3A_499 : i32
        %parallel_loop3A_501 = arith.constant 18 : i32
        %parallel_loop3A_502 = arith.index_cast %parallel_loop3A_501 : i32 to index
        %parallel_loop3A_503 = arith.index_cast %parallel_loop3A_500 : i32 to index
        %parallel_loop3A_504 = tpu.vector_load %arg15[%parallel_loop3A_502, %parallel_loop3A_503] {strides = array<i32>} : memref<64x256xf32, #tpu.memory_space<vmem>>, vector<16xf32>,
        %parallel_loop3A_505 = arith.mulf %parallel_loop3A_504, %parallel_loop3A_497 : vector<16xf32>
        %parallel_loop3A_506 = arith.addf %parallel_loop3A_505, %parallel_loop3A_498 : vector<16xf32>
        %parallel_loop3A_507 = arith.constant 16 : i32
        %parallel_loop3A_508 = arith.muli %parallel_loop3A_107, %parallel_loop3A_507 : i32
        %parallel_loop3A_509 = arith.constant 18 : i32
        %parallel_loop3A_510 = arith.index_cast %parallel_loop3A_509 : i32 to index
        %parallel_loop3A_511 = arith.index_cast %parallel_loop3A_508 : i32 to index
        %parallel_loop3A_512 = tpu.vector_load %arg17[%parallel_loop3A_510, %parallel_loop3A_511] {strides = array<i32>} : memref<64x256xf32, #tpu.memory_space<vmem>>, vector<16xf32>,
        tpu.vector_store %arg17[%parallel_loop3A_510, %parallel_loop3A_511], %parallel_loop3A_506 {strides = array<i32>} : memref<64x256xf32, #tpu.memory_space<vmem>>, vector<16xf32>,
        %parallel_loop3A_513 = arith.mulf %parallel_loop3A_504, %parallel_loop3A_504 : vector<16xf32>
        %parallel_loop3A_514 = arith.addf %parallel_loop3A_472, %parallel_loop3A_513 : vector<16xf32>
        %parallel_loop3A_515 = arith.constant 1216 : i32
        %parallel_loop3A_516 = vector.broadcast %parallel_loop3A_515 : i32 to vector<16xi32>
        %parallel_loop3A_517 = arith.addi %parallel_loop3A_111, %parallel_loop3A_516 : vector<16xi32>
        %parallel_loop3A_518 = tpu.vector_load_idx %arg9[%parallel_loop3A_517] : memref<4096xf32, #tpu.memory_space<vmem>>[vector<16xi32>], vector<16xf32>,
        %parallel_loop3A_519 = tpu.vector_load_idx %arg10[%parallel_loop3A_517] : memref<4096xf32, #tpu.memory_space<vmem>>[vector<16xi32>], vector<16xf32>,
        %parallel_loop3A_520 = arith.constant 16 : i32
        %parallel_loop3A_521 = arith.muli %parallel_loop3A_107, %parallel_loop3A_520 : i32
        %parallel_loop3A_522 = arith.constant 19 : i32
        %parallel_loop3A_523 = arith.index_cast %parallel_loop3A_522 : i32 to index
        %parallel_loop3A_524 = arith.index_cast %parallel_loop3A_521 : i32 to index
        %parallel_loop3A_525 = tpu.vector_load %arg15[%parallel_loop3A_523, %parallel_loop3A_524] {strides = array<i32>} : memref<64x256xf32, #tpu.memory_space<vmem>>, vector<16xf32>,
        %parallel_loop3A_526 = arith.mulf %parallel_loop3A_525, %parallel_loop3A_518 : vector<16xf32>
        %parallel_loop3A_527 = arith.addf %parallel_loop3A_526, %parallel_loop3A_519 : vector<16xf32>
        %parallel_loop3A_528 = arith.constant 16 : i32
        %parallel_loop3A_529 = arith.muli %parallel_loop3A_107, %parallel_loop3A_528 : i32
        %parallel_loop3A_530 = arith.constant 19 : i32
        %parallel_loop3A_531 = arith.index_cast %parallel_loop3A_530 : i32 to index
        %parallel_loop3A_532 = arith.index_cast %parallel_loop3A_529 : i32 to index
        %parallel_loop3A_533 = tpu.vector_load %arg17[%parallel_loop3A_531, %parallel_loop3A_532] {strides = array<i32>} : memref<64x256xf32, #tpu.memory_space<vmem>>, vector<16xf32>,
        tpu.vector_store %arg17[%parallel_loop3A_531, %parallel_loop3A_532], %parallel_loop3A_527 {strides = array<i32>} : memref<64x256xf32, #tpu.memory_space<vmem>>, vector<16xf32>,
        %parallel_loop3A_534 = arith.mulf %parallel_loop3A_525, %parallel_loop3A_525 : vector<16xf32>
        %parallel_loop3A_535 = arith.addf %parallel_loop3A_493, %parallel_loop3A_534 : vector<16xf32>
        %parallel_loop3A_536 = arith.constant 1280 : i32
        %parallel_loop3A_537 = vector.broadcast %parallel_loop3A_536 : i32 to vector<16xi32>
        %parallel_loop3A_538 = arith.addi %parallel_loop3A_111, %parallel_loop3A_537 : vector<16xi32>
        %parallel_loop3A_539 = tpu.vector_load_idx %arg9[%parallel_loop3A_538] : memref<4096xf32, #tpu.memory_space<vmem>>[vector<16xi32>], vector<16xf32>,
        %parallel_loop3A_540 = tpu.vector_load_idx %arg10[%parallel_loop3A_538] : memref<4096xf32, #tpu.memory_space<vmem>>[vector<16xi32>], vector<16xf32>,
        %parallel_loop3A_541 = arith.constant 16 : i32
        %parallel_loop3A_542 = arith.muli %parallel_loop3A_107, %parallel_loop3A_541 : i32
        %parallel_loop3A_543 = arith.constant 20 : i32
        %parallel_loop3A_544 = arith.index_cast %parallel_loop3A_543 : i32 to index
        %parallel_loop3A_545 = arith.index_cast %parallel_loop3A_542 : i32 to index
        %parallel_loop3A_546 = tpu.vector_load %arg15[%parallel_loop3A_544, %parallel_loop3A_545] {strides = array<i32>} : memref<64x256xf32, #tpu.memory_space<vmem>>, vector<16xf32>,
        %parallel_loop3A_547 = arith.mulf %parallel_loop3A_546, %parallel_loop3A_539 : vector<16xf32>
        %parallel_loop3A_548 = arith.addf %parallel_loop3A_547, %parallel_loop3A_540 : vector<16xf32>
        %parallel_loop3A_549 = arith.constant 16 : i32
        %parallel_loop3A_550 = arith.muli %parallel_loop3A_107, %parallel_loop3A_549 : i32
        %parallel_loop3A_551 = arith.constant 20 : i32
        %parallel_loop3A_552 = arith.index_cast %parallel_loop3A_551 : i32 to index
        %parallel_loop3A_553 = arith.index_cast %parallel_loop3A_550 : i32 to index
        %parallel_loop3A_554 = tpu.vector_load %arg17[%parallel_loop3A_552, %parallel_loop3A_553] {strides = array<i32>} : memref<64x256xf32, #tpu.memory_space<vmem>>, vector<16xf32>,
        tpu.vector_store %arg17[%parallel_loop3A_552, %parallel_loop3A_553], %parallel_loop3A_548 {strides = array<i32>} : memref<64x256xf32, #tpu.memory_space<vmem>>, vector<16xf32>,
        %parallel_loop3A_555 = arith.mulf %parallel_loop3A_546, %parallel_loop3A_546 : vector<16xf32>
        %parallel_loop3A_556 = arith.addf %parallel_loop3A_514, %parallel_loop3A_555 : vector<16xf32>
        %parallel_loop3A_557 = arith.constant 1344 : i32
        %parallel_loop3A_558 = vector.broadcast %parallel_loop3A_557 : i32 to vector<16xi32>
        %parallel_loop3A_559 = arith.addi %parallel_loop3A_111, %parallel_loop3A_558 : vector<16xi32>
        %parallel_loop3A_560 = tpu.vector_load_idx %arg9[%parallel_loop3A_559] : memref<4096xf32, #tpu.memory_space<vmem>>[vector<16xi32>], vector<16xf32>,
        %parallel_loop3A_561 = tpu.vector_load_idx %arg10[%parallel_loop3A_559] : memref<4096xf32, #tpu.memory_space<vmem>>[vector<16xi32>], vector<16xf32>,
        %parallel_loop3A_562 = arith.constant 16 : i32
        %parallel_loop3A_563 = arith.muli %parallel_loop3A_107, %parallel_loop3A_562 : i32
        %parallel_loop3A_564 = arith.constant 21 : i32
        %parallel_loop3A_565 = arith.index_cast %parallel_loop3A_564 : i32 to index
        %parallel_loop3A_566 = arith.index_cast %parallel_loop3A_563 : i32 to index
        %parallel_loop3A_567 = tpu.vector_load %arg15[%parallel_loop3A_565, %parallel_loop3A_566] {strides = array<i32>} : memref<64x256xf32, #tpu.memory_space<vmem>>, vector<16xf32>,
        %parallel_loop3A_568 = arith.mulf %parallel_loop3A_567, %parallel_loop3A_560 : vector<16xf32>
        %parallel_loop3A_569 = arith.addf %parallel_loop3A_568, %parallel_loop3A_561 : vector<16xf32>
        %parallel_loop3A_570 = arith.constant 16 : i32
        %parallel_loop3A_571 = arith.muli %parallel_loop3A_107, %parallel_loop3A_570 : i32
        %parallel_loop3A_572 = arith.constant 21 : i32
        %parallel_loop3A_573 = arith.index_cast %parallel_loop3A_572 : i32 to index
        %parallel_loop3A_574 = arith.index_cast %parallel_loop3A_571 : i32 to index
        %parallel_loop3A_575 = tpu.vector_load %arg17[%parallel_loop3A_573, %parallel_loop3A_574] {strides = array<i32>} : memref<64x256xf32, #tpu.memory_space<vmem>>, vector<16xf32>,
        tpu.vector_store %arg17[%parallel_loop3A_573, %parallel_loop3A_574], %parallel_loop3A_569 {strides = array<i32>} : memref<64x256xf32, #tpu.memory_space<vmem>>, vector<16xf32>,
        %parallel_loop3A_576 = arith.mulf %parallel_loop3A_567, %parallel_loop3A_567 : vector<16xf32>
        %parallel_loop3A_577 = arith.addf %parallel_loop3A_535, %parallel_loop3A_576 : vector<16xf32>
        %parallel_loop3A_578 = arith.constant 1408 : i32
        %parallel_loop3A_579 = vector.broadcast %parallel_loop3A_578 : i32 to vector<16xi32>
        %parallel_loop3A_580 = arith.addi %parallel_loop3A_111, %parallel_loop3A_579 : vector<16xi32>
        %parallel_loop3A_581 = tpu.vector_load_idx %arg9[%parallel_loop3A_580] : memref<4096xf32, #tpu.memory_space<vmem>>[vector<16xi32>], vector<16xf32>,
        %parallel_loop3A_582 = tpu.vector_load_idx %arg10[%parallel_loop3A_580] : memref<4096xf32, #tpu.memory_space<vmem>>[vector<16xi32>], vector<16xf32>,
        %parallel_loop3A_583 = arith.constant 16 : i32
        %parallel_loop3A_584 = arith.muli %parallel_loop3A_107, %parallel_loop3A_583 : i32
        %parallel_loop3A_585 = arith.constant 22 : i32
        %parallel_loop3A_586 = arith.index_cast %parallel_loop3A_585 : i32 to index
        %parallel_loop3A_587 = arith.index_cast %parallel_loop3A_584 : i32 to index
        %parallel_loop3A_588 = tpu.vector_load %arg15[%parallel_loop3A_586, %parallel_loop3A_587] {strides = array<i32>} : memref<64x256xf32, #tpu.memory_space<vmem>>, vector<16xf32>,
        %parallel_loop3A_589 = arith.mulf %parallel_loop3A_588, %parallel_loop3A_581 : vector<16xf32>
        %parallel_loop3A_590 = arith.addf %parallel_loop3A_589, %parallel_loop3A_582 : vector<16xf32>
        %parallel_loop3A_591 = arith.constant 16 : i32
        %parallel_loop3A_592 = arith.muli %parallel_loop3A_107, %parallel_loop3A_591 : i32
        %parallel_loop3A_593 = arith.constant 22 : i32
        %parallel_loop3A_594 = arith.index_cast %parallel_loop3A_593 : i32 to index
        %parallel_loop3A_595 = arith.index_cast %parallel_loop3A_592 : i32 to index
        %parallel_loop3A_596 = tpu.vector_load %arg17[%parallel_loop3A_594, %parallel_loop3A_595] {strides = array<i32>} : memref<64x256xf32, #tpu.memory_space<vmem>>, vector<16xf32>,
        tpu.vector_store %arg17[%parallel_loop3A_594, %parallel_loop3A_595], %parallel_loop3A_590 {strides = array<i32>} : memref<64x256xf32, #tpu.memory_space<vmem>>, vector<16xf32>,
        %parallel_loop3A_597 = arith.mulf %parallel_loop3A_588, %parallel_loop3A_588 : vector<16xf32>
        %parallel_loop3A_598 = arith.addf %parallel_loop3A_556, %parallel_loop3A_597 : vector<16xf32>
        %parallel_loop3A_599 = arith.constant 1472 : i32
        %parallel_loop3A_600 = vector.broadcast %parallel_loop3A_599 : i32 to vector<16xi32>
        %parallel_loop3A_601 = arith.addi %parallel_loop3A_111, %parallel_loop3A_600 : vector<16xi32>
        %parallel_loop3A_602 = tpu.vector_load_idx %arg9[%parallel_loop3A_601] : memref<4096xf32, #tpu.memory_space<vmem>>[vector<16xi32>], vector<16xf32>,
        %parallel_loop3A_603 = tpu.vector_load_idx %arg10[%parallel_loop3A_601] : memref<4096xf32, #tpu.memory_space<vmem>>[vector<16xi32>], vector<16xf32>,
        %parallel_loop3A_604 = arith.constant 16 : i32
        %parallel_loop3A_605 = arith.muli %parallel_loop3A_107, %parallel_loop3A_604 : i32
        %parallel_loop3A_606 = arith.constant 23 : i32
        %parallel_loop3A_607 = arith.index_cast %parallel_loop3A_606 : i32 to index
        %parallel_loop3A_608 = arith.index_cast %parallel_loop3A_605 : i32 to index
        %parallel_loop3A_609 = tpu.vector_load %arg15[%parallel_loop3A_607, %parallel_loop3A_608] {strides = array<i32>} : memref<64x256xf32, #tpu.memory_space<vmem>>, vector<16xf32>,
        %parallel_loop3A_610 = arith.mulf %parallel_loop3A_609, %parallel_loop3A_602 : vector<16xf32>
        %parallel_loop3A_611 = arith.addf %parallel_loop3A_610, %parallel_loop3A_603 : vector<16xf32>
        %parallel_loop3A_612 = arith.constant 16 : i32
        %parallel_loop3A_613 = arith.muli %parallel_loop3A_107, %parallel_loop3A_612 : i32
        %parallel_loop3A_614 = arith.constant 23 : i32
        %parallel_loop3A_615 = arith.index_cast %parallel_loop3A_614 : i32 to index
        %parallel_loop3A_616 = arith.index_cast %parallel_loop3A_613 : i32 to index
        %parallel_loop3A_617 = tpu.vector_load %arg17[%parallel_loop3A_615, %parallel_loop3A_616] {strides = array<i32>} : memref<64x256xf32, #tpu.memory_space<vmem>>, vector<16xf32>,
        tpu.vector_store %arg17[%parallel_loop3A_615, %parallel_loop3A_616], %parallel_loop3A_611 {strides = array<i32>} : memref<64x256xf32, #tpu.memory_space<vmem>>, vector<16xf32>,
        %parallel_loop3A_618 = arith.mulf %parallel_loop3A_609, %parallel_loop3A_609 : vector<16xf32>
        %parallel_loop3A_619 = arith.addf %parallel_loop3A_577, %parallel_loop3A_618 : vector<16xf32>
        %parallel_loop3A_620 = arith.constant 1536 : i32
        %parallel_loop3A_621 = vector.broadcast %parallel_loop3A_620 : i32 to vector<16xi32>
        %parallel_loop3A_622 = arith.addi %parallel_loop3A_111, %parallel_loop3A_621 : vector<16xi32>
        %parallel_loop3A_623 = tpu.vector_load_idx %arg9[%parallel_loop3A_622] : memref<4096xf32, #tpu.memory_space<vmem>>[vector<16xi32>], vector<16xf32>,
        %parallel_loop3A_624 = tpu.vector_load_idx %arg10[%parallel_loop3A_622] : memref<4096xf32, #tpu.memory_space<vmem>>[vector<16xi32>], vector<16xf32>,
        %parallel_loop3A_625 = arith.constant 16 : i32
        %parallel_loop3A_626 = arith.muli %parallel_loop3A_107, %parallel_loop3A_625 : i32
        %parallel_loop3A_627 = arith.constant 24 : i32
        %parallel_loop3A_628 = arith.index_cast %parallel_loop3A_627 : i32 to index
        %parallel_loop3A_629 = arith.index_cast %parallel_loop3A_626 : i32 to index
        %parallel_loop3A_630 = tpu.vector_load %arg15[%parallel_loop3A_628, %parallel_loop3A_629] {strides = array<i32>} : memref<64x256xf32, #tpu.memory_space<vmem>>, vector<16xf32>,
        %parallel_loop3A_631 = arith.mulf %parallel_loop3A_630, %parallel_loop3A_623 : vector<16xf32>
        %parallel_loop3A_632 = arith.addf %parallel_loop3A_631, %parallel_loop3A_624 : vector<16xf32>
        %parallel_loop3A_633 = arith.constant 16 : i32
        %parallel_loop3A_634 = arith.muli %parallel_loop3A_107, %parallel_loop3A_633 : i32
        %parallel_loop3A_635 = arith.constant 24 : i32
        %parallel_loop3A_636 = arith.index_cast %parallel_loop3A_635 : i32 to index
        %parallel_loop3A_637 = arith.index_cast %parallel_loop3A_634 : i32 to index
        %parallel_loop3A_638 = tpu.vector_load %arg17[%parallel_loop3A_636, %parallel_loop3A_637] {strides = array<i32>} : memref<64x256xf32, #tpu.memory_space<vmem>>, vector<16xf32>,
        tpu.vector_store %arg17[%parallel_loop3A_636, %parallel_loop3A_637], %parallel_loop3A_632 {strides = array<i32>} : memref<64x256xf32, #tpu.memory_space<vmem>>, vector<16xf32>,
        %parallel_loop3A_639 = arith.mulf %parallel_loop3A_630, %parallel_loop3A_630 : vector<16xf32>
        %parallel_loop3A_640 = arith.addf %parallel_loop3A_598, %parallel_loop3A_639 : vector<16xf32>
        %parallel_loop3A_641 = arith.constant 1600 : i32
        %parallel_loop3A_642 = vector.broadcast %parallel_loop3A_641 : i32 to vector<16xi32>
        %parallel_loop3A_643 = arith.addi %parallel_loop3A_111, %parallel_loop3A_642 : vector<16xi32>
        %parallel_loop3A_644 = tpu.vector_load_idx %arg9[%parallel_loop3A_643] : memref<4096xf32, #tpu.memory_space<vmem>>[vector<16xi32>], vector<16xf32>,
        %parallel_loop3A_645 = tpu.vector_load_idx %arg10[%parallel_loop3A_643] : memref<4096xf32, #tpu.memory_space<vmem>>[vector<16xi32>], vector<16xf32>,
        %parallel_loop3A_646 = arith.constant 16 : i32
        %parallel_loop3A_647 = arith.muli %parallel_loop3A_107, %parallel_loop3A_646 : i32
        %parallel_loop3A_648 = arith.constant 25 : i32
        %parallel_loop3A_649 = arith.index_cast %parallel_loop3A_648 : i32 to index
        %parallel_loop3A_650 = arith.index_cast %parallel_loop3A_647 : i32 to index
        %parallel_loop3A_651 = tpu.vector_load %arg15[%parallel_loop3A_649, %parallel_loop3A_650] {strides = array<i32>} : memref<64x256xf32, #tpu.memory_space<vmem>>, vector<16xf32>,
        %parallel_loop3A_652 = arith.mulf %parallel_loop3A_651, %parallel_loop3A_644 : vector<16xf32>
        %parallel_loop3A_653 = arith.addf %parallel_loop3A_652, %parallel_loop3A_645 : vector<16xf32>
        %parallel_loop3A_654 = arith.constant 16 : i32
        %parallel_loop3A_655 = arith.muli %parallel_loop3A_107, %parallel_loop3A_654 : i32
        %parallel_loop3A_656 = arith.constant 25 : i32
        %parallel_loop3A_657 = arith.index_cast %parallel_loop3A_656 : i32 to index
        %parallel_loop3A_658 = arith.index_cast %parallel_loop3A_655 : i32 to index
        %parallel_loop3A_659 = tpu.vector_load %arg17[%parallel_loop3A_657, %parallel_loop3A_658] {strides = array<i32>} : memref<64x256xf32, #tpu.memory_space<vmem>>, vector<16xf32>,
        tpu.vector_store %arg17[%parallel_loop3A_657, %parallel_loop3A_658], %parallel_loop3A_653 {strides = array<i32>} : memref<64x256xf32, #tpu.memory_space<vmem>>, vector<16xf32>,
        %parallel_loop3A_660 = arith.mulf %parallel_loop3A_651, %parallel_loop3A_651 : vector<16xf32>
        %parallel_loop3A_661 = arith.addf %parallel_loop3A_619, %parallel_loop3A_660 : vector<16xf32>
        %parallel_loop3A_662 = arith.constant 1664 : i32
        %parallel_loop3A_663 = vector.broadcast %parallel_loop3A_662 : i32 to vector<16xi32>
        %parallel_loop3A_664 = arith.addi %parallel_loop3A_111, %parallel_loop3A_663 : vector<16xi32>
        %parallel_loop3A_665 = tpu.vector_load_idx %arg9[%parallel_loop3A_664] : memref<4096xf32, #tpu.memory_space<vmem>>[vector<16xi32>], vector<16xf32>,
        %parallel_loop3A_666 = tpu.vector_load_idx %arg10[%parallel_loop3A_664] : memref<4096xf32, #tpu.memory_space<vmem>>[vector<16xi32>], vector<16xf32>,
        %parallel_loop3A_667 = arith.constant 16 : i32
        %parallel_loop3A_668 = arith.muli %parallel_loop3A_107, %parallel_loop3A_667 : i32
        %parallel_loop3A_669 = arith.constant 26 : i32
        %parallel_loop3A_670 = arith.index_cast %parallel_loop3A_669 : i32 to index
        %parallel_loop3A_671 = arith.index_cast %parallel_loop3A_668 : i32 to index
        %parallel_loop3A_672 = tpu.vector_load %arg15[%parallel_loop3A_670, %parallel_loop3A_671] {strides = array<i32>} : memref<64x256xf32, #tpu.memory_space<vmem>>, vector<16xf32>,
        %parallel_loop3A_673 = arith.mulf %parallel_loop3A_672, %parallel_loop3A_665 : vector<16xf32>
        %parallel_loop3A_674 = arith.addf %parallel_loop3A_673, %parallel_loop3A_666 : vector<16xf32>
        %parallel_loop3A_675 = arith.constant 16 : i32
        %parallel_loop3A_676 = arith.muli %parallel_loop3A_107, %parallel_loop3A_675 : i32
        %parallel_loop3A_677 = arith.constant 26 : i32
        %parallel_loop3A_678 = arith.index_cast %parallel_loop3A_677 : i32 to index
        %parallel_loop3A_679 = arith.index_cast %parallel_loop3A_676 : i32 to index
        %parallel_loop3A_680 = tpu.vector_load %arg17[%parallel_loop3A_678, %parallel_loop3A_679] {strides = array<i32>} : memref<64x256xf32, #tpu.memory_space<vmem>>, vector<16xf32>,
        tpu.vector_store %arg17[%parallel_loop3A_678, %parallel_loop3A_679], %parallel_loop3A_674 {strides = array<i32>} : memref<64x256xf32, #tpu.memory_space<vmem>>, vector<16xf32>,
        %parallel_loop3A_681 = arith.mulf %parallel_loop3A_672, %parallel_loop3A_672 : vector<16xf32>
        %parallel_loop3A_682 = arith.addf %parallel_loop3A_640, %parallel_loop3A_681 : vector<16xf32>
        %parallel_loop3A_683 = arith.constant 1728 : i32
        %parallel_loop3A_684 = vector.broadcast %parallel_loop3A_683 : i32 to vector<16xi32>
        %parallel_loop3A_685 = arith.addi %parallel_loop3A_111, %parallel_loop3A_684 : vector<16xi32>
        %parallel_loop3A_686 = tpu.vector_load_idx %arg9[%parallel_loop3A_685] : memref<4096xf32, #tpu.memory_space<vmem>>[vector<16xi32>], vector<16xf32>,
        %parallel_loop3A_687 = tpu.vector_load_idx %arg10[%parallel_loop3A_685] : memref<4096xf32, #tpu.memory_space<vmem>>[vector<16xi32>], vector<16xf32>,
        %parallel_loop3A_688 = arith.constant 16 : i32
        %parallel_loop3A_689 = arith.muli %parallel_loop3A_107, %parallel_loop3A_688 : i32
        %parallel_loop3A_690 = arith.constant 27 : i32
        %parallel_loop3A_691 = arith.index_cast %parallel_loop3A_690 : i32 to index
        %parallel_loop3A_692 = arith.index_cast %parallel_loop3A_689 : i32 to index
        %parallel_loop3A_693 = tpu.vector_load %arg15[%parallel_loop3A_691, %parallel_loop3A_692] {strides = array<i32>} : memref<64x256xf32, #tpu.memory_space<vmem>>, vector<16xf32>,
        %parallel_loop3A_694 = arith.mulf %parallel_loop3A_693, %parallel_loop3A_686 : vector<16xf32>
        %parallel_loop3A_695 = arith.addf %parallel_loop3A_694, %parallel_loop3A_687 : vector<16xf32>
        %parallel_loop3A_696 = arith.constant 16 : i32
        %parallel_loop3A_697 = arith.muli %parallel_loop3A_107, %parallel_loop3A_696 : i32
        %parallel_loop3A_698 = arith.constant 27 : i32
        %parallel_loop3A_699 = arith.index_cast %parallel_loop3A_698 : i32 to index
        %parallel_loop3A_700 = arith.index_cast %parallel_loop3A_697 : i32 to index
        %parallel_loop3A_701 = tpu.vector_load %arg17[%parallel_loop3A_699, %parallel_loop3A_700] {strides = array<i32>} : memref<64x256xf32, #tpu.memory_space<vmem>>, vector<16xf32>,
        tpu.vector_store %arg17[%parallel_loop3A_699, %parallel_loop3A_700], %parallel_loop3A_695 {strides = array<i32>} : memref<64x256xf32, #tpu.memory_space<vmem>>, vector<16xf32>,
        %parallel_loop3A_702 = arith.mulf %parallel_loop3A_693, %parallel_loop3A_693 : vector<16xf32>
        %parallel_loop3A_703 = arith.addf %parallel_loop3A_661, %parallel_loop3A_702 : vector<16xf32>
        %parallel_loop3A_704 = arith.constant 1792 : i32
        %parallel_loop3A_705 = vector.broadcast %parallel_loop3A_704 : i32 to vector<16xi32>
        %parallel_loop3A_706 = arith.addi %parallel_loop3A_111, %parallel_loop3A_705 : vector<16xi32>
        %parallel_loop3A_707 = tpu.vector_load_idx %arg9[%parallel_loop3A_706] : memref<4096xf32, #tpu.memory_space<vmem>>[vector<16xi32>], vector<16xf32>,
        %parallel_loop3A_708 = tpu.vector_load_idx %arg10[%parallel_loop3A_706] : memref<4096xf32, #tpu.memory_space<vmem>>[vector<16xi32>], vector<16xf32>,
        %parallel_loop3A_709 = arith.constant 16 : i32
        %parallel_loop3A_710 = arith.muli %parallel_loop3A_107, %parallel_loop3A_709 : i32
        %parallel_loop3A_711 = arith.constant 28 : i32
        %parallel_loop3A_712 = arith.index_cast %parallel_loop3A_711 : i32 to index
        %parallel_loop3A_713 = arith.index_cast %parallel_loop3A_710 : i32 to index
        %parallel_loop3A_714 = tpu.vector_load %arg15[%parallel_loop3A_712, %parallel_loop3A_713] {strides = array<i32>} : memref<64x256xf32, #tpu.memory_space<vmem>>, vector<16xf32>,
        %parallel_loop3A_715 = arith.mulf %parallel_loop3A_714, %parallel_loop3A_707 : vector<16xf32>
        %parallel_loop3A_716 = arith.addf %parallel_loop3A_715, %parallel_loop3A_708 : vector<16xf32>
        %parallel_loop3A_717 = arith.constant 16 : i32
        %parallel_loop3A_718 = arith.muli %parallel_loop3A_107, %parallel_loop3A_717 : i32
        %parallel_loop3A_719 = arith.constant 28 : i32
        %parallel_loop3A_720 = arith.index_cast %parallel_loop3A_719 : i32 to index
        %parallel_loop3A_721 = arith.index_cast %parallel_loop3A_718 : i32 to index
        %parallel_loop3A_722 = tpu.vector_load %arg17[%parallel_loop3A_720, %parallel_loop3A_721] {strides = array<i32>} : memref<64x256xf32, #tpu.memory_space<vmem>>, vector<16xf32>,
        tpu.vector_store %arg17[%parallel_loop3A_720, %parallel_loop3A_721], %parallel_loop3A_716 {strides = array<i32>} : memref<64x256xf32, #tpu.memory_space<vmem>>, vector<16xf32>,
        %parallel_loop3A_723 = arith.mulf %parallel_loop3A_714, %parallel_loop3A_714 : vector<16xf32>
        %parallel_loop3A_724 = arith.addf %parallel_loop3A_682, %parallel_loop3A_723 : vector<16xf32>
        %parallel_loop3A_725 = arith.constant 1856 : i32
        %parallel_loop3A_726 = vector.broadcast %parallel_loop3A_725 : i32 to vector<16xi32>
        %parallel_loop3A_727 = arith.addi %parallel_loop3A_111, %parallel_loop3A_726 : vector<16xi32>
        %parallel_loop3A_728 = tpu.vector_load_idx %arg9[%parallel_loop3A_727] : memref<4096xf32, #tpu.memory_space<vmem>>[vector<16xi32>], vector<16xf32>,
        %parallel_loop3A_729 = tpu.vector_load_idx %arg10[%parallel_loop3A_727] : memref<4096xf32, #tpu.memory_space<vmem>>[vector<16xi32>], vector<16xf32>,
        %parallel_loop3A_730 = arith.constant 16 : i32
        %parallel_loop3A_731 = arith.muli %parallel_loop3A_107, %parallel_loop3A_730 : i32
        %parallel_loop3A_732 = arith.constant 29 : i32
        %parallel_loop3A_733 = arith.index_cast %parallel_loop3A_732 : i32 to index
        %parallel_loop3A_734 = arith.index_cast %parallel_loop3A_731 : i32 to index
        %parallel_loop3A_735 = tpu.vector_load %arg15[%parallel_loop3A_733, %parallel_loop3A_734] {strides = array<i32>} : memref<64x256xf32, #tpu.memory_space<vmem>>, vector<16xf32>,
        %parallel_loop3A_736 = arith.mulf %parallel_loop3A_735, %parallel_loop3A_728 : vector<16xf32>
        %parallel_loop3A_737 = arith.addf %parallel_loop3A_736, %parallel_loop3A_729 : vector<16xf32>
        %parallel_loop3A_738 = arith.constant 16 : i32
        %parallel_loop3A_739 = arith.muli %parallel_loop3A_107, %parallel_loop3A_738 : i32
        %parallel_loop3A_740 = arith.constant 29 : i32
        %parallel_loop3A_741 = arith.index_cast %parallel_loop3A_740 : i32 to index
        %parallel_loop3A_742 = arith.index_cast %parallel_loop3A_739 : i32 to index
        %parallel_loop3A_743 = tpu.vector_load %arg17[%parallel_loop3A_741, %parallel_loop3A_742] {strides = array<i32>} : memref<64x256xf32, #tpu.memory_space<vmem>>, vector<16xf32>,
        tpu.vector_store %arg17[%parallel_loop3A_741, %parallel_loop3A_742], %parallel_loop3A_737 {strides = array<i32>} : memref<64x256xf32, #tpu.memory_space<vmem>>, vector<16xf32>,
        %parallel_loop3A_744 = arith.mulf %parallel_loop3A_735, %parallel_loop3A_735 : vector<16xf32>
        %parallel_loop3A_745 = arith.addf %parallel_loop3A_703, %parallel_loop3A_744 : vector<16xf32>
        %parallel_loop3A_746 = arith.constant 1920 : i32
        %parallel_loop3A_747 = vector.broadcast %parallel_loop3A_746 : i32 to vector<16xi32>
        %parallel_loop3A_748 = arith.addi %parallel_loop3A_111, %parallel_loop3A_747 : vector<16xi32>
        %parallel_loop3A_749 = tpu.vector_load_idx %arg9[%parallel_loop3A_748] : memref<4096xf32, #tpu.memory_space<vmem>>[vector<16xi32>], vector<16xf32>,
        %parallel_loop3A_750 = tpu.vector_load_idx %arg10[%parallel_loop3A_748] : memref<4096xf32, #tpu.memory_space<vmem>>[vector<16xi32>], vector<16xf32>,
        %parallel_loop3A_751 = arith.constant 16 : i32
        %parallel_loop3A_752 = arith.muli %parallel_loop3A_107, %parallel_loop3A_751 : i32
        %parallel_loop3A_753 = arith.constant 30 : i32
        %parallel_loop3A_754 = arith.index_cast %parallel_loop3A_753 : i32 to index
        %parallel_loop3A_755 = arith.index_cast %parallel_loop3A_752 : i32 to index
        %parallel_loop3A_756 = tpu.vector_load %arg15[%parallel_loop3A_754, %parallel_loop3A_755] {strides = array<i32>} : memref<64x256xf32, #tpu.memory_space<vmem>>, vector<16xf32>,
        %parallel_loop3A_757 = arith.mulf %parallel_loop3A_756, %parallel_loop3A_749 : vector<16xf32>
        %parallel_loop3A_758 = arith.addf %parallel_loop3A_757, %parallel_loop3A_750 : vector<16xf32>
        %parallel_loop3A_759 = arith.constant 16 : i32
        %parallel_loop3A_760 = arith.muli %parallel_loop3A_107, %parallel_loop3A_759 : i32
        %parallel_loop3A_761 = arith.constant 30 : i32
        %parallel_loop3A_762 = arith.index_cast %parallel_loop3A_761 : i32 to index
        %parallel_loop3A_763 = arith.index_cast %parallel_loop3A_760 : i32 to index
        %parallel_loop3A_764 = tpu.vector_load %arg17[%parallel_loop3A_762, %parallel_loop3A_763] {strides = array<i32>} : memref<64x256xf32, #tpu.memory_space<vmem>>, vector<16xf32>,
        tpu.vector_store %arg17[%parallel_loop3A_762, %parallel_loop3A_763], %parallel_loop3A_758 {strides = array<i32>} : memref<64x256xf32, #tpu.memory_space<vmem>>, vector<16xf32>,
        %parallel_loop3A_765 = arith.mulf %parallel_loop3A_756, %parallel_loop3A_756 : vector<16xf32>
        %parallel_loop3A_766 = arith.addf %parallel_loop3A_724, %parallel_loop3A_765 : vector<16xf32>
        %parallel_loop3A_767 = arith.constant 1984 : i32
        %parallel_loop3A_768 = vector.broadcast %parallel_loop3A_767 : i32 to vector<16xi32>
        %parallel_loop3A_769 = arith.addi %parallel_loop3A_111, %parallel_loop3A_768 : vector<16xi32>
        %parallel_loop3A_770 = tpu.vector_load_idx %arg9[%parallel_loop3A_769] : memref<4096xf32, #tpu.memory_space<vmem>>[vector<16xi32>], vector<16xf32>,
        %parallel_loop3A_771 = tpu.vector_load_idx %arg10[%parallel_loop3A_769] : memref<4096xf32, #tpu.memory_space<vmem>>[vector<16xi32>], vector<16xf32>,
        %parallel_loop3A_772 = arith.constant 16 : i32
        %parallel_loop3A_773 = arith.muli %parallel_loop3A_107, %parallel_loop3A_772 : i32
        %parallel_loop3A_774 = arith.constant 31 : i32
        %parallel_loop3A_775 = arith.index_cast %parallel_loop3A_774 : i32 to index
        %parallel_loop3A_776 = arith.index_cast %parallel_loop3A_773 : i32 to index
        %parallel_loop3A_777 = tpu.vector_load %arg15[%parallel_loop3A_775, %parallel_loop3A_776] {strides = array<i32>} : memref<64x256xf32, #tpu.memory_space<vmem>>, vector<16xf32>,
        %parallel_loop3A_778 = arith.mulf %parallel_loop3A_777, %parallel_loop3A_770 : vector<16xf32>
        %parallel_loop3A_779 = arith.addf %parallel_loop3A_778, %parallel_loop3A_771 : vector<16xf32>
        %parallel_loop3A_780 = arith.constant 16 : i32
        %parallel_loop3A_781 = arith.muli %parallel_loop3A_107, %parallel_loop3A_780 : i32
        %parallel_loop3A_782 = arith.constant 31 : i32
        %parallel_loop3A_783 = arith.index_cast %parallel_loop3A_782 : i32 to index
        %parallel_loop3A_784 = arith.index_cast %parallel_loop3A_781 : i32 to index
        %parallel_loop3A_785 = tpu.vector_load %arg17[%parallel_loop3A_783, %parallel_loop3A_784] {strides = array<i32>} : memref<64x256xf32, #tpu.memory_space<vmem>>, vector<16xf32>,
        tpu.vector_store %arg17[%parallel_loop3A_783, %parallel_loop3A_784], %parallel_loop3A_779 {strides = array<i32>} : memref<64x256xf32, #tpu.memory_space<vmem>>, vector<16xf32>,
        %parallel_loop3A_786 = arith.mulf %parallel_loop3A_777, %parallel_loop3A_777 : vector<16xf32>
        %parallel_loop3A_787 = arith.addf %parallel_loop3A_745, %parallel_loop3A_786 : vector<16xf32>
        %parallel_loop3A_788 = arith.constant 2048 : i32
        %parallel_loop3A_789 = vector.broadcast %parallel_loop3A_788 : i32 to vector<16xi32>
        %parallel_loop3A_790 = arith.addi %parallel_loop3A_111, %parallel_loop3A_789 : vector<16xi32>
        %parallel_loop3A_791 = tpu.vector_load_idx %arg9[%parallel_loop3A_790] : memref<4096xf32, #tpu.memory_space<vmem>>[vector<16xi32>], vector<16xf32>,
        %parallel_loop3A_792 = tpu.vector_load_idx %arg10[%parallel_loop3A_790] : memref<4096xf32, #tpu.memory_space<vmem>>[vector<16xi32>], vector<16xf32>,
        %parallel_loop3A_793 = arith.constant 16 : i32
        %parallel_loop3A_794 = arith.muli %parallel_loop3A_107, %parallel_loop3A_793 : i32
        %parallel_loop3A_795 = arith.constant 32 : i32
        %parallel_loop3A_796 = arith.index_cast %parallel_loop3A_795 : i32 to index
        %parallel_loop3A_797 = arith.index_cast %parallel_loop3A_794 : i32 to index
        %parallel_loop3A_798 = tpu.vector_load %arg15[%parallel_loop3A_796, %parallel_loop3A_797] {strides = array<i32>} : memref<64x256xf32, #tpu.memory_space<vmem>>, vector<16xf32>,
        %parallel_loop3A_799 = arith.mulf %parallel_loop3A_798, %parallel_loop3A_791 : vector<16xf32>
        %parallel_loop3A_800 = arith.addf %parallel_loop3A_799, %parallel_loop3A_792 : vector<16xf32>
        %parallel_loop3A_801 = arith.constant 16 : i32
        %parallel_loop3A_802 = arith.muli %parallel_loop3A_107, %parallel_loop3A_801 : i32
        %parallel_loop3A_803 = arith.constant 32 : i32
        %parallel_loop3A_804 = arith.index_cast %parallel_loop3A_803 : i32 to index
        %parallel_loop3A_805 = arith.index_cast %parallel_loop3A_802 : i32 to index
        %parallel_loop3A_806 = tpu.vector_load %arg17[%parallel_loop3A_804, %parallel_loop3A_805] {strides = array<i32>} : memref<64x256xf32, #tpu.memory_space<vmem>>, vector<16xf32>,
        tpu.vector_store %arg17[%parallel_loop3A_804, %parallel_loop3A_805], %parallel_loop3A_800 {strides = array<i32>} : memref<64x256xf32, #tpu.memory_space<vmem>>, vector<16xf32>,
        %parallel_loop3A_807 = arith.mulf %parallel_loop3A_798, %parallel_loop3A_798 : vector<16xf32>
        %parallel_loop3A_808 = arith.addf %parallel_loop3A_766, %parallel_loop3A_807 : vector<16xf32>
        %parallel_loop3A_809 = arith.constant 2112 : i32
        %parallel_loop3A_810 = vector.broadcast %parallel_loop3A_809 : i32 to vector<16xi32>
        %parallel_loop3A_811 = arith.addi %parallel_loop3A_111, %parallel_loop3A_810 : vector<16xi32>
        %parallel_loop3A_812 = tpu.vector_load_idx %arg9[%parallel_loop3A_811] : memref<4096xf32, #tpu.memory_space<vmem>>[vector<16xi32>], vector<16xf32>,
        %parallel_loop3A_813 = tpu.vector_load_idx %arg10[%parallel_loop3A_811] : memref<4096xf32, #tpu.memory_space<vmem>>[vector<16xi32>], vector<16xf32>,
        %parallel_loop3A_814 = arith.constant 16 : i32
        %parallel_loop3A_815 = arith.muli %parallel_loop3A_107, %parallel_loop3A_814 : i32
        %parallel_loop3A_816 = arith.constant 33 : i32
        %parallel_loop3A_817 = arith.index_cast %parallel_loop3A_816 : i32 to index
        %parallel_loop3A_818 = arith.index_cast %parallel_loop3A_815 : i32 to index
        %parallel_loop3A_819 = tpu.vector_load %arg15[%parallel_loop3A_817, %parallel_loop3A_818] {strides = array<i32>} : memref<64x256xf32, #tpu.memory_space<vmem>>, vector<16xf32>,
        %parallel_loop3A_820 = arith.mulf %parallel_loop3A_819, %parallel_loop3A_812 : vector<16xf32>
        %parallel_loop3A_821 = arith.addf %parallel_loop3A_820, %parallel_loop3A_813 : vector<16xf32>
        %parallel_loop3A_822 = arith.constant 16 : i32
        %parallel_loop3A_823 = arith.muli %parallel_loop3A_107, %parallel_loop3A_822 : i32
        %parallel_loop3A_824 = arith.constant 33 : i32
        %parallel_loop3A_825 = arith.index_cast %parallel_loop3A_824 : i32 to index
        %parallel_loop3A_826 = arith.index_cast %parallel_loop3A_823 : i32 to index
        %parallel_loop3A_827 = tpu.vector_load %arg17[%parallel_loop3A_825, %parallel_loop3A_826] {strides = array<i32>} : memref<64x256xf32, #tpu.memory_space<vmem>>, vector<16xf32>,
        tpu.vector_store %arg17[%parallel_loop3A_825, %parallel_loop3A_826], %parallel_loop3A_821 {strides = array<i32>} : memref<64x256xf32, #tpu.memory_space<vmem>>, vector<16xf32>,
        %parallel_loop3A_828 = arith.mulf %parallel_loop3A_819, %parallel_loop3A_819 : vector<16xf32>
        %parallel_loop3A_829 = arith.addf %parallel_loop3A_787, %parallel_loop3A_828 : vector<16xf32>
        %parallel_loop3A_830 = arith.constant 2176 : i32
        %parallel_loop3A_831 = vector.broadcast %parallel_loop3A_830 : i32 to vector<16xi32>
        %parallel_loop3A_832 = arith.addi %parallel_loop3A_111, %parallel_loop3A_831 : vector<16xi32>
        %parallel_loop3A_833 = tpu.vector_load_idx %arg9[%parallel_loop3A_832] : memref<4096xf32, #tpu.memory_space<vmem>>[vector<16xi32>], vector<16xf32>,
        %parallel_loop3A_834 = tpu.vector_load_idx %arg10[%parallel_loop3A_832] : memref<4096xf32, #tpu.memory_space<vmem>>[vector<16xi32>], vector<16xf32>,
        %parallel_loop3A_835 = arith.constant 16 : i32
        %parallel_loop3A_836 = arith.muli %parallel_loop3A_107, %parallel_loop3A_835 : i32
        %parallel_loop3A_837 = arith.constant 34 : i32
        %parallel_loop3A_838 = arith.index_cast %parallel_loop3A_837 : i32 to index
        %parallel_loop3A_839 = arith.index_cast %parallel_loop3A_836 : i32 to index
        %parallel_loop3A_840 = tpu.vector_load %arg15[%parallel_loop3A_838, %parallel_loop3A_839] {strides = array<i32>} : memref<64x256xf32, #tpu.memory_space<vmem>>, vector<16xf32>,
        %parallel_loop3A_841 = arith.mulf %parallel_loop3A_840, %parallel_loop3A_833 : vector<16xf32>
        %parallel_loop3A_842 = arith.addf %parallel_loop3A_841, %parallel_loop3A_834 : vector<16xf32>
        %parallel_loop3A_843 = arith.constant 16 : i32
        %parallel_loop3A_844 = arith.muli %parallel_loop3A_107, %parallel_loop3A_843 : i32
        %parallel_loop3A_845 = arith.constant 34 : i32
        %parallel_loop3A_846 = arith.index_cast %parallel_loop3A_845 : i32 to index
        %parallel_loop3A_847 = arith.index_cast %parallel_loop3A_844 : i32 to index
        %parallel_loop3A_848 = tpu.vector_load %arg17[%parallel_loop3A_846, %parallel_loop3A_847] {strides = array<i32>} : memref<64x256xf32, #tpu.memory_space<vmem>>, vector<16xf32>,
        tpu.vector_store %arg17[%parallel_loop3A_846, %parallel_loop3A_847], %parallel_loop3A_842 {strides = array<i32>} : memref<64x256xf32, #tpu.memory_space<vmem>>, vector<16xf32>,
        %parallel_loop3A_849 = arith.mulf %parallel_loop3A_840, %parallel_loop3A_840 : vector<16xf32>
        %parallel_loop3A_850 = arith.addf %parallel_loop3A_808, %parallel_loop3A_849 : vector<16xf32>
        %parallel_loop3A_851 = arith.constant 2240 : i32
        %parallel_loop3A_852 = vector.broadcast %parallel_loop3A_851 : i32 to vector<16xi32>
        %parallel_loop3A_853 = arith.addi %parallel_loop3A_111, %parallel_loop3A_852 : vector<16xi32>
        %parallel_loop3A_854 = tpu.vector_load_idx %arg9[%parallel_loop3A_853] : memref<4096xf32, #tpu.memory_space<vmem>>[vector<16xi32>], vector<16xf32>,
        %parallel_loop3A_855 = tpu.vector_load_idx %arg10[%parallel_loop3A_853] : memref<4096xf32, #tpu.memory_space<vmem>>[vector<16xi32>], vector<16xf32>,
        %parallel_loop3A_856 = arith.constant 16 : i32
        %parallel_loop3A_857 = arith.muli %parallel_loop3A_107, %parallel_loop3A_856 : i32
        %parallel_loop3A_858 = arith.constant 35 : i32
        %parallel_loop3A_859 = arith.index_cast %parallel_loop3A_858 : i32 to index
        %parallel_loop3A_860 = arith.index_cast %parallel_loop3A_857 : i32 to index
        %parallel_loop3A_861 = tpu.vector_load %arg15[%parallel_loop3A_859, %parallel_loop3A_860] {strides = array<i32>} : memref<64x256xf32, #tpu.memory_space<vmem>>, vector<16xf32>,
        %parallel_loop3A_862 = arith.mulf %parallel_loop3A_861, %parallel_loop3A_854 : vector<16xf32>
        %parallel_loop3A_863 = arith.addf %parallel_loop3A_862, %parallel_loop3A_855 : vector<16xf32>
        %parallel_loop3A_864 = arith.constant 16 : i32
        %parallel_loop3A_865 = arith.muli %parallel_loop3A_107, %parallel_loop3A_864 : i32
        %parallel_loop3A_866 = arith.constant 35 : i32
        %parallel_loop3A_867 = arith.index_cast %parallel_loop3A_866 : i32 to index
        %parallel_loop3A_868 = arith.index_cast %parallel_loop3A_865 : i32 to index
        %parallel_loop3A_869 = tpu.vector_load %arg17[%parallel_loop3A_867, %parallel_loop3A_868] {strides = array<i32>} : memref<64x256xf32, #tpu.memory_space<vmem>>, vector<16xf32>,
        tpu.vector_store %arg17[%parallel_loop3A_867, %parallel_loop3A_868], %parallel_loop3A_863 {strides = array<i32>} : memref<64x256xf32, #tpu.memory_space<vmem>>, vector<16xf32>,
        %parallel_loop3A_870 = arith.mulf %parallel_loop3A_861, %parallel_loop3A_861 : vector<16xf32>
        %parallel_loop3A_871 = arith.addf %parallel_loop3A_829, %parallel_loop3A_870 : vector<16xf32>
        %parallel_loop3A_872 = arith.constant 2304 : i32
        %parallel_loop3A_873 = vector.broadcast %parallel_loop3A_872 : i32 to vector<16xi32>
        %parallel_loop3A_874 = arith.addi %parallel_loop3A_111, %parallel_loop3A_873 : vector<16xi32>
        %parallel_loop3A_875 = tpu.vector_load_idx %arg9[%parallel_loop3A_874] : memref<4096xf32, #tpu.memory_space<vmem>>[vector<16xi32>], vector<16xf32>,
        %parallel_loop3A_876 = tpu.vector_load_idx %arg10[%parallel_loop3A_874] : memref<4096xf32, #tpu.memory_space<vmem>>[vector<16xi32>], vector<16xf32>,
        %parallel_loop3A_877 = arith.constant 16 : i32
        %parallel_loop3A_878 = arith.muli %parallel_loop3A_107, %parallel_loop3A_877 : i32
        %parallel_loop3A_879 = arith.constant 36 : i32
        %parallel_loop3A_880 = arith.index_cast %parallel_loop3A_879 : i32 to index
        %parallel_loop3A_881 = arith.index_cast %parallel_loop3A_878 : i32 to index
        %parallel_loop3A_882 = tpu.vector_load %arg15[%parallel_loop3A_880, %parallel_loop3A_881] {strides = array<i32>} : memref<64x256xf32, #tpu.memory_space<vmem>>, vector<16xf32>,
        %parallel_loop3A_883 = arith.mulf %parallel_loop3A_882, %parallel_loop3A_875 : vector<16xf32>
        %parallel_loop3A_884 = arith.addf %parallel_loop3A_883, %parallel_loop3A_876 : vector<16xf32>
        %parallel_loop3A_885 = arith.constant 16 : i32
        %parallel_loop3A_886 = arith.muli %parallel_loop3A_107, %parallel_loop3A_885 : i32
        %parallel_loop3A_887 = arith.constant 36 : i32
        %parallel_loop3A_888 = arith.index_cast %parallel_loop3A_887 : i32 to index
        %parallel_loop3A_889 = arith.index_cast %parallel_loop3A_886 : i32 to index
        %parallel_loop3A_890 = tpu.vector_load %arg17[%parallel_loop3A_888, %parallel_loop3A_889] {strides = array<i32>} : memref<64x256xf32, #tpu.memory_space<vmem>>, vector<16xf32>,
        tpu.vector_store %arg17[%parallel_loop3A_888, %parallel_loop3A_889], %parallel_loop3A_884 {strides = array<i32>} : memref<64x256xf32, #tpu.memory_space<vmem>>, vector<16xf32>,
        %parallel_loop3A_891 = arith.mulf %parallel_loop3A_882, %parallel_loop3A_882 : vector<16xf32>
        %parallel_loop3A_892 = arith.addf %parallel_loop3A_850, %parallel_loop3A_891 : vector<16xf32>
        %parallel_loop3A_893 = arith.constant 2368 : i32
        %parallel_loop3A_894 = vector.broadcast %parallel_loop3A_893 : i32 to vector<16xi32>
        %parallel_loop3A_895 = arith.addi %parallel_loop3A_111, %parallel_loop3A_894 : vector<16xi32>
        %parallel_loop3A_896 = tpu.vector_load_idx %arg9[%parallel_loop3A_895] : memref<4096xf32, #tpu.memory_space<vmem>>[vector<16xi32>], vector<16xf32>,
        %parallel_loop3A_897 = tpu.vector_load_idx %arg10[%parallel_loop3A_895] : memref<4096xf32, #tpu.memory_space<vmem>>[vector<16xi32>], vector<16xf32>,
        %parallel_loop3A_898 = arith.constant 16 : i32
        %parallel_loop3A_899 = arith.muli %parallel_loop3A_107, %parallel_loop3A_898 : i32
        %parallel_loop3A_900 = arith.constant 37 : i32
        %parallel_loop3A_901 = arith.index_cast %parallel_loop3A_900 : i32 to index
        %parallel_loop3A_902 = arith.index_cast %parallel_loop3A_899 : i32 to index
        %parallel_loop3A_903 = tpu.vector_load %arg15[%parallel_loop3A_901, %parallel_loop3A_902] {strides = array<i32>} : memref<64x256xf32, #tpu.memory_space<vmem>>, vector<16xf32>,
        %parallel_loop3A_904 = arith.mulf %parallel_loop3A_903, %parallel_loop3A_896 : vector<16xf32>
        %parallel_loop3A_905 = arith.addf %parallel_loop3A_904, %parallel_loop3A_897 : vector<16xf32>
        %parallel_loop3A_906 = arith.constant 16 : i32
        %parallel_loop3A_907 = arith.muli %parallel_loop3A_107, %parallel_loop3A_906 : i32
        %parallel_loop3A_908 = arith.constant 37 : i32
        %parallel_loop3A_909 = arith.index_cast %parallel_loop3A_908 : i32 to index
        %parallel_loop3A_910 = arith.index_cast %parallel_loop3A_907 : i32 to index
        %parallel_loop3A_911 = tpu.vector_load %arg17[%parallel_loop3A_909, %parallel_loop3A_910] {strides = array<i32>} : memref<64x256xf32, #tpu.memory_space<vmem>>, vector<16xf32>,
        tpu.vector_store %arg17[%parallel_loop3A_909, %parallel_loop3A_910], %parallel_loop3A_905 {strides = array<i32>} : memref<64x256xf32, #tpu.memory_space<vmem>>, vector<16xf32>,
        %parallel_loop3A_912 = arith.mulf %parallel_loop3A_903, %parallel_loop3A_903 : vector<16xf32>
        %parallel_loop3A_913 = arith.addf %parallel_loop3A_871, %parallel_loop3A_912 : vector<16xf32>
        %parallel_loop3A_914 = arith.constant 2432 : i32
        %parallel_loop3A_915 = vector.broadcast %parallel_loop3A_914 : i32 to vector<16xi32>
        %parallel_loop3A_916 = arith.addi %parallel_loop3A_111, %parallel_loop3A_915 : vector<16xi32>
        %parallel_loop3A_917 = tpu.vector_load_idx %arg9[%parallel_loop3A_916] : memref<4096xf32, #tpu.memory_space<vmem>>[vector<16xi32>], vector<16xf32>,
        %parallel_loop3A_918 = tpu.vector_load_idx %arg10[%parallel_loop3A_916] : memref<4096xf32, #tpu.memory_space<vmem>>[vector<16xi32>], vector<16xf32>,
        %parallel_loop3A_919 = arith.constant 16 : i32
        %parallel_loop3A_920 = arith.muli %parallel_loop3A_107, %parallel_loop3A_919 : i32
        %parallel_loop3A_921 = arith.constant 38 : i32
        %parallel_loop3A_922 = arith.index_cast %parallel_loop3A_921 : i32 to index
        %parallel_loop3A_923 = arith.index_cast %parallel_loop3A_920 : i32 to index
        %parallel_loop3A_924 = tpu.vector_load %arg15[%parallel_loop3A_922, %parallel_loop3A_923] {strides = array<i32>} : memref<64x256xf32, #tpu.memory_space<vmem>>, vector<16xf32>,
        %parallel_loop3A_925 = arith.mulf %parallel_loop3A_924, %parallel_loop3A_917 : vector<16xf32>
        %parallel_loop3A_926 = arith.addf %parallel_loop3A_925, %parallel_loop3A_918 : vector<16xf32>
        %parallel_loop3A_927 = arith.constant 16 : i32
        %parallel_loop3A_928 = arith.muli %parallel_loop3A_107, %parallel_loop3A_927 : i32
        %parallel_loop3A_929 = arith.constant 38 : i32
        %parallel_loop3A_930 = arith.index_cast %parallel_loop3A_929 : i32 to index
        %parallel_loop3A_931 = arith.index_cast %parallel_loop3A_928 : i32 to index
        %parallel_loop3A_932 = tpu.vector_load %arg17[%parallel_loop3A_930, %parallel_loop3A_931] {strides = array<i32>} : memref<64x256xf32, #tpu.memory_space<vmem>>, vector<16xf32>,
        tpu.vector_store %arg17[%parallel_loop3A_930, %parallel_loop3A_931], %parallel_loop3A_926 {strides = array<i32>} : memref<64x256xf32, #tpu.memory_space<vmem>>, vector<16xf32>,
        %parallel_loop3A_933 = arith.mulf %parallel_loop3A_924, %parallel_loop3A_924 : vector<16xf32>
        %parallel_loop3A_934 = arith.addf %parallel_loop3A_892, %parallel_loop3A_933 : vector<16xf32>
        %parallel_loop3A_935 = arith.constant 2496 : i32
        %parallel_loop3A_936 = vector.broadcast %parallel_loop3A_935 : i32 to vector<16xi32>
        %parallel_loop3A_937 = arith.addi %parallel_loop3A_111, %parallel_loop3A_936 : vector<16xi32>
        %parallel_loop3A_938 = tpu.vector_load_idx %arg9[%parallel_loop3A_937] : memref<4096xf32, #tpu.memory_space<vmem>>[vector<16xi32>], vector<16xf32>,
        %parallel_loop3A_939 = tpu.vector_load_idx %arg10[%parallel_loop3A_937] : memref<4096xf32, #tpu.memory_space<vmem>>[vector<16xi32>], vector<16xf32>,
        %parallel_loop3A_940 = arith.constant 16 : i32
        %parallel_loop3A_941 = arith.muli %parallel_loop3A_107, %parallel_loop3A_940 : i32
        %parallel_loop3A_942 = arith.constant 39 : i32
        %parallel_loop3A_943 = arith.index_cast %parallel_loop3A_942 : i32 to index
        %parallel_loop3A_944 = arith.index_cast %parallel_loop3A_941 : i32 to index
        %parallel_loop3A_945 = tpu.vector_load %arg15[%parallel_loop3A_943, %parallel_loop3A_944] {strides = array<i32>} : memref<64x256xf32, #tpu.memory_space<vmem>>, vector<16xf32>,
        %parallel_loop3A_946 = arith.mulf %parallel_loop3A_945, %parallel_loop3A_938 : vector<16xf32>
        %parallel_loop3A_947 = arith.addf %parallel_loop3A_946, %parallel_loop3A_939 : vector<16xf32>
        %parallel_loop3A_948 = arith.constant 16 : i32
        %parallel_loop3A_949 = arith.muli %parallel_loop3A_107, %parallel_loop3A_948 : i32
        %parallel_loop3A_950 = arith.constant 39 : i32
        %parallel_loop3A_951 = arith.index_cast %parallel_loop3A_950 : i32 to index
        %parallel_loop3A_952 = arith.index_cast %parallel_loop3A_949 : i32 to index
        %parallel_loop3A_953 = tpu.vector_load %arg17[%parallel_loop3A_951, %parallel_loop3A_952] {strides = array<i32>} : memref<64x256xf32, #tpu.memory_space<vmem>>, vector<16xf32>,
        tpu.vector_store %arg17[%parallel_loop3A_951, %parallel_loop3A_952], %parallel_loop3A_947 {strides = array<i32>} : memref<64x256xf32, #tpu.memory_space<vmem>>, vector<16xf32>,
        %parallel_loop3A_954 = arith.mulf %parallel_loop3A_945, %parallel_loop3A_945 : vector<16xf32>
        %parallel_loop3A_955 = arith.addf %parallel_loop3A_913, %parallel_loop3A_954 : vector<16xf32>
        %parallel_loop3A_956 = arith.constant 2560 : i32
        %parallel_loop3A_957 = vector.broadcast %parallel_loop3A_956 : i32 to vector<16xi32>
        %parallel_loop3A_958 = arith.addi %parallel_loop3A_111, %parallel_loop3A_957 : vector<16xi32>
        %parallel_loop3A_959 = tpu.vector_load_idx %arg9[%parallel_loop3A_958] : memref<4096xf32, #tpu.memory_space<vmem>>[vector<16xi32>], vector<16xf32>,
        %parallel_loop3A_960 = tpu.vector_load_idx %arg10[%parallel_loop3A_958] : memref<4096xf32, #tpu.memory_space<vmem>>[vector<16xi32>], vector<16xf32>,
        %parallel_loop3A_961 = arith.constant 16 : i32
        %parallel_loop3A_962 = arith.muli %parallel_loop3A_107, %parallel_loop3A_961 : i32
        %parallel_loop3A_963 = arith.constant 40 : i32
        %parallel_loop3A_964 = arith.index_cast %parallel_loop3A_963 : i32 to index
        %parallel_loop3A_965 = arith.index_cast %parallel_loop3A_962 : i32 to index
        %parallel_loop3A_966 = tpu.vector_load %arg15[%parallel_loop3A_964, %parallel_loop3A_965] {strides = array<i32>} : memref<64x256xf32, #tpu.memory_space<vmem>>, vector<16xf32>,
        %parallel_loop3A_967 = arith.mulf %parallel_loop3A_966, %parallel_loop3A_959 : vector<16xf32>
        %parallel_loop3A_968 = arith.addf %parallel_loop3A_967, %parallel_loop3A_960 : vector<16xf32>
        %parallel_loop3A_969 = arith.constant 16 : i32
        %parallel_loop3A_970 = arith.muli %parallel_loop3A_107, %parallel_loop3A_969 : i32
        %parallel_loop3A_971 = arith.constant 40 : i32
        %parallel_loop3A_972 = arith.index_cast %parallel_loop3A_971 : i32 to index
        %parallel_loop3A_973 = arith.index_cast %parallel_loop3A_970 : i32 to index
        %parallel_loop3A_974 = tpu.vector_load %arg17[%parallel_loop3A_972, %parallel_loop3A_973] {strides = array<i32>} : memref<64x256xf32, #tpu.memory_space<vmem>>, vector<16xf32>,
        tpu.vector_store %arg17[%parallel_loop3A_972, %parallel_loop3A_973], %parallel_loop3A_968 {strides = array<i32>} : memref<64x256xf32, #tpu.memory_space<vmem>>, vector<16xf32>,
        %parallel_loop3A_975 = arith.mulf %parallel_loop3A_966, %parallel_loop3A_966 : vector<16xf32>
        %parallel_loop3A_976 = arith.addf %parallel_loop3A_934, %parallel_loop3A_975 : vector<16xf32>
        %parallel_loop3A_977 = arith.constant 2624 : i32
        %parallel_loop3A_978 = vector.broadcast %parallel_loop3A_977 : i32 to vector<16xi32>
        %parallel_loop3A_979 = arith.addi %parallel_loop3A_111, %parallel_loop3A_978 : vector<16xi32>
        %parallel_loop3A_980 = tpu.vector_load_idx %arg9[%parallel_loop3A_979] : memref<4096xf32, #tpu.memory_space<vmem>>[vector<16xi32>], vector<16xf32>,
        %parallel_loop3A_981 = tpu.vector_load_idx %arg10[%parallel_loop3A_979] : memref<4096xf32, #tpu.memory_space<vmem>>[vector<16xi32>], vector<16xf32>,
        %parallel_loop3A_982 = arith.constant 16 : i32
        %parallel_loop3A_983 = arith.muli %parallel_loop3A_107, %parallel_loop3A_982 : i32
        %parallel_loop3A_984 = arith.constant 41 : i32
        %parallel_loop3A_985 = arith.index_cast %parallel_loop3A_984 : i32 to index
        %parallel_loop3A_986 = arith.index_cast %parallel_loop3A_983 : i32 to index
        %parallel_loop3A_987 = tpu.vector_load %arg15[%parallel_loop3A_985, %parallel_loop3A_986] {strides = array<i32>} : memref<64x256xf32, #tpu.memory_space<vmem>>, vector<16xf32>,
        %parallel_loop3A_988 = arith.mulf %parallel_loop3A_987, %parallel_loop3A_980 : vector<16xf32>
        %parallel_loop3A_989 = arith.addf %parallel_loop3A_988, %parallel_loop3A_981 : vector<16xf32>
        %parallel_loop3A_990 = arith.constant 16 : i32
        %parallel_loop3A_991 = arith.muli %parallel_loop3A_107, %parallel_loop3A_990 : i32
        %parallel_loop3A_992 = arith.constant 41 : i32
        %parallel_loop3A_993 = arith.index_cast %parallel_loop3A_992 : i32 to index
        %parallel_loop3A_994 = arith.index_cast %parallel_loop3A_991 : i32 to index
        %parallel_loop3A_995 = tpu.vector_load %arg17[%parallel_loop3A_993, %parallel_loop3A_994] {strides = array<i32>} : memref<64x256xf32, #tpu.memory_space<vmem>>, vector<16xf32>,
        tpu.vector_store %arg17[%parallel_loop3A_993, %parallel_loop3A_994], %parallel_loop3A_989 {strides = array<i32>} : memref<64x256xf32, #tpu.memory_space<vmem>>, vector<16xf32>,
        %parallel_loop3A_996 = arith.mulf %parallel_loop3A_987, %parallel_loop3A_987 : vector<16xf32>
        %parallel_loop3A_997 = arith.addf %parallel_loop3A_955, %parallel_loop3A_996 : vector<16xf32>
        %parallel_loop3A_998 = arith.constant 2688 : i32
        %parallel_loop3A_999 = vector.broadcast %parallel_loop3A_998 : i32 to vector<16xi32>
        %parallel_loop3A_1000 = arith.addi %parallel_loop3A_111, %parallel_loop3A_999 : vector<16xi32>
        %parallel_loop3A_1001 = tpu.vector_load_idx %arg9[%parallel_loop3A_1000] : memref<4096xf32, #tpu.memory_space<vmem>>[vector<16xi32>], vector<16xf32>,
        %parallel_loop3A_1002 = tpu.vector_load_idx %arg10[%parallel_loop3A_1000] : memref<4096xf32, #tpu.memory_space<vmem>>[vector<16xi32>], vector<16xf32>,
        %parallel_loop3A_1003 = arith.constant 16 : i32
        %parallel_loop3A_1004 = arith.muli %parallel_loop3A_107, %parallel_loop3A_1003 : i32
        %parallel_loop3A_1005 = arith.constant 42 : i32
        %parallel_loop3A_1006 = arith.index_cast %parallel_loop3A_1005 : i32 to index
        %parallel_loop3A_1007 = arith.index_cast %parallel_loop3A_1004 : i32 to index
        %parallel_loop3A_1008 = tpu.vector_load %arg15[%parallel_loop3A_1006, %parallel_loop3A_1007] {strides = array<i32>} : memref<64x256xf32, #tpu.memory_space<vmem>>, vector<16xf32>,
        %parallel_loop3A_1009 = arith.mulf %parallel_loop3A_1008, %parallel_loop3A_1001 : vector<16xf32>
        %parallel_loop3A_1010 = arith.addf %parallel_loop3A_1009, %parallel_loop3A_1002 : vector<16xf32>
        %parallel_loop3A_1011 = arith.constant 16 : i32
        %parallel_loop3A_1012 = arith.muli %parallel_loop3A_107, %parallel_loop3A_1011 : i32
        %parallel_loop3A_1013 = arith.constant 42 : i32
        %parallel_loop3A_1014 = arith.index_cast %parallel_loop3A_1013 : i32 to index
        %parallel_loop3A_1015 = arith.index_cast %parallel_loop3A_1012 : i32 to index
        %parallel_loop3A_1016 = tpu.vector_load %arg17[%parallel_loop3A_1014, %parallel_loop3A_1015] {strides = array<i32>} : memref<64x256xf32, #tpu.memory_space<vmem>>, vector<16xf32>,
        tpu.vector_store %arg17[%parallel_loop3A_1014, %parallel_loop3A_1015], %parallel_loop3A_1010 {strides = array<i32>} : memref<64x256xf32, #tpu.memory_space<vmem>>, vector<16xf32>,
        %parallel_loop3A_1017 = arith.mulf %parallel_loop3A_1008, %parallel_loop3A_1008 : vector<16xf32>
        %parallel_loop3A_1018 = arith.addf %parallel_loop3A_976, %parallel_loop3A_1017 : vector<16xf32>
        %parallel_loop3A_1019 = arith.constant 2752 : i32
        %parallel_loop3A_1020 = vector.broadcast %parallel_loop3A_1019 : i32 to vector<16xi32>
        %parallel_loop3A_1021 = arith.addi %parallel_loop3A_111, %parallel_loop3A_1020 : vector<16xi32>
        %parallel_loop3A_1022 = tpu.vector_load_idx %arg9[%parallel_loop3A_1021] : memref<4096xf32, #tpu.memory_space<vmem>>[vector<16xi32>], vector<16xf32>,
        %parallel_loop3A_1023 = tpu.vector_load_idx %arg10[%parallel_loop3A_1021] : memref<4096xf32, #tpu.memory_space<vmem>>[vector<16xi32>], vector<16xf32>,
        %parallel_loop3A_1024 = arith.constant 16 : i32
        %parallel_loop3A_1025 = arith.muli %parallel_loop3A_107, %parallel_loop3A_1024 : i32
        %parallel_loop3A_1026 = arith.constant 43 : i32
        %parallel_loop3A_1027 = arith.index_cast %parallel_loop3A_1026 : i32 to index
        %parallel_loop3A_1028 = arith.index_cast %parallel_loop3A_1025 : i32 to index
        %parallel_loop3A_1029 = tpu.vector_load %arg15[%parallel_loop3A_1027, %parallel_loop3A_1028] {strides = array<i32>} : memref<64x256xf32, #tpu.memory_space<vmem>>, vector<16xf32>,
        %parallel_loop3A_1030 = arith.mulf %parallel_loop3A_1029, %parallel_loop3A_1022 : vector<16xf32>
        %parallel_loop3A_1031 = arith.addf %parallel_loop3A_1030, %parallel_loop3A_1023 : vector<16xf32>
        %parallel_loop3A_1032 = arith.constant 16 : i32
        %parallel_loop3A_1033 = arith.muli %parallel_loop3A_107, %parallel_loop3A_1032 : i32
        %parallel_loop3A_1034 = arith.constant 43 : i32
        %parallel_loop3A_1035 = arith.index_cast %parallel_loop3A_1034 : i32 to index
        %parallel_loop3A_1036 = arith.index_cast %parallel_loop3A_1033 : i32 to index
        %parallel_loop3A_1037 = tpu.vector_load %arg17[%parallel_loop3A_1035, %parallel_loop3A_1036] {strides = array<i32>} : memref<64x256xf32, #tpu.memory_space<vmem>>, vector<16xf32>,
        tpu.vector_store %arg17[%parallel_loop3A_1035, %parallel_loop3A_1036], %parallel_loop3A_1031 {strides = array<i32>} : memref<64x256xf32, #tpu.memory_space<vmem>>, vector<16xf32>,
        %parallel_loop3A_1038 = arith.mulf %parallel_loop3A_1029, %parallel_loop3A_1029 : vector<16xf32>
        %parallel_loop3A_1039 = arith.addf %parallel_loop3A_997, %parallel_loop3A_1038 : vector<16xf32>
        %parallel_loop3A_1040 = arith.constant 2816 : i32
        %parallel_loop3A_1041 = vector.broadcast %parallel_loop3A_1040 : i32 to vector<16xi32>
        %parallel_loop3A_1042 = arith.addi %parallel_loop3A_111, %parallel_loop3A_1041 : vector<16xi32>
        %parallel_loop3A_1043 = tpu.vector_load_idx %arg9[%parallel_loop3A_1042] : memref<4096xf32, #tpu.memory_space<vmem>>[vector<16xi32>], vector<16xf32>,
        %parallel_loop3A_1044 = tpu.vector_load_idx %arg10[%parallel_loop3A_1042] : memref<4096xf32, #tpu.memory_space<vmem>>[vector<16xi32>], vector<16xf32>,
        %parallel_loop3A_1045 = arith.constant 16 : i32
        %parallel_loop3A_1046 = arith.muli %parallel_loop3A_107, %parallel_loop3A_1045 : i32
        %parallel_loop3A_1047 = arith.constant 44 : i32
        %parallel_loop3A_1048 = arith.index_cast %parallel_loop3A_1047 : i32 to index
        %parallel_loop3A_1049 = arith.index_cast %parallel_loop3A_1046 : i32 to index
        %parallel_loop3A_1050 = tpu.vector_load %arg15[%parallel_loop3A_1048, %parallel_loop3A_1049] {strides = array<i32>} : memref<64x256xf32, #tpu.memory_space<vmem>>, vector<16xf32>,
        %parallel_loop3A_1051 = arith.mulf %parallel_loop3A_1050, %parallel_loop3A_1043 : vector<16xf32>
        %parallel_loop3A_1052 = arith.addf %parallel_loop3A_1051, %parallel_loop3A_1044 : vector<16xf32>
        %parallel_loop3A_1053 = arith.constant 16 : i32
        %parallel_loop3A_1054 = arith.muli %parallel_loop3A_107, %parallel_loop3A_1053 : i32
        %parallel_loop3A_1055 = arith.constant 44 : i32
        %parallel_loop3A_1056 = arith.index_cast %parallel_loop3A_1055 : i32 to index
        %parallel_loop3A_1057 = arith.index_cast %parallel_loop3A_1054 : i32 to index
        %parallel_loop3A_1058 = tpu.vector_load %arg17[%parallel_loop3A_1056, %parallel_loop3A_1057] {strides = array<i32>} : memref<64x256xf32, #tpu.memory_space<vmem>>, vector<16xf32>,
        tpu.vector_store %arg17[%parallel_loop3A_1056, %parallel_loop3A_1057], %parallel_loop3A_1052 {strides = array<i32>} : memref<64x256xf32, #tpu.memory_space<vmem>>, vector<16xf32>,
        %parallel_loop3A_1059 = arith.mulf %parallel_loop3A_1050, %parallel_loop3A_1050 : vector<16xf32>
        %parallel_loop3A_1060 = arith.addf %parallel_loop3A_1018, %parallel_loop3A_1059 : vector<16xf32>
        %parallel_loop3A_1061 = arith.constant 2880 : i32
        %parallel_loop3A_1062 = vector.broadcast %parallel_loop3A_1061 : i32 to vector<16xi32>
        %parallel_loop3A_1063 = arith.addi %parallel_loop3A_111, %parallel_loop3A_1062 : vector<16xi32>
        %parallel_loop3A_1064 = tpu.vector_load_idx %arg9[%parallel_loop3A_1063] : memref<4096xf32, #tpu.memory_space<vmem>>[vector<16xi32>], vector<16xf32>,
        %parallel_loop3A_1065 = tpu.vector_load_idx %arg10[%parallel_loop3A_1063] : memref<4096xf32, #tpu.memory_space<vmem>>[vector<16xi32>], vector<16xf32>,
        %parallel_loop3A_1066 = arith.constant 16 : i32
        %parallel_loop3A_1067 = arith.muli %parallel_loop3A_107, %parallel_loop3A_1066 : i32
        %parallel_loop3A_1068 = arith.constant 45 : i32
        %parallel_loop3A_1069 = arith.index_cast %parallel_loop3A_1068 : i32 to index
        %parallel_loop3A_1070 = arith.index_cast %parallel_loop3A_1067 : i32 to index
        %parallel_loop3A_1071 = tpu.vector_load %arg15[%parallel_loop3A_1069, %parallel_loop3A_1070] {strides = array<i32>} : memref<64x256xf32, #tpu.memory_space<vmem>>, vector<16xf32>,
        %parallel_loop3A_1072 = arith.mulf %parallel_loop3A_1071, %parallel_loop3A_1064 : vector<16xf32>
        %parallel_loop3A_1073 = arith.addf %parallel_loop3A_1072, %parallel_loop3A_1065 : vector<16xf32>
        %parallel_loop3A_1074 = arith.constant 16 : i32
        %parallel_loop3A_1075 = arith.muli %parallel_loop3A_107, %parallel_loop3A_1074 : i32
        %parallel_loop3A_1076 = arith.constant 45 : i32
        %parallel_loop3A_1077 = arith.index_cast %parallel_loop3A_1076 : i32 to index
        %parallel_loop3A_1078 = arith.index_cast %parallel_loop3A_1075 : i32 to index
        %parallel_loop3A_1079 = tpu.vector_load %arg17[%parallel_loop3A_1077, %parallel_loop3A_1078] {strides = array<i32>} : memref<64x256xf32, #tpu.memory_space<vmem>>, vector<16xf32>,
        tpu.vector_store %arg17[%parallel_loop3A_1077, %parallel_loop3A_1078], %parallel_loop3A_1073 {strides = array<i32>} : memref<64x256xf32, #tpu.memory_space<vmem>>, vector<16xf32>,
        %parallel_loop3A_1080 = arith.mulf %parallel_loop3A_1071, %parallel_loop3A_1071 : vector<16xf32>
        %parallel_loop3A_1081 = arith.addf %parallel_loop3A_1039, %parallel_loop3A_1080 : vector<16xf32>
        %parallel_loop3A_1082 = arith.constant 2944 : i32
        %parallel_loop3A_1083 = vector.broadcast %parallel_loop3A_1082 : i32 to vector<16xi32>
        %parallel_loop3A_1084 = arith.addi %parallel_loop3A_111, %parallel_loop3A_1083 : vector<16xi32>
        %parallel_loop3A_1085 = tpu.vector_load_idx %arg9[%parallel_loop3A_1084] : memref<4096xf32, #tpu.memory_space<vmem>>[vector<16xi32>], vector<16xf32>,
        %parallel_loop3A_1086 = tpu.vector_load_idx %arg10[%parallel_loop3A_1084] : memref<4096xf32, #tpu.memory_space<vmem>>[vector<16xi32>], vector<16xf32>,
        %parallel_loop3A_1087 = arith.constant 16 : i32
        %parallel_loop3A_1088 = arith.muli %parallel_loop3A_107, %parallel_loop3A_1087 : i32
        %parallel_loop3A_1089 = arith.constant 46 : i32
        %parallel_loop3A_1090 = arith.index_cast %parallel_loop3A_1089 : i32 to index
        %parallel_loop3A_1091 = arith.index_cast %parallel_loop3A_1088 : i32 to index
        %parallel_loop3A_1092 = tpu.vector_load %arg15[%parallel_loop3A_1090, %parallel_loop3A_1091] {strides = array<i32>} : memref<64x256xf32, #tpu.memory_space<vmem>>, vector<16xf32>,
        %parallel_loop3A_1093 = arith.mulf %parallel_loop3A_1092, %parallel_loop3A_1085 : vector<16xf32>
        %parallel_loop3A_1094 = arith.addf %parallel_loop3A_1093, %parallel_loop3A_1086 : vector<16xf32>
        %parallel_loop3A_1095 = arith.constant 16 : i32
        %parallel_loop3A_1096 = arith.muli %parallel_loop3A_107, %parallel_loop3A_1095 : i32
        %parallel_loop3A_1097 = arith.constant 46 : i32
        %parallel_loop3A_1098 = arith.index_cast %parallel_loop3A_1097 : i32 to index
        %parallel_loop3A_1099 = arith.index_cast %parallel_loop3A_1096 : i32 to index
        %parallel_loop3A_1100 = tpu.vector_load %arg17[%parallel_loop3A_1098, %parallel_loop3A_1099] {strides = array<i32>} : memref<64x256xf32, #tpu.memory_space<vmem>>, vector<16xf32>,
        tpu.vector_store %arg17[%parallel_loop3A_1098, %parallel_loop3A_1099], %parallel_loop3A_1094 {strides = array<i32>} : memref<64x256xf32, #tpu.memory_space<vmem>>, vector<16xf32>,
        %parallel_loop3A_1101 = arith.mulf %parallel_loop3A_1092, %parallel_loop3A_1092 : vector<16xf32>
        %parallel_loop3A_1102 = arith.addf %parallel_loop3A_1060, %parallel_loop3A_1101 : vector<16xf32>
        %parallel_loop3A_1103 = arith.constant 3008 : i32
        %parallel_loop3A_1104 = vector.broadcast %parallel_loop3A_1103 : i32 to vector<16xi32>
        %parallel_loop3A_1105 = arith.addi %parallel_loop3A_111, %parallel_loop3A_1104 : vector<16xi32>
        %parallel_loop3A_1106 = tpu.vector_load_idx %arg9[%parallel_loop3A_1105] : memref<4096xf32, #tpu.memory_space<vmem>>[vector<16xi32>], vector<16xf32>,
        %parallel_loop3A_1107 = tpu.vector_load_idx %arg10[%parallel_loop3A_1105] : memref<4096xf32, #tpu.memory_space<vmem>>[vector<16xi32>], vector<16xf32>,
        %parallel_loop3A_1108 = arith.constant 16 : i32
        %parallel_loop3A_1109 = arith.muli %parallel_loop3A_107, %parallel_loop3A_1108 : i32
        %parallel_loop3A_1110 = arith.constant 47 : i32
        %parallel_loop3A_1111 = arith.index_cast %parallel_loop3A_1110 : i32 to index
        %parallel_loop3A_1112 = arith.index_cast %parallel_loop3A_1109 : i32 to index
        %parallel_loop3A_1113 = tpu.vector_load %arg15[%parallel_loop3A_1111, %parallel_loop3A_1112] {strides = array<i32>} : memref<64x256xf32, #tpu.memory_space<vmem>>, vector<16xf32>,
        %parallel_loop3A_1114 = arith.mulf %parallel_loop3A_1113, %parallel_loop3A_1106 : vector<16xf32>
        %parallel_loop3A_1115 = arith.addf %parallel_loop3A_1114, %parallel_loop3A_1107 : vector<16xf32>
        %parallel_loop3A_1116 = arith.constant 16 : i32
        %parallel_loop3A_1117 = arith.muli %parallel_loop3A_107, %parallel_loop3A_1116 : i32
        %parallel_loop3A_1118 = arith.constant 47 : i32
        %parallel_loop3A_1119 = arith.index_cast %parallel_loop3A_1118 : i32 to index
        %parallel_loop3A_1120 = arith.index_cast %parallel_loop3A_1117 : i32 to index
        %parallel_loop3A_1121 = tpu.vector_load %arg17[%parallel_loop3A_1119, %parallel_loop3A_1120] {strides = array<i32>} : memref<64x256xf32, #tpu.memory_space<vmem>>, vector<16xf32>,
        tpu.vector_store %arg17[%parallel_loop3A_1119, %parallel_loop3A_1120], %parallel_loop3A_1115 {strides = array<i32>} : memref<64x256xf32, #tpu.memory_space<vmem>>, vector<16xf32>,
        %parallel_loop3A_1122 = arith.mulf %parallel_loop3A_1113, %parallel_loop3A_1113 : vector<16xf32>
        %parallel_loop3A_1123 = arith.addf %parallel_loop3A_1081, %parallel_loop3A_1122 : vector<16xf32>
        %parallel_loop3A_1124 = arith.constant 3072 : i32
        %parallel_loop3A_1125 = vector.broadcast %parallel_loop3A_1124 : i32 to vector<16xi32>
        %parallel_loop3A_1126 = arith.addi %parallel_loop3A_111, %parallel_loop3A_1125 : vector<16xi32>
        %parallel_loop3A_1127 = tpu.vector_load_idx %arg9[%parallel_loop3A_1126] : memref<4096xf32, #tpu.memory_space<vmem>>[vector<16xi32>], vector<16xf32>,
        %parallel_loop3A_1128 = tpu.vector_load_idx %arg10[%parallel_loop3A_1126] : memref<4096xf32, #tpu.memory_space<vmem>>[vector<16xi32>], vector<16xf32>,
        %parallel_loop3A_1129 = arith.constant 16 : i32
        %parallel_loop3A_1130 = arith.muli %parallel_loop3A_107, %parallel_loop3A_1129 : i32
        %parallel_loop3A_1131 = arith.constant 48 : i32
        %parallel_loop3A_1132 = arith.index_cast %parallel_loop3A_1131 : i32 to index
        %parallel_loop3A_1133 = arith.index_cast %parallel_loop3A_1130 : i32 to index
        %parallel_loop3A_1134 = tpu.vector_load %arg15[%parallel_loop3A_1132, %parallel_loop3A_1133] {strides = array<i32>} : memref<64x256xf32, #tpu.memory_space<vmem>>, vector<16xf32>,
        %parallel_loop3A_1135 = arith.mulf %parallel_loop3A_1134, %parallel_loop3A_1127 : vector<16xf32>
        %parallel_loop3A_1136 = arith.addf %parallel_loop3A_1135, %parallel_loop3A_1128 : vector<16xf32>
        %parallel_loop3A_1137 = arith.constant 16 : i32
        %parallel_loop3A_1138 = arith.muli %parallel_loop3A_107, %parallel_loop3A_1137 : i32
        %parallel_loop3A_1139 = arith.constant 48 : i32
        %parallel_loop3A_1140 = arith.index_cast %parallel_loop3A_1139 : i32 to index
        %parallel_loop3A_1141 = arith.index_cast %parallel_loop3A_1138 : i32 to index
        %parallel_loop3A_1142 = tpu.vector_load %arg17[%parallel_loop3A_1140, %parallel_loop3A_1141] {strides = array<i32>} : memref<64x256xf32, #tpu.memory_space<vmem>>, vector<16xf32>,
        tpu.vector_store %arg17[%parallel_loop3A_1140, %parallel_loop3A_1141], %parallel_loop3A_1136 {strides = array<i32>} : memref<64x256xf32, #tpu.memory_space<vmem>>, vector<16xf32>,
        %parallel_loop3A_1143 = arith.mulf %parallel_loop3A_1134, %parallel_loop3A_1134 : vector<16xf32>
        %parallel_loop3A_1144 = arith.addf %parallel_loop3A_1102, %parallel_loop3A_1143 : vector<16xf32>
        %parallel_loop3A_1145 = arith.constant 3136 : i32
        %parallel_loop3A_1146 = vector.broadcast %parallel_loop3A_1145 : i32 to vector<16xi32>
        %parallel_loop3A_1147 = arith.addi %parallel_loop3A_111, %parallel_loop3A_1146 : vector<16xi32>
        %parallel_loop3A_1148 = tpu.vector_load_idx %arg9[%parallel_loop3A_1147] : memref<4096xf32, #tpu.memory_space<vmem>>[vector<16xi32>], vector<16xf32>,
        %parallel_loop3A_1149 = tpu.vector_load_idx %arg10[%parallel_loop3A_1147] : memref<4096xf32, #tpu.memory_space<vmem>>[vector<16xi32>], vector<16xf32>,
        %parallel_loop3A_1150 = arith.constant 16 : i32
        %parallel_loop3A_1151 = arith.muli %parallel_loop3A_107, %parallel_loop3A_1150 : i32
        %parallel_loop3A_1152 = arith.constant 49 : i32
        %parallel_loop3A_1153 = arith.index_cast %parallel_loop3A_1152 : i32 to index
        %parallel_loop3A_1154 = arith.index_cast %parallel_loop3A_1151 : i32 to index
        %parallel_loop3A_1155 = tpu.vector_load %arg15[%parallel_loop3A_1153, %parallel_loop3A_1154] {strides = array<i32>} : memref<64x256xf32, #tpu.memory_space<vmem>>, vector<16xf32>,
        %parallel_loop3A_1156 = arith.mulf %parallel_loop3A_1155, %parallel_loop3A_1148 : vector<16xf32>
        %parallel_loop3A_1157 = arith.addf %parallel_loop3A_1156, %parallel_loop3A_1149 : vector<16xf32>
        %parallel_loop3A_1158 = arith.constant 16 : i32
        %parallel_loop3A_1159 = arith.muli %parallel_loop3A_107, %parallel_loop3A_1158 : i32
        %parallel_loop3A_1160 = arith.constant 49 : i32
        %parallel_loop3A_1161 = arith.index_cast %parallel_loop3A_1160 : i32 to index
        %parallel_loop3A_1162 = arith.index_cast %parallel_loop3A_1159 : i32 to index
        %parallel_loop3A_1163 = tpu.vector_load %arg17[%parallel_loop3A_1161, %parallel_loop3A_1162] {strides = array<i32>} : memref<64x256xf32, #tpu.memory_space<vmem>>, vector<16xf32>,
        tpu.vector_store %arg17[%parallel_loop3A_1161, %parallel_loop3A_1162], %parallel_loop3A_1157 {strides = array<i32>} : memref<64x256xf32, #tpu.memory_space<vmem>>, vector<16xf32>,
        %parallel_loop3A_1164 = arith.mulf %parallel_loop3A_1155, %parallel_loop3A_1155 : vector<16xf32>
        %parallel_loop3A_1165 = arith.addf %parallel_loop3A_1123, %parallel_loop3A_1164 : vector<16xf32>
        %parallel_loop3A_1166 = arith.constant 3200 : i32
        %parallel_loop3A_1167 = vector.broadcast %parallel_loop3A_1166 : i32 to vector<16xi32>
        %parallel_loop3A_1168 = arith.addi %parallel_loop3A_111, %parallel_loop3A_1167 : vector<16xi32>
        %parallel_loop3A_1169 = tpu.vector_load_idx %arg9[%parallel_loop3A_1168] : memref<4096xf32, #tpu.memory_space<vmem>>[vector<16xi32>], vector<16xf32>,
        %parallel_loop3A_1170 = tpu.vector_load_idx %arg10[%parallel_loop3A_1168] : memref<4096xf32, #tpu.memory_space<vmem>>[vector<16xi32>], vector<16xf32>,
        %parallel_loop3A_1171 = arith.constant 16 : i32
        %parallel_loop3A_1172 = arith.muli %parallel_loop3A_107, %parallel_loop3A_1171 : i32
        %parallel_loop3A_1173 = arith.constant 50 : i32
        %parallel_loop3A_1174 = arith.index_cast %parallel_loop3A_1173 : i32 to index
        %parallel_loop3A_1175 = arith.index_cast %parallel_loop3A_1172 : i32 to index
        %parallel_loop3A_1176 = tpu.vector_load %arg15[%parallel_loop3A_1174, %parallel_loop3A_1175] {strides = array<i32>} : memref<64x256xf32, #tpu.memory_space<vmem>>, vector<16xf32>,
        %parallel_loop3A_1177 = arith.mulf %parallel_loop3A_1176, %parallel_loop3A_1169 : vector<16xf32>
        %parallel_loop3A_1178 = arith.addf %parallel_loop3A_1177, %parallel_loop3A_1170 : vector<16xf32>
        %parallel_loop3A_1179 = arith.constant 16 : i32
        %parallel_loop3A_1180 = arith.muli %parallel_loop3A_107, %parallel_loop3A_1179 : i32
        %parallel_loop3A_1181 = arith.constant 50 : i32
        %parallel_loop3A_1182 = arith.index_cast %parallel_loop3A_1181 : i32 to index
        %parallel_loop3A_1183 = arith.index_cast %parallel_loop3A_1180 : i32 to index
        %parallel_loop3A_1184 = tpu.vector_load %arg17[%parallel_loop3A_1182, %parallel_loop3A_1183] {strides = array<i32>} : memref<64x256xf32, #tpu.memory_space<vmem>>, vector<16xf32>,
        tpu.vector_store %arg17[%parallel_loop3A_1182, %parallel_loop3A_1183], %parallel_loop3A_1178 {strides = array<i32>} : memref<64x256xf32, #tpu.memory_space<vmem>>, vector<16xf32>,
        %parallel_loop3A_1185 = arith.mulf %parallel_loop3A_1176, %parallel_loop3A_1176 : vector<16xf32>
        %parallel_loop3A_1186 = arith.addf %parallel_loop3A_1144, %parallel_loop3A_1185 : vector<16xf32>
        %parallel_loop3A_1187 = arith.constant 3264 : i32
        %parallel_loop3A_1188 = vector.broadcast %parallel_loop3A_1187 : i32 to vector<16xi32>
        %parallel_loop3A_1189 = arith.addi %parallel_loop3A_111, %parallel_loop3A_1188 : vector<16xi32>
        %parallel_loop3A_1190 = tpu.vector_load_idx %arg9[%parallel_loop3A_1189] : memref<4096xf32, #tpu.memory_space<vmem>>[vector<16xi32>], vector<16xf32>,
        %parallel_loop3A_1191 = tpu.vector_load_idx %arg10[%parallel_loop3A_1189] : memref<4096xf32, #tpu.memory_space<vmem>>[vector<16xi32>], vector<16xf32>,
        %parallel_loop3A_1192 = arith.constant 16 : i32
        %parallel_loop3A_1193 = arith.muli %parallel_loop3A_107, %parallel_loop3A_1192 : i32
        %parallel_loop3A_1194 = arith.constant 51 : i32
        %parallel_loop3A_1195 = arith.index_cast %parallel_loop3A_1194 : i32 to index
        %parallel_loop3A_1196 = arith.index_cast %parallel_loop3A_1193 : i32 to index
        %parallel_loop3A_1197 = tpu.vector_load %arg15[%parallel_loop3A_1195, %parallel_loop3A_1196] {strides = array<i32>} : memref<64x256xf32, #tpu.memory_space<vmem>>, vector<16xf32>,
        %parallel_loop3A_1198 = arith.mulf %parallel_loop3A_1197, %parallel_loop3A_1190 : vector<16xf32>
        %parallel_loop3A_1199 = arith.addf %parallel_loop3A_1198, %parallel_loop3A_1191 : vector<16xf32>
        %parallel_loop3A_1200 = arith.constant 16 : i32
        %parallel_loop3A_1201 = arith.muli %parallel_loop3A_107, %parallel_loop3A_1200 : i32
        %parallel_loop3A_1202 = arith.constant 51 : i32
        %parallel_loop3A_1203 = arith.index_cast %parallel_loop3A_1202 : i32 to index
        %parallel_loop3A_1204 = arith.index_cast %parallel_loop3A_1201 : i32 to index
        %parallel_loop3A_1205 = tpu.vector_load %arg17[%parallel_loop3A_1203, %parallel_loop3A_1204] {strides = array<i32>} : memref<64x256xf32, #tpu.memory_space<vmem>>, vector<16xf32>,
        tpu.vector_store %arg17[%parallel_loop3A_1203, %parallel_loop3A_1204], %parallel_loop3A_1199 {strides = array<i32>} : memref<64x256xf32, #tpu.memory_space<vmem>>, vector<16xf32>,
        %parallel_loop3A_1206 = arith.mulf %parallel_loop3A_1197, %parallel_loop3A_1197 : vector<16xf32>
        %parallel_loop3A_1207 = arith.addf %parallel_loop3A_1165, %parallel_loop3A_1206 : vector<16xf32>
        %parallel_loop3A_1208 = arith.constant 3328 : i32
        %parallel_loop3A_1209 = vector.broadcast %parallel_loop3A_1208 : i32 to vector<16xi32>
        %parallel_loop3A_1210 = arith.addi %parallel_loop3A_111, %parallel_loop3A_1209 : vector<16xi32>
        %parallel_loop3A_1211 = tpu.vector_load_idx %arg9[%parallel_loop3A_1210] : memref<4096xf32, #tpu.memory_space<vmem>>[vector<16xi32>], vector<16xf32>,
        %parallel_loop3A_1212 = tpu.vector_load_idx %arg10[%parallel_loop3A_1210] : memref<4096xf32, #tpu.memory_space<vmem>>[vector<16xi32>], vector<16xf32>,
        %parallel_loop3A_1213 = arith.constant 16 : i32
        %parallel_loop3A_1214 = arith.muli %parallel_loop3A_107, %parallel_loop3A_1213 : i32
        %parallel_loop3A_1215 = arith.constant 52 : i32
        %parallel_loop3A_1216 = arith.index_cast %parallel_loop3A_1215 : i32 to index
        %parallel_loop3A_1217 = arith.index_cast %parallel_loop3A_1214 : i32 to index
        %parallel_loop3A_1218 = tpu.vector_load %arg15[%parallel_loop3A_1216, %parallel_loop3A_1217] {strides = array<i32>} : memref<64x256xf32, #tpu.memory_space<vmem>>, vector<16xf32>,
        %parallel_loop3A_1219 = arith.mulf %parallel_loop3A_1218, %parallel_loop3A_1211 : vector<16xf32>
        %parallel_loop3A_1220 = arith.addf %parallel_loop3A_1219, %parallel_loop3A_1212 : vector<16xf32>
        %parallel_loop3A_1221 = arith.constant 16 : i32
        %parallel_loop3A_1222 = arith.muli %parallel_loop3A_107, %parallel_loop3A_1221 : i32
        %parallel_loop3A_1223 = arith.constant 52 : i32
        %parallel_loop3A_1224 = arith.index_cast %parallel_loop3A_1223 : i32 to index
        %parallel_loop3A_1225 = arith.index_cast %parallel_loop3A_1222 : i32 to index
        %parallel_loop3A_1226 = tpu.vector_load %arg17[%parallel_loop3A_1224, %parallel_loop3A_1225] {strides = array<i32>} : memref<64x256xf32, #tpu.memory_space<vmem>>, vector<16xf32>,
        tpu.vector_store %arg17[%parallel_loop3A_1224, %parallel_loop3A_1225], %parallel_loop3A_1220 {strides = array<i32>} : memref<64x256xf32, #tpu.memory_space<vmem>>, vector<16xf32>,
        %parallel_loop3A_1227 = arith.mulf %parallel_loop3A_1218, %parallel_loop3A_1218 : vector<16xf32>
        %parallel_loop3A_1228 = arith.addf %parallel_loop3A_1186, %parallel_loop3A_1227 : vector<16xf32>
        %parallel_loop3A_1229 = arith.constant 3392 : i32
        %parallel_loop3A_1230 = vector.broadcast %parallel_loop3A_1229 : i32 to vector<16xi32>
        %parallel_loop3A_1231 = arith.addi %parallel_loop3A_111, %parallel_loop3A_1230 : vector<16xi32>
        %parallel_loop3A_1232 = tpu.vector_load_idx %arg9[%parallel_loop3A_1231] : memref<4096xf32, #tpu.memory_space<vmem>>[vector<16xi32>], vector<16xf32>,
        %parallel_loop3A_1233 = tpu.vector_load_idx %arg10[%parallel_loop3A_1231] : memref<4096xf32, #tpu.memory_space<vmem>>[vector<16xi32>], vector<16xf32>,
        %parallel_loop3A_1234 = arith.constant 16 : i32
        %parallel_loop3A_1235 = arith.muli %parallel_loop3A_107, %parallel_loop3A_1234 : i32
        %parallel_loop3A_1236 = arith.constant 53 : i32
        %parallel_loop3A_1237 = arith.index_cast %parallel_loop3A_1236 : i32 to index
        %parallel_loop3A_1238 = arith.index_cast %parallel_loop3A_1235 : i32 to index
        %parallel_loop3A_1239 = tpu.vector_load %arg15[%parallel_loop3A_1237, %parallel_loop3A_1238] {strides = array<i32>} : memref<64x256xf32, #tpu.memory_space<vmem>>, vector<16xf32>,
        %parallel_loop3A_1240 = arith.mulf %parallel_loop3A_1239, %parallel_loop3A_1232 : vector<16xf32>
        %parallel_loop3A_1241 = arith.addf %parallel_loop3A_1240, %parallel_loop3A_1233 : vector<16xf32>
        %parallel_loop3A_1242 = arith.constant 16 : i32
        %parallel_loop3A_1243 = arith.muli %parallel_loop3A_107, %parallel_loop3A_1242 : i32
        %parallel_loop3A_1244 = arith.constant 53 : i32
        %parallel_loop3A_1245 = arith.index_cast %parallel_loop3A_1244 : i32 to index
        %parallel_loop3A_1246 = arith.index_cast %parallel_loop3A_1243 : i32 to index
        %parallel_loop3A_1247 = tpu.vector_load %arg17[%parallel_loop3A_1245, %parallel_loop3A_1246] {strides = array<i32>} : memref<64x256xf32, #tpu.memory_space<vmem>>, vector<16xf32>,
        tpu.vector_store %arg17[%parallel_loop3A_1245, %parallel_loop3A_1246], %parallel_loop3A_1241 {strides = array<i32>} : memref<64x256xf32, #tpu.memory_space<vmem>>, vector<16xf32>,
        %parallel_loop3A_1248 = arith.mulf %parallel_loop3A_1239, %parallel_loop3A_1239 : vector<16xf32>
        %parallel_loop3A_1249 = arith.addf %parallel_loop3A_1207, %parallel_loop3A_1248 : vector<16xf32>
        %parallel_loop3A_1250 = arith.constant 3456 : i32
        %parallel_loop3A_1251 = vector.broadcast %parallel_loop3A_1250 : i32 to vector<16xi32>
        %parallel_loop3A_1252 = arith.addi %parallel_loop3A_111, %parallel_loop3A_1251 : vector<16xi32>
        %parallel_loop3A_1253 = tpu.vector_load_idx %arg9[%parallel_loop3A_1252] : memref<4096xf32, #tpu.memory_space<vmem>>[vector<16xi32>], vector<16xf32>,
        %parallel_loop3A_1254 = tpu.vector_load_idx %arg10[%parallel_loop3A_1252] : memref<4096xf32, #tpu.memory_space<vmem>>[vector<16xi32>], vector<16xf32>,
        %parallel_loop3A_1255 = arith.constant 16 : i32
        %parallel_loop3A_1256 = arith.muli %parallel_loop3A_107, %parallel_loop3A_1255 : i32
        %parallel_loop3A_1257 = arith.constant 54 : i32
        %parallel_loop3A_1258 = arith.index_cast %parallel_loop3A_1257 : i32 to index
        %parallel_loop3A_1259 = arith.index_cast %parallel_loop3A_1256 : i32 to index
        %parallel_loop3A_1260 = tpu.vector_load %arg15[%parallel_loop3A_1258, %parallel_loop3A_1259] {strides = array<i32>} : memref<64x256xf32, #tpu.memory_space<vmem>>, vector<16xf32>,
        %parallel_loop3A_1261 = arith.mulf %parallel_loop3A_1260, %parallel_loop3A_1253 : vector<16xf32>
        %parallel_loop3A_1262 = arith.addf %parallel_loop3A_1261, %parallel_loop3A_1254 : vector<16xf32>
        %parallel_loop3A_1263 = arith.constant 16 : i32
        %parallel_loop3A_1264 = arith.muli %parallel_loop3A_107, %parallel_loop3A_1263 : i32
        %parallel_loop3A_1265 = arith.constant 54 : i32
        %parallel_loop3A_1266 = arith.index_cast %parallel_loop3A_1265 : i32 to index
        %parallel_loop3A_1267 = arith.index_cast %parallel_loop3A_1264 : i32 to index
        %parallel_loop3A_1268 = tpu.vector_load %arg17[%parallel_loop3A_1266, %parallel_loop3A_1267] {strides = array<i32>} : memref<64x256xf32, #tpu.memory_space<vmem>>, vector<16xf32>,
        tpu.vector_store %arg17[%parallel_loop3A_1266, %parallel_loop3A_1267], %parallel_loop3A_1262 {strides = array<i32>} : memref<64x256xf32, #tpu.memory_space<vmem>>, vector<16xf32>,
        %parallel_loop3A_1269 = arith.mulf %parallel_loop3A_1260, %parallel_loop3A_1260 : vector<16xf32>
        %parallel_loop3A_1270 = arith.addf %parallel_loop3A_1228, %parallel_loop3A_1269 : vector<16xf32>
        %parallel_loop3A_1271 = arith.constant 3520 : i32
        %parallel_loop3A_1272 = vector.broadcast %parallel_loop3A_1271 : i32 to vector<16xi32>
        %parallel_loop3A_1273 = arith.addi %parallel_loop3A_111, %parallel_loop3A_1272 : vector<16xi32>
        %parallel_loop3A_1274 = tpu.vector_load_idx %arg9[%parallel_loop3A_1273] : memref<4096xf32, #tpu.memory_space<vmem>>[vector<16xi32>], vector<16xf32>,
        %parallel_loop3A_1275 = tpu.vector_load_idx %arg10[%parallel_loop3A_1273] : memref<4096xf32, #tpu.memory_space<vmem>>[vector<16xi32>], vector<16xf32>,
        %parallel_loop3A_1276 = arith.constant 16 : i32
        %parallel_loop3A_1277 = arith.muli %parallel_loop3A_107, %parallel_loop3A_1276 : i32
        %parallel_loop3A_1278 = arith.constant 55 : i32
        %parallel_loop3A_1279 = arith.index_cast %parallel_loop3A_1278 : i32 to index
        %parallel_loop3A_1280 = arith.index_cast %parallel_loop3A_1277 : i32 to index
        %parallel_loop3A_1281 = tpu.vector_load %arg15[%parallel_loop3A_1279, %parallel_loop3A_1280] {strides = array<i32>} : memref<64x256xf32, #tpu.memory_space<vmem>>, vector<16xf32>,
        %parallel_loop3A_1282 = arith.mulf %parallel_loop3A_1281, %parallel_loop3A_1274 : vector<16xf32>
        %parallel_loop3A_1283 = arith.addf %parallel_loop3A_1282, %parallel_loop3A_1275 : vector<16xf32>
        %parallel_loop3A_1284 = arith.constant 16 : i32
        %parallel_loop3A_1285 = arith.muli %parallel_loop3A_107, %parallel_loop3A_1284 : i32
        %parallel_loop3A_1286 = arith.constant 55 : i32
        %parallel_loop3A_1287 = arith.index_cast %parallel_loop3A_1286 : i32 to index
        %parallel_loop3A_1288 = arith.index_cast %parallel_loop3A_1285 : i32 to index
        %parallel_loop3A_1289 = tpu.vector_load %arg17[%parallel_loop3A_1287, %parallel_loop3A_1288] {strides = array<i32>} : memref<64x256xf32, #tpu.memory_space<vmem>>, vector<16xf32>,
        tpu.vector_store %arg17[%parallel_loop3A_1287, %parallel_loop3A_1288], %parallel_loop3A_1283 {strides = array<i32>} : memref<64x256xf32, #tpu.memory_space<vmem>>, vector<16xf32>,
        %parallel_loop3A_1290 = arith.mulf %parallel_loop3A_1281, %parallel_loop3A_1281 : vector<16xf32>
        %parallel_loop3A_1291 = arith.addf %parallel_loop3A_1249, %parallel_loop3A_1290 : vector<16xf32>
        %parallel_loop3A_1292 = arith.constant 3584 : i32
        %parallel_loop3A_1293 = vector.broadcast %parallel_loop3A_1292 : i32 to vector<16xi32>
        %parallel_loop3A_1294 = arith.addi %parallel_loop3A_111, %parallel_loop3A_1293 : vector<16xi32>
        %parallel_loop3A_1295 = tpu.vector_load_idx %arg9[%parallel_loop3A_1294] : memref<4096xf32, #tpu.memory_space<vmem>>[vector<16xi32>], vector<16xf32>,
        %parallel_loop3A_1296 = tpu.vector_load_idx %arg10[%parallel_loop3A_1294] : memref<4096xf32, #tpu.memory_space<vmem>>[vector<16xi32>], vector<16xf32>,
        %parallel_loop3A_1297 = arith.constant 16 : i32
        %parallel_loop3A_1298 = arith.muli %parallel_loop3A_107, %parallel_loop3A_1297 : i32
        %parallel_loop3A_1299 = arith.constant 56 : i32
        %parallel_loop3A_1300 = arith.index_cast %parallel_loop3A_1299 : i32 to index
        %parallel_loop3A_1301 = arith.index_cast %parallel_loop3A_1298 : i32 to index
        %parallel_loop3A_1302 = tpu.vector_load %arg15[%parallel_loop3A_1300, %parallel_loop3A_1301] {strides = array<i32>} : memref<64x256xf32, #tpu.memory_space<vmem>>, vector<16xf32>,
        %parallel_loop3A_1303 = arith.mulf %parallel_loop3A_1302, %parallel_loop3A_1295 : vector<16xf32>
        %parallel_loop3A_1304 = arith.addf %parallel_loop3A_1303, %parallel_loop3A_1296 : vector<16xf32>
        %parallel_loop3A_1305 = arith.constant 16 : i32
        %parallel_loop3A_1306 = arith.muli %parallel_loop3A_107, %parallel_loop3A_1305 : i32
        %parallel_loop3A_1307 = arith.constant 56 : i32
        %parallel_loop3A_1308 = arith.index_cast %parallel_loop3A_1307 : i32 to index
        %parallel_loop3A_1309 = arith.index_cast %parallel_loop3A_1306 : i32 to index
        %parallel_loop3A_1310 = tpu.vector_load %arg17[%parallel_loop3A_1308, %parallel_loop3A_1309] {strides = array<i32>} : memref<64x256xf32, #tpu.memory_space<vmem>>, vector<16xf32>,
        tpu.vector_store %arg17[%parallel_loop3A_1308, %parallel_loop3A_1309], %parallel_loop3A_1304 {strides = array<i32>} : memref<64x256xf32, #tpu.memory_space<vmem>>, vector<16xf32>,
        %parallel_loop3A_1311 = arith.mulf %parallel_loop3A_1302, %parallel_loop3A_1302 : vector<16xf32>
        %parallel_loop3A_1312 = arith.addf %parallel_loop3A_1270, %parallel_loop3A_1311 : vector<16xf32>
        %parallel_loop3A_1313 = arith.constant 3648 : i32
        %parallel_loop3A_1314 = vector.broadcast %parallel_loop3A_1313 : i32 to vector<16xi32>
        %parallel_loop3A_1315 = arith.addi %parallel_loop3A_111, %parallel_loop3A_1314 : vector<16xi32>
        %parallel_loop3A_1316 = tpu.vector_load_idx %arg9[%parallel_loop3A_1315] : memref<4096xf32, #tpu.memory_space<vmem>>[vector<16xi32>], vector<16xf32>,
        %parallel_loop3A_1317 = tpu.vector_load_idx %arg10[%parallel_loop3A_1315] : memref<4096xf32, #tpu.memory_space<vmem>>[vector<16xi32>], vector<16xf32>,
        %parallel_loop3A_1318 = arith.constant 16 : i32
        %parallel_loop3A_1319 = arith.muli %parallel_loop3A_107, %parallel_loop3A_1318 : i32
        %parallel_loop3A_1320 = arith.constant 57 : i32
        %parallel_loop3A_1321 = arith.index_cast %parallel_loop3A_1320 : i32 to index
        %parallel_loop3A_1322 = arith.index_cast %parallel_loop3A_1319 : i32 to index
        %parallel_loop3A_1323 = tpu.vector_load %arg15[%parallel_loop3A_1321, %parallel_loop3A_1322] {strides = array<i32>} : memref<64x256xf32, #tpu.memory_space<vmem>>, vector<16xf32>,
        %parallel_loop3A_1324 = arith.mulf %parallel_loop3A_1323, %parallel_loop3A_1316 : vector<16xf32>
        %parallel_loop3A_1325 = arith.addf %parallel_loop3A_1324, %parallel_loop3A_1317 : vector<16xf32>
        %parallel_loop3A_1326 = arith.constant 16 : i32
        %parallel_loop3A_1327 = arith.muli %parallel_loop3A_107, %parallel_loop3A_1326 : i32
        %parallel_loop3A_1328 = arith.constant 57 : i32
        %parallel_loop3A_1329 = arith.index_cast %parallel_loop3A_1328 : i32 to index
        %parallel_loop3A_1330 = arith.index_cast %parallel_loop3A_1327 : i32 to index
        %parallel_loop3A_1331 = tpu.vector_load %arg17[%parallel_loop3A_1329, %parallel_loop3A_1330] {strides = array<i32>} : memref<64x256xf32, #tpu.memory_space<vmem>>, vector<16xf32>,
        tpu.vector_store %arg17[%parallel_loop3A_1329, %parallel_loop3A_1330], %parallel_loop3A_1325 {strides = array<i32>} : memref<64x256xf32, #tpu.memory_space<vmem>>, vector<16xf32>,
        %parallel_loop3A_1332 = arith.mulf %parallel_loop3A_1323, %parallel_loop3A_1323 : vector<16xf32>
        %parallel_loop3A_1333 = arith.addf %parallel_loop3A_1291, %parallel_loop3A_1332 : vector<16xf32>
        %parallel_loop3A_1334 = arith.constant 3712 : i32
        %parallel_loop3A_1335 = vector.broadcast %parallel_loop3A_1334 : i32 to vector<16xi32>
        %parallel_loop3A_1336 = arith.addi %parallel_loop3A_111, %parallel_loop3A_1335 : vector<16xi32>
        %parallel_loop3A_1337 = tpu.vector_load_idx %arg9[%parallel_loop3A_1336] : memref<4096xf32, #tpu.memory_space<vmem>>[vector<16xi32>], vector<16xf32>,
        %parallel_loop3A_1338 = tpu.vector_load_idx %arg10[%parallel_loop3A_1336] : memref<4096xf32, #tpu.memory_space<vmem>>[vector<16xi32>], vector<16xf32>,
        %parallel_loop3A_1339 = arith.constant 16 : i32
        %parallel_loop3A_1340 = arith.muli %parallel_loop3A_107, %parallel_loop3A_1339 : i32
        %parallel_loop3A_1341 = arith.constant 58 : i32
        %parallel_loop3A_1342 = arith.index_cast %parallel_loop3A_1341 : i32 to index
        %parallel_loop3A_1343 = arith.index_cast %parallel_loop3A_1340 : i32 to index
        %parallel_loop3A_1344 = tpu.vector_load %arg15[%parallel_loop3A_1342, %parallel_loop3A_1343] {strides = array<i32>} : memref<64x256xf32, #tpu.memory_space<vmem>>, vector<16xf32>,
        %parallel_loop3A_1345 = arith.mulf %parallel_loop3A_1344, %parallel_loop3A_1337 : vector<16xf32>
        %parallel_loop3A_1346 = arith.addf %parallel_loop3A_1345, %parallel_loop3A_1338 : vector<16xf32>
        %parallel_loop3A_1347 = arith.constant 16 : i32
        %parallel_loop3A_1348 = arith.muli %parallel_loop3A_107, %parallel_loop3A_1347 : i32
        %parallel_loop3A_1349 = arith.constant 58 : i32
        %parallel_loop3A_1350 = arith.index_cast %parallel_loop3A_1349 : i32 to index
        %parallel_loop3A_1351 = arith.index_cast %parallel_loop3A_1348 : i32 to index
        %parallel_loop3A_1352 = tpu.vector_load %arg17[%parallel_loop3A_1350, %parallel_loop3A_1351] {strides = array<i32>} : memref<64x256xf32, #tpu.memory_space<vmem>>, vector<16xf32>,
        tpu.vector_store %arg17[%parallel_loop3A_1350, %parallel_loop3A_1351], %parallel_loop3A_1346 {strides = array<i32>} : memref<64x256xf32, #tpu.memory_space<vmem>>, vector<16xf32>,
        %parallel_loop3A_1353 = arith.mulf %parallel_loop3A_1344, %parallel_loop3A_1344 : vector<16xf32>
        %parallel_loop3A_1354 = arith.addf %parallel_loop3A_1312, %parallel_loop3A_1353 : vector<16xf32>
        %parallel_loop3A_1355 = arith.constant 3776 : i32
        %parallel_loop3A_1356 = vector.broadcast %parallel_loop3A_1355 : i32 to vector<16xi32>
        %parallel_loop3A_1357 = arith.addi %parallel_loop3A_111, %parallel_loop3A_1356 : vector<16xi32>
        %parallel_loop3A_1358 = tpu.vector_load_idx %arg9[%parallel_loop3A_1357] : memref<4096xf32, #tpu.memory_space<vmem>>[vector<16xi32>], vector<16xf32>,
        %parallel_loop3A_1359 = tpu.vector_load_idx %arg10[%parallel_loop3A_1357] : memref<4096xf32, #tpu.memory_space<vmem>>[vector<16xi32>], vector<16xf32>,
        %parallel_loop3A_1360 = arith.constant 16 : i32
        %parallel_loop3A_1361 = arith.muli %parallel_loop3A_107, %parallel_loop3A_1360 : i32
        %parallel_loop3A_1362 = arith.constant 59 : i32
        %parallel_loop3A_1363 = arith.index_cast %parallel_loop3A_1362 : i32 to index
        %parallel_loop3A_1364 = arith.index_cast %parallel_loop3A_1361 : i32 to index
        %parallel_loop3A_1365 = tpu.vector_load %arg15[%parallel_loop3A_1363, %parallel_loop3A_1364] {strides = array<i32>} : memref<64x256xf32, #tpu.memory_space<vmem>>, vector<16xf32>,
        %parallel_loop3A_1366 = arith.mulf %parallel_loop3A_1365, %parallel_loop3A_1358 : vector<16xf32>
        %parallel_loop3A_1367 = arith.addf %parallel_loop3A_1366, %parallel_loop3A_1359 : vector<16xf32>
        %parallel_loop3A_1368 = arith.constant 16 : i32
        %parallel_loop3A_1369 = arith.muli %parallel_loop3A_107, %parallel_loop3A_1368 : i32
        %parallel_loop3A_1370 = arith.constant 59 : i32
        %parallel_loop3A_1371 = arith.index_cast %parallel_loop3A_1370 : i32 to index
        %parallel_loop3A_1372 = arith.index_cast %parallel_loop3A_1369 : i32 to index
        %parallel_loop3A_1373 = tpu.vector_load %arg17[%parallel_loop3A_1371, %parallel_loop3A_1372] {strides = array<i32>} : memref<64x256xf32, #tpu.memory_space<vmem>>, vector<16xf32>,
        tpu.vector_store %arg17[%parallel_loop3A_1371, %parallel_loop3A_1372], %parallel_loop3A_1367 {strides = array<i32>} : memref<64x256xf32, #tpu.memory_space<vmem>>, vector<16xf32>,
        %parallel_loop3A_1374 = arith.mulf %parallel_loop3A_1365, %parallel_loop3A_1365 : vector<16xf32>
        %parallel_loop3A_1375 = arith.addf %parallel_loop3A_1333, %parallel_loop3A_1374 : vector<16xf32>
        %parallel_loop3A_1376 = arith.constant 3840 : i32
        %parallel_loop3A_1377 = vector.broadcast %parallel_loop3A_1376 : i32 to vector<16xi32>
        %parallel_loop3A_1378 = arith.addi %parallel_loop3A_111, %parallel_loop3A_1377 : vector<16xi32>
        %parallel_loop3A_1379 = tpu.vector_load_idx %arg9[%parallel_loop3A_1378] : memref<4096xf32, #tpu.memory_space<vmem>>[vector<16xi32>], vector<16xf32>,
        %parallel_loop3A_1380 = tpu.vector_load_idx %arg10[%parallel_loop3A_1378] : memref<4096xf32, #tpu.memory_space<vmem>>[vector<16xi32>], vector<16xf32>,
        %parallel_loop3A_1381 = arith.constant 16 : i32
        %parallel_loop3A_1382 = arith.muli %parallel_loop3A_107, %parallel_loop3A_1381 : i32
        %parallel_loop3A_1383 = arith.constant 60 : i32
        %parallel_loop3A_1384 = arith.index_cast %parallel_loop3A_1383 : i32 to index
        %parallel_loop3A_1385 = arith.index_cast %parallel_loop3A_1382 : i32 to index
        %parallel_loop3A_1386 = tpu.vector_load %arg15[%parallel_loop3A_1384, %parallel_loop3A_1385] {strides = array<i32>} : memref<64x256xf32, #tpu.memory_space<vmem>>, vector<16xf32>,
        %parallel_loop3A_1387 = arith.mulf %parallel_loop3A_1386, %parallel_loop3A_1379 : vector<16xf32>
        %parallel_loop3A_1388 = arith.addf %parallel_loop3A_1387, %parallel_loop3A_1380 : vector<16xf32>
        %parallel_loop3A_1389 = arith.constant 16 : i32
        %parallel_loop3A_1390 = arith.muli %parallel_loop3A_107, %parallel_loop3A_1389 : i32
        %parallel_loop3A_1391 = arith.constant 60 : i32
        %parallel_loop3A_1392 = arith.index_cast %parallel_loop3A_1391 : i32 to index
        %parallel_loop3A_1393 = arith.index_cast %parallel_loop3A_1390 : i32 to index
        %parallel_loop3A_1394 = tpu.vector_load %arg17[%parallel_loop3A_1392, %parallel_loop3A_1393] {strides = array<i32>} : memref<64x256xf32, #tpu.memory_space<vmem>>, vector<16xf32>,
        tpu.vector_store %arg17[%parallel_loop3A_1392, %parallel_loop3A_1393], %parallel_loop3A_1388 {strides = array<i32>} : memref<64x256xf32, #tpu.memory_space<vmem>>, vector<16xf32>,
        %parallel_loop3A_1395 = arith.mulf %parallel_loop3A_1386, %parallel_loop3A_1386 : vector<16xf32>
        %parallel_loop3A_1396 = arith.addf %parallel_loop3A_1354, %parallel_loop3A_1395 : vector<16xf32>
        %parallel_loop3A_1397 = arith.constant 3904 : i32
        %parallel_loop3A_1398 = vector.broadcast %parallel_loop3A_1397 : i32 to vector<16xi32>
        %parallel_loop3A_1399 = arith.addi %parallel_loop3A_111, %parallel_loop3A_1398 : vector<16xi32>
        %parallel_loop3A_1400 = tpu.vector_load_idx %arg9[%parallel_loop3A_1399] : memref<4096xf32, #tpu.memory_space<vmem>>[vector<16xi32>], vector<16xf32>,
        %parallel_loop3A_1401 = tpu.vector_load_idx %arg10[%parallel_loop3A_1399] : memref<4096xf32, #tpu.memory_space<vmem>>[vector<16xi32>], vector<16xf32>,
        %parallel_loop3A_1402 = arith.constant 16 : i32
        %parallel_loop3A_1403 = arith.muli %parallel_loop3A_107, %parallel_loop3A_1402 : i32
        %parallel_loop3A_1404 = arith.constant 61 : i32
        %parallel_loop3A_1405 = arith.index_cast %parallel_loop3A_1404 : i32 to index
        %parallel_loop3A_1406 = arith.index_cast %parallel_loop3A_1403 : i32 to index
        %parallel_loop3A_1407 = tpu.vector_load %arg15[%parallel_loop3A_1405, %parallel_loop3A_1406] {strides = array<i32>} : memref<64x256xf32, #tpu.memory_space<vmem>>, vector<16xf32>,
        %parallel_loop3A_1408 = arith.mulf %parallel_loop3A_1407, %parallel_loop3A_1400 : vector<16xf32>
        %parallel_loop3A_1409 = arith.addf %parallel_loop3A_1408, %parallel_loop3A_1401 : vector<16xf32>
        %parallel_loop3A_1410 = arith.constant 16 : i32
        %parallel_loop3A_1411 = arith.muli %parallel_loop3A_107, %parallel_loop3A_1410 : i32
        %parallel_loop3A_1412 = arith.constant 61 : i32
        %parallel_loop3A_1413 = arith.index_cast %parallel_loop3A_1412 : i32 to index
        %parallel_loop3A_1414 = arith.index_cast %parallel_loop3A_1411 : i32 to index
        %parallel_loop3A_1415 = tpu.vector_load %arg17[%parallel_loop3A_1413, %parallel_loop3A_1414] {strides = array<i32>} : memref<64x256xf32, #tpu.memory_space<vmem>>, vector<16xf32>,
        tpu.vector_store %arg17[%parallel_loop3A_1413, %parallel_loop3A_1414], %parallel_loop3A_1409 {strides = array<i32>} : memref<64x256xf32, #tpu.memory_space<vmem>>, vector<16xf32>,
        %parallel_loop3A_1416 = arith.mulf %parallel_loop3A_1407, %parallel_loop3A_1407 : vector<16xf32>
        %parallel_loop3A_1417 = arith.addf %parallel_loop3A_1375, %parallel_loop3A_1416 : vector<16xf32>
        %parallel_loop3A_1418 = arith.constant 3968 : i32
        %parallel_loop3A_1419 = vector.broadcast %parallel_loop3A_1418 : i32 to vector<16xi32>
        %parallel_loop3A_1420 = arith.addi %parallel_loop3A_111, %parallel_loop3A_1419 : vector<16xi32>
        %parallel_loop3A_1421 = tpu.vector_load_idx %arg9[%parallel_loop3A_1420] : memref<4096xf32, #tpu.memory_space<vmem>>[vector<16xi32>], vector<16xf32>,
        %parallel_loop3A_1422 = tpu.vector_load_idx %arg10[%parallel_loop3A_1420] : memref<4096xf32, #tpu.memory_space<vmem>>[vector<16xi32>], vector<16xf32>,
        %parallel_loop3A_1423 = arith.constant 16 : i32
        %parallel_loop3A_1424 = arith.muli %parallel_loop3A_107, %parallel_loop3A_1423 : i32
        %parallel_loop3A_1425 = arith.constant 62 : i32
        %parallel_loop3A_1426 = arith.index_cast %parallel_loop3A_1425 : i32 to index
        %parallel_loop3A_1427 = arith.index_cast %parallel_loop3A_1424 : i32 to index
        %parallel_loop3A_1428 = tpu.vector_load %arg15[%parallel_loop3A_1426, %parallel_loop3A_1427] {strides = array<i32>} : memref<64x256xf32, #tpu.memory_space<vmem>>, vector<16xf32>,
        %parallel_loop3A_1429 = arith.mulf %parallel_loop3A_1428, %parallel_loop3A_1421 : vector<16xf32>
        %parallel_loop3A_1430 = arith.addf %parallel_loop3A_1429, %parallel_loop3A_1422 : vector<16xf32>
        %parallel_loop3A_1431 = arith.constant 16 : i32
        %parallel_loop3A_1432 = arith.muli %parallel_loop3A_107, %parallel_loop3A_1431 : i32
        %parallel_loop3A_1433 = arith.constant 62 : i32
        %parallel_loop3A_1434 = arith.index_cast %parallel_loop3A_1433 : i32 to index
        %parallel_loop3A_1435 = arith.index_cast %parallel_loop3A_1432 : i32 to index
        %parallel_loop3A_1436 = tpu.vector_load %arg17[%parallel_loop3A_1434, %parallel_loop3A_1435] {strides = array<i32>} : memref<64x256xf32, #tpu.memory_space<vmem>>, vector<16xf32>,
        tpu.vector_store %arg17[%parallel_loop3A_1434, %parallel_loop3A_1435], %parallel_loop3A_1430 {strides = array<i32>} : memref<64x256xf32, #tpu.memory_space<vmem>>, vector<16xf32>,
        %parallel_loop3A_1437 = arith.mulf %parallel_loop3A_1428, %parallel_loop3A_1428 : vector<16xf32>
        %parallel_loop3A_1438 = arith.addf %parallel_loop3A_1396, %parallel_loop3A_1437 : vector<16xf32>
        %parallel_loop3A_1439 = arith.constant 4032 : i32
        %parallel_loop3A_1440 = vector.broadcast %parallel_loop3A_1439 : i32 to vector<16xi32>
        %parallel_loop3A_1441 = arith.addi %parallel_loop3A_111, %parallel_loop3A_1440 : vector<16xi32>
        %parallel_loop3A_1442 = tpu.vector_load_idx %arg9[%parallel_loop3A_1441] : memref<4096xf32, #tpu.memory_space<vmem>>[vector<16xi32>], vector<16xf32>,
        %parallel_loop3A_1443 = tpu.vector_load_idx %arg10[%parallel_loop3A_1441] : memref<4096xf32, #tpu.memory_space<vmem>>[vector<16xi32>], vector<16xf32>,
        %parallel_loop3A_1444 = arith.constant 16 : i32
        %parallel_loop3A_1445 = arith.muli %parallel_loop3A_107, %parallel_loop3A_1444 : i32
        %parallel_loop3A_1446 = arith.constant 63 : i32
        %parallel_loop3A_1447 = arith.index_cast %parallel_loop3A_1446 : i32 to index
        %parallel_loop3A_1448 = arith.index_cast %parallel_loop3A_1445 : i32 to index
        %parallel_loop3A_1449 = tpu.vector_load %arg15[%parallel_loop3A_1447, %parallel_loop3A_1448] {strides = array<i32>} : memref<64x256xf32, #tpu.memory_space<vmem>>, vector<16xf32>,
        %parallel_loop3A_1450 = arith.mulf %parallel_loop3A_1449, %parallel_loop3A_1442 : vector<16xf32>
        %parallel_loop3A_1451 = arith.addf %parallel_loop3A_1450, %parallel_loop3A_1443 : vector<16xf32>
        %parallel_loop3A_1452 = arith.constant 16 : i32
        %parallel_loop3A_1453 = arith.muli %parallel_loop3A_107, %parallel_loop3A_1452 : i32
        %parallel_loop3A_1454 = arith.constant 63 : i32
        %parallel_loop3A_1455 = arith.index_cast %parallel_loop3A_1454 : i32 to index
        %parallel_loop3A_1456 = arith.index_cast %parallel_loop3A_1453 : i32 to index
        %parallel_loop3A_1457 = tpu.vector_load %arg17[%parallel_loop3A_1455, %parallel_loop3A_1456] {strides = array<i32>} : memref<64x256xf32, #tpu.memory_space<vmem>>, vector<16xf32>,
        tpu.vector_store %arg17[%parallel_loop3A_1455, %parallel_loop3A_1456], %parallel_loop3A_1451 {strides = array<i32>} : memref<64x256xf32, #tpu.memory_space<vmem>>, vector<16xf32>,
        %parallel_loop3A_1458 = arith.mulf %parallel_loop3A_1449, %parallel_loop3A_1449 : vector<16xf32>
        %parallel_loop3A_1459 = arith.addf %parallel_loop3A_1417, %parallel_loop3A_1458 : vector<16xf32>
        %parallel_loop3A_1460 = arith.addf %parallel_loop3A_1438, %parallel_loop3A_1459 : vector<16xf32>
        %parallel_loop3A_1461 = arith.constant 5.000000e-01 : f32
        %parallel_loop3A_1462 = vector.broadcast %parallel_loop3A_1461 : f32 to vector<16xf32>
        %parallel_loop3A_1463 = arith.mulf %parallel_loop3A_1462, %parallel_loop3A_1460 : vector<16xf32>
        %parallel_loop3A_1464 = arith.subf %get3A_7, %parallel_loop3A_1463 : vector<16xf32>
        %parallel_loop3A_1465 = arith.constant 16 : i32
        %parallel_loop3A_1466 = arith.muli %parallel_loop3A_107, %parallel_loop3A_1465 : i32
        %parallel_loop3A_1467 = arith.index_cast %parallel_loop3A_1466 : i32 to index
        %parallel_loop3A_1468 = tpu.vector_load %arg19[%parallel_loop3A_1467] {strides = array<i32>} : memref<256xf32, #tpu.memory_space<vmem>>, vector<16xf32>,
        tpu.vector_store %arg19[%parallel_loop3A_1467], %parallel_loop3A_1464 {strides = array<i32>} : memref<256xf32, #tpu.memory_space<vmem>>, vector<16xf32>,
      } {sc.loop_unroll_factor = 2 : i64, sc.parallel_access}
      %mul3A_97 = arith.constant 256 : i32
      %mul3A_98 = arith.muli %add3A_44, %mul3A_97 : i32
      %add3A_99 = arith.addi %mul3A_9, %mul3A_98 : i32
      %dma_start3A_100 = arith.constant 0 : i32
      %dma_start3A_101 = tpu.memref_slice %arg7[%dma_start3A_100, %add3A_99] : memref<64x262144xf32, #tpu.memory_space<hbm>> -> memref<64x256xf32, #tpu.memory_space<hbm>>
      %dma_start3A_102 = arith.constant 0 : i32
      %dma_start3A_103 = tpu.memref_slice %arg7[%dma_start3A_102, %add3A_99] : memref<64x262144xf32, #tpu.memory_space<hbm>> -> memref<64x256xf32, #tpu.memory_space<hbm>>
      tpu.enqueue_dma source(%arg17 : memref<64x256xf32, #tpu.memory_space<vmem>>) target(%dma_start3A_103 : memref<64x256xf32, #tpu.memory_space<hbm>>) target_semaphore(%arg25 : memref<!tpu.dma_semaphore, #tpu.memory_space<semaphore_mem>>)
      %dma_start3A_104 = tpu.memref_slice %arg8[%add3A_99] : memref<262144xf32, #tpu.memory_space<hbm>> -> memref<256xf32, #tpu.memory_space<hbm>>
      %dma_start3A_105 = tpu.memref_slice %arg8[%add3A_99] : memref<262144xf32, #tpu.memory_space<hbm>> -> memref<256xf32, #tpu.memory_space<hbm>>
      tpu.enqueue_dma source(%arg19 : memref<256xf32, #tpu.memory_space<vmem>>) target(%dma_start3A_105 : memref<256xf32, #tpu.memory_space<hbm>>) target_semaphore(%arg27 : memref<!tpu.dma_semaphore, #tpu.memory_space<semaphore_mem>>)
      %scan3A_106 = arith.constant 0 : i32
      scf.yield %scan3A_106 : i32
    }
    %scan3A_23 = arith.constant 16 : i32
    %add3A_24 = arith.constant 7680 : i32
    %add3A_25 = arith.addi %mul3A_9, %add3A_24 : i32
    %dma_wait3A = arith.constant 0 : i32
    %dma_wait3A_26 = tpu.memref_slice %arg7[%dma_wait3A, %add3A_25] : memref<64x262144xf32, #tpu.memory_space<hbm>> -> memref<64x256xf32, #tpu.memory_space<hbm>>
    %dma_wait3A_27 = arith.constant 0 : i32
    %dma_wait3A_28 = tpu.memref_slice %arg7[%dma_wait3A_27, %add3A_25] : memref<64x262144xf32, #tpu.memory_space<hbm>> -> memref<64x256xf32, #tpu.memory_space<hbm>>
    tpu.wait_dma2 semaphore(%arg24 : memref<!tpu.dma_semaphore, #tpu.memory_space<semaphore_mem>>) src(%arg16 : memref<64x256xf32, #tpu.memory_space<vmem>>) dst(%dma_wait3A_28 : memref<64x256xf32, #tpu.memory_space<hbm>>)
    %dma_wait3A_29 = tpu.memref_slice %arg8[%add3A_25] : memref<262144xf32, #tpu.memory_space<hbm>> -> memref<256xf32, #tpu.memory_space<hbm>>
    %dma_wait3A_30 = tpu.memref_slice %arg8[%add3A_25] : memref<262144xf32, #tpu.memory_space<hbm>> -> memref<256xf32, #tpu.memory_space<hbm>>
    tpu.wait_dma2 semaphore(%arg26 : memref<!tpu.dma_semaphore, #tpu.memory_space<semaphore_mem>>) src(%arg18 : memref<256xf32, #tpu.memory_space<vmem>>) dst(%dma_wait3A_30 : memref<256xf32, #tpu.memory_space<hbm>>)
    %add3A_31 = arith.constant 7936 : i32
    %add3A_32 = arith.addi %mul3A_9, %add3A_31 : i32
    %dma_wait3A_33 = arith.constant 0 : i32
    %dma_wait3A_34 = tpu.memref_slice %arg7[%dma_wait3A_33, %add3A_32] : memref<64x262144xf32, #tpu.memory_space<hbm>> -> memref<64x256xf32, #tpu.memory_space<hbm>>
    %dma_wait3A_35 = arith.constant 0 : i32
    %dma_wait3A_36 = tpu.memref_slice %arg7[%dma_wait3A_35, %add3A_32] : memref<64x262144xf32, #tpu.memory_space<hbm>> -> memref<64x256xf32, #tpu.memory_space<hbm>>
    tpu.wait_dma2 semaphore(%arg25 : memref<!tpu.dma_semaphore, #tpu.memory_space<semaphore_mem>>) src(%arg17 : memref<64x256xf32, #tpu.memory_space<vmem>>) dst(%dma_wait3A_36 : memref<64x256xf32, #tpu.memory_space<hbm>>)
    %dma_wait3A_37 = tpu.memref_slice %arg8[%add3A_32] : memref<262144xf32, #tpu.memory_space<hbm>> -> memref<256xf32, #tpu.memory_space<hbm>>
    %dma_wait3A_38 = tpu.memref_slice %arg8[%add3A_32] : memref<262144xf32, #tpu.memory_space<hbm>> -> memref<256xf32, #tpu.memory_space<hbm>>
    tpu.wait_dma2 semaphore(%arg27 : memref<!tpu.dma_semaphore, #tpu.memory_space<semaphore_mem>>) src(%arg19 : memref<256xf32, #tpu.memory_space<vmem>>) dst(%dma_wait3A_38 : memref<256xf32, #tpu.memory_space<hbm>>)
    return
  }
}

</mosaic_0001>

<sc_bundles>
// kernel: kernel.3.cloned.1.call-start
scs
__scs_entry_jumppad:
0x0: {  	(pc) =	sbr.rel $0x88, $3  }
0x1: {  	(tag) =	ssettag $0x0;
	lr =	simm.s32 $0x1  }
0x2: {  	[smem:$0x3F9C] =	sst lr;
	_ =	strace $0xD0000000  }
0x3: {  	_ = 	snop  }
0x4: {  	_ = 	snop  }
0x5: {  	_ = 	snop  }
0x6: {  	_ = 	snop  }
0x7: {  	_ = 	snop  }
__scs_overlays_trampoline_lowered:
0x8: {  	[smem:$0x3FAB] =	sst s0  }
0x9: {  	[smem:$0x3FAC] =	sst s1  }
0xa: {  	[smem:$0x3FAD] =	sst s2  }
0xb: {  	[smem:$0x3FAE] =	sst s3  }
0xc: {  	[smem:$0x3FAF] =	sst s4  }
0xd: {  	[smem:$0x3FB0] =	sst s5  }
0xe: {  	[smem:$0x3FB1] =	sst s6  }
0xf: {  	[smem:$0x3FB2] =	sst s7  }
0x10: {  	[smem:$0x3FB3] =	sst s8  }
0x11: {  	[smem:$0x3FB4] =	sst s9;
	s0 =	simm.s32 @!p0 $0x0  }
0x12: {  	s1 =	sld [smem:$0x3F9A];
	s0 =	simm.s32 @p0 $0x1  }
0x13: {  	[smem:$0x3FB5] =	sst s0;
	s0 =	simm.s32 @!p1 $0x0  }
0x14: {  	s2 =	sld [smem:$0x3F99];
	s0 =	simm.s32 @p1 $0x1  }
0x15: {  	[smem:$0x3FB6] =	sst s0;
	s0 =	simm.s32 @!p2 $0x0  }
0x16: {  	s3 =	sld [smem:$0x3FDB];
	s0 =	simm.s32 @p2 $0x1  }
0x17: {  	s4 =	simm.s32 $0x1BF5;
	[smem:$0x3FB8] =	sst s0  }
0x18: {  	s0 =	sld [smem:$0x3F9B];
	_ =	swait.ge [sflag:s4], $0x0  }
0x19: {  	s7 =	sld [smem:$0x3F9C]  }
0x1a: {  	s8 =	sadd.s32 $0xFFFFE003, lr  }
0x1b: {  	s9 =	sadd.s32 $0xFFFFFEF7, lr;
	s5 =	simm.s32 $0xFFFFFFFF;
	p2 =	slt.u32 s8, $0xFFFFF086  }
0x1c: {  	p1 =	slt.u32 s9, $0xF7A;
	s5 =	simm.s32 @!p2 $0x0  }
0x1d: {  	s5 =	simm.s32 @p1 $0x1;
	p0 =	seq.s32 s7, s2  }
0x1e: {  	s7 =	smul.u32 @!p0 $0xF7A, s2;
	p2 =	seq.s32 @!p0 s5, $0x0  }
0x1f: {  	s9 =	smul.u32 $0xF7A, s1;
	s8 =	simm.s32 @!p0 $0x1BF5;
	p2 =	por !p2, p0  }
0x20: {  	[sflag:s8] =	ssyncset.s32 @!p0 $0xFFFFF086;
	s6 =	sadd.s32 @!p0 s3, s7;
	s7 =	simm.s32 @!p0 $0x108  }
0x21: {  	s3 =	sadd.s32 s3, s9;
	s6 =	sadd.s32 @!p0 $0x88, s6;
	s7 =	simm.s32 @p2 $0x1082  }
0x22: {  	[simem:s7], [sflag:s8] =	dma.local @!p0 [hbm:s6], $0xF7A  }
0x23: {  	s9 =	sor.u32 $0xD0000000, s2;
	s6 =	simm.s32 $0x108;
	_ =	swait.ge @!p0 [sflag:s8], $0x0  }
0x24: {  	s3 =	sadd.s32 $0x88, s3;
	s6 =	simm.s32 @!p1 $0x1082;
	[sflag:s4] =	ssyncset.s32 $0xFFFFF086  }
0x25: {  	[simem:s6], [sflag:s4] =	dma.local [hbm:s3], $0xF7A  }
0x26: {  	[smem:$0x3F9C] =	sst s1;
	(tag) =	ssettag s2;
	_ =	strace s9  }
0x27: {  	s1 =	sld [smem:$0x3FAC]  }
0x28: {  	s2 =	sld [smem:$0x3FAD]  }
0x29: {  	s4 =	sld [smem:$0x3FAF]  }
0x2a: {  	p0 =	seq.s32 s5, $0x0;
	s5 =	sld [smem:$0x3FB0]  }
0x2b: {  	s6 =	sld [smem:$0x3FB1]  }
0x2c: {  	s7 =	sld [smem:$0x3FB2]  }
0x2d: {  	s3 =	simm.s32 $0x108;
	s8 =	sld [smem:$0x3FB3]  }
0x2e: {  	s3 =	simm.s32 @!p0 $0x1082;
	s9 =	sld [smem:$0x3FB4]  }
0x2f: {  	lr =	sadd.s32 s0, s3;
	s0 =	sld [smem:$0x3FAB]  }
0x30: {  	s3 =	sld [smem:$0x3FAE]  }
0x31: {  	[smem:$0x3FB7] =	sst s10  }
0x32: {  	s10 =	sld [smem:$0x3FB5];
	_ =	sdelay $0x3  }
0x33: {  	p0 =	seq.s32 s10, $0x1;
	s10 =	sld [smem:$0x3FB7];
	_ =	sdelay $0x3  }
0x34: {  	[smem:$0x3FB7] =	sst s10  }
0x35: {  	s10 =	sld [smem:$0x3FB6];
	_ =	sdelay $0x3  }
0x36: {  	p1 =	seq.s32 s10, $0x1;
	s10 =	sld [smem:$0x3FB7];
	_ =	sdelay $0x3  }
0x37: {  	[smem:$0x3FB7] =	sst s10  }
0x38: {  	s10 =	sld [smem:$0x3FB8]  }
0x39: {  	_ = 	snop;
	(pc) =	sbr.ind lr, $3  }
0x3a: {  	_ = 	snop  }
0x3b: {  	_ = 	snop  }
0x3c: {  	p2 =	seq.s32 s10, $0x1;
	s10 =	sld [smem:$0x3FB7]  }
0x3d: {  	_ =	shalt  }
0x3e: {  	_ =	shalt  }
0x3f: {  	_ =	shalt  }
0x40: {  	_ =	shalt  }
0x41: {  	_ =	shalt  }
0x42: {  	_ =	shalt  }
0x43: {  	_ =	shalt  }
0x44: {  	_ =	shalt  }
0x45: {  	_ =	shalt  }
0x46: {  	_ =	shalt  }
0x47: {  	_ =	shalt  }
0x48: {  	_ =	shalt  }
0x49: {  	_ =	shalt  }
0x4a: {  	_ =	shalt  }
0x4b: {  	_ =	shalt  }
0x4c: {  	_ =	shalt  }
0x4d: {  	_ =	shalt  }
0x4e: {  	_ =	shalt  }
0x4f: {  	_ =	shalt  }
0x50: {  	_ =	shalt  }
0x51: {  	_ =	shalt  }
0x52: {  	_ =	shalt  }
0x53: {  	_ =	shalt  }
0x54: {  	_ =	shalt  }
0x55: {  	_ =	shalt  }
0x56: {  	_ =	shalt  }
0x57: {  	_ =	shalt  }
0x58: {  	_ =	shalt  }
0x59: {  	_ =	shalt  }
0x5a: {  	_ =	shalt  }
0x5b: {  	_ =	shalt  }
0x5c: {  	_ =	shalt  }
0x5d: {  	_ =	shalt  }
0x5e: {  	_ =	shalt  }
0x5f: {  	_ =	shalt  }
0x60: {  	_ =	shalt  }
0x61: {  	_ =	shalt  }
0x62: {  	_ =	shalt  }
0x63: {  	_ =	shalt  }
0x64: {  	_ =	shalt  }
0x65: {  	_ =	shalt  }
0x66: {  	_ =	shalt  }
0x67: {  	_ =	shalt  }
0x68: {  	_ =	shalt  }
0x69: {  	_ =	shalt  }
0x6a: {  	_ =	shalt  }
0x6b: {  	_ =	shalt  }
0x6c: {  	_ =	shalt  }
0x6d: {  	_ =	shalt  }
0x6e: {  	_ =	shalt  }
0x6f: {  	_ =	shalt  }
0x70: {  	_ =	shalt  }
0x71: {  	_ =	shalt  }
0x72: {  	_ =	shalt  }
0x73: {  	_ =	shalt  }
0x74: {  	_ =	shalt  }
0x75: {  	_ =	shalt  }
0x76: {  	_ =	shalt  }
0x77: {  	_ =	shalt  }
0x78: {  	_ =	shalt  }
0x79: {  	_ =	shalt  }
0x7a: {  	_ =	shalt  }
0x7b: {  	_ =	shalt  }
0x7c: {  	_ =	shalt  }
0x7d: {  	_ =	shalt  }
0x7e: {  	_ =	shalt  }
0x7f: {  	_ =	shalt  }
0x80: {  	_ =	shalt  }
0x81: {  	_ =	shalt  }
0x82: {  	_ =	shalt  }
0x83: {  	_ =	shalt  }
0x84: {  	_ =	shalt  }
0x85: {  	_ =	shalt  }
0x86: {  	_ =	shalt  }
0x87: {  	_ =	shalt  }
.Lfunc_end0:
.L_simem_size_0:
called_computation_lowered:
.L_overlay_start_0:
0x88: {  	s2 =	sld [smem:$0x3FD9]  }
0x89: {  	s3 =	sld [smem:$0x3FFE];
	_ =	sdelay $0x1  }
0x8a: {  	s1 =	srdreg.scid  }
0x8b: {  	s0 =	sand.u32 $0x1, s1  }
0x8c: {  	s14 =	sshll.u32 s0, $0xA;
	s2 =	sadd.s32 s3, s2  }
0x8d: {  	s2 =	sadd.s32 s2, s14  }
0x8e: {  	[smem:$0x3FC3] =	sst s2  }
0x8f: {  	_ = 	snop  }
0x90: {  	s2 =	sld [smem:$0x3FD0];
	_ =	sdelay $0x1  }
0x91: {  	s15 =	sld [smem:$0x3FC9]  }
0x92: {  	s5 =	simm.s32 $0xA;
	s6 =	simm.s32 $0x10;
	s4 =	sld [smem:$0x3FC5]  }
0x93: {  	[smem:s6], [sflag:s5] =	dma.local [hbm:s2], $0x1  }
0x94: {  	_ =	swait.eq [sflag:s5], $0x1  }
0x95: {  	[sflag:s5] =	ssyncset.done $0x0  }
0x96: {  	s16 =	sld [smem:$0x10];
	[sflag:s5] =	ssyncadd.s32 $0xFFFFFFFF  }
0x97: {  	s17 =	sld [smem:$0x11];
	(tm) =	ssettm $0x1  }
0x98: {  	s18 =	sld [smem:$0x3FFB];
	_ =	sdelay $0x3  }
0x99: {  	_ =	strace s18  }
0x9a: {  	s6 =	sld [smem:$0x3FFC];
	_ =	sdelay $0x3  }
0x9b: {  	_ =	strace s6  }
0x9c: {  	s6 =	sld [smem:$0x3FFD];
	_ =	sdelay $0x3  }
0x9d: {  	_ =	strace s6  }
0x9e: {  	_ =	strace $0x8FFFFFFF  }
0x9f: {  	s19 =	sld [smem:$0x3FDB];
	_ =	sdelay $0x1  }
0xa0: {  	s7 =	simm.s32 $_scs_section_size  }
0xa1: {  	s8 =	simm.s32 $_size__tile_overlayer_lowered;
	s9 =	simm.s32 $_tile_overlayer_lowered  }
0xa2: {  	s22 =	simm.s32 $0x1BFF;
	s21 =	sshll.u32 s9, $0x1;
	s6 =	sadd.s32 s7, s19  }
0xa3: {  	s10 =	simm.s32 $0x0;
	s20 =	sshll.u32 s8, $0x1;
	s8 =	sadd.s32 s21, s6  }
0xa4: {  	[timem:s10], [sflag:s22] =	dma.local [hbm:s8], s20  }
0xa5: {  	_ =	swait.ge [sflag:s22], s20  }
0xa6: {  	s7 =	ssub.s32 $0x0, s20;
	[sflag:s22] =	ssyncset.done $0x0  }
0xa7: {  	[sflag:s22] =	ssyncadd.s32 s7;
	_ =	sdelay $0x1  }
0xa8: {  	s23 =	simm.s32 $0x1B8B  }
0xa9: {  	_ =	swait.ge [sflag:s23], $0x1  }
0xaa: {  	[sflag:s23] =	ssyncset.done $0x0  }
0xab: {  	s25 =	simm.s32 $0x1B8E;
	s24 =	sld [smem:$0x3FFE];
	[sflag:s23] =	ssyncadd.s32 $0xFFFFFFFF  }
0xac: {  	s26 =	simm.s32 $execute0_lowered;
	[smem:$0x3FD2] =	sst s25  }
0xad: {  	s8 =	sshll.u32 s26, $0x1;
	_ =	strace $0x80000046;
	[dreg:$0x1] =	wrdreg $0xFFFFFFFF  }
0xae: {  	s28 =	simm.s32 $_size_execute0_lowered;
	s6 =	sadd.s32 s6, s8;
	[dreg:$0x0] =	wrdreg $0x0  }
0xaf: {  	s8 =	sshll.u32 s28, $0x1;
	[dreg:$0x2] =	wrdreg s6  }
0xb0: {  	[dreg:$0x3] =	wrdreg s8  }
0xb1: {  	[dreg:$0x4] =	wrdreg $0xC0  }
0xb2: {  	_ =	task [dreg:s10], $0x5FFFF  }
0xb3: {  	[dreg:$0x1] =	wrdreg $0xFFFFFFFF  }
0xb4: {  	[dreg:$0x0] =	wrdreg $0x60  }
0xb5: {  	[dreg:$0x2] =	wrdreg s24  }
0xb6: {  	[dreg:$0x3] =	wrdreg s4  }
0xb7: {  	[dreg:$0x4] =	wrdreg s15  }
0xb8: {  	[dreg:$0x5] =	wrdreg s16  }
0xb9: {  	[dreg:$0x6] =	wrdreg s17  }
0xba: {  	[dreg:$0x7] =	wrdreg $0x9  }
0xbb: {  	_ =	task.clear_ibuf [dreg:s10], $0x8FFFF;
	_ =	strace $0x90000046  }
0xbc: {  	s29 =	simm.s32 $0x9;
	_ =	strace $0x80000048  }
0xbd: {  	_ =	swait.ge [sflag:s29], $0x1  }
0xbe: {  	[sflag:s29] =	ssyncadd.s32 $0xFFFFFFFF  }
0xbf: {  	_ =	strace $0x90000048  }
0xc0: {  	_ =	sfence  }
0xc1: {  	s30 =	sld [smem:$0x0];
	_ =	sdelay $0x2  }
0xc2: {  	s31 =	sshll.u32 s1, $0xD;
	s1 =	sshrl.u32 s1, $0x2  }
0xc3: {  	s3 =	sand.u32 $0x4000, s31;
	s1 =	sadd.s32 s1, s30  }
0xc4: {  	s0 =	sor.u32 s3, s0;
	s1 =	sshll.u32 s1, $0x11  }
0xc5: {  	s0 =	sor.u32 s1, s0  }
0xc6: {  	s0 =	sadd.s32 $0x8F2B, s0  }
0xc7: {  	[sflag:s0] =	ssyncadd.remote.s32 $0x1  }
0xc8: {  	_ =	sfence.sel $0xFFFF  }
0xc9: {  	[dreg:$0x0] =	wrdreg $0xFFFFFFFF;
	(pc) =	sbr.abs _section_cstart, $3  }
0xca: {  	[dreg:$0x1] =	wrdreg $0xFFFFFFFF  }
0xcb: {  	_ =	task.clear_ibuf [dreg:s10], $0x2FFFF;
	_ =	strace $0x9FFFFFFF  }
0xcc: {  	(tm) =	ssettm $0x7FFFFFFF  }
0xcd: {  	_ =	shalt  }
tec
execute0_lowered:
.L_overlay_start_1:
0x0: {  	(tag) =	ssettag $0x1  }
0x1: {  	s3 =	rddreg [dreg:$0x0]  }
0x2: {  	s28 =	rddreg [dreg:$0x1]  }
0x3: {  	s31 =	rddreg [dreg:$0x2]  }
0x4: {  	s7 =	simm.s32 $0x0;
	s0 =	srdreg.scid;
	s1 =	stileid.u32  }
0x5: {  	s16 =	simm.s32 $0x1000;
	s18 =	simm.s32 $0x800;
	s19 =	simm.s32 $0x200000  }
0x6: {  	s29 =	simm.s32 $0x2;
	s30 =	simm.s32 $0x4;
	[smem:$0x7FF] =	sst s7  }
0x7: {  	s0 =	sand.u32 $0x1, s0;
	s1 =	sshll.u32 s1, $0xE;
	s4 =	sadd.s32 $0x200, s3  }
0x8: {  	s22 =	sadd.s32 $0x400, s3;
	_ =	strace $0x80000047;
	s2 =	sshll.u32 s0, $0xD  }
0x9: {  	[dreg:$0x6] =	wrdreg s4;
	s0 =	ssub.s32 $0x2, s0;
	s9 =	sor.u32 s2, s1  }
0xa: {  	[dreg:$0x7] =	wrdreg s22;
	s23 =	sshrl.u32 s0, $0x1;
	s24 =	sadd.s32 s31, s9  }
0xb: {  	s2 =	sshrl.u32 s9, $0x3;
	s26 =	sor.u32 $0x200, s9;
	[dreg:$0x8] =	wrdreg s24  }
0xc: {  	s0 =	ssub.s32 s0, s23;
	s25 =	sadd.s32 s28, s2;
	[dreg:$0xa] =	wrdreg s26  }
0xd: {  	s0 =	smax.u32 s0, $0x1;
	s24 =	simm.s32 $0x1;
	[dreg:$0x9] =	wrdreg s25  }
0xe: {  	s2 =	simm.s32 $0x0;
	[dreg:$0xb] =	wrdreg s0;
	s25 =	simm.s32 $0x3  }
.LBB2_1:
0xf: {  	[dreg:$0xc] =	wrdreg s2  }
0x10: {  	s0 =	rddreg [dreg:$0x6];
	s1 =	simm.s32 $0x9  }
0x11: {  	[tilespmem:s7], [sflag:$0x9] =	stream.linear.gather [hbm4b:s0+s7], $0x1000, $0x38;
	[tilespmem:$0x12480] =	vst v63  }
0x12: {  	_ =	swait.ge [sflag:s1], $0x1000  }
0x13: {  	[sflag:s1] =	ssyncset.done $0x0  }
0x14: {  	[sflag:s1] =	ssyncadd.s32 $0xFFFFF000  }
0x15: {  	s22 =	rddreg [dreg:$0x0]  }
0x16: {  	[tilespmem:s16], [sflag:$0x9] =	stream.linear.gather [hbm4b:s22+s7], $0x1000, $0x38;
	[tilespmem:$0x12480] =	vst v63  }
0x17: {  	_ =	swait.ge [sflag:s1], $0x1000  }
0x18: {  	[sflag:s1] =	ssyncset.done $0x0  }
0x19: {  	s26 =	simm.s32 $0x2000;
	s23 =	rddreg [dreg:$0x7];
	[sflag:s1] =	ssyncadd.s32 $0xFFFFF000  }
0x1a: {  	[tilespmem:s26], [sflag:$0x9] =	stream.linear.gather [hbm4b:s23+s7], $0x80, $0x38;
	[tilespmem:$0x12480] =	vst v63  }
0x1b: {  	_ =	swait.ge [sflag:s1], $0x80  }
0x1c: {  	[sflag:s1] =	ssyncset.done $0x0  }
0x1d: {  	s0 =	simm.s32 $0x0;
	[sflag:s1] =	ssyncadd.s32 $0xFFFFFF80;
	s1 =	simm.s32 $0x40  }
.LBB2_2:
0x1e: {  	p0 =	sne.s32 s1, $0x3FC0;
	v0 =	vld [tilespmem:s0+$0x0];
	_ =	sdelay $0x4  }
0x1f: {  	v0 =	vmul.f32 $1.442695020e+00, v0;
	_ =	sdelay $0x1  }
0x20: {  	(erf) = vpow2.f32 v0;
	_ =	sdelay $0x5  }
.Ltmp0:
0x21: {  	(pc) =	sbr.rel @p0 .LBB2_2-.Ltmp0, $3  }
0x22: {  	_ =	sdelay $0x1  }
0x23: {  	v0 =	vpop (erf)  }
0x24: {  	[tilespmem:s0+$0x0] =	vst v0;
	s0 =	sshra.s32 s1, $0x2;
	s1 =	sadd.s32 $0x40, s1  }
0x25: {  	v0 =	vld [tilespmem:s0+$0x0];
	_ =	sdelay $0x4  }
0x26: {  	v0 =	vmul.f32 $1.442695020e+00, v0;
	_ =	sdelay $0x1  }
0x27: {  	(erf) = vpow2.f32 v0;
	_ =	sdelay $0x8  }
0x28: {  	v0 =	vpop (erf)  }
0x29: {  	[tilespmem:s0+$0x0] =	vst v0  }
0x2a: {  	v5 =	vld [tilespmem:$0x2000]  }
0x2b: {  	s22 =	rddreg [dreg:$0x8];
	s1 =	simm.s32 $0x2280  }
0x2c: {  	[tilespmem:s1], [sflag:$0x1] =	stream.strided.gather [hbm4b:s22+s18], $0x4000, s19, s18, $0x38;
	[tilespmem:$0x12480] =	vst v63  }
0x2d: {  	s8 =	simm.s32 $0x0;
	s23 =	rddreg [dreg:$0x9];
	s26 =	simm.s32 $0x2080  }
0x2e: {  	[tilespmem:s26], [sflag:$0x3] =	stream.linear.gather [hbm4b:s23+s8], $0x100, $0x38;
	[tilespmem:$0x12480] =	vst v63  }
0x2f: {  	[tilespmem:$0x1FFF0] =	vst v5  }
.LBB2_4:
0x30: {  	s12 =	sshll.u32 s8, $0x9  }
0x31: {  	s14 =	sor.u32 s12, s9  }
0x32: {  	s13 =	smov.u32 s31;
	s10 =	sor.u32 $0x100, s14  }
0x33: {  	s1 =	simm.s32 $0x6280;
	s0 =	sadd.s32 s31, s10;
	s11 =	sshrl.u32 s10, $0x3  }
0x34: {  	[tilespmem:s1], [sflag:$0x2] =	stream.strided.gather [hbm4b:s0+s18], $0x4000, s19, s18, $0x38;
	[tilespmem:$0x12480] =	vst v63  }
0x35: {  	s5 =	smov.u32 s28;
	s31 =	simm.s32 $0x2180;
	s28 =	sadd.s32 s28, s11  }
0x36: {  	[tilespmem:s31], [sflag:$0x4] =	stream.linear.gather [hbm4b:s28+s7], $0x100, $0x38;
	[tilespmem:$0x12480] =	vst v63  }
0x37: {  	_ =	swait.ge [sflag:s24], $0x4000  }
0x38: {  	[sflag:s24] =	ssyncset.done $0x0  }
0x39: {  	[sflag:s24] =	ssyncadd.s32 $0xFFFFC000  }
0x3a: {  	_ =	swait.ge [sflag:s25], $0x100  }
0x3b: {  	p0 =	seq.s32 s8, $0x0;
	[sflag:s25] =	ssyncset.done $0x0  }
0x3c: {  	s0 =	simm.s32 @!p0 $0x5;
	[sflag:s25] =	ssyncadd.s32 $0xFFFFFF00  }
0x3d: {  	_ =	swait.ge @!p0 [sflag:s0], $0x4000  }
0x3e: {  	[sflag:s0] =	ssyncset.done @!p0 $0x0  }
0x3f: {  	s6 =	simm.s32 $0xFFFFFFFE;
	[sflag:s0] =	ssyncadd.s32 @!p0 $0xFFFFC000;
	s0 =	simm.s32 @!p0 $0x7  }
0x40: {  	s17 =	simm.s32 $0x2080;
	s20 =	simm.s32 $0x12280;
	_ =	swait.ge @!p0 [sflag:s0], $0x100  }
0x41: {  	s21 =	simm.s32 $0x0;
	s15 =	simm.s32 $0x0;
	[sflag:s0] =	ssyncset.done @!p0 $0x0  }
0x42: {  	s22 =	simm.s32 $0x0;
	s1 =	simm.s32 $0x0;
	[sflag:s0] =	ssyncadd.s32 @!p0 $0xFFFFFF00  }
.LBB2_5:
0x43: {  	v8 =	vld [tilespmem:s17+$0x0];
	_ =	sdelay $0x4  }
0x44: {  	s2 =	sand.u32 $0x60, s21;
	s26 =	sand.u32 $0x400, s22  }
0x45: {  	s0 =	sor.u32 s2, s26  }
0x46: {  	v9 =	vld [tilespmem:s0+$0x2280]  }
0x47: {  	v0 =	vld.idx.msk [tilespmem:v8+s7+$0x0], $0xffff;
	_ =	sdelay $0x1  }
0x48: {  	v2 =	vld.idx.msk [tilespmem:v8+s16+$0x0], $0xffff;
	_ =	sdelay $0x2  }
0x49: {  	v3 =	vadd.s32 $0x40, v8;
	v0 =	vmul.f32 v9, v0;
	_ =	sdelay $0x1  }
0x4a: {  	v0 =	vadd.f32 v0, v2  }
0x4b: {  	s23 =	sand.u32 $0xFFFFFC00, s22  }
0x4c: {  	s31 =	sadd.s32 s23, s21;
	[tilespmem:s0+$0xA280] =	vst v0  }
0x4d: {  	s23 =	sor.u32 $0x80, s31;
	v0 =	vld.idx.msk [tilespmem:v3+s7+$0x0], $0xffff  }
0x4e: {  	v25 =	vld [tilespmem:s23+$0x2280];
	_ =	sdelay $0x1  }
0x4f: {  	v39 =	vld.idx.msk [tilespmem:v3+s16+$0x0], $0xffff;
	_ =	sdelay $0x2  }
0x50: {  	v40 =	vadd.s32 $0x80, v8;
	v0 =	vmul.f32 v25, v0;
	_ =	sdelay $0x1  }
0x51: {  	v0 =	vadd.f32 v0, v39;
	_ =	sdelay $0x1  }
0x52: {  	[tilespmem:s23+$0xA280] =	vst v0  }
0x53: {  	v0 =	vld.idx.msk [tilespmem:v40+s7+$0x0], $0xffff  }
0x54: {  	v28 =	vld [tilespmem:s0+$0x2380];
	_ =	sdelay $0x1  }
0x55: {  	v41 =	vld.idx.msk [tilespmem:v40+s16+$0x0], $0xffff;
	_ =	sdelay $0x2  }
0x56: {  	s28 =	sand.u32 $0x80, s21;
	s2 =	sor.u32 $0x10, s2;
	v42 =	vadd.s32 $0xC0, v8;
	v0 =	vmul.f32 v28, v0  }
0x57: {  	s23 =	sor.u32 s28, s2  }
0x58: {  	v7 =	vld [tilespmem:s23+$0x2080];
	v0 =	vadd.f32 v0, v41;
	_ =	sdelay $0x1  }
0x59: {  	[tilespmem:s0+$0xA380] =	vst v0  }
0x5a: {  	s4 =	sor.u32 $0x180, s31;
	v0 =	vld.idx.msk [tilespmem:v42+s7+$0x0], $0xffff  }
0x5b: {  	v1 =	vld [tilespmem:s4+$0x2280];
	_ =	sdelay $0x1  }
0x5c: {  	s26 =	sor.u32 s26, s2;
	v43 =	vld.idx.msk [tilespmem:v42+s16+$0x0], $0xffff  }
0x5d: {  	v45 =	vld [tilespmem:s26+$0x2280]  }
0x5e: {  	v44 =	vld.idx.msk [tilespmem:v7+s7+$0x0], $0xffff  }
0x5f: {  	v0 =	vmul.f32 v1, v0  }
0x60: {  	v46 =	vld.idx.msk [tilespmem:v7+s16+$0x0], $0xffff  }
0x61: {  	v0 =	vadd.f32 v0, v43;
	_ =	sdelay $0x1  }
0x62: {  	v4 =	vadd.s32 $0x40, v7;
	[tilespmem:s4+$0xA280] =	vst v0;
	v0 =	vmul.f32 v45, v44;
	_ =	sdelay $0x1  }
0x63: {  	v0 =	vadd.f32 v0, v46  }
0x64: {  	v51 =	vadd.s32 $0x100, v8  }
0x65: {  	v47 =	vld [tilespmem:s26+$0x2300];
	[tilespmem:s26+$0xA280] =	vst v0  }
0x66: {  	v0 =	vld.idx.msk [tilespmem:v4+s7+$0x0], $0xffff;
	_ =	sdelay $0x1  }
0x67: {  	v48 =	vld.idx.msk [tilespmem:v4+s16+$0x0], $0xffff  }
0x68: {  	v6 =	vld.idx.msk [tilespmem:v51+s7+$0x0], $0xffff  }
0x69: {  	v52 =	vld [tilespmem:s0+$0x2480]  }
0x6a: {  	v49 =	vadd.s32 $0x80, v7;
	v0 =	vmul.f32 v47, v0  }
0x6b: {  	v3 =	vld.idx.msk [tilespmem:v51+s16+$0x0], $0xffff  }
0x6c: {  	v0 =	vadd.f32 v0, v48;
	_ =	sdelay $0x1  }
0x6d: {  	v50 =	vld [tilespmem:s26+$0x2380];
	v55 =	vadd.s32 $0x140, v8;
	v54 =	vmul.f32 v52, v6;
	[tilespmem:s26+$0xA300] =	vst v0  }
0x6e: {  	v0 =	vld.idx.msk [tilespmem:v49+s7+$0x0], $0xffff  }
0x6f: {  	v3 =	vadd.f32 v54, v3  }
0x70: {  	v4 =	vld.idx.msk [tilespmem:v49+s16+$0x0], $0xffff  }
0x71: {  	[tilespmem:s0+$0xA480] =	vst v3  }
0x72: {  	s3 =	sor.u32 $0x280, s31;
	v3 =	vld.idx.msk [tilespmem:v55+s7+$0x0], $0xffff  }
0x73: {  	v5 =	vadd.s32 $0xC0, v7;
	v57 =	vld [tilespmem:s3+$0x2280];
	v0 =	vmul.f32 v50, v0;
	_ =	sdelay $0x1  }
0x74: {  	v58 =	vld.idx.msk [tilespmem:v55+s16+$0x0], $0xffff;
	v0 =	vadd.f32 v0, v4;
	_ =	sdelay $0x1  }
0x75: {  	v53 =	vld [tilespmem:s26+$0x2400];
	[tilespmem:s26+$0xA380] =	vst v0  }
0x76: {  	v60 =	vadd.s32 $0x180, v8;
	v3 =	vmul.f32 v57, v3;
	v0 =	vld.idx.msk [tilespmem:v5+s7+$0x0], $0xffff;
	_ =	sdelay $0x1  }
0x77: {  	s4 =	sand.u32 $0x3, s1;
	v3 =	vadd.f32 v3, v58;
	v5 =	vld.idx.msk [tilespmem:v5+s16+$0x0], $0xffff  }
0x78: {  	s2 =	sshll.u32 s4, $0x5  }
0x79: {  	s2 =	sadd.s32 s2, s22;
	[tilespmem:s3+$0xA280] =	vst v3  }
0x7a: {  	v56 =	vadd.s32 $0x100, v7;
	s3 =	sor.u32 $0x300, s2;
	v3 =	vld.idx.msk [tilespmem:v60+s7+$0x0], $0xffff;
	v0 =	vmul.f32 v53, v0  }
0x7b: {  	v62 =	vld [tilespmem:s3+$0x2280]  }
0x7c: {  	v0 =	vadd.f32 v0, v5  }
0x7d: {  	v63 =	vld.idx.msk [tilespmem:v60+s16+$0x0], $0xffff  }
0x7e: {  	v59 =	vld [tilespmem:s26+$0x2480];
	[tilespmem:s26+$0xA400] =	vst v0  }
0x7f: {  	v0 =	vld.idx.msk [tilespmem:v56+s7+$0x0], $0xffff  }
0x80: {  	v11 =	vadd.s32 $0x1C0, v8;
	v3 =	vmul.f32 v62, v3  }
0x81: {  	v4 =	vld.idx.msk [tilespmem:v56+s16+$0x0], $0xffff  }
0x82: {  	v3 =	vadd.f32 v3, v63;
	_ =	sdelay $0x1  }
0x83: {  	v61 =	vadd.s32 $0x140, v7;
	[tilespmem:s3+$0xA280] =	vst v3;
	v0 =	vmul.f32 v59, v0  }
0x84: {  	s4 =	sor.u32 $0x380, s15;
	v3 =	vld.idx.msk [tilespmem:v11+s7+$0x0], $0xffff  }
0x85: {  	v13 =	vld [tilespmem:s4+$0x2280];
	v0 =	vadd.f32 v0, v4  }
0x86: {  	v10 =	vld [tilespmem:s26+$0x2500]  }
0x87: {  	v14 =	vld.idx.msk [tilespmem:v11+s16+$0x0], $0xffff;
	[tilespmem:s26+$0xA480] =	vst v0  }
0x88: {  	v0 =	vld.idx.msk [tilespmem:v61+s7+$0x0], $0xffff;
	_ =	sdelay $0x1  }
0x89: {  	v16 =	vadd.s32 $0x200, v8;
	v3 =	vmul.f32 v13, v3;
	v5 =	vld.idx.msk [tilespmem:v61+s16+$0x0], $0xffff;
	_ =	sdelay $0x1  }
0x8a: {  	v3 =	vadd.f32 v3, v14  }
0x8b: {  	v12 =	vadd.s32 $0x180, v7;
	v0 =	vmul.f32 v10, v0  }
0x8c: {  	[tilespmem:s4+$0xA280] =	vst v3  }
0x8d: {  	v3 =	vld.idx.msk [tilespmem:v16+s7+$0x0], $0xffff;
	v0 =	vadd.f32 v0, v5  }
0x8e: {  	v18 =	vld [tilespmem:s0+$0x2A80]  }
0x8f: {  	s28 =	sadd.s32 $0x10, s2;
	v19 =	vld.idx.msk [tilespmem:v16+s16+$0x0], $0xffff;
	[tilespmem:s26+$0xA500] =	vst v0  }
0x90: {  	s3 =	sor.u32 $0x300, s28;
	v0 =	vld.idx.msk [tilespmem:v12+s7+$0x0], $0xffff  }
0x91: {  	v15 =	vld [tilespmem:s3+$0x2280];
	_ =	sdelay $0x1  }
0x92: {  	v21 =	vadd.s32 $0x240, v8;
	v3 =	vmul.f32 v18, v3;
	v4 =	vld.idx.msk [tilespmem:v12+s16+$0x0], $0xffff;
	_ =	sdelay $0x1  }
0x93: {  	v3 =	vadd.f32 v3, v19  }
0x94: {  	v17 =	vadd.s32 $0x1C0, v7;
	v0 =	vmul.f32 v15, v0  }
0x95: {  	[tilespmem:s0+$0xAA80] =	vst v3  }
0x96: {  	s4 =	sor.u32 $0x880, s31;
	v3 =	vld.idx.msk [tilespmem:v21+s7+$0x0], $0xffff;
	v0 =	vadd.f32 v0, v4  }
0x97: {  	v23 =	vld [tilespmem:s4+$0x2280]  }
0x98: {  	v24 =	vld.idx.msk [tilespmem:v21+s16+$0x0], $0xffff;
	[tilespmem:s3+$0xA280] =	vst v0  }
0x99: {  	s3 =	sor.u32 $0x380, s28;
	v0 =	vld.idx.msk [tilespmem:v17+s7+$0x0], $0xffff  }
0x9a: {  	v20 =	vld [tilespmem:s3+$0x2280];
	_ =	sdelay $0x1  }
0x9b: {  	v27 =	vadd.s32 $0x280, v8;
	v3 =	vmul.f32 v23, v3;
	v5 =	vld.idx.msk [tilespmem:v17+s16+$0x0], $0xffff;
	_ =	sdelay $0x1  }
0x9c: {  	v3 =	vadd.f32 v3, v24  }
0x9d: {  	v22 =	vadd.s32 $0x200, v7;
	v0 =	vmul.f32 v20, v0  }
0x9e: {  	[tilespmem:s4+$0xA280] =	vst v3  }
0x9f: {  	v3 =	vld.idx.msk [tilespmem:v27+s7+$0x0], $0xffff;
	v0 =	vadd.f32 v0, v5  }
0xa0: {  	v30 =	vld [tilespmem:s0+$0x2B80]  }
0xa1: {  	v31 =	vld.idx.msk [tilespmem:v27+s16+$0x0], $0xffff;
	[tilespmem:s3+$0xA280] =	vst v0  }
0xa2: {  	v0 =	vld.idx.msk [tilespmem:v22+s7+$0x0], $0xffff  }
0xa3: {  	v26 =	vld [tilespmem:s26+$0x2A80];
	_ =	sdelay $0x1  }
0xa4: {  	v33 =	vadd.s32 $0x2C0, v8;
	v3 =	vmul.f32 v30, v3;
	v4 =	vld.idx.msk [tilespmem:v22+s16+$0x0], $0xffff;
	_ =	sdelay $0x1  }
0xa5: {  	v3 =	vadd.f32 v3, v31  }
0xa6: {  	v29 =	vadd.s32 $0x240, v7;
	v0 =	vmul.f32 v26, v0  }
0xa7: {  	[tilespmem:s0+$0xAB80] =	vst v3  }
0xa8: {  	s4 =	sor.u32 $0x980, s31;
	v3 =	vld.idx.msk [tilespmem:v33+s7+$0x0], $0xffff;
	v0 =	vadd.f32 v0, v4  }
0xa9: {  	v35 =	vld [tilespmem:s4+$0x2280]  }
0xaa: {  	v32 =	vld [tilespmem:s26+$0x2B00];
	[tilespmem:s26+$0xAA80] =	vst v0  }
0xab: {  	v0 =	vld.idx.msk [tilespmem:v29+s7+$0x0], $0xffff  }
0xac: {  	v36 =	vld.idx.msk [tilespmem:v33+s16+$0x0], $0xffff  }
0xad: {  	[tilespmem:$0x1FDB0] =	vst v45;
	v5 =	vld.idx.msk [tilespmem:v29+s16+$0x0], $0xffff  }
0xae: {  	[tilespmem:$0x1FDD0] =	vst v47  }
0xaf: {  	v38 =	vadd.s32 $0x300, v8;
	[tilespmem:$0x1FDC0] =	vst v50;
	v3 =	vmul.f32 v35, v3  }
0xb0: {  	[tilespmem:$0x1FDE0] =	vst v53;
	v34 =	vadd.s32 $0x280, v7;
	v0 =	vmul.f32 v32, v0  }
0xb1: {  	[tilespmem:$0x1FDF0] =	vst v59;
	v3 =	vadd.f32 v3, v36  }
0xb2: {  	[tilespmem:$0x1FE00] =	vst v10;
	v0 =	vadd.f32 v0, v5  }
0xb3: {  	v37 =	vld [tilespmem:s26+$0x2B80];
	[tilespmem:s4+$0xA280] =	vst v3  }
0xb4: {  	v3 =	vld.idx.msk [tilespmem:v38+s7+$0x0], $0xffff;
	[tilespmem:s26+$0xAB00] =	vst v0  }
0xb5: {  	[tilespmem:$0x1FC80] =	vst v1;
	v0 =	vld.idx.msk [tilespmem:v34+s7+$0x0], $0xffff  }
0xb6: {  	[tilespmem:$0x1FC90] =	vst v52;
	v40 =	vld [tilespmem:s0+$0x2C80]  }
0xb7: {  	[tilespmem:$0x1FCA0] =	vst v57;
	v4 =	vld.idx.msk [tilespmem:v34+s16+$0x0], $0xffff  }
0xb8: {  	[tilespmem:$0x1FCB0] =	vst v62;
	v41 =	vld.idx.msk [tilespmem:v38+s16+$0x0], $0xffff  }
0xb9: {  	[tilespmem:$0x1FCC0] =	vst v13  }
0xba: {  	v39 =	vadd.s32 $0x2C0, v7;
	[tilespmem:$0x1FCD0] =	vst v18;
	v0 =	vmul.f32 v37, v0  }
0xbb: {  	v43 =	vadd.s32 $0x340, v8;
	[tilespmem:$0x1FCE0] =	vst v23;
	v3 =	vmul.f32 v40, v3  }
0xbc: {  	[tilespmem:$0x1FE10] =	vst v15;
	v0 =	vadd.f32 v0, v4  }
0xbd: {  	[tilespmem:$0x1FCF0] =	vst v30;
	v3 =	vadd.f32 v3, v41  }
0xbe: {  	v42 =	vld [tilespmem:s26+$0x2C00];
	[tilespmem:s26+$0xAB80] =	vst v0  }
0xbf: {  	[tilespmem:s0+$0xAC80] =	vst v3;
	v0 =	vld.idx.msk [tilespmem:v39+s7+$0x0], $0xffff  }
0xc0: {  	[tilespmem:$0x1FE20] =	vst v20;
	v3 =	vld.idx.msk [tilespmem:v43+s7+$0x0], $0xffff  }
0xc1: {  	[tilespmem:$0x1FD00] =	vst v35;
	s4 =	sor.u32 $0xA80, s31;
	v5 =	vld.idx.msk [tilespmem:v39+s16+$0x0], $0xffff  }
0xc2: {  	[tilespmem:$0x1FE30] =	vst v26;
	v45 =	vld [tilespmem:s4+$0x2280]  }
0xc3: {  	[tilespmem:$0x1FE40] =	vst v32  }
0xc4: {  	v44 =	vadd.s32 $0x300, v7;
	[tilespmem:$0x1FE50] =	vst v37;
	v46 =	vld.idx.msk [tilespmem:v43+s16+$0x0], $0xffff;
	v0 =	vmul.f32 v42, v0  }
0xc5: {  	[tilespmem:$0x1FE60] =	vst v42  }
0xc6: {  	[tilespmem:$0x1FD10] =	vst v40;
	v0 =	vadd.f32 v0, v5  }
0xc7: {  	v48 =	vadd.s32 $0x380, v8;
	[tilespmem:$0x1FD20] =	vst v45;
	v3 =	vmul.f32 v45, v3  }
0xc8: {  	[tilespmem:s26+$0xAC00] =	vst v0  }
0xc9: {  	v3 =	vadd.f32 v3, v46;
	v0 =	vld.idx.msk [tilespmem:v44+s7+$0x0], $0xffff  }
0xca: {  	v47 =	vld [tilespmem:s26+$0x2C80]  }
0xcb: {  	[tilespmem:s4+$0xA280] =	vst v3;
	v4 =	vld.idx.msk [tilespmem:v44+s16+$0x0], $0xffff  }
0xcc: {  	s4 =	sor.u32 $0xB00, s2;
	v3 =	vld.idx.msk [tilespmem:v48+s7+$0x0], $0xffff  }
0xcd: {  	v50 =	vld [tilespmem:s4+$0x2280];
	_ =	sdelay $0x1  }
0xce: {  	v51 =	vld.idx.msk [tilespmem:v48+s16+$0x0], $0xffff  }
0xcf: {  	v49 =	vadd.s32 $0x340, v7;
	v0 =	vmul.f32 v47, v0;
	_ =	sdelay $0x1  }
0xd0: {  	v53 =	vadd.s32 $0x3C0, v8;
	v3 =	vmul.f32 v50, v3;
	v0 =	vadd.f32 v0, v4;
	_ =	sdelay $0x1  }
0xd1: {  	v52 =	vld [tilespmem:s26+$0x2D00];
	v3 =	vadd.f32 v3, v51;
	[tilespmem:s26+$0xAC80] =	vst v0  }
0xd2: {  	v0 =	vld.idx.msk [tilespmem:v49+s7+$0x0], $0xffff  }
0xd3: {  	[tilespmem:s4+$0xA280] =	vst v3;
	v5 =	vld.idx.msk [tilespmem:v49+s16+$0x0], $0xffff  }
0xd4: {  	s3 =	sor.u32 $0xB80, s15;
	v3 =	vld.idx.msk [tilespmem:v53+s7+$0x0], $0xffff  }
0xd5: {  	v55 =	vld [tilespmem:s3+$0x2280];
	_ =	sdelay $0x1  }
0xd6: {  	v54 =	vadd.s32 $0x380, v7;
	v56 =	vld.idx.msk [tilespmem:v53+s16+$0x0], $0xffff;
	v0 =	vmul.f32 v52, v0;
	_ =	sdelay $0x1  }
0xd7: {  	v0 =	vadd.f32 v0, v5  }
0xd8: {  	v58 =	vadd.s32 $0x400, v8;
	v3 =	vmul.f32 v55, v3  }
0xd9: {  	[tilespmem:s26+$0xAD00] =	vst v0  }
0xda: {  	s4 =	sor.u32 $0xB00, s28;
	v3 =	vadd.f32 v3, v56;
	v0 =	vld.idx.msk [tilespmem:v54+s7+$0x0], $0xffff  }
0xdb: {  	v57 =	vld [tilespmem:s4+$0x2280]  }
0xdc: {  	[tilespmem:s3+$0xA280] =	vst v3;
	v4 =	vld.idx.msk [tilespmem:v54+s16+$0x0], $0xffff  }
0xdd: {  	v3 =	vld.idx.msk [tilespmem:v58+s7+$0x0], $0xffff  }
0xde: {  	v60 =	vld [tilespmem:s0+$0x3280];
	_ =	sdelay $0x1  }
0xdf: {  	v59 =	vadd.s32 $0x3C0, v7;
	v61 =	vld.idx.msk [tilespmem:v58+s16+$0x0], $0xffff;
	v0 =	vmul.f32 v57, v0;
	_ =	sdelay $0x1  }
0xe0: {  	v0 =	vadd.f32 v0, v4  }
0xe1: {  	v63 =	vadd.s32 $0x440, v8;
	v3 =	vmul.f32 v60, v3  }
0xe2: {  	[tilespmem:s4+$0xA280] =	vst v0  }
0xe3: {  	s3 =	sor.u32 $0xB80, s28;
	v3 =	vadd.f32 v3, v61;
	v0 =	vld.idx.msk [tilespmem:v59+s7+$0x0], $0xffff  }
0xe4: {  	v62 =	vld [tilespmem:s3+$0x2280]  }
0xe5: {  	[tilespmem:s0+$0xB280] =	vst v3;
	v5 =	vld.idx.msk [tilespmem:v59+s16+$0x0], $0xffff  }
0xe6: {  	s4 =	sor.u32 $0x1080, s31;
	v3 =	vld.idx.msk [tilespmem:v63+s7+$0x0], $0xffff  }
0xe7: {  	v11 =	vld [tilespmem:s4+$0x2280];
	_ =	sdelay $0x1  }
0xe8: {  	v10 =	vadd.s32 $0x400, v7;
	v12 =	vld.idx.msk [tilespmem:v63+s16+$0x0], $0xffff;
	v0 =	vmul.f32 v62, v0;
	_ =	sdelay $0x1  }
0xe9: {  	v0 =	vadd.f32 v0, v5  }
0xea: {  	v14 =	vadd.s32 $0x480, v8;
	v3 =	vmul.f32 v11, v3  }
0xeb: {  	[tilespmem:s3+$0xA280] =	vst v0  }
0xec: {  	v3 =	vadd.f32 v3, v12;
	v0 =	vld.idx.msk [tilespmem:v10+s7+$0x0], $0xffff  }
0xed: {  	v13 =	vld [tilespmem:s26+$0x3280]  }
0xee: {  	[tilespmem:s4+$0xA280] =	vst v3;
	v4 =	vld.idx.msk [tilespmem:v10+s16+$0x0], $0xffff  }
0xef: {  	v3 =	vld.idx.msk [tilespmem:v14+s7+$0x0], $0xffff  }
0xf0: {  	v16 =	vld [tilespmem:s0+$0x3380];
	_ =	sdelay $0x1  }
0xf1: {  	v17 =	vld.idx.msk [tilespmem:v14+s16+$0x0], $0xffff  }
0xf2: {  	v15 =	vadd.s32 $0x440, v7;
	v0 =	vmul.f32 v13, v0;
	_ =	sdelay $0x1  }
0xf3: {  	v19 =	vadd.s32 $0x4C0, v8;
	v3 =	vmul.f32 v16, v3;
	v0 =	vadd.f32 v0, v4;
	_ =	sdelay $0x1  }
0xf4: {  	v18 =	vld [tilespmem:s26+$0x3300];
	v3 =	vadd.f32 v3, v17;
	[tilespmem:s26+$0xB280] =	vst v0  }
0xf5: {  	v0 =	vld.idx.msk [tilespmem:v15+s7+$0x0], $0xffff  }
0xf6: {  	[tilespmem:s0+$0xB380] =	vst v3;
	v5 =	vld.idx.msk [tilespmem:v15+s16+$0x0], $0xffff  }
0xf7: {  	s4 =	sor.u32 $0x1180, s31;
	v3 =	vld.idx.msk [tilespmem:v19+s7+$0x0], $0xffff  }
0xf8: {  	v54 =	vld [tilespmem:s4+$0x2280];
	_ =	sdelay $0x1  }
0xf9: {  	v21 =	vld.idx.msk [tilespmem:v19+s16+$0x0], $0xffff  }
0xfa: {  	v20 =	vadd.s32 $0x480, v7;
	v0 =	vmul.f32 v18, v0;
	_ =	sdelay $0x1  }
0xfb: {  	v23 =	vadd.s32 $0x500, v8;
	v3 =	vmul.f32 v54, v3;
	v0 =	vadd.f32 v0, v5;
	_ =	sdelay $0x1  }
0xfc: {  	v22 =	vld [tilespmem:s26+$0x3380];
	v3 =	vadd.f32 v3, v21;
	[tilespmem:s26+$0xB300] =	vst v0  }
0xfd: {  	v0 =	vld.idx.msk [tilespmem:v20+s7+$0x0], $0xffff  }
0xfe: {  	[tilespmem:s4+$0xA280] =	vst v3;
	v4 =	vld.idx.msk [tilespmem:v20+s16+$0x0], $0xffff  }
0xff: {  	v3 =	vld.idx.msk [tilespmem:v23+s7+$0x0], $0xffff  }
0x100: {  	v26 =	vld [tilespmem:s0+$0x3480];
	_ =	sdelay $0x1  }
0x101: {  	v27 =	vld.idx.msk [tilespmem:v23+s16+$0x0], $0xffff  }
0x102: {  	v24 =	vadd.s32 $0x4C0, v7;
	v0 =	vmul.f32 v22, v0;
	_ =	sdelay $0x1  }
0x103: {  	v30 =	vadd.s32 $0x540, v8;
	v3 =	vmul.f32 v26, v3;
	v0 =	vadd.f32 v0, v4;
	_ =	sdelay $0x1  }
0x104: {  	v29 =	vld [tilespmem:s26+$0x3400];
	v3 =	vadd.f32 v3, v27;
	[tilespmem:s26+$0xB380] =	vst v0  }
0x105: {  	v0 =	vld.idx.msk [tilespmem:v24+s7+$0x0], $0xffff  }
0x106: {  	[tilespmem:s0+$0xB480] =	vst v3;
	v5 =	vld.idx.msk [tilespmem:v24+s16+$0x0], $0xffff  }
0x107: {  	s4 =	sor.u32 $0x1280, s31;
	v3 =	vld.idx.msk [tilespmem:v30+s7+$0x0], $0xffff  }
0x108: {  	[tilespmem:$0x1FE80] =	vst v52;
	v52 =	vld [tilespmem:s4+$0x2280];
	_ =	sdelay $0x1  }
0x109: {  	v32 =	vld.idx.msk [tilespmem:v30+s16+$0x0], $0xffff  }
0x10a: {  	v31 =	vadd.s32 $0x500, v7;
	v0 =	vmul.f32 v29, v0;
	_ =	sdelay $0x1  }
0x10b: {  	v34 =	vadd.s32 $0x580, v8;
	v3 =	vmul.f32 v52, v3;
	v0 =	vadd.f32 v0, v5;
	_ =	sdelay $0x1  }
0x10c: {  	v33 =	vld [tilespmem:s26+$0x3480];
	v3 =	vadd.f32 v3, v32;
	[tilespmem:s26+$0xB400] =	vst v0  }
0x10d: {  	v0 =	vld.idx.msk [tilespmem:v31+s7+$0x0], $0xffff  }
0x10e: {  	[tilespmem:s4+$0xA280] =	vst v3;
	v4 =	vld.idx.msk [tilespmem:v31+s16+$0x0], $0xffff  }
0x10f: {  	s4 =	sor.u32 $0x1300, s2;
	v3 =	vld.idx.msk [tilespmem:v34+s7+$0x0], $0xffff  }
0x110: {  	v36 =	vld [tilespmem:s4+$0x2280];
	_ =	sdelay $0x1  }
0x111: {  	v37 =	vld.idx.msk [tilespmem:v34+s16+$0x0], $0xffff  }
0x112: {  	v35 =	vadd.s32 $0x540, v7;
	v0 =	vmul.f32 v33, v0;
	_ =	sdelay $0x1  }
0x113: {  	v39 =	vadd.s32 $0x5C0, v8;
	v3 =	vmul.f32 v36, v3;
	v0 =	vadd.f32 v0, v4;
	_ =	sdelay $0x1  }
0x114: {  	v38 =	vld [tilespmem:s26+$0x3500];
	v3 =	vadd.f32 v3, v37;
	[tilespmem:s26+$0xB480] =	vst v0  }
0x115: {  	v0 =	vld.idx.msk [tilespmem:v35+s7+$0x0], $0xffff  }
0x116: {  	[tilespmem:s4+$0xA280] =	vst v3;
	v5 =	vld.idx.msk [tilespmem:v35+s16+$0x0], $0xffff  }
0x117: {  	s3 =	sor.u32 $0x1380, s15;
	v3 =	vld.idx.msk [tilespmem:v39+s7+$0x0], $0xffff  }
0x118: {  	v41 =	vld [tilespmem:s3+$0x2280];
	_ =	sdelay $0x1  }
0x119: {  	v40 =	vadd.s32 $0x580, v7;
	v42 =	vld.idx.msk [tilespmem:v39+s16+$0x0], $0xffff;
	v0 =	vmul.f32 v38, v0;
	_ =	sdelay $0x1  }
0x11a: {  	v0 =	vadd.f32 v0, v5  }
0x11b: {  	v44 =	vadd.s32 $0x600, v8;
	v3 =	vmul.f32 v41, v3  }
0x11c: {  	[tilespmem:s26+$0xB500] =	vst v0  }
0x11d: {  	s4 =	sor.u32 $0x1300, s28;
	v3 =	vadd.f32 v3, v42;
	v0 =	vld.idx.msk [tilespmem:v40+s7+$0x0], $0xffff  }
0x11e: {  	v43 =	vld [tilespmem:s4+$0x2280]  }
0x11f: {  	[tilespmem:s3+$0xA280] =	vst v3;
	v4 =	vld.idx.msk [tilespmem:v40+s16+$0x0], $0xffff  }
0x120: {  	v3 =	vld.idx.msk [tilespmem:v44+s7+$0x0], $0xffff  }
0x121: {  	[tilespmem:$0x1FEA0] =	vst v62;
	v62 =	vld [tilespmem:s0+$0x3A80];
	_ =	sdelay $0x1  }
0x122: {  	v45 =	vadd.s32 $0x5C0, v7;
	v46 =	vld.idx.msk [tilespmem:v44+s16+$0x0], $0xffff;
	v0 =	vmul.f32 v43, v0;
	_ =	sdelay $0x1  }
0x123: {  	v0 =	vadd.f32 v0, v4  }
0x124: {  	v48 =	vadd.s32 $0x640, v8;
	v3 =	vmul.f32 v62, v3  }
0x125: {  	[tilespmem:s4+$0xA280] =	vst v0  }
0x126: {  	s3 =	sor.u32 $0x1380, s28;
	v3 =	vadd.f32 v3, v46;
	v0 =	vld.idx.msk [tilespmem:v45+s7+$0x0], $0xffff  }
0x127: {  	[tilespmem:$0x1FE70] =	vst v47;
	v47 =	vld [tilespmem:s3+$0x2280]  }
0x128: {  	[tilespmem:s0+$0xBA80] =	vst v3;
	v5 =	vld.idx.msk [tilespmem:v45+s16+$0x0], $0xffff  }
0x129: {  	s4 =	sor.u32 $0x1880, s31;
	v3 =	vld.idx.msk [tilespmem:v48+s7+$0x0], $0xffff  }
0x12a: {  	[tilespmem:$0x1FD50] =	vst v60;
	v60 =	vld [tilespmem:s4+$0x2280];
	_ =	sdelay $0x1  }
0x12b: {  	[tilespmem:$0x1FD30] =	vst v50;
	v49 =	vadd.s32 $0x600, v7;
	v50 =	vld.idx.msk [tilespmem:v48+s16+$0x0], $0xffff;
	v0 =	vmul.f32 v47, v0;
	_ =	sdelay $0x1  }
0x12c: {  	v0 =	vadd.f32 v0, v5  }
0x12d: {  	v53 =	vadd.s32 $0x680, v8;
	v3 =	vmul.f32 v60, v3  }
0x12e: {  	[tilespmem:s3+$0xA280] =	vst v0  }
0x12f: {  	v3 =	vadd.f32 v3, v50;
	v0 =	vld.idx.msk [tilespmem:v49+s7+$0x0], $0xffff  }
0x130: {  	v51 =	vld [tilespmem:s26+$0x3A80]  }
0x131: {  	[tilespmem:s4+$0xA280] =	vst v3;
	v4 =	vld.idx.msk [tilespmem:v49+s16+$0x0], $0xffff  }
0x132: {  	v3 =	vld.idx.msk [tilespmem:v53+s7+$0x0], $0xffff  }
0x133: {  	v58 =	vld [tilespmem:s0+$0x3B80];
	_ =	sdelay $0x1  }
0x134: {  	v61 =	vld.idx.msk [tilespmem:v53+s16+$0x0], $0xffff  }
0x135: {  	[tilespmem:$0x1FD40] =	vst v55;
	v55 =	vadd.s32 $0x640, v7;
	v0 =	vmul.f32 v51, v0;
	_ =	sdelay $0x1  }
0x136: {  	v10 =	vadd.s32 $0x6C0, v8;
	v3 =	vmul.f32 v58, v3;
	v0 =	vadd.f32 v0, v4;
	_ =	sdelay $0x1  }
0x137: {  	v63 =	vld [tilespmem:s26+$0x3B00];
	v3 =	vadd.f32 v3, v61;
	[tilespmem:s26+$0xBA80] =	vst v0  }
0x138: {  	v0 =	vld.idx.msk [tilespmem:v55+s7+$0x0], $0xffff  }
0x139: {  	[tilespmem:s0+$0xBB80] =	vst v3;
	v5 =	vld.idx.msk [tilespmem:v55+s16+$0x0], $0xffff  }
0x13a: {  	s4 =	sor.u32 $0x1980, s31;
	v3 =	vld.idx.msk [tilespmem:v10+s7+$0x0], $0xffff  }
0x13b: {  	v56 =	vld [tilespmem:s4+$0x2280];
	_ =	sdelay $0x1  }
0x13c: {  	v12 =	vld.idx.msk [tilespmem:v10+s16+$0x0], $0xffff  }
0x13d: {  	[tilespmem:$0x1FD60] =	vst v11;
	v11 =	vadd.s32 $0x680, v7;
	v0 =	vmul.f32 v63, v0;
	_ =	sdelay $0x1  }
0x13e: {  	v14 =	vadd.s32 $0x700, v8;
	v3 =	vmul.f32 v56, v3;
	v0 =	vadd.f32 v0, v5  }
0x13f: {  	[tilespmem:$0x1FEB0] =	vst v13  }
0x140: {  	v13 =	vld [tilespmem:s26+$0x3B80];
	v3 =	vadd.f32 v3, v12;
	[tilespmem:s26+$0xBB00] =	vst v0  }
0x141: {  	v0 =	vld.idx.msk [tilespmem:v11+s7+$0x0], $0xffff  }
0x142: {  	[tilespmem:s4+$0xA280] =	vst v3;
	v4 =	vld.idx.msk [tilespmem:v11+s16+$0x0], $0xffff  }
0x143: {  	v3 =	vld.idx.msk [tilespmem:v14+s7+$0x0], $0xffff  }
0x144: {  	[tilespmem:$0x1FF10] =	vst v43;
	v43 =	vld [tilespmem:s0+$0x3C80];
	_ =	sdelay $0x1  }
0x145: {  	[tilespmem:$0x1FD70] =	vst v16;
	v16 =	vld.idx.msk [tilespmem:v14+s16+$0x0], $0xffff  }
0x146: {  	v15 =	vadd.s32 $0x6C0, v7;
	v0 =	vmul.f32 v13, v0;
	_ =	sdelay $0x1  }
0x147: {  	[tilespmem:$0x1FEC0] =	vst v18;
	v18 =	vadd.s32 $0x740, v8;
	v3 =	vmul.f32 v43, v3;
	v0 =	vadd.f32 v0, v4;
	_ =	sdelay $0x1  }
0x148: {  	v17 =	vld [tilespmem:s26+$0x3C00];
	v3 =	vadd.f32 v3, v16;
	[tilespmem:s26+$0xBB80] =	vst v0  }
0x149: {  	v0 =	vld.idx.msk [tilespmem:v15+s7+$0x0], $0xffff  }
0x14a: {  	[tilespmem:s0+$0xBC80] =	vst v3;
	v5 =	vld.idx.msk [tilespmem:v15+s16+$0x0], $0xffff  }
0x14b: {  	s4 =	sor.u32 $0x1A80, s31;
	v3 =	vld.idx.msk [tilespmem:v18+s7+$0x0], $0xffff  }
0x14c: {  	[tilespmem:$0x1FF30] =	vst v51;
	v51 =	vld [tilespmem:s4+$0x2280];
	_ =	sdelay $0x1  }
0x14d: {  	v20 =	vld.idx.msk [tilespmem:v18+s16+$0x0], $0xffff  }
0x14e: {  	v19 =	vadd.s32 $0x700, v7;
	v0 =	vmul.f32 v17, v0;
	_ =	sdelay $0x1  }
0x14f: {  	[tilespmem:$0x1FED0] =	vst v22;
	v22 =	vadd.s32 $0x780, v8;
	v3 =	vmul.f32 v51, v3;
	v0 =	vadd.f32 v0, v5;
	_ =	sdelay $0x1  }
0x150: {  	v21 =	vld [tilespmem:s26+$0x3C80];
	v3 =	vadd.f32 v3, v20;
	[tilespmem:s26+$0xBC00] =	vst v0  }
0x151: {  	v0 =	vld.idx.msk [tilespmem:v19+s7+$0x0], $0xffff  }
0x152: {  	[tilespmem:s4+$0xA280] =	vst v3;
	v4 =	vld.idx.msk [tilespmem:v19+s16+$0x0], $0xffff  }
0x153: {  	s4 =	sor.u32 $0x1B00, s2;
	v3 =	vld.idx.msk [tilespmem:v22+s7+$0x0], $0xffff  }
0x154: {  	v39 =	vld [tilespmem:s4+$0x2280];
	_ =	sdelay $0x1  }
0x155: {  	v24 =	vld.idx.msk [tilespmem:v22+s16+$0x0], $0xffff  }
0x156: {  	v23 =	vadd.s32 $0x740, v7;
	v0 =	vmul.f32 v21, v0;
	_ =	sdelay $0x1  }
0x157: {  	[tilespmem:$0x1FEE0] =	vst v29;
	v29 =	vadd.s32 $0x7C0, v8;
	v3 =	vmul.f32 v39, v3;
	v0 =	vadd.f32 v0, v4;
	_ =	sdelay $0x1  }
0x158: {  	v27 =	vld [tilespmem:s26+$0x3D00];
	[tilespmem:s26+$0xBC80] =	vst v0;
	v0 =	vadd.f32 v3, v24  }
0x159: {  	[tilespmem:$0x1FD80] =	vst v26;
	v26 =	vld.idx.msk [tilespmem:v23+s7+$0x0], $0xffff  }
0x15a: {  	v5 =	vld.idx.msk [tilespmem:v23+s16+$0x0], $0xffff;
	[tilespmem:s4+$0xA280] =	vst v0  }
0x15b: {  	[tilespmem:$0x1FEF0] =	vst v33;
	s3 =	sor.u32 $0x1B80, s15;
	v33 =	vld.idx.msk [tilespmem:v29+s7+$0x0], $0xffff  }
0x15c: {  	v48 =	vld [tilespmem:s3+$0x2280];
	_ =	sdelay $0x1  }
0x15d: {  	v31 =	vadd.s32 $0x780, v7;
	v34 =	vld.idx.msk [tilespmem:v29+s16+$0x0], $0xffff;
	v30 =	vmul.f32 v27, v26;
	_ =	sdelay $0x1  }
0x15e: {  	v32 =	vadd.f32 v30, v5  }
0x15f: {  	v37 =	vadd.s32 $0x800, v8;
	v3 =	vmul.f32 v48, v33  }
0x160: {  	[tilespmem:s26+$0xBD00] =	vst v32  }
0x161: {  	s4 =	sor.u32 $0x1B00, s28;
	v0 =	vadd.f32 v3, v34;
	v35 =	vld.idx.msk [tilespmem:v31+s7+$0x0], $0xffff  }
0x162: {  	[tilespmem:$0x1FD90] =	vst v36;
	v36 =	vld [tilespmem:s4+$0x2280]  }
0x163: {  	v4 =	vld.idx.msk [tilespmem:v31+s16+$0x0], $0xffff;
	[tilespmem:s3+$0xA280] =	vst v0  }
0x164: {  	v42 =	vld.idx.msk [tilespmem:v37+s7+$0x0], $0xffff  }
0x165: {  	v45 =	vld [tilespmem:s0+$0x4280];
	_ =	sdelay $0x1  }
0x166: {  	[tilespmem:$0x1FF00] =	vst v38;
	v40 =	vadd.s32 $0x7C0, v7;
	v46 =	vld.idx.msk [tilespmem:v37+s16+$0x0], $0xffff;
	v38 =	vmul.f32 v36, v35;
	_ =	sdelay $0x1  }
0x167: {  	[tilespmem:$0x1FDA0] =	vst v41;
	v41 =	vadd.f32 v38, v4  }
0x168: {  	v50 =	vadd.s32 $0x840, v8;
	v3 =	vmul.f32 v45, v42  }
0x169: {  	[tilespmem:s4+$0xA280] =	vst v41  }
0x16a: {  	[tilespmem:$0x1FF20] =	vst v47;
	s3 =	sor.u32 $0x1B80, s28;
	v0 =	vadd.f32 v3, v46;
	v47 =	vld.idx.msk [tilespmem:v40+s7+$0x0], $0xffff  }
0x16b: {  	v49 =	vld [tilespmem:s3+$0x2280]  }
0x16c: {  	v5 =	vld.idx.msk [tilespmem:v40+s16+$0x0], $0xffff;
	[tilespmem:s0+$0xC280] =	vst v0  }
0x16d: {  	s4 =	sor.u32 $0x2080, s31;
	v59 =	vld.idx.msk [tilespmem:v50+s7+$0x0], $0xffff  }
0x16e: {  	v44 =	vld [tilespmem:s4+$0x2280];
	_ =	sdelay $0x1  }
0x16f: {  	v55 =	vadd.s32 $0x800, v7;
	v61 =	vld.idx.msk [tilespmem:v50+s16+$0x0], $0xffff;
	v53 =	vmul.f32 v49, v47;
	_ =	sdelay $0x1  }
0x170: {  	[tilespmem:$0x1FE90] =	vst v57;
	v57 =	vadd.f32 v53, v5  }
0x171: {  	v11 =	vadd.s32 $0x880, v8;
	v3 =	vmul.f32 v44, v59  }
0x172: {  	[tilespmem:s3+$0xA280] =	vst v57  }
0x173: {  	[tilespmem:$0x1FF40] =	vst v63;
	v0 =	vadd.f32 v3, v61;
	v63 =	vld.idx.msk [tilespmem:v55+s7+$0x0], $0xffff  }
0x174: {  	v10 =	vld [tilespmem:s26+$0x4280]  }
0x175: {  	v4 =	vld.idx.msk [tilespmem:v55+s16+$0x0], $0xffff;
	[tilespmem:s4+$0xA280] =	vst v0  }
0x176: {  	v15 =	vld.idx.msk [tilespmem:v11+s7+$0x0], $0xffff  }
0x177: {  	v40 =	vld [tilespmem:s0+$0x4380];
	_ =	sdelay $0x1  }
0x178: {  	v16 =	vld.idx.msk [tilespmem:v11+s16+$0x0], $0xffff  }
0x179: {  	[tilespmem:$0x1FF50] =	vst v13;
	v13 =	vadd.s32 $0x840, v7;
	v12 =	vmul.f32 v10, v63;
	_ =	sdelay $0x1  }
0x17a: {  	v19 =	vadd.s32 $0x8C0, v8;
	v14 =	vadd.f32 v12, v4;
	v3 =	vmul.f32 v40, v15;
	_ =	sdelay $0x1  }
0x17b: {  	v18 =	vld [tilespmem:s26+$0x4300];
	[tilespmem:s26+$0xC280] =	vst v14;
	v0 =	vadd.f32 v3, v16  }
0x17c: {  	[tilespmem:$0x1FF60] =	vst v17;
	v17 =	vld.idx.msk [tilespmem:v13+s7+$0x0], $0xffff  }
0x17d: {  	v5 =	vld.idx.msk [tilespmem:v13+s16+$0x0], $0xffff;
	[tilespmem:s0+$0xC380] =	vst v0  }
0x17e: {  	s4 =	sor.u32 $0x2180, s31;
	v23 =	vld.idx.msk [tilespmem:v19+s7+$0x0], $0xffff  }
0x17f: {  	v38 =	vld [tilespmem:s4+$0x2280];
	_ =	sdelay $0x1  }
0x180: {  	v24 =	vld.idx.msk [tilespmem:v19+s16+$0x0], $0xffff  }
0x181: {  	[tilespmem:$0x1FF70] =	vst v21;
	v21 =	vadd.s32 $0x880, v7;
	v20 =	vmul.f32 v18, v17;
	_ =	sdelay $0x1  }
0x182: {  	v29 =	vadd.s32 $0x900, v8;
	v22 =	vadd.f32 v20, v5;
	v3 =	vmul.f32 v38, v23  }
0x183: {  	[tilespmem:$0x1FF80] =	vst v27  }
0x184: {  	v27 =	vld [tilespmem:s26+$0x4380];
	[tilespmem:s26+$0xC300] =	vst v22;
	v0 =	vadd.f32 v3, v24  }
0x185: {  	v26 =	vld.idx.msk [tilespmem:v21+s7+$0x0], $0xffff  }
0x186: {  	v4 =	vld.idx.msk [tilespmem:v21+s16+$0x0], $0xffff;
	[tilespmem:s4+$0xA280] =	vst v0  }
0x187: {  	v37 =	vld.idx.msk [tilespmem:v29+s7+$0x0], $0xffff  }
0x188: {  	v35 =	vld [tilespmem:s0+$0x4480];
	_ =	sdelay $0x1  }
0x189: {  	v41 =	vld.idx.msk [tilespmem:v29+s16+$0x0], $0xffff  }
0x18a: {  	v31 =	vadd.s32 $0x8C0, v7;
	v30 =	vmul.f32 v27, v26;
	_ =	sdelay $0x1  }
0x18b: {  	[tilespmem:$0x1FF90] =	vst v36;
	v47 =	vadd.s32 $0x940, v8;
	v36 =	vadd.f32 v30, v4;
	v3 =	vmul.f32 v35, v37;
	_ =	sdelay $0x1  }
0x18c: {  	v46 =	vld [tilespmem:s26+$0x4400];
	[tilespmem:s26+$0xC380] =	vst v36;
	v0 =	vadd.f32 v3, v41  }
0x18d: {  	v42 =	vld.idx.msk [tilespmem:v31+s7+$0x0], $0xffff  }
0x18e: {  	v5 =	vld.idx.msk [tilespmem:v31+s16+$0x0], $0xffff;
	[tilespmem:s0+$0xC480] =	vst v0  }
0x18f: {  	s4 =	sor.u32 $0x2280, s31;
	v55 =	vld.idx.msk [tilespmem:v47+s7+$0x0], $0xffff  }
0x190: {  	v33 =	vld [tilespmem:s4+$0x2280];
	_ =	sdelay $0x1  }
0x191: {  	v57 =	vld.idx.msk [tilespmem:v47+s16+$0x0], $0xffff  }
0x192: {  	v50 =	vadd.s32 $0x900, v7;
	[tilespmem:$0x1FFA0] =	vst v49;
	v49 =	vmul.f32 v46, v42;
	_ =	sdelay $0x1  }
0x193: {  	[tilespmem:$0x1FFB0] =	vst v10;
	v10 =	vadd.s32 $0x980, v8;
	v53 =	vadd.f32 v49, v5;
	v3 =	vmul.f32 v33, v55;
	_ =	sdelay $0x1  }
0x194: {  	v63 =	vld [tilespmem:s26+$0x4480];
	[tilespmem:s26+$0xC400] =	vst v53;
	v0 =	vadd.f32 v3, v57  }
0x195: {  	v59 =	vld.idx.msk [tilespmem:v50+s7+$0x0], $0xffff  }
0x196: {  	v4 =	vld.idx.msk [tilespmem:v50+s16+$0x0], $0xffff;
	[tilespmem:s4+$0xA280] =	vst v0  }
0x197: {  	s4 =	sor.u32 $0x2300, s2;
	v14 =	vld.idx.msk [tilespmem:v10+s7+$0x0], $0xffff  }
0x198: {  	v22 =	vld [tilespmem:s4+$0x2280];
	_ =	sdelay $0x1  }
0x199: {  	v15 =	vld.idx.msk [tilespmem:v10+s16+$0x0], $0xffff  }
0x19a: {  	v12 =	vadd.s32 $0x940, v7;
	v11 =	vmul.f32 v63, v59;
	_ =	sdelay $0x1  }
0x19b: {  	v17 =	vadd.s32 $0x9C0, v8;
	v13 =	vadd.f32 v11, v4;
	v3 =	vmul.f32 v22, v14;
	_ =	sdelay $0x1  }
0x19c: {  	v61 =	vld [tilespmem:s26+$0x4500];
	[tilespmem:s26+$0xC480] =	vst v13;
	v0 =	vadd.f32 v3, v15  }
0x19d: {  	v16 =	vld.idx.msk [tilespmem:v12+s7+$0x0], $0xffff  }
0x19e: {  	v5 =	vld.idx.msk [tilespmem:v12+s16+$0x0], $0xffff;
	[tilespmem:s4+$0xA280] =	vst v0  }
0x19f: {  	s3 =	sor.u32 $0x2380, s15;
	v21 =	vld.idx.msk [tilespmem:v17+s7+$0x0], $0xffff  }
0x1a0: {  	v30 =	vld [tilespmem:s3+$0x2280];
	_ =	sdelay $0x1  }
0x1a1: {  	[tilespmem:$0x1FFC0] =	vst v18;
	v19 =	vadd.s32 $0x980, v7;
	v23 =	vld.idx.msk [tilespmem:v17+s16+$0x0], $0xffff;
	v18 =	vmul.f32 v61, v16;
	_ =	sdelay $0x1  }
0x1a2: {  	v20 =	vadd.f32 v18, v5  }
0x1a3: {  	v26 =	vadd.s32 $0xA00, v8;
	v3 =	vmul.f32 v30, v21  }
0x1a4: {  	[tilespmem:s26+$0xC500] =	vst v20  }
0x1a5: {  	s4 =	sor.u32 $0x2300, s28;
	v0 =	vadd.f32 v3, v23;
	v24 =	vld.idx.msk [tilespmem:v19+s7+$0x0], $0xffff  }
0x1a6: {  	v59 =	vld [tilespmem:s4+$0x2280]  }
0x1a7: {  	v4 =	vld.idx.msk [tilespmem:v19+s16+$0x0], $0xffff;
	[tilespmem:s3+$0xA280] =	vst v0  }
0x1a8: {  	v32 =	vld.idx.msk [tilespmem:v26+s7+$0x0], $0xffff  }
0x1a9: {  	v18 =	vld [tilespmem:s0+$0x4A80];
	_ =	sdelay $0x1  }
0x1aa: {  	[tilespmem:$0x1FFD0] =	vst v27;
	v29 =	vadd.s32 $0x9C0, v7;
	v34 =	vld.idx.msk [tilespmem:v26+s16+$0x0], $0xffff;
	v27 =	vmul.f32 v59, v24;
	_ =	sdelay $0x1  }
0x1ab: {  	v31 =	vadd.f32 v27, v4  }
0x1ac: {  	v37 =	vadd.s32 $0xA40, v8;
	v3 =	vmul.f32 v18, v32  }
0x1ad: {  	[tilespmem:s4+$0xA280] =	vst v31  }
0x1ae: {  	s3 =	sor.u32 $0x2380, s28;
	v0 =	vadd.f32 v3, v34;
	v36 =	vld.idx.msk [tilespmem:v29+s7+$0x0], $0xffff  }
0x1af: {  	v57 =	vld [tilespmem:s3+$0x2280]  }
0x1b0: {  	v5 =	vld.idx.msk [tilespmem:v29+s16+$0x0], $0xffff;
	[tilespmem:s0+$0xCA80] =	vst v0  }
0x1b1: {  	s4 =	sor.u32 $0x2880, s31;
	v47 =	vld.idx.msk [tilespmem:v37+s7+$0x0], $0xffff  }
0x1b2: {  	v29 =	vld [tilespmem:s4+$0x2280];
	_ =	sdelay $0x1  }
0x1b3: {  	v42 =	vadd.s32 $0xA00, v7;
	v49 =	vld.idx.msk [tilespmem:v37+s16+$0x0], $0xffff;
	v41 =	vmul.f32 v57, v36;
	_ =	sdelay $0x1  }
0x1b4: {  	[tilespmem:$0x1FFE0] =	vst v46;
	v46 =	vadd.f32 v41, v5  }
0x1b5: {  	v10 =	vadd.s32 $0xA80, v8;
	v3 =	vmul.f32 v29, v47  }
0x1b6: {  	[tilespmem:s3+$0xA280] =	vst v46  }
0x1b7: {  	v0 =	vadd.f32 v3, v49;
	v50 =	vld.idx.msk [tilespmem:v42+s7+$0x0], $0xffff  }
0x1b8: {  	v55 =	vld [tilespmem:s26+$0x4A80]  }
0x1b9: {  	v4 =	vld.idx.msk [tilespmem:v42+s16+$0x0], $0xffff;
	[tilespmem:s4+$0xA280] =	vst v0  }
0x1ba: {  	v14 =	vld.idx.msk [tilespmem:v10+s7+$0x0], $0xffff  }
0x1bb: {  	v16 =	vld [tilespmem:s0+$0x4B80];
	_ =	sdelay $0x1  }
0x1bc: {  	v20 =	vld.idx.msk [tilespmem:v10+s16+$0x0], $0xffff  }
0x1bd: {  	v12 =	vadd.s32 $0xA40, v7;
	v11 =	vmul.f32 v55, v50;
	_ =	sdelay $0x1  }
0x1be: {  	v23 =	vadd.s32 $0xAC0, v8;
	v13 =	vadd.f32 v11, v4;
	v3 =	vmul.f32 v16, v14;
	_ =	sdelay $0x1  }
0x1bf: {  	v53 =	vld [tilespmem:s26+$0x4B00];
	[tilespmem:s26+$0xCA80] =	vst v13;
	v0 =	vadd.f32 v3, v20  }
0x1c0: {  	v21 =	vld.idx.msk [tilespmem:v12+s7+$0x0], $0xffff  }
0x1c1: {  	v5 =	vld.idx.msk [tilespmem:v12+s16+$0x0], $0xffff;
	[tilespmem:s0+$0xCB80] =	vst v0  }
0x1c2: {  	s4 =	sor.u32 $0x2980, s31;
	v36 =	vld.idx.msk [tilespmem:v23+s7+$0x0], $0xffff  }
0x1c3: {  	v27 =	vld [tilespmem:s4+$0x2280];
	_ =	sdelay $0x1  }
0x1c4: {  	v37 =	vld.idx.msk [tilespmem:v23+s16+$0x0], $0xffff  }
0x1c5: {  	v32 =	vadd.s32 $0xA80, v7;
	v31 =	vmul.f32 v53, v21;
	_ =	sdelay $0x1  }
0x1c6: {  	v42 =	vadd.s32 $0xB00, v8;
	v34 =	vadd.f32 v31, v5;
	v3 =	vmul.f32 v27, v36;
	_ =	sdelay $0x1  }
0x1c7: {  	v50 =	vld [tilespmem:s26+$0x4B80];
	[tilespmem:s26+$0xCB00] =	vst v34;
	v0 =	vadd.f32 v3, v37  }
0x1c8: {  	v41 =	vld.idx.msk [tilespmem:v32+s7+$0x0], $0xffff  }
0x1c9: {  	v4 =	vld.idx.msk [tilespmem:v32+s16+$0x0], $0xffff;
	[tilespmem:s4+$0xA280] =	vst v0  }
0x1ca: {  	v11 =	vld.idx.msk [tilespmem:v42+s7+$0x0], $0xffff  }
0x1cb: {  	v13 =	vld [tilespmem:s0+$0x4C80];
	_ =	sdelay $0x1  }
0x1cc: {  	v47 =	vadd.s32 $0xAC0, v7;
	v17 =	vld.idx.msk [tilespmem:v42+s16+$0x0], $0xffff;
	v46 =	vmul.f32 v50, v41;
	_ =	sdelay $0x1  }
0x1cd: {  	v10 =	vadd.f32 v46, v4  }
0x1ce: {  	v20 =	vadd.s32 $0xB40, v8;
	v3 =	vmul.f32 v13, v11  }
0x1cf: {  	v49 =	vld [tilespmem:s26+$0x4C00];
	[tilespmem:s26+$0xCB80] =	vst v10  }
0x1d0: {  	v0 =	vadd.f32 v3, v17;
	v19 =	vld.idx.msk [tilespmem:v47+s7+$0x0], $0xffff;
	_ =	sdelay $0x1  }
0x1d1: {  	v5 =	vld.idx.msk [tilespmem:v47+s16+$0x0], $0xffff;
	[tilespmem:s0+$0xCC80] =	vst v0  }
0x1d2: {  	s4 =	sor.u32 $0x2A80, s31;
	v32 =	vld.idx.msk [tilespmem:v20+s7+$0x0], $0xffff  }
0x1d3: {  	v26 =	vld [tilespmem:s4+$0x2280]  }
0x1d4: {  	v23 =	vadd.s32 $0xB00, v7;
	v21 =	vmul.f32 v49, v19  }
0x1d5: {  	v34 =	vld.idx.msk [tilespmem:v20+s16+$0x0], $0xffff  }
0x1d6: {  	v31 =	vadd.f32 v21, v5;
	_ =	sdelay $0x1  }
0x1d7: {  	v37 =	vadd.s32 $0xB80, v8;
	v47 =	vld [tilespmem:s26+$0x4C80];
	v3 =	vmul.f32 v26, v32;
	[tilespmem:s26+$0xCC00] =	vst v31  }
0x1d8: {  	v36 =	vld.idx.msk [tilespmem:v23+s7+$0x0], $0xffff  }
0x1d9: {  	v0 =	vadd.f32 v3, v34  }
0x1da: {  	v4 =	vld.idx.msk [tilespmem:v23+s16+$0x0], $0xffff  }
0x1db: {  	[tilespmem:s4+$0xA280] =	vst v0  }
0x1dc: {  	s4 =	sor.u32 $0x2B00, s2;
	v10 =	vld.idx.msk [tilespmem:v37+s7+$0x0], $0xffff  }
0x1dd: {  	v42 =	vadd.s32 $0xB40, v7;
	v12 =	vld [tilespmem:s4+$0x2280];
	v41 =	vmul.f32 v47, v36;
	_ =	sdelay $0x1  }
0x1de: {  	v11 =	vld.idx.msk [tilespmem:v37+s16+$0x0], $0xffff;
	v46 =	vadd.f32 v41, v4;
	_ =	sdelay $0x1  }
0x1df: {  	[tilespmem:s26+$0xCC80] =	vst v46;
	v46 =	vld [tilespmem:s26+$0x4D00]  }
0x1e0: {  	v15 =	vadd.s32 $0xBC0, v8;
	v3 =	vmul.f32 v12, v10;
	v14 =	vld.idx.msk [tilespmem:v42+s7+$0x0], $0xffff;
	_ =	sdelay $0x1  }
0x1e1: {  	v0 =	vadd.f32 v3, v11;
	v5 =	vld.idx.msk [tilespmem:v42+s16+$0x0], $0xffff;
	_ =	sdelay $0x1  }
0x1e2: {  	[tilespmem:s4+$0xA280] =	vst v0  }
0x1e3: {  	s3 =	sor.u32 $0x2B80, s15;
	v19 =	vadd.s32 $0xB80, v7;
	v21 =	vld.idx.msk [tilespmem:v15+s7+$0x0], $0xffff;
	v17 =	vmul.f32 v46, v14  }
0x1e4: {  	v11 =	vld [tilespmem:s3+$0x2280]  }
0x1e5: {  	v20 =	vadd.f32 v17, v5  }
0x1e6: {  	v23 =	vld.idx.msk [tilespmem:v15+s16+$0x0], $0xffff  }
0x1e7: {  	[tilespmem:s26+$0xCD00] =	vst v20  }
0x1e8: {  	s4 =	sor.u32 $0x2B00, s28;
	v24 =	vld.idx.msk [tilespmem:v19+s7+$0x0], $0xffff  }
0x1e9: {  	v31 =	vadd.s32 $0xC00, v8;
	v3 =	vmul.f32 v11, v21;
	v42 =	vld [tilespmem:s4+$0x2280];
	_ =	sdelay $0x1  }
0x1ea: {  	v0 =	vadd.f32 v3, v23;
	v4 =	vld.idx.msk [tilespmem:v19+s16+$0x0], $0xffff;
	_ =	sdelay $0x1  }
0x1eb: {  	[tilespmem:s3+$0xA280] =	vst v0  }
0x1ec: {  	v34 =	vadd.s32 $0xBC0, v7;
	v37 =	vld.idx.msk [tilespmem:v31+s7+$0x0], $0xffff;
	v32 =	vmul.f32 v42, v24  }
0x1ed: {  	v21 =	vld [tilespmem:s0+$0x5280]  }
0x1ee: {  	v36 =	vadd.f32 v32, v4  }
0x1ef: {  	v10 =	vld.idx.msk [tilespmem:v31+s16+$0x0], $0xffff  }
0x1f0: {  	[tilespmem:s4+$0xA280] =	vst v36  }
0x1f1: {  	s3 =	sor.u32 $0x2B80, s28;
	v14 =	vld.idx.msk [tilespmem:v34+s7+$0x0], $0xffff  }
0x1f2: {  	v15 =	vadd.s32 $0xC40, v8;
	v3 =	vmul.f32 v21, v37;
	v41 =	vld [tilespmem:s3+$0x2280];
	_ =	sdelay $0x1  }
0x1f3: {  	v0 =	vadd.f32 v3, v10;
	v5 =	vld.idx.msk [tilespmem:v34+s16+$0x0], $0xffff;
	_ =	sdelay $0x1  }
0x1f4: {  	[tilespmem:s0+$0xD280] =	vst v0  }
0x1f5: {  	v19 =	vadd.s32 $0xC00, v7;
	s4 =	sor.u32 $0x3080, s31;
	v23 =	vld.idx.msk [tilespmem:v15+s7+$0x0], $0xffff;
	v17 =	vmul.f32 v41, v14  }
0x1f6: {  	v24 =	vld [tilespmem:s4+$0x2280]  }
0x1f7: {  	v20 =	vadd.f32 v17, v5  }
0x1f8: {  	v31 =	vld.idx.msk [tilespmem:v15+s16+$0x0], $0xffff  }
0x1f9: {  	[tilespmem:s3+$0xA280] =	vst v20  }
0x1fa: {  	v32 =	vld.idx.msk [tilespmem:v19+s7+$0x0], $0xffff  }
0x1fb: {  	v34 =	vadd.s32 $0xC80, v8;
	v3 =	vmul.f32 v24, v23;
	v37 =	vld [tilespmem:s26+$0x5280];
	_ =	sdelay $0x1  }
0x1fc: {  	v0 =	vadd.f32 v3, v31;
	v4 =	vld.idx.msk [tilespmem:v19+s16+$0x0], $0xffff;
	_ =	sdelay $0x1  }
0x1fd: {  	[tilespmem:s4+$0xA280] =	vst v0  }
0x1fe: {  	v10 =	vadd.s32 $0xC40, v7;
	v15 =	vld.idx.msk [tilespmem:v34+s7+$0x0], $0xffff;
	v36 =	vmul.f32 v37, v32  }
0x1ff: {  	v23 =	vld [tilespmem:s0+$0x5380]  }
0x200: {  	v14 =	vadd.f32 v36, v4  }
0x201: {  	v17 =	vld.idx.msk [tilespmem:v34+s16+$0x0], $0xffff  }
0x202: {  	v36 =	vld [tilespmem:s26+$0x5300];
	[tilespmem:s26+$0xD280] =	vst v14  }
0x203: {  	v19 =	vld.idx.msk [tilespmem:v10+s7+$0x0], $0xffff  }
0x204: {  	v3 =	vmul.f32 v23, v15;
	v5 =	vld.idx.msk [tilespmem:v10+s16+$0x0], $0xffff;
	v10 =	vadd.s32 $0xCC0, v8;
	_ =	sdelay $0x1  }
0x205: {  	v0 =	vadd.f32 v3, v17;
	_ =	sdelay $0x1  }
0x206: {  	[tilespmem:s0+$0xD380] =	vst v0;
	v20 =	vmul.f32 v36, v19  }
0x207: {  	v31 =	vadd.s32 $0xC80, v7;
	s4 =	sor.u32 $0x3180, s31;
	v15 =	vld.idx.msk [tilespmem:v10+s7+$0x0], $0xffff  }
0x208: {  	v14 =	vadd.f32 v20, v5;
	v20 =	vld [tilespmem:s4+$0x2280];
	_ =	sdelay $0x1  }
0x209: {  	v17 =	vld.idx.msk [tilespmem:v10+s16+$0x0], $0xffff  }
0x20a: {  	v34 =	vld [tilespmem:s26+$0x5380];
	[tilespmem:s26+$0xD300] =	vst v14  }
0x20b: {  	v19 =	vld.idx.msk [tilespmem:v31+s7+$0x0], $0xffff  }
0x20c: {  	v4 =	vld.idx.msk [tilespmem:v31+s16+$0x0], $0xffff;
	v31 =	vadd.s32 $0xD00, v8;
	v3 =	vmul.f32 v20, v15;
	_ =	sdelay $0x1  }
0x20d: {  	v0 =	vadd.f32 v3, v17;
	_ =	sdelay $0x1  }
0x20e: {  	v17 =	vmul.f32 v34, v19;
	v19 =	vadd.s32 $0xCC0, v7;
	[tilespmem:s4+$0xA280] =	vst v0  }
0x20f: {  	v6 =	vld.idx.msk [tilespmem:v31+s7+$0x0], $0xffff  }
0x210: {  	v32 =	vadd.f32 v17, v4;
	v15 =	vld [tilespmem:s0+$0x5480]  }
0x211: {  	v0 =	vld.idx.msk [tilespmem:v31+s16+$0x0], $0xffff  }
0x212: {  	[tilespmem:s26+$0xD380] =	vst v32;
	v32 =	vld [tilespmem:s26+$0x5400]  }
0x213: {  	v14 =	vld.idx.msk [tilespmem:v19+s7+$0x0], $0xffff;
	_ =	sdelay $0x1  }
0x214: {  	v17 =	vadd.s32 $0xD40, v8;
	v5 =	vld.idx.msk [tilespmem:v19+s16+$0x0], $0xffff;
	v3 =	vmul.f32 v15, v6;
	_ =	sdelay $0x1  }
0x215: {  	v0 =	vadd.f32 v3, v0  }
0x216: {  	v19 =	vmul.f32 v32, v14  }
0x217: {  	v10 =	vadd.s32 $0xD00, v7;
	[tilespmem:s0+$0xD480] =	vst v0  }
0x218: {  	s4 =	sor.u32 $0x3280, s31;
	v31 =	vadd.f32 v19, v5;
	v5 =	vld.idx.msk [tilespmem:v17+s7+$0x0], $0xffff  }
0x219: {  	v14 =	vld [tilespmem:s4+$0x2280]  }
0x21a: {  	v1 =	vld.idx.msk [tilespmem:v17+s16+$0x0], $0xffff  }
0x21b: {  	[tilespmem:s26+$0xD400] =	vst v31;
	v31 =	vld [tilespmem:s26+$0x5480]  }
0x21c: {  	v17 =	vld.idx.msk [tilespmem:v10+s7+$0x0], $0xffff  }
0x21d: {  	v3 =	vmul.f32 v9, v9;
	v9 =	vld [tilespmem:$0x1FC80]  }
0x21e: {  	v0 =	vadd.s32 $0xD80, v8;
	v10 =	vld.idx.msk [tilespmem:v10+s16+$0x0], $0xffff;
	v5 =	vmul.f32 v14, v5;
	_ =	sdelay $0x1  }
0x21f: {  	v1 =	vadd.f32 v5, v1  }
0x220: {  	v2 =	vmul.f32 v31, v17  }
0x221: {  	[tilespmem:s4+$0xA280] =	vst v1;
	v1 =	vmul.f32 v9, v9;
	v9 =	vld [tilespmem:$0x1FCA0]  }
0x222: {  	s4 =	sor.u32 $0x3300, s2;
	v6 =	vadd.f32 v2, v10;
	v10 =	vld.idx.msk [tilespmem:v0+s7+$0x0], $0xffff;
	v2 =	vmul.f32 v25, v25;
	v25 =	vmul.f32 v28, v28  }
0x223: {  	v19 =	vld [tilespmem:s4+$0x2280]  }
0x224: {  	v4 =	vadd.f32 v25, v3;
	v25 =	vld [tilespmem:$0x1FC90];
	_ =	sdelay $0x1  }
0x225: {  	[tilespmem:s26+$0xD480] =	vst v6;
	v6 =	vld.idx.msk [tilespmem:v0+s16+$0x0], $0xffff;
	_ =	sdelay $0x1  }
0x226: {  	v10 =	vmul.f32 v19, v10  }
0x227: {  	v1 =	vadd.f32 v1, v2;
	v2 =	vmul.f32 v25, v25;
	v25 =	vmul.f32 v9, v9  }
0x228: {  	v9 =	vld [tilespmem:$0x1FCB0]  }
0x229: {  	v1 =	vadd.f32 v25, v1;
	v25 =	vadd.f32 v10, v6;
	v10 =	vld [tilespmem:$0x1FCC0];
	_ =	sdelay $0x3  }
0x22a: {  	v17 =	vadd.s32 $0xD40, v7  }
0x22b: {  	v2 =	vadd.f32 v2, v4;
	v4 =	vmul.f32 v9, v9;
	v6 =	vmul.f32 v10, v10;
	_ =	sdelay $0x1  }
0x22c: {  	v2 =	vadd.f32 v4, v2;
	v4 =	vadd.f32 v6, v1;
	v6 =	vld [tilespmem:$0x1FCE0];
	_ =	sdelay $0x1  }
0x22d: {  	v28 =	vld [tilespmem:s26+$0x5500]  }
0x22e: {  	v5 =	vld.idx.msk [tilespmem:v17+s7+$0x0], $0xffff  }
0x22f: {  	[tilespmem:s4+$0xA280] =	vst v25;
	v25 =	vld [tilespmem:$0x1FCD0]  }
0x230: {  	v17 =	vld.idx.msk [tilespmem:v17+s16+$0x0], $0xffff;
	v6 =	vmul.f32 v6, v6  }
0x231: {  	v0 =	vadd.s32 $0xDC0, v8;
	v9 =	vld [tilespmem:$0x1FCF0]  }
0x232: {  	v4 =	vadd.f32 v6, v4;
	v6 =	vld [tilespmem:$0x1FD00];
	_ =	sdelay $0x1  }
0x233: {  	v5 =	vmul.f32 v28, v5;
	v3 =	vmul.f32 v25, v25;
	_ =	sdelay $0x1  }
0x234: {  	s3 =	sor.u32 $0x3380, s15;
	v5 =	vadd.f32 v5, v17;
	v17 =	vld.idx.msk [tilespmem:v0+s7+$0x0], $0xffff;
	v25 =	vmul.f32 v9, v9;
	v2 =	vadd.f32 v3, v2  }
0x235: {  	v10 =	vadd.s32 $0xD80, v7;
	v9 =	vld [tilespmem:s3+$0x2280];
	v3 =	vmul.f32 v6, v6  }
0x236: {  	v2 =	vadd.f32 v25, v2;
	v25 =	vld [tilespmem:$0x1FD10]  }
0x237: {  	v3 =	vadd.f32 v3, v4;
	v4 =	vld [tilespmem:$0x1FD20];
	_ =	sdelay $0x1  }
0x238: {  	[tilespmem:s26+$0xD500] =	vst v5;
	v5 =	vld.idx.msk [tilespmem:v0+s16+$0x0], $0xffff  }
0x239: {  	s4 =	sor.u32 $0x3300, s28;
	v1 =	vld.idx.msk [tilespmem:v10+s7+$0x0], $0xffff  }
0x23a: {  	v6 =	vmul.f32 v25, v25;
	v25 =	vld [tilespmem:s4+$0x2280]  }
0x23b: {  	v17 =	vmul.f32 v9, v17;
	v4 =	vmul.f32 v4, v4  }
0x23c: {  	v10 =	vld.idx.msk [tilespmem:v10+s16+$0x0], $0xffff  }
0x23d: {  	v3 =	vadd.f32 v4, v3;
	v4 =	vadd.f32 v17, v5;
	v17 =	vld [tilespmem:$0x1FD40];
	_ =	sdelay $0x1  }
0x23e: {  	v1 =	vmul.f32 v25, v1;
	[tilespmem:s3+$0xA280] =	vst v4;
	v4 =	vld [tilespmem:$0x1FD60];
	_ =	sdelay $0x1  }
0x23f: {  	v1 =	vadd.f32 v1, v10;
	v10 =	vld [tilespmem:$0x1FD70]  }
0x240: {  	v5 =	vmul.f32 v17, v17;
	_ =	sdelay $0x1  }
0x241: {  	v3 =	vadd.f32 v5, v3;
	v4 =	vmul.f32 v4, v4;
	_ =	sdelay $0x1  }
0x242: {  	v5 =	vmul.f32 v10, v10;
	v10 =	vmul.f32 v54, v54;
	v3 =	vadd.f32 v4, v3  }
0x243: {  	v2 =	vadd.f32 v6, v2;
	v6 =	vld [tilespmem:$0x1FD30]  }
0x244: {  	[tilespmem:s4+$0xA280] =	vst v1;
	v1 =	vadd.f32 v10, v3;
	v10 =	vld [tilespmem:$0x1FD80]  }
0x245: {  	v17 =	vld [tilespmem:$0x1FD50];
	_ =	sdelay $0x2  }
0x246: {  	v6 =	vmul.f32 v6, v6  }
0x247: {  	v3 =	vmul.f32 v10, v10;
	v10 =	vmul.f32 v52, v52  }
0x248: {  	v0 =	vadd.s32 $0xE00, v8;
	v2 =	vadd.f32 v6, v2;
	v6 =	vmul.f32 v17, v17  }
0x249: {  	v1 =	vadd.f32 v10, v1;
	v10 =	vld [tilespmem:$0x1FD90]  }
0x24a: {  	v2 =	vadd.f32 v6, v2  }
0x24b: {  	v17 =	vadd.s32 $0xDC0, v7  }
0x24c: {  	v54 =	vld [tilespmem:s0+$0x5A80];
	v2 =	vadd.f32 v5, v2  }
0x24d: {  	v6 =	vld.idx.msk [tilespmem:v0+s7+$0x0], $0xffff  }
0x24e: {  	v2 =	vadd.f32 v3, v2;
	v3 =	vmul.f32 v10, v10;
	v10 =	vld [tilespmem:$0x1FDA0]  }
0x24f: {  	v0 =	vld.idx.msk [tilespmem:v0+s16+$0x0], $0xffff  }
0x250: {  	s3 =	sor.u32 $0x3380, s28;
	v5 =	vld.idx.msk [tilespmem:v17+s7+$0x0], $0xffff  }
0x251: {  	v52 =	vld [tilespmem:s3+$0x2280]  }
0x252: {  	v6 =	vmul.f32 v54, v6  }
0x253: {  	v4 =	vmul.f32 v10, v10;
	v10 =	vld.idx.msk [tilespmem:v17+s16+$0x0], $0xffff;
	v17 =	vadd.s32 $0xE40, v8  }
0x254: {  	v0 =	vadd.f32 v6, v0  }
0x255: {  	v6 =	vadd.s32 $0xE00, v7;
	v2 =	vadd.f32 v3, v2;
	v3 =	vmul.f32 v62, v62  }
0x256: {  	v5 =	vmul.f32 v52, v5;
	v62 =	vmul.f32 v60, v60;
	v1 =	vadd.f32 v4, v1  }
0x257: {  	v58 =	vmul.f32 v58, v58;
	[tilespmem:s0+$0xDA80] =	vst v0;
	v2 =	vadd.f32 v3, v2  }
0x258: {  	s4 =	sor.u32 $0x3880, s31;
	v1 =	vadd.f32 v62, v1;
	v62 =	vmul.f32 v56, v56;
	v60 =	vadd.f32 v5, v10;
	v5 =	vld.idx.msk [tilespmem:v17+s7+$0x0], $0xffff  }
0x259: {  	v0 =	vadd.f32 v58, v2;
	v10 =	vmul.f32 v43, v43;
	v43 =	vld [tilespmem:s4+$0x2280]  }
0x25a: {  	v58 =	vmul.f32 v51, v51;
	v56 =	vld.idx.msk [tilespmem:v17+s16+$0x0], $0xffff;
	v1 =	vadd.f32 v62, v1;
	[tilespmem:s3+$0xA280] =	vst v60  }
0x25b: {  	v62 =	vmul.f32 v48, v48;
	v0 =	vadd.f32 v10, v0;
	v60 =	vmul.f32 v39, v39;
	v10 =	vld.idx.msk [tilespmem:v6+s7+$0x0], $0xffff  }
0x25c: {  	v1 =	vadd.f32 v58, v1;
	v58 =	vmul.f32 v44, v44;
	v44 =	vmul.f32 v35, v35;
	v35 =	vld [tilespmem:$0x1FDD0]  }
0x25d: {  	v48 =	vmul.f32 v45, v45;
	v39 =	vld [tilespmem:s26+$0x5A80];
	v0 =	vadd.f32 v60, v0  }
0x25e: {  	v51 =	vadd.s32 $0xE80, v8;
	v6 =	vld.idx.msk [tilespmem:v6+s16+$0x0], $0xffff;
	v5 =	vmul.f32 v43, v5;
	v1 =	vadd.f32 v62, v1  }
0x25f: {  	v38 =	vmul.f32 v38, v38;
	v0 =	vadd.f32 v48, v0;
	v48 =	vmul.f32 v33, v33;
	v33 =	vld [tilespmem:$0x1FDC0]  }
0x260: {  	v56 =	vadd.f32 v5, v56;
	v1 =	vadd.f32 v58, v1;
	v58 =	vmul.f32 v30, v30;
	v30 =	vld [tilespmem:$0x1FDB0]  }
0x261: {  	v3 =	vmul.f32 v35, v35;
	v35 =	vld [tilespmem:$0x1FE50]  }
0x262: {  	[tilespmem:s4+$0xA280] =	vst v56;
	v1 =	vadd.f32 v38, v1;
	v38 =	vld [tilespmem:$0x1FDE0]  }
0x263: {  	v60 =	vmul.f32 v40, v40;
	v45 =	vld.idx.msk [tilespmem:v51+s7+$0x0], $0xffff  }
0x264: {  	v62 =	vmul.f32 v39, v10;
	v51 =	vld.idx.msk [tilespmem:v51+s16+$0x0], $0xffff  }
0x265: {  	v10 =	vadd.s32 $0xE40, v7;
	v0 =	vadd.f32 v60, v0;
	v56 =	vmul.f32 v22, v22;
	v22 =	vld [tilespmem:s0+$0x5B80]  }
0x266: {  	v40 =	vadd.f32 v62, v6;
	v62 =	vmul.f32 v18, v18;
	v18 =	vld [tilespmem:s26+$0x5B00]  }
0x267: {  	v0 =	vadd.f32 v44, v0;
	v44 =	vld [tilespmem:$0x1FE00]  }
0x268: {  	[tilespmem:s26+$0xDA80] =	vst v40;
	v40 =	vld [tilespmem:$0x1FDF0]  }
0x269: {  	v0 =	vadd.f32 v56, v0;
	v56 =	vmul.f32 v16, v16;
	v16 =	vld [tilespmem:$0x1FE40]  }
0x26a: {  	v1 =	vadd.f32 v48, v1;
	v60 =	vld.idx.msk [tilespmem:v10+s7+$0x0], $0xffff  }
0x26b: {  	v17 =	vmul.f32 v33, v33;
	v10 =	vld.idx.msk [tilespmem:v10+s16+$0x0], $0xffff  }
0x26c: {  	v48 =	vmul.f32 v29, v29;
	v2 =	vmul.f32 v30, v30;
	v1 =	vadd.f32 v58, v1;
	v58 =	vld [tilespmem:$0x1FE30]  }
0x26d: {  	v0 =	vadd.f32 v62, v0;
	v30 =	vmul.f32 v38, v38;
	v5 =	vmul.f32 v22, v45;
	v45 =	vld [tilespmem:$0x1FE10]  }
0x26e: {  	v2 =	vadd.f32 v17, v2;
	v33 =	vmul.f32 v44, v44;
	v44 =	vmul.f32 v13, v13;
	v13 =	vld [tilespmem:s26+$0x5B80]  }
0x26f: {  	v17 =	vadd.s32 $0xEC0, v8;
	v1 =	vadd.f32 v48, v1;
	v48 =	vld [tilespmem:$0x1FE60];
	v0 =	vadd.f32 v56, v0  }
0x270: {  	v3 =	vadd.f32 v30, v3;
	v30 =	vmul.f32 v40, v40;
	v5 =	vadd.f32 v5, v51;
	v51 =	vld [tilespmem:$0x1FE20]  }
0x271: {  	v40 =	vmul.f32 v27, v27;
	v0 =	vadd.f32 v44, v0;
	v44 =	vmul.f32 v12, v12;
	v12 =	vld [tilespmem:s26+$0x5C00]  }
0x272: {  	[tilespmem:s0+$0xDB80] =	vst v5;
	v5 =	vmul.f32 v35, v35;
	v35 =	vld [tilespmem:$0x1FEA0]  }
0x273: {  	v4 =	vmul.f32 v18, v60;
	v1 =	vadd.f32 v40, v1;
	v40 =	vld [tilespmem:$0x1FEB0]  }
0x274: {  	v6 =	vadd.s32 $0xE80, v7;
	v62 =	vld.idx.msk [tilespmem:v17+s7+$0x0], $0xffff  }
0x275: {  	v2 =	vadd.f32 v30, v2;
	v30 =	vmul.f32 v45, v45;
	v4 =	vadd.f32 v4, v10;
	v45 =	vld.idx.msk [tilespmem:v17+s16+$0x0], $0xffff  }
0x276: {  	s4 =	sor.u32 $0x3980, s31;
	v17 =	vmul.f32 v48, v48;
	v48 =	vld [tilespmem:$0x1FED0]  }
0x277: {  	[tilespmem:s26+$0xDB00] =	vst v4;
	v4 =	vmul.f32 v16, v16;
	v16 =	vld [tilespmem:s4+$0x2280]  }
0x278: {  	v10 =	vmul.f32 v51, v51;
	v51 =	vld [tilespmem:$0x1FE70]  }
0x279: {  	v60 =	vmul.f32 v58, v58;
	v2 =	vadd.f32 v30, v2;
	v38 =	vld.idx.msk [tilespmem:v6+s7+$0x0], $0xffff  }
0x27a: {  	v3 =	vadd.f32 v33, v3;
	v56 =	vld.idx.msk [tilespmem:v6+s16+$0x0], $0xffff  }
0x27b: {  	v2 =	vadd.f32 v60, v2;
	v60 =	vld [tilespmem:$0x1FE80]  }
0x27c: {  	v3 =	vadd.f32 v10, v3;
	v58 =	vmul.f32 v16, v62;
	v62 =	vld [tilespmem:$0x1FE90]  }
0x27d: {  	v27 =	vadd.s32 $0xF00, v8;
	v30 =	vmul.f32 v23, v23;
	v23 =	vld [tilespmem:s26+$0x5C80]  }
0x27e: {  	v6 =	vmul.f32 v35, v35;
	v35 =	vld [tilespmem:$0x1FF10];
	v3 =	vadd.f32 v4, v3;
	v2 =	vadd.f32 v5, v2  }
0x27f: {  	v29 =	vmul.f32 v51, v51;
	v10 =	vmul.f32 v13, v38;
	v5 =	vadd.f32 v58, v45;
	v45 =	vld [tilespmem:$0x1FEC0]  }
0x280: {  	v33 =	vadd.s32 $0xEC0, v7;
	v3 =	vadd.f32 v17, v3;
	v17 =	vmul.f32 v60, v60;
	v60 =	vld [tilespmem:$0x1FEF0]  }
0x281: {  	v2 =	vadd.f32 v29, v2;
	v4 =	vadd.f32 v10, v56;
	v56 =	vld [tilespmem:$0x1FEE0];
	[tilespmem:s4+$0xA280] =	vst v5;
	v29 =	vmul.f32 v62, v62  }
0x282: {  	v3 =	vadd.f32 v17, v3;
	v17 =	vld.idx.msk [tilespmem:v27+s7+$0x0], $0xffff  }
0x283: {  	v38 =	vmul.f32 v26, v26;
	v58 =	vmul.f32 v11, v11;
	v2 =	vadd.f32 v29, v2;
	v29 =	vld [tilespmem:$0x1FF00]  }
0x284: {  	v11 =	vld [tilespmem:s0+$0x5C80];
	v3 =	vadd.f32 v6, v3;
	v6 =	vmul.f32 v40, v40;
	v10 =	vmul.f32 v45, v45  }
0x285: {  	v1 =	vadd.f32 v38, v1;
	v5 =	vmul.f32 v48, v48;
	[tilespmem:s26+$0xDB80] =	vst v4;
	v40 =	vld [tilespmem:$0x1FF20]  }
0x286: {  	v51 =	vld.idx.msk [tilespmem:v33+s7+$0x0], $0xffff;
	v4 =	vmul.f32 v56, v56;
	v2 =	vadd.f32 v6, v2;
	v3 =	vadd.f32 v10, v3  }
0x287: {  	v62 =	vmul.f32 v21, v21;
	v1 =	vadd.f32 v58, v1;
	v58 =	vld [tilespmem:$0x1FF40];
	v10 =	vmul.f32 v60, v60  }
0x288: {  	v38 =	vld.idx.msk [tilespmem:v27+s16+$0x0], $0xffff;
	v2 =	vadd.f32 v5, v2;
	v3 =	vadd.f32 v4, v3;
	v21 =	vmul.f32 v29, v29  }
0x289: {  	v0 =	vadd.f32 v44, v0;
	v27 =	vld [tilespmem:$0x1FF70]  }
0x28a: {  	v33 =	vld.idx.msk [tilespmem:v33+s16+$0x0], $0xffff;
	v2 =	vadd.f32 v10, v2;
	v10 =	vmul.f32 v40, v40;
	v3 =	vadd.f32 v21, v3  }
0x28b: {  	v48 =	vmul.f32 v11, v17;
	v44 =	vmul.f32 v12, v51;
	v51 =	vld [tilespmem:$0x1FF30]  }
0x28c: {  	v0 =	vadd.f32 v62, v0;
	v62 =	vld [tilespmem:$0x1FF50];
	v26 =	vmul.f32 v58, v58;
	v3 =	vadd.f32 v10, v3  }
0x28d: {  	v45 =	vadd.s32 $0xF00, v7;
	v5 =	vmul.f32 v35, v35;
	v4 =	vadd.f32 v48, v38;
	v38 =	vld [tilespmem:$0x1FF90]  }
0x28e: {  	v3 =	vadd.f32 v26, v3;
	v26 =	vld [tilespmem:$0x1FF60]  }
0x28f: {  	v20 =	vmul.f32 v20, v20;
	v48 =	vld [tilespmem:$0x1FFB0];
	v2 =	vadd.f32 v5, v2;
	v5 =	vadd.f32 v44, v33  }
0x290: {  	v14 =	vmul.f32 v14, v14;
	v33 =	vld [tilespmem:$0x1FF80];
	v17 =	vmul.f32 v51, v51  }
0x291: {  	v56 =	vadd.s32 $0xF40, v8;
	v60 =	vmul.f32 v24, v24;
	v0 =	vadd.f32 v30, v0;
	v40 =	vld [tilespmem:$0x1FFA0];
	[tilespmem:s26+$0xDC00] =	vst v5  }
0x292: {  	v30 =	vadd.s32 $0xF80, v8;
	v24 =	vmul.f32 v62, v62;
	v2 =	vadd.f32 v17, v2;
	v29 =	vld.idx.msk [tilespmem:v45+s7+$0x0], $0xffff  }
0x293: {  	v58 =	vadd.s32 $0xF40, v7;
	v1 =	vadd.f32 v60, v1;
	v51 =	vld [tilespmem:$0x1FFC0];
	v5 =	vmul.f32 v26, v26  }
0x294: {  	v11 =	vmul.f32 v11, v11;
	v10 =	vmul.f32 v27, v27;
	v44 =	vld.idx.msk [tilespmem:v45+s16+$0x0], $0xffff;
	v2 =	vadd.f32 v24, v2  }
0x295: {  	v62 =	vld [tilespmem:$0x1FFE0];
	v1 =	vadd.f32 v20, v1;
	v3 =	vadd.f32 v5, v3;
	v5 =	vmul.f32 v33, v33  }
0x296: {  	v60 =	vld [tilespmem:$0x1FFD0];
	v27 =	vmul.f32 v59, v59;
	v24 =	vmul.f32 v38, v38;
	v2 =	vadd.f32 v10, v2  }
0x297: {  	[tilespmem:s0+$0xDC80] =	vst v4;
	v4 =	vmul.f32 v40, v40;
	v17 =	vmul.f32 v23, v29;
	v3 =	vadd.f32 v5, v3  }
0x298: {  	v35 =	vld.idx.msk [tilespmem:v56+s7+$0x0], $0xffff;
	v59 =	vmul.f32 v43, v43;
	v20 =	vmul.f32 v51, v51;
	v2 =	vadd.f32 v24, v2  }
0x299: {  	s31 =	sor.u32 $0x3A80, s31;
	v56 =	vld.idx.msk [tilespmem:v56+s16+$0x0], $0xffff;
	v5 =	vadd.f32 v17, v44;
	v3 =	vadd.f32 v4, v3;
	v4 =	vmul.f32 v48, v48  }
0x29a: {  	v1 =	vadd.f32 v14, v1;
	v45 =	vmul.f32 v15, v15;
	v15 =	vld [tilespmem:s31+$0x2280];
	v17 =	vmul.f32 v62, v62  }
0x29b: {  	[tilespmem:s26+$0xDC80] =	vst v5;
	v2 =	vadd.f32 v4, v2;
	v3 =	vadd.f32 v20, v3;
	v4 =	vmul.f32 v60, v60  }
0x29c: {  	v43 =	vmul.f32 v52, v52;
	v40 =	vmul.f32 v9, v9;
	v0 =	vadd.f32 v45, v0;
	v29 =	vld.idx.msk [tilespmem:v58+s7+$0x0], $0xffff  }
0x29d: {  	v24 =	vmul.f32 v63, v63;
	v2 =	vadd.f32 v4, v2;
	v3 =	vadd.f32 v17, v3;
	v17 =	vld [tilespmem:s26+$0x5D00]  }
0x29e: {  	v38 =	vmul.f32 v55, v55;
	v1 =	vadd.f32 v40, v1;
	v26 =	vmul.f32 v61, v61  }
0x29f: {  	v55 =	vadd.s32 $0xF80, v7;
	v45 =	vld.idx.msk [tilespmem:v58+s16+$0x0], $0xffff;
	v20 =	vmul.f32 v15, v35;
	v2 =	vadd.f32 v24, v2  }
0x2a0: {  	v40 =	vmul.f32 v25, v25;
	v33 =	vmul.f32 v57, v57;
	v3 =	vadd.f32 v26, v3  }
0x2a1: {  	v63 =	vmul.f32 v41, v41;
	v4 =	vadd.f32 v20, v56;
	v2 =	vadd.f32 v27, v2  }
0x2a2: {  	v44 =	vmul.f32 v53, v53;
	v3 =	vadd.f32 v33, v3;
	v53 =	vmul.f32 v17, v29  }
0x2a3: {  	v41 =	vmul.f32 v15, v15;
	v48 =	vmul.f32 v50, v50;
	[tilespmem:s31+$0xA280] =	vst v4;
	v2 =	vadd.f32 v38, v2  }
0x2a4: {  	s3 =	sor.u32 $0x3B00, s2;
	v50 =	vmul.f32 v49, v49;
	v51 =	vld.idx.msk [tilespmem:v30+s7+$0x0], $0xffff;
	v3 =	vadd.f32 v44, v3;
	v6 =	vadd.f32 v53, v45  }
0x2a5: {  	v58 =	vmul.f32 v47, v47;
	v60 =	vmul.f32 v46, v46;
	v57 =	vld [tilespmem:s3+$0x2280]  }
0x2a6: {  	v61 =	vld.idx.msk [tilespmem:v30+s16+$0x0], $0xffff;
	v2 =	vadd.f32 v48, v2;
	v3 =	vadd.f32 v50, v3;
	[tilespmem:s26+$0xDD00] =	vst v6  }
0x2a7: {  	s4 =	sor.u32 $0x3B00, s28;
	v7 =	vadd.s32 $0xFC0, v7;
	v62 =	vmul.f32 v42, v42;
	v47 =	vmul.f32 v13, v13;
	v27 =	vld.idx.msk [tilespmem:v55+s7+$0x0], $0xffff  }
0x2a8: {  	v35 =	vmul.f32 v19, v19;
	v2 =	vadd.f32 v58, v2;
	v3 =	vadd.f32 v60, v3;
	v30 =	vld [tilespmem:s4+$0x2280]  }
0x2a9: {  	v1 =	vadd.f32 v59, v1;
	v56 =	vmul.f32 v54, v54;
	v26 =	vmul.f32 v37, v37  }
0x2aa: {  	v29 =	vmul.f32 v36, v36;
	v9 =	vld.idx.msk [tilespmem:v55+s16+$0x0], $0xffff;
	v2 =	vadd.f32 v62, v2;
	v3 =	vadd.f32 v63, v3  }
0x2ab: {  	v0 =	vadd.f32 v35, v0;
	v33 =	vmul.f32 v34, v34;
	v5 =	vmul.f32 v57, v51  }
0x2ac: {  	v34 =	vmul.f32 v32, v32;
	v2 =	vadd.f32 v26, v2;
	v3 =	vadd.f32 v29, v3  }
0x2ad: {  	v37 =	vmul.f32 v28, v28;
	v5 =	vadd.f32 v5, v61;
	v38 =	vmul.f32 v30, v27  }
0x2ae: {  	v36 =	vmul.f32 v31, v31;
	v2 =	vadd.f32 v33, v2;
	v3 =	vadd.f32 v34, v3  }
0x2af: {  	v35 =	vmul.f32 v16, v16;
	v0 =	vadd.f32 v56, v0;
	s26 =	sor.u32 $0x3B80, s15;
	[tilespmem:s3+$0xA280] =	vst v5;
	v9 =	vadd.f32 v38, v9  }
0x2b0: {  	v46 =	vmul.f32 v18, v18;
	v42 =	vld [tilespmem:s26+$0x2280];
	v2 =	vadd.f32 v36, v2;
	v3 =	vadd.f32 v37, v3  }
0x2b1: {  	v24 =	vmul.f32 v22, v22;
	v1 =	vadd.f32 v35, v1;
	v44 =	vadd.s32 $0xFC0, v8  }
0x2b2: {  	s31 =	sor.u32 $0x3B80, s28;
	v45 =	vmul.f32 v39, v39;
	[tilespmem:s4+$0xA280] =	vst v9;
	v2 =	vadd.f32 v40, v2;
	v3 =	vadd.f32 v43, v3  }
0x2b3: {  	v0 =	vadd.f32 v24, v0;
	v1 =	vadd.f32 v41, v1;
	v52 =	vmul.f32 v17, v17;
	v9 =	vld [tilespmem:s31+$0x2280]  }
0x2b4: {  	v48 =	vmul.f32 v12, v12;
	v2 =	vadd.f32 v45, v2;
	v3 =	vadd.f32 v46, v3  }
0x2b5: {  	v0 =	vadd.f32 v11, v0;
	v4 =	vmul.f32 v57, v57;
	v49 =	vmul.f32 v42, v42  }
0x2b6: {  	v50 =	vmul.f32 v23, v23;
	v51 =	vld.idx.msk [tilespmem:v44+s7+$0x0], $0xffff;
	v2 =	vadd.f32 v47, v2;
	v3 =	vadd.f32 v48, v3  }
0x2b7: {  	v0 =	vadd.f32 v4, v0;
	v5 =	vld.idx.msk [tilespmem:v44+s16+$0x0], $0xffff;
	v53 =	vmul.f32 v30, v30;
	v1 =	vadd.f32 v49, v1  }
0x2b8: {  	v54 =	vld.idx.msk [tilespmem:v7+s7+$0x0], $0xffff;
	v55 =	vmul.f32 v9, v9;
	v2 =	vadd.f32 v50, v2;
	v3 =	vadd.f32 v52, v3  }
0x2b9: {  	v60 =	vld [tilespmem:$0x1FFF0];
	v0 =	vadd.f32 v1, v0  }
0x2ba: {  	v58 =	vld.idx.msk [tilespmem:v7+s16+$0x0], $0xffff;
	v56 =	vadd.f32 v53, v2;
	v57 =	vadd.f32 v55, v3  }
0x2bb: {  	v4 =	vmul.f32 v42, v51  }
0x2bc: {  	s6 =	sadd.s32 $0x2, s6;
	v0 =	vmul.f32 $5.000000000e-01, v0;
	v1 =	vadd.f32 v57, v56  }
0x2bd: {  	p1 =	slt.u32 s6, $0xE;
	v59 =	vadd.f32 v4, v5;
	v61 =	vmul.f32 v9, v54  }
.Ltmp1:
0x2be: {  	v0 =	vsub.f32 v60, v0;
	v1 =	vmul.f32 $5.000000000e-01, v1;
	(pc) =	sbr.rel @p1 .LBB2_5-.Ltmp1, $4  }
0x2bf: {  	[tilespmem:s26+$0xA280] =	vst v59;
	v62 =	vadd.f32 v61, v58  }
0x2c0: {  	[tilespmem:s20+$0x0] =	vst v0;
	v63 =	vsub.f32 v60, v1  }
0x2c1: {  	s17 =	sadd.s32 $0x20, s17;
	s21 =	sadd.s32 $0x20, s21;
	s1 =	sadd.s32 $0x1, s1;
	[tilespmem:s31+$0xA280] =	vst v62  }
0x2c2: {  	s22 =	sadd.s32 $0x100, s22;
	s15 =	sadd.s32 $0x120, s15;
	s20 =	sadd.s32 $0x20, s20;
	[tilespmem:s23+$0x12280] =	vst v63  }
0x2c3: {  	s0 =	rddreg [dreg:$0x3];
	s1 =	simm.s32 $0xA280  }
0x2c4: {  	s22 =	sshrl.u32 s14, $0x3;
	s23 =	rddreg [dreg:$0x4];
	s0 =	sadd.s32 s0, s14  }
0x2c5: {  	[hbm4b:s0+s18] =	stream.strided.scatter [tilespmem:s1], [sflag:$0x5], $0x4000, s19, s18, $0x38;
	[tilespmem:$0x12480] =	vst v63  }
0x2c6: {  	s26 =	simm.s32 $0x12280;
	s0 =	sadd.s32 s23, s22  }
0x2c7: {  	[hbm4b:s0+s7] =	stream.linear.scatter [tilespmem:s26], [sflag:$0x7], $0x100, $0x38;
	[tilespmem:$0x12480] =	vst v63  }
0x2c8: {  	p1 =	seq.s32 s8, $0xF;
	s0 =	rddreg [dreg:$0xa]  }
0x2c9: {  	s2 =	simm.s32 @!p1 $0x800;
	s3 =	simm.s32 @!p1 $0x200000;
	s0 =	sadd.s32 @!p1 s12, s0  }
0x2ca: {  	s4 =	simm.s32 @!p1 $0x2280;
	s1 =	sadd.s32 @!p1 s13, s0;
	s0 =	sshrl.u32 @!p1 s0, $0x3  }
0x2cb: {  	[tilespmem:s4], [sflag:$0x1] =	stream.strided.gather @!p1 [hbm4b:s1+s2], $0x4000, s3, s2, $0x38;
	[tilespmem:$0x12480] =	vst v63  }
0x2cc: {  	s0 =	sadd.s32 @!p1 s5, s0;
	s1 =	simm.s32 @!p1 $0x0;
	s2 =	simm.s32 @!p1 $0x2080  }
0x2cd: {  	[tilespmem:s2], [sflag:$0x3] =	stream.linear.gather @!p1 [hbm4b:s0+s1], $0x100, $0x38;
	[tilespmem:$0x12480] =	vst v63  }
0x2ce: {  	_ =	swait.ge [sflag:s29], $0x4000  }
0x2cf: {  	[sflag:s29] =	ssyncset.done $0x0  }
0x2d0: {  	[sflag:s29] =	ssyncadd.s32 $0xFFFFC000  }
0x2d1: {  	_ =	swait.ge [sflag:s30], $0x100  }
0x2d2: {  	[sflag:s30] =	ssyncset.done $0x0  }
0x2d3: {  	s0 =	simm.s32 @!p0 $0x6;
	[sflag:s30] =	ssyncadd.s32 $0xFFFFFF00  }
0x2d4: {  	_ =	swait.ge @!p0 [sflag:s0], $0x4000  }
0x2d5: {  	s31 =	smov.u32 s13;
	s28 =	smov.u32 s5;
	[sflag:s0] =	ssyncset.done @!p0 $0x0  }
0x2d6: {  	s6 =	simm.s32 $0xFFFFFFFE;
	[sflag:s0] =	ssyncadd.s32 @!p0 $0xFFFFC000;
	s0 =	simm.s32 @!p0 $0x8  }
0x2d7: {  	s17 =	simm.s32 $0x12380;
	s15 =	simm.s32 $0x0;
	_ =	swait.ge @!p0 [sflag:s0], $0x100  }
0x2d8: {  	s20 =	simm.s32 $0x0;
	s14 =	simm.s32 $0x2180;
	[sflag:s0] =	ssyncset.done @!p0 $0x0  }
0x2d9: {  	s12 =	simm.s32 $0x0;
	s1 =	simm.s32 $0x0;
	[sflag:s0] =	ssyncadd.s32 @!p0 $0xFFFFFF00  }
.LBB2_7:
0x2da: {  	v8 =	vld [tilespmem:s14+$0x0];
	_ =	sdelay $0x4  }
0x2db: {  	s2 =	sand.u32 $0x60, s12;
	s3 =	sand.u32 $0x400, s20  }
0x2dc: {  	s0 =	sor.u32 s2, s3  }
0x2dd: {  	v9 =	vld [tilespmem:s0+$0x6280]  }
0x2de: {  	v0 =	vld.idx.msk [tilespmem:v8+s7+$0x0], $0xffff;
	_ =	sdelay $0x1  }
0x2df: {  	v2 =	vld.idx.msk [tilespmem:v8+s16+$0x0], $0xffff;
	_ =	sdelay $0x2  }
0x2e0: {  	v3 =	vadd.s32 $0x40, v8;
	v0 =	vmul.f32 v9, v0;
	_ =	sdelay $0x1  }
0x2e1: {  	v0 =	vadd.f32 v0, v2  }
0x2e2: {  	s4 =	sand.u32 $0xFFFFFC00, s20  }
0x2e3: {  	s26 =	sadd.s32 s4, s12;
	[tilespmem:s0+$0xE280] =	vst v0  }
0x2e4: {  	s4 =	sor.u32 $0x80, s26;
	v0 =	vld.idx.msk [tilespmem:v3+s7+$0x0], $0xffff  }
0x2e5: {  	v25 =	vld [tilespmem:s4+$0x6280];
	_ =	sdelay $0x1  }
0x2e6: {  	v39 =	vld.idx.msk [tilespmem:v3+s16+$0x0], $0xffff;
	_ =	sdelay $0x2  }
0x2e7: {  	v40 =	vadd.s32 $0x80, v8;
	v0 =	vmul.f32 v25, v0;
	_ =	sdelay $0x1  }
0x2e8: {  	v0 =	vadd.f32 v0, v39;
	_ =	sdelay $0x1  }
0x2e9: {  	[tilespmem:s4+$0xE280] =	vst v0  }
0x2ea: {  	v0 =	vld.idx.msk [tilespmem:v40+s7+$0x0], $0xffff  }
0x2eb: {  	v28 =	vld [tilespmem:s0+$0x6380];
	_ =	sdelay $0x1  }
0x2ec: {  	v41 =	vld.idx.msk [tilespmem:v40+s16+$0x0], $0xffff;
	_ =	sdelay $0x2  }
0x2ed: {  	s21 =	sand.u32 $0x80, s12;
	s2 =	sor.u32 $0x10, s2;
	v42 =	vadd.s32 $0xC0, v8;
	v0 =	vmul.f32 v28, v0  }
0x2ee: {  	s21 =	sor.u32 s21, s2  }
0x2ef: {  	v7 =	vld [tilespmem:s21+$0x2180];
	v0 =	vadd.f32 v0, v41;
	_ =	sdelay $0x1  }
0x2f0: {  	[tilespmem:s0+$0xE380] =	vst v0  }
0x2f1: {  	s5 =	sor.u32 $0x180, s26;
	v0 =	vld.idx.msk [tilespmem:v42+s7+$0x0], $0xffff  }
0x2f2: {  	v1 =	vld [tilespmem:s5+$0x6280];
	_ =	sdelay $0x1  }
0x2f3: {  	s22 =	sor.u32 s3, s2;
	v43 =	vld.idx.msk [tilespmem:v42+s16+$0x0], $0xffff  }
0x2f4: {  	v45 =	vld [tilespmem:s22+$0x6280]  }
0x2f5: {  	v44 =	vld.idx.msk [tilespmem:v7+s7+$0x0], $0xffff  }
0x2f6: {  	v0 =	vmul.f32 v1, v0  }
0x2f7: {  	v46 =	vld.idx.msk [tilespmem:v7+s16+$0x0], $0xffff  }
0x2f8: {  	v0 =	vadd.f32 v0, v43;
	_ =	sdelay $0x1  }
0x2f9: {  	v4 =	vadd.s32 $0x40, v7;
	[tilespmem:s5+$0xE280] =	vst v0;
	v0 =	vmul.f32 v45, v44;
	_ =	sdelay $0x1  }
0x2fa: {  	v0 =	vadd.f32 v0, v46;
	_ =	sdelay $0x1  }
0x2fb: {  	v47 =	vld [tilespmem:s22+$0x6300];
	[tilespmem:s22+$0xE280] =	vst v0  }
0x2fc: {  	v51 =	vadd.s32 $0x100, v8;
	v0 =	vld.idx.msk [tilespmem:v4+s7+$0x0], $0xffff;
	_ =	sdelay $0x1  }
0x2fd: {  	v48 =	vld.idx.msk [tilespmem:v4+s16+$0x0], $0xffff;
	_ =	sdelay $0x2  }
0x2fe: {  	v49 =	vadd.s32 $0x80, v7;
	v6 =	vld.idx.msk [tilespmem:v51+s7+$0x0], $0xffff;
	v0 =	vmul.f32 v47, v0  }
0x2ff: {  	v52 =	vld [tilespmem:s0+$0x6480]  }
0x300: {  	v0 =	vadd.f32 v0, v48  }
0x301: {  	v3 =	vld.idx.msk [tilespmem:v51+s16+$0x0], $0xffff  }
0x302: {  	v50 =	vld [tilespmem:s22+$0x6380];
	[tilespmem:s22+$0xE300] =	vst v0  }
0x303: {  	v0 =	vld.idx.msk [tilespmem:v49+s7+$0x0], $0xffff  }
0x304: {  	v55 =	vadd.s32 $0x140, v8;
	v54 =	vmul.f32 v52, v6  }
0x305: {  	v4 =	vld.idx.msk [tilespmem:v49+s16+$0x0], $0xffff  }
0x306: {  	v3 =	vadd.f32 v54, v3;
	_ =	sdelay $0x1  }
0x307: {  	v5 =	vadd.s32 $0xC0, v7;
	[tilespmem:s0+$0xE480] =	vst v3;
	v0 =	vmul.f32 v50, v0  }
0x308: {  	s13 =	sor.u32 $0x280, s26;
	v3 =	vld.idx.msk [tilespmem:v55+s7+$0x0], $0xffff  }
0x309: {  	v57 =	vld [tilespmem:s13+$0x6280];
	v0 =	vadd.f32 v0, v4  }
0x30a: {  	v53 =	vld [tilespmem:s22+$0x6400]  }
0x30b: {  	v58 =	vld.idx.msk [tilespmem:v55+s16+$0x0], $0xffff;
	[tilespmem:s22+$0xE380] =	vst v0  }
0x30c: {  	v0 =	vld.idx.msk [tilespmem:v5+s7+$0x0], $0xffff;
	_ =	sdelay $0x1  }
0x30d: {  	v60 =	vadd.s32 $0x180, v8;
	v3 =	vmul.f32 v57, v3;
	v5 =	vld.idx.msk [tilespmem:v5+s16+$0x0], $0xffff;
	_ =	sdelay $0x1  }
0x30e: {  	s23 =	sand.u32 $0x3, s1;
	v3 =	vadd.f32 v3, v58  }
0x30f: {  	s2 =	sshll.u32 s23, $0x5;
	v56 =	vadd.s32 $0x100, v7;
	v0 =	vmul.f32 v53, v0  }
0x310: {  	v59 =	vld [tilespmem:s22+$0x6480];
	s2 =	sadd.s32 s2, s20;
	[tilespmem:s13+$0xE280] =	vst v3  }
0x311: {  	s4 =	sor.u32 $0x300, s2;
	v3 =	vld.idx.msk [tilespmem:v60+s7+$0x0], $0xffff;
	v0 =	vadd.f32 v0, v5  }
0x312: {  	v62 =	vld [tilespmem:s4+$0x6280]  }
0x313: {  	v63 =	vld.idx.msk [tilespmem:v60+s16+$0x0], $0xffff;
	[tilespmem:s22+$0xE400] =	vst v0  }
0x314: {  	v0 =	vld.idx.msk [tilespmem:v56+s7+$0x0], $0xffff;
	_ =	sdelay $0x1  }
0x315: {  	v4 =	vld.idx.msk [tilespmem:v56+s16+$0x0], $0xffff  }
0x316: {  	v11 =	vadd.s32 $0x1C0, v8;
	v3 =	vmul.f32 v62, v3;
	_ =	sdelay $0x1  }
0x317: {  	v61 =	vadd.s32 $0x140, v7;
	v3 =	vadd.f32 v3, v63;
	v0 =	vmul.f32 v59, v0;
	_ =	sdelay $0x1  }
0x318: {  	v10 =	vld [tilespmem:s22+$0x6500];
	[tilespmem:s4+$0xE280] =	vst v3;
	v0 =	vadd.f32 v0, v4  }
0x319: {  	s5 =	sor.u32 $0x380, s15;
	v3 =	vld.idx.msk [tilespmem:v11+s7+$0x0], $0xffff  }
0x31a: {  	v13 =	vld [tilespmem:s5+$0x6280];
	[tilespmem:s22+$0xE480] =	vst v0  }
0x31b: {  	v0 =	vld.idx.msk [tilespmem:v61+s7+$0x0], $0xffff  }
0x31c: {  	v14 =	vld.idx.msk [tilespmem:v11+s16+$0x0], $0xffff  }
0x31d: {  	v5 =	vld.idx.msk [tilespmem:v61+s16+$0x0], $0xffff;
	_ =	sdelay $0x1  }
0x31e: {  	v16 =	vadd.s32 $0x200, v8;
	v3 =	vmul.f32 v13, v3  }
0x31f: {  	v12 =	vadd.s32 $0x180, v7;
	v0 =	vmul.f32 v10, v0  }
0x320: {  	v3 =	vadd.f32 v3, v14  }
0x321: {  	v0 =	vadd.f32 v0, v5  }
0x322: {  	[tilespmem:s5+$0xE280] =	vst v3  }
0x323: {  	s23 =	sadd.s32 $0x10, s2;
	v3 =	vld.idx.msk [tilespmem:v16+s7+$0x0], $0xffff;
	[tilespmem:s22+$0xE500] =	vst v0  }
0x324: {  	s13 =	sor.u32 $0x300, s23;
	v0 =	vld.idx.msk [tilespmem:v12+s7+$0x0], $0xffff  }
0x325: {  	v15 =	vld [tilespmem:s13+$0x6280]  }
0x326: {  	v18 =	vld [tilespmem:s0+$0x6A80]  }
0x327: {  	v4 =	vld.idx.msk [tilespmem:v12+s16+$0x0], $0xffff;
	_ =	sdelay $0x1  }
0x328: {  	v19 =	vld.idx.msk [tilespmem:v16+s16+$0x0], $0xffff  }
0x329: {  	v17 =	vadd.s32 $0x1C0, v7;
	v0 =	vmul.f32 v15, v0;
	_ =	sdelay $0x1  }
0x32a: {  	v21 =	vadd.s32 $0x240, v8;
	v3 =	vmul.f32 v18, v3;
	v0 =	vadd.f32 v0, v4;
	_ =	sdelay $0x1  }
0x32b: {  	v3 =	vadd.f32 v3, v19;
	[tilespmem:s13+$0xE280] =	vst v0  }
0x32c: {  	s5 =	sor.u32 $0x380, s23;
	v0 =	vld.idx.msk [tilespmem:v17+s7+$0x0], $0xffff  }
0x32d: {  	[tilespmem:s0+$0xEA80] =	vst v3;
	v20 =	vld [tilespmem:s5+$0x6280]  }
0x32e: {  	v3 =	vld.idx.msk [tilespmem:v21+s7+$0x0], $0xffff  }
0x32f: {  	s13 =	sor.u32 $0x880, s26;
	v5 =	vld.idx.msk [tilespmem:v17+s16+$0x0], $0xffff  }
0x330: {  	v23 =	vld [tilespmem:s13+$0x6280];
	_ =	sdelay $0x1  }
0x331: {  	v22 =	vadd.s32 $0x200, v7;
	v24 =	vld.idx.msk [tilespmem:v21+s16+$0x0], $0xffff;
	v0 =	vmul.f32 v20, v0;
	_ =	sdelay $0x1  }
0x332: {  	v0 =	vadd.f32 v0, v5  }
0x333: {  	v27 =	vadd.s32 $0x280, v8;
	v3 =	vmul.f32 v23, v3  }
0x334: {  	[tilespmem:s5+$0xE280] =	vst v0  }
0x335: {  	v3 =	vadd.f32 v3, v24;
	v0 =	vld.idx.msk [tilespmem:v22+s7+$0x0], $0xffff  }
0x336: {  	v26 =	vld [tilespmem:s22+$0x6A80]  }
0x337: {  	[tilespmem:s13+$0xE280] =	vst v3;
	v4 =	vld.idx.msk [tilespmem:v22+s16+$0x0], $0xffff  }
0x338: {  	v3 =	vld.idx.msk [tilespmem:v27+s7+$0x0], $0xffff  }
0x339: {  	v30 =	vld [tilespmem:s0+$0x6B80];
	_ =	sdelay $0x1  }
0x33a: {  	v31 =	vld.idx.msk [tilespmem:v27+s16+$0x0], $0xffff  }
0x33b: {  	v29 =	vadd.s32 $0x240, v7;
	v0 =	vmul.f32 v26, v0;
	_ =	sdelay $0x1  }
0x33c: {  	v33 =	vadd.s32 $0x2C0, v8;
	v3 =	vmul.f32 v30, v3;
	v0 =	vadd.f32 v0, v4;
	_ =	sdelay $0x1  }
0x33d: {  	v32 =	vld [tilespmem:s22+$0x6B00];
	v3 =	vadd.f32 v3, v31;
	[tilespmem:s22+$0xEA80] =	vst v0  }
0x33e: {  	v0 =	vld.idx.msk [tilespmem:v29+s7+$0x0], $0xffff  }
0x33f: {  	[tilespmem:s0+$0xEB80] =	vst v3;
	v5 =	vld.idx.msk [tilespmem:v29+s16+$0x0], $0xffff  }
0x340: {  	s5 =	sor.u32 $0x980, s26;
	v3 =	vld.idx.msk [tilespmem:v33+s7+$0x0], $0xffff  }
0x341: {  	v35 =	vld [tilespmem:s5+$0x6280]  }
0x342: {  	[tilespmem:$0x1FA40] =	vst v45  }
0x343: {  	[tilespmem:$0x1FA60] =	vst v47;
	v36 =	vld.idx.msk [tilespmem:v33+s16+$0x0], $0xffff  }
0x344: {  	[tilespmem:$0x1FA50] =	vst v50;
	v34 =	vadd.s32 $0x280, v7;
	v0 =	vmul.f32 v32, v0  }
0x345: {  	[tilespmem:$0x1FA70] =	vst v53  }
0x346: {  	v38 =	vadd.s32 $0x300, v8;
	[tilespmem:$0x1FA80] =	vst v59;
	v3 =	vmul.f32 v35, v3;
	v0 =	vadd.f32 v0, v5  }
0x347: {  	[tilespmem:$0x1FA90] =	vst v10  }
0x348: {  	v37 =	vld [tilespmem:s22+$0x6B80];
	v3 =	vadd.f32 v3, v36;
	[tilespmem:s22+$0xEB00] =	vst v0  }
0x349: {  	[tilespmem:$0x1F910] =	vst v1;
	v0 =	vld.idx.msk [tilespmem:v34+s7+$0x0], $0xffff  }
0x34a: {  	[tilespmem:s5+$0xE280] =	vst v3;
	v4 =	vld.idx.msk [tilespmem:v34+s16+$0x0], $0xffff  }
0x34b: {  	[tilespmem:$0x1F920] =	vst v52;
	v3 =	vld.idx.msk [tilespmem:v38+s7+$0x0], $0xffff  }
0x34c: {  	[tilespmem:$0x1F930] =	vst v57;
	v40 =	vld [tilespmem:s0+$0x6C80]  }
0x34d: {  	[tilespmem:$0x1F940] =	vst v62  }
0x34e: {  	[tilespmem:$0x1F950] =	vst v13;
	v41 =	vld.idx.msk [tilespmem:v38+s16+$0x0], $0xffff  }
0x34f: {  	v39 =	vadd.s32 $0x2C0, v7;
	[tilespmem:$0x1F960] =	vst v18;
	v0 =	vmul.f32 v37, v0  }
0x350: {  	[tilespmem:$0x1FAA0] =	vst v15  }
0x351: {  	v43 =	vadd.s32 $0x340, v8;
	[tilespmem:$0x1FAB0] =	vst v20;
	v3 =	vmul.f32 v40, v3;
	v0 =	vadd.f32 v0, v4  }
0x352: {  	[tilespmem:$0x1F970] =	vst v23  }
0x353: {  	v42 =	vld [tilespmem:s22+$0x6C00];
	v3 =	vadd.f32 v3, v41;
	[tilespmem:s22+$0xEB80] =	vst v0  }
0x354: {  	[tilespmem:$0x1FAC0] =	vst v26;
	v0 =	vld.idx.msk [tilespmem:v39+s7+$0x0], $0xffff  }
0x355: {  	[tilespmem:s0+$0xEC80] =	vst v3;
	v5 =	vld.idx.msk [tilespmem:v39+s16+$0x0], $0xffff  }
0x356: {  	s13 =	sor.u32 $0xA80, s26;
	[tilespmem:$0x1F980] =	vst v30;
	v3 =	vld.idx.msk [tilespmem:v43+s7+$0x0], $0xffff  }
0x357: {  	[tilespmem:$0x1FAD0] =	vst v32;
	v45 =	vld [tilespmem:s13+$0x6280]  }
0x358: {  	[tilespmem:$0x1FAE0] =	vst v37  }
0x359: {  	v44 =	vadd.s32 $0x300, v7;
	[tilespmem:$0x1FAF0] =	vst v42;
	v46 =	vld.idx.msk [tilespmem:v43+s16+$0x0], $0xffff;
	v0 =	vmul.f32 v42, v0  }
0x35a: {  	[tilespmem:$0x1F990] =	vst v35  }
0x35b: {  	[tilespmem:$0x1F9A0] =	vst v40;
	v0 =	vadd.f32 v0, v5  }
0x35c: {  	v48 =	vadd.s32 $0x380, v8;
	[tilespmem:$0x1F9B0] =	vst v45;
	v3 =	vmul.f32 v45, v3  }
0x35d: {  	[tilespmem:s22+$0xEC00] =	vst v0  }
0x35e: {  	v3 =	vadd.f32 v3, v46;
	v0 =	vld.idx.msk [tilespmem:v44+s7+$0x0], $0xffff  }
0x35f: {  	v47 =	vld [tilespmem:s22+$0x6C80]  }
0x360: {  	[tilespmem:s13+$0xE280] =	vst v3;
	v4 =	vld.idx.msk [tilespmem:v44+s16+$0x0], $0xffff  }
0x361: {  	s4 =	sor.u32 $0xB00, s2;
	v3 =	vld.idx.msk [tilespmem:v48+s7+$0x0], $0xffff  }
0x362: {  	v50 =	vld [tilespmem:s4+$0x6280];
	_ =	sdelay $0x1  }
0x363: {  	v51 =	vld.idx.msk [tilespmem:v48+s16+$0x0], $0xffff  }
0x364: {  	v49 =	vadd.s32 $0x340, v7;
	v0 =	vmul.f32 v47, v0;
	_ =	sdelay $0x1  }
0x365: {  	v53 =	vadd.s32 $0x3C0, v8;
	v3 =	vmul.f32 v50, v3;
	v0 =	vadd.f32 v0, v4;
	_ =	sdelay $0x1  }
0x366: {  	v52 =	vld [tilespmem:s22+$0x6D00];
	v3 =	vadd.f32 v3, v51;
	[tilespmem:s22+$0xEC80] =	vst v0  }
0x367: {  	v0 =	vld.idx.msk [tilespmem:v49+s7+$0x0], $0xffff  }
0x368: {  	[tilespmem:s4+$0xE280] =	vst v3;
	v5 =	vld.idx.msk [tilespmem:v49+s16+$0x0], $0xffff  }
0x369: {  	s5 =	sor.u32 $0xB80, s15;
	v3 =	vld.idx.msk [tilespmem:v53+s7+$0x0], $0xffff  }
0x36a: {  	v55 =	vld [tilespmem:s5+$0x6280];
	_ =	sdelay $0x1  }
0x36b: {  	v54 =	vadd.s32 $0x380, v7;
	v56 =	vld.idx.msk [tilespmem:v53+s16+$0x0], $0xffff;
	v0 =	vmul.f32 v52, v0;
	_ =	sdelay $0x1  }
0x36c: {  	v0 =	vadd.f32 v0, v5  }
0x36d: {  	v58 =	vadd.s32 $0x400, v8;
	v3 =	vmul.f32 v55, v3  }
0x36e: {  	[tilespmem:s22+$0xED00] =	vst v0  }
0x36f: {  	s13 =	sor.u32 $0xB00, s23;
	v3 =	vadd.f32 v3, v56;
	v0 =	vld.idx.msk [tilespmem:v54+s7+$0x0], $0xffff  }
0x370: {  	v57 =	vld [tilespmem:s13+$0x6280]  }
0x371: {  	[tilespmem:s5+$0xE280] =	vst v3;
	v4 =	vld.idx.msk [tilespmem:v54+s16+$0x0], $0xffff  }
0x372: {  	v3 =	vld.idx.msk [tilespmem:v58+s7+$0x0], $0xffff  }
0x373: {  	v60 =	vld [tilespmem:s0+$0x7280];
	_ =	sdelay $0x1  }
0x374: {  	v59 =	vadd.s32 $0x3C0, v7;
	v61 =	vld.idx.msk [tilespmem:v58+s16+$0x0], $0xffff;
	v0 =	vmul.f32 v57, v0;
	_ =	sdelay $0x1  }
0x375: {  	v0 =	vadd.f32 v0, v4  }
0x376: {  	v63 =	vadd.s32 $0x440, v8;
	v3 =	vmul.f32 v60, v3  }
0x377: {  	[tilespmem:s13+$0xE280] =	vst v0  }
0x378: {  	s5 =	sor.u32 $0xB80, s23;
	v3 =	vadd.f32 v3, v61;
	v0 =	vld.idx.msk [tilespmem:v59+s7+$0x0], $0xffff  }
0x379: {  	v62 =	vld [tilespmem:s5+$0x6280]  }
0x37a: {  	[tilespmem:s0+$0xF280] =	vst v3;
	v5 =	vld.idx.msk [tilespmem:v59+s16+$0x0], $0xffff  }
0x37b: {  	s13 =	sor.u32 $0x1080, s26;
	v3 =	vld.idx.msk [tilespmem:v63+s7+$0x0], $0xffff  }
0x37c: {  	v11 =	vld [tilespmem:s13+$0x6280];
	_ =	sdelay $0x1  }
0x37d: {  	v10 =	vadd.s32 $0x400, v7;
	v12 =	vld.idx.msk [tilespmem:v63+s16+$0x0], $0xffff;
	v0 =	vmul.f32 v62, v0;
	_ =	sdelay $0x1  }
0x37e: {  	v0 =	vadd.f32 v0, v5  }
0x37f: {  	v14 =	vadd.s32 $0x480, v8;
	v3 =	vmul.f32 v11, v3  }
0x380: {  	[tilespmem:s5+$0xE280] =	vst v0  }
0x381: {  	v3 =	vadd.f32 v3, v12;
	v0 =	vld.idx.msk [tilespmem:v10+s7+$0x0], $0xffff  }
0x382: {  	v13 =	vld [tilespmem:s22+$0x7280]  }
0x383: {  	[tilespmem:s13+$0xE280] =	vst v3;
	v4 =	vld.idx.msk [tilespmem:v10+s16+$0x0], $0xffff  }
0x384: {  	v3 =	vld.idx.msk [tilespmem:v14+s7+$0x0], $0xffff  }
0x385: {  	v16 =	vld [tilespmem:s0+$0x7380];
	_ =	sdelay $0x1  }
0x386: {  	v17 =	vld.idx.msk [tilespmem:v14+s16+$0x0], $0xffff  }
0x387: {  	v15 =	vadd.s32 $0x440, v7;
	v0 =	vmul.f32 v13, v0;
	_ =	sdelay $0x1  }
0x388: {  	v19 =	vadd.s32 $0x4C0, v8;
	v3 =	vmul.f32 v16, v3;
	v0 =	vadd.f32 v0, v4;
	_ =	sdelay $0x1  }
0x389: {  	v18 =	vld [tilespmem:s22+$0x7300];
	v3 =	vadd.f32 v3, v17;
	[tilespmem:s22+$0xF280] =	vst v0  }
0x38a: {  	v0 =	vld.idx.msk [tilespmem:v15+s7+$0x0], $0xffff  }
0x38b: {  	[tilespmem:s0+$0xF380] =	vst v3;
	v5 =	vld.idx.msk [tilespmem:v15+s16+$0x0], $0xffff  }
0x38c: {  	s5 =	sor.u32 $0x1180, s26;
	v3 =	vld.idx.msk [tilespmem:v19+s7+$0x0], $0xffff  }
0x38d: {  	v54 =	vld [tilespmem:s5+$0x6280];
	_ =	sdelay $0x1  }
0x38e: {  	v21 =	vld.idx.msk [tilespmem:v19+s16+$0x0], $0xffff  }
0x38f: {  	v20 =	vadd.s32 $0x480, v7;
	v0 =	vmul.f32 v18, v0;
	_ =	sdelay $0x1  }
0x390: {  	v23 =	vadd.s32 $0x500, v8;
	v3 =	vmul.f32 v54, v3;
	v0 =	vadd.f32 v0, v5;
	_ =	sdelay $0x1  }
0x391: {  	v22 =	vld [tilespmem:s22+$0x7380];
	v3 =	vadd.f32 v3, v21;
	[tilespmem:s22+$0xF300] =	vst v0  }
0x392: {  	v0 =	vld.idx.msk [tilespmem:v20+s7+$0x0], $0xffff  }
0x393: {  	[tilespmem:s5+$0xE280] =	vst v3;
	v4 =	vld.idx.msk [tilespmem:v20+s16+$0x0], $0xffff  }
0x394: {  	v3 =	vld.idx.msk [tilespmem:v23+s7+$0x0], $0xffff  }
0x395: {  	v26 =	vld [tilespmem:s0+$0x7480];
	_ =	sdelay $0x1  }
0x396: {  	v27 =	vld.idx.msk [tilespmem:v23+s16+$0x0], $0xffff  }
0x397: {  	v24 =	vadd.s32 $0x4C0, v7;
	v0 =	vmul.f32 v22, v0;
	_ =	sdelay $0x1  }
0x398: {  	v30 =	vadd.s32 $0x540, v8;
	v3 =	vmul.f32 v26, v3;
	v0 =	vadd.f32 v0, v4;
	_ =	sdelay $0x1  }
0x399: {  	v29 =	vld [tilespmem:s22+$0x7400];
	v3 =	vadd.f32 v3, v27;
	[tilespmem:s22+$0xF380] =	vst v0  }
0x39a: {  	v0 =	vld.idx.msk [tilespmem:v24+s7+$0x0], $0xffff  }
0x39b: {  	[tilespmem:s0+$0xF480] =	vst v3;
	v5 =	vld.idx.msk [tilespmem:v24+s16+$0x0], $0xffff  }
0x39c: {  	s13 =	sor.u32 $0x1280, s26;
	v3 =	vld.idx.msk [tilespmem:v30+s7+$0x0], $0xffff  }
0x39d: {  	[tilespmem:$0x1FB10] =	vst v52;
	v52 =	vld [tilespmem:s13+$0x6280];
	_ =	sdelay $0x1  }
0x39e: {  	v32 =	vld.idx.msk [tilespmem:v30+s16+$0x0], $0xffff  }
0x39f: {  	v31 =	vadd.s32 $0x500, v7;
	v0 =	vmul.f32 v29, v0;
	_ =	sdelay $0x1  }
0x3a0: {  	v34 =	vadd.s32 $0x580, v8;
	v3 =	vmul.f32 v52, v3;
	v0 =	vadd.f32 v0, v5;
	_ =	sdelay $0x1  }
0x3a1: {  	v33 =	vld [tilespmem:s22+$0x7480];
	v3 =	vadd.f32 v3, v32;
	[tilespmem:s22+$0xF400] =	vst v0  }
0x3a2: {  	v0 =	vld.idx.msk [tilespmem:v31+s7+$0x0], $0xffff  }
0x3a3: {  	[tilespmem:s13+$0xE280] =	vst v3;
	v4 =	vld.idx.msk [tilespmem:v31+s16+$0x0], $0xffff  }
0x3a4: {  	s4 =	sor.u32 $0x1300, s2;
	v3 =	vld.idx.msk [tilespmem:v34+s7+$0x0], $0xffff  }
0x3a5: {  	v36 =	vld [tilespmem:s4+$0x6280];
	_ =	sdelay $0x1  }
0x3a6: {  	v37 =	vld.idx.msk [tilespmem:v34+s16+$0x0], $0xffff  }
0x3a7: {  	v35 =	vadd.s32 $0x540, v7;
	v0 =	vmul.f32 v33, v0;
	_ =	sdelay $0x1  }
0x3a8: {  	v39 =	vadd.s32 $0x5C0, v8;
	v3 =	vmul.f32 v36, v3;
	v0 =	vadd.f32 v0, v4;
	_ =	sdelay $0x1  }
0x3a9: {  	v38 =	vld [tilespmem:s22+$0x7500];
	v3 =	vadd.f32 v3, v37;
	[tilespmem:s22+$0xF480] =	vst v0  }
0x3aa: {  	v0 =	vld.idx.msk [tilespmem:v35+s7+$0x0], $0xffff  }
0x3ab: {  	[tilespmem:s4+$0xE280] =	vst v3;
	v5 =	vld.idx.msk [tilespmem:v35+s16+$0x0], $0xffff  }
0x3ac: {  	s5 =	sor.u32 $0x1380, s15;
	v3 =	vld.idx.msk [tilespmem:v39+s7+$0x0], $0xffff  }
0x3ad: {  	v41 =	vld [tilespmem:s5+$0x6280];
	_ =	sdelay $0x1  }
0x3ae: {  	v40 =	vadd.s32 $0x580, v7;
	v42 =	vld.idx.msk [tilespmem:v39+s16+$0x0], $0xffff;
	v0 =	vmul.f32 v38, v0;
	_ =	sdelay $0x1  }
0x3af: {  	v0 =	vadd.f32 v0, v5  }
0x3b0: {  	v44 =	vadd.s32 $0x600, v8;
	v3 =	vmul.f32 v41, v3  }
0x3b1: {  	[tilespmem:s22+$0xF500] =	vst v0  }
0x3b2: {  	s13 =	sor.u32 $0x1300, s23;
	v3 =	vadd.f32 v3, v42;
	v0 =	vld.idx.msk [tilespmem:v40+s7+$0x0], $0xffff  }
0x3b3: {  	v43 =	vld [tilespmem:s13+$0x6280]  }
0x3b4: {  	[tilespmem:s5+$0xE280] =	vst v3;
	v4 =	vld.idx.msk [tilespmem:v40+s16+$0x0], $0xffff  }
0x3b5: {  	v3 =	vld.idx.msk [tilespmem:v44+s7+$0x0], $0xffff  }
0x3b6: {  	[tilespmem:$0x1FB30] =	vst v62;
	v62 =	vld [tilespmem:s0+$0x7A80];
	_ =	sdelay $0x1  }
0x3b7: {  	v45 =	vadd.s32 $0x5C0, v7;
	v46 =	vld.idx.msk [tilespmem:v44+s16+$0x0], $0xffff;
	v0 =	vmul.f32 v43, v0;
	_ =	sdelay $0x1  }
0x3b8: {  	v0 =	vadd.f32 v0, v4  }
0x3b9: {  	v48 =	vadd.s32 $0x640, v8;
	v3 =	vmul.f32 v62, v3  }
0x3ba: {  	[tilespmem:s13+$0xE280] =	vst v0  }
0x3bb: {  	s5 =	sor.u32 $0x1380, s23;
	v3 =	vadd.f32 v3, v46;
	v0 =	vld.idx.msk [tilespmem:v45+s7+$0x0], $0xffff  }
0x3bc: {  	[tilespmem:$0x1FB00] =	vst v47;
	v47 =	vld [tilespmem:s5+$0x6280]  }
0x3bd: {  	[tilespmem:s0+$0xFA80] =	vst v3;
	v5 =	vld.idx.msk [tilespmem:v45+s16+$0x0], $0xffff  }
0x3be: {  	s13 =	sor.u32 $0x1880, s26;
	v3 =	vld.idx.msk [tilespmem:v48+s7+$0x0], $0xffff  }
0x3bf: {  	[tilespmem:$0x1F9E0] =	vst v60;
	v60 =	vld [tilespmem:s13+$0x6280];
	_ =	sdelay $0x1  }
0x3c0: {  	[tilespmem:$0x1F9C0] =	vst v50;
	v49 =	vadd.s32 $0x600, v7;
	v50 =	vld.idx.msk [tilespmem:v48+s16+$0x0], $0xffff;
	v0 =	vmul.f32 v47, v0;
	_ =	sdelay $0x1  }
0x3c1: {  	v0 =	vadd.f32 v0, v5  }
0x3c2: {  	v53 =	vadd.s32 $0x680, v8;
	v3 =	vmul.f32 v60, v3  }
0x3c3: {  	[tilespmem:s5+$0xE280] =	vst v0  }
0x3c4: {  	v3 =	vadd.f32 v3, v50;
	v0 =	vld.idx.msk [tilespmem:v49+s7+$0x0], $0xffff  }
0x3c5: {  	v51 =	vld [tilespmem:s22+$0x7A80]  }
0x3c6: {  	[tilespmem:s13+$0xE280] =	vst v3;
	v4 =	vld.idx.msk [tilespmem:v49+s16+$0x0], $0xffff  }
0x3c7: {  	v3 =	vld.idx.msk [tilespmem:v53+s7+$0x0], $0xffff  }
0x3c8: {  	v58 =	vld [tilespmem:s0+$0x7B80];
	_ =	sdelay $0x1  }
0x3c9: {  	v61 =	vld.idx.msk [tilespmem:v53+s16+$0x0], $0xffff  }
0x3ca: {  	[tilespmem:$0x1F9D0] =	vst v55;
	v55 =	vadd.s32 $0x640, v7;
	v0 =	vmul.f32 v51, v0;
	_ =	sdelay $0x1  }
0x3cb: {  	v10 =	vadd.s32 $0x6C0, v8;
	v3 =	vmul.f32 v58, v3;
	v0 =	vadd.f32 v0, v4;
	_ =	sdelay $0x1  }
0x3cc: {  	v63 =	vld [tilespmem:s22+$0x7B00];
	v3 =	vadd.f32 v3, v61;
	[tilespmem:s22+$0xFA80] =	vst v0  }
0x3cd: {  	v0 =	vld.idx.msk [tilespmem:v55+s7+$0x0], $0xffff  }
0x3ce: {  	[tilespmem:s0+$0xFB80] =	vst v3;
	v5 =	vld.idx.msk [tilespmem:v55+s16+$0x0], $0xffff  }
0x3cf: {  	s5 =	sor.u32 $0x1980, s26;
	v3 =	vld.idx.msk [tilespmem:v10+s7+$0x0], $0xffff  }
0x3d0: {  	v56 =	vld [tilespmem:s5+$0x6280];
	_ =	sdelay $0x1  }
0x3d1: {  	v12 =	vld.idx.msk [tilespmem:v10+s16+$0x0], $0xffff  }
0x3d2: {  	[tilespmem:$0x1F9F0] =	vst v11;
	v11 =	vadd.s32 $0x680, v7;
	v0 =	vmul.f32 v63, v0;
	_ =	sdelay $0x1  }
0x3d3: {  	v14 =	vadd.s32 $0x700, v8;
	v3 =	vmul.f32 v56, v3;
	v0 =	vadd.f32 v0, v5  }
0x3d4: {  	[tilespmem:$0x1FB40] =	vst v13  }
0x3d5: {  	v13 =	vld [tilespmem:s22+$0x7B80];
	v3 =	vadd.f32 v3, v12;
	[tilespmem:s22+$0xFB00] =	vst v0  }
0x3d6: {  	v0 =	vld.idx.msk [tilespmem:v11+s7+$0x0], $0xffff  }
0x3d7: {  	[tilespmem:s5+$0xE280] =	vst v3;
	v4 =	vld.idx.msk [tilespmem:v11+s16+$0x0], $0xffff  }
0x3d8: {  	v3 =	vld.idx.msk [tilespmem:v14+s7+$0x0], $0xffff  }
0x3d9: {  	[tilespmem:$0x1FBA0] =	vst v43;
	v43 =	vld [tilespmem:s0+$0x7C80];
	_ =	sdelay $0x1  }
0x3da: {  	[tilespmem:$0x1FA00] =	vst v16;
	v16 =	vld.idx.msk [tilespmem:v14+s16+$0x0], $0xffff  }
0x3db: {  	v15 =	vadd.s32 $0x6C0, v7;
	v0 =	vmul.f32 v13, v0;
	_ =	sdelay $0x1  }
0x3dc: {  	[tilespmem:$0x1FB50] =	vst v18;
	v18 =	vadd.s32 $0x740, v8;
	v3 =	vmul.f32 v43, v3;
	v0 =	vadd.f32 v0, v4;
	_ =	sdelay $0x1  }
0x3dd: {  	v17 =	vld [tilespmem:s22+$0x7C00];
	v3 =	vadd.f32 v3, v16;
	[tilespmem:s22+$0xFB80] =	vst v0  }
0x3de: {  	v0 =	vld.idx.msk [tilespmem:v15+s7+$0x0], $0xffff  }
0x3df: {  	[tilespmem:s0+$0xFC80] =	vst v3;
	v5 =	vld.idx.msk [tilespmem:v15+s16+$0x0], $0xffff  }
0x3e0: {  	s13 =	sor.u32 $0x1A80, s26;
	v3 =	vld.idx.msk [tilespmem:v18+s7+$0x0], $0xffff  }
0x3e1: {  	[tilespmem:$0x1FBC0] =	vst v51;
	v51 =	vld [tilespmem:s13+$0x6280];
	_ =	sdelay $0x1  }
0x3e2: {  	v20 =	vld.idx.msk [tilespmem:v18+s16+$0x0], $0xffff  }
0x3e3: {  	v19 =	vadd.s32 $0x700, v7;
	v0 =	vmul.f32 v17, v0;
	_ =	sdelay $0x1  }
0x3e4: {  	[tilespmem:$0x1FB60] =	vst v22;
	v22 =	vadd.s32 $0x780, v8;
	v3 =	vmul.f32 v51, v3;
	v0 =	vadd.f32 v0, v5;
	_ =	sdelay $0x1  }
0x3e5: {  	v21 =	vld [tilespmem:s22+$0x7C80];
	v3 =	vadd.f32 v3, v20;
	[tilespmem:s22+$0xFC00] =	vst v0  }
0x3e6: {  	v0 =	vld.idx.msk [tilespmem:v19+s7+$0x0], $0xffff  }
0x3e7: {  	[tilespmem:s13+$0xE280] =	vst v3;
	v4 =	vld.idx.msk [tilespmem:v19+s16+$0x0], $0xffff  }
0x3e8: {  	s4 =	sor.u32 $0x1B00, s2;
	v3 =	vld.idx.msk [tilespmem:v22+s7+$0x0], $0xffff  }
0x3e9: {  	v39 =	vld [tilespmem:s4+$0x6280];
	_ =	sdelay $0x1  }
0x3ea: {  	v24 =	vld.idx.msk [tilespmem:v22+s16+$0x0], $0xffff  }
0x3eb: {  	v23 =	vadd.s32 $0x740, v7;
	v0 =	vmul.f32 v21, v0;
	_ =	sdelay $0x1  }
0x3ec: {  	[tilespmem:$0x1FB70] =	vst v29;
	v29 =	vadd.s32 $0x7C0, v8;
	v3 =	vmul.f32 v39, v3;
	v0 =	vadd.f32 v0, v4;
	_ =	sdelay $0x1  }
0x3ed: {  	v27 =	vld [tilespmem:s22+$0x7D00];
	[tilespmem:s22+$0xFC80] =	vst v0;
	v0 =	vadd.f32 v3, v24  }
0x3ee: {  	[tilespmem:$0x1FA10] =	vst v26;
	v26 =	vld.idx.msk [tilespmem:v23+s7+$0x0], $0xffff  }
0x3ef: {  	v5 =	vld.idx.msk [tilespmem:v23+s16+$0x0], $0xffff;
	[tilespmem:s4+$0xE280] =	vst v0  }
0x3f0: {  	[tilespmem:$0x1FB80] =	vst v33;
	s5 =	sor.u32 $0x1B80, s15;
	v33 =	vld.idx.msk [tilespmem:v29+s7+$0x0], $0xffff  }
0x3f1: {  	v48 =	vld [tilespmem:s5+$0x6280];
	_ =	sdelay $0x1  }
0x3f2: {  	v31 =	vadd.s32 $0x780, v7;
	v34 =	vld.idx.msk [tilespmem:v29+s16+$0x0], $0xffff;
	v30 =	vmul.f32 v27, v26;
	_ =	sdelay $0x1  }
0x3f3: {  	v32 =	vadd.f32 v30, v5  }
0x3f4: {  	v37 =	vadd.s32 $0x800, v8;
	v3 =	vmul.f32 v48, v33  }
0x3f5: {  	[tilespmem:s22+$0xFD00] =	vst v32  }
0x3f6: {  	s13 =	sor.u32 $0x1B00, s23;
	v0 =	vadd.f32 v3, v34;
	v35 =	vld.idx.msk [tilespmem:v31+s7+$0x0], $0xffff  }
0x3f7: {  	[tilespmem:$0x1FA20] =	vst v36;
	v36 =	vld [tilespmem:s13+$0x6280]  }
0x3f8: {  	v4 =	vld.idx.msk [tilespmem:v31+s16+$0x0], $0xffff;
	[tilespmem:s5+$0xE280] =	vst v0  }
0x3f9: {  	v42 =	vld.idx.msk [tilespmem:v37+s7+$0x0], $0xffff  }
0x3fa: {  	v45 =	vld [tilespmem:s0+$0x8280];
	_ =	sdelay $0x1  }
0x3fb: {  	[tilespmem:$0x1FB90] =	vst v38;
	v40 =	vadd.s32 $0x7C0, v7;
	v46 =	vld.idx.msk [tilespmem:v37+s16+$0x0], $0xffff;
	v38 =	vmul.f32 v36, v35;
	_ =	sdelay $0x1  }
0x3fc: {  	[tilespmem:$0x1FA30] =	vst v41;
	v41 =	vadd.f32 v38, v4  }
0x3fd: {  	v50 =	vadd.s32 $0x840, v8;
	v3 =	vmul.f32 v45, v42  }
0x3fe: {  	[tilespmem:s13+$0xE280] =	vst v41  }
0x3ff: {  	[tilespmem:$0x1FBB0] =	vst v47;
	s5 =	sor.u32 $0x1B80, s23;
	v0 =	vadd.f32 v3, v46;
	v47 =	vld.idx.msk [tilespmem:v40+s7+$0x0], $0xffff  }
0x400: {  	v49 =	vld [tilespmem:s5+$0x6280]  }
0x401: {  	v5 =	vld.idx.msk [tilespmem:v40+s16+$0x0], $0xffff;
	[tilespmem:s0+$0x10280] =	vst v0  }
0x402: {  	s13 =	sor.u32 $0x2080, s26;
	v59 =	vld.idx.msk [tilespmem:v50+s7+$0x0], $0xffff  }
0x403: {  	v44 =	vld [tilespmem:s13+$0x6280];
	_ =	sdelay $0x1  }
0x404: {  	v55 =	vadd.s32 $0x800, v7;
	v61 =	vld.idx.msk [tilespmem:v50+s16+$0x0], $0xffff;
	v53 =	vmul.f32 v49, v47;
	_ =	sdelay $0x1  }
0x405: {  	[tilespmem:$0x1FB20] =	vst v57;
	v57 =	vadd.f32 v53, v5  }
0x406: {  	v11 =	vadd.s32 $0x880, v8;
	v3 =	vmul.f32 v44, v59  }
0x407: {  	[tilespmem:s5+$0xE280] =	vst v57  }
0x408: {  	[tilespmem:$0x1FBD0] =	vst v63;
	v0 =	vadd.f32 v3, v61;
	v63 =	vld.idx.msk [tilespmem:v55+s7+$0x0], $0xffff  }
0x409: {  	v10 =	vld [tilespmem:s22+$0x8280]  }
0x40a: {  	v4 =	vld.idx.msk [tilespmem:v55+s16+$0x0], $0xffff;
	[tilespmem:s13+$0xE280] =	vst v0  }
0x40b: {  	v15 =	vld.idx.msk [tilespmem:v11+s7+$0x0], $0xffff  }
0x40c: {  	v40 =	vld [tilespmem:s0+$0x8380];
	_ =	sdelay $0x1  }
0x40d: {  	v16 =	vld.idx.msk [tilespmem:v11+s16+$0x0], $0xffff  }
0x40e: {  	[tilespmem:$0x1FBE0] =	vst v13;
	v13 =	vadd.s32 $0x840, v7;
	v12 =	vmul.f32 v10, v63;
	_ =	sdelay $0x1  }
0x40f: {  	v19 =	vadd.s32 $0x8C0, v8;
	v14 =	vadd.f32 v12, v4;
	v3 =	vmul.f32 v40, v15;
	_ =	sdelay $0x1  }
0x410: {  	v18 =	vld [tilespmem:s22+$0x8300];
	[tilespmem:s22+$0x10280] =	vst v14;
	v0 =	vadd.f32 v3, v16  }
0x411: {  	[tilespmem:$0x1FBF0] =	vst v17;
	v17 =	vld.idx.msk [tilespmem:v13+s7+$0x0], $0xffff  }
0x412: {  	v5 =	vld.idx.msk [tilespmem:v13+s16+$0x0], $0xffff;
	[tilespmem:s0+$0x10380] =	vst v0  }
0x413: {  	s5 =	sor.u32 $0x2180, s26;
	v23 =	vld.idx.msk [tilespmem:v19+s7+$0x0], $0xffff  }
0x414: {  	v38 =	vld [tilespmem:s5+$0x6280];
	_ =	sdelay $0x1  }
0x415: {  	v24 =	vld.idx.msk [tilespmem:v19+s16+$0x0], $0xffff  }
0x416: {  	[tilespmem:$0x1FC00] =	vst v21;
	v21 =	vadd.s32 $0x880, v7;
	v20 =	vmul.f32 v18, v17;
	_ =	sdelay $0x1  }
0x417: {  	v29 =	vadd.s32 $0x900, v8;
	v22 =	vadd.f32 v20, v5;
	v3 =	vmul.f32 v38, v23  }
0x418: {  	[tilespmem:$0x1FC10] =	vst v27  }
0x419: {  	v27 =	vld [tilespmem:s22+$0x8380];
	[tilespmem:s22+$0x10300] =	vst v22;
	v0 =	vadd.f32 v3, v24  }
0x41a: {  	v26 =	vld.idx.msk [tilespmem:v21+s7+$0x0], $0xffff  }
0x41b: {  	v4 =	vld.idx.msk [tilespmem:v21+s16+$0x0], $0xffff;
	[tilespmem:s5+$0xE280] =	vst v0  }
0x41c: {  	v37 =	vld.idx.msk [tilespmem:v29+s7+$0x0], $0xffff  }
0x41d: {  	v35 =	vld [tilespmem:s0+$0x8480];
	_ =	sdelay $0x1  }
0x41e: {  	v41 =	vld.idx.msk [tilespmem:v29+s16+$0x0], $0xffff  }
0x41f: {  	v31 =	vadd.s32 $0x8C0, v7;
	v30 =	vmul.f32 v27, v26;
	_ =	sdelay $0x1  }
0x420: {  	[tilespmem:$0x1FC20] =	vst v36;
	v47 =	vadd.s32 $0x940, v8;
	v36 =	vadd.f32 v30, v4;
	v3 =	vmul.f32 v35, v37;
	_ =	sdelay $0x1  }
0x421: {  	v46 =	vld [tilespmem:s22+$0x8400];
	[tilespmem:s22+$0x10380] =	vst v36;
	v0 =	vadd.f32 v3, v41  }
0x422: {  	v42 =	vld.idx.msk [tilespmem:v31+s7+$0x0], $0xffff  }
0x423: {  	v5 =	vld.idx.msk [tilespmem:v31+s16+$0x0], $0xffff;
	[tilespmem:s0+$0x10480] =	vst v0  }
0x424: {  	s13 =	sor.u32 $0x2280, s26;
	v55 =	vld.idx.msk [tilespmem:v47+s7+$0x0], $0xffff  }
0x425: {  	v33 =	vld [tilespmem:s13+$0x6280];
	_ =	sdelay $0x1  }
0x426: {  	v57 =	vld.idx.msk [tilespmem:v47+s16+$0x0], $0xffff  }
0x427: {  	v50 =	vadd.s32 $0x900, v7;
	[tilespmem:$0x1FC30] =	vst v49;
	v49 =	vmul.f32 v46, v42;
	_ =	sdelay $0x1  }
0x428: {  	[tilespmem:$0x1FC40] =	vst v10;
	v10 =	vadd.s32 $0x980, v8;
	v53 =	vadd.f32 v49, v5;
	v3 =	vmul.f32 v33, v55;
	_ =	sdelay $0x1  }
0x429: {  	v63 =	vld [tilespmem:s22+$0x8480];
	[tilespmem:s22+$0x10400] =	vst v53;
	v0 =	vadd.f32 v3, v57  }
0x42a: {  	v59 =	vld.idx.msk [tilespmem:v50+s7+$0x0], $0xffff  }
0x42b: {  	v4 =	vld.idx.msk [tilespmem:v50+s16+$0x0], $0xffff;
	[tilespmem:s13+$0xE280] =	vst v0  }
0x42c: {  	s4 =	sor.u32 $0x2300, s2;
	v14 =	vld.idx.msk [tilespmem:v10+s7+$0x0], $0xffff  }
0x42d: {  	v22 =	vld [tilespmem:s4+$0x6280];
	_ =	sdelay $0x1  }
0x42e: {  	v15 =	vld.idx.msk [tilespmem:v10+s16+$0x0], $0xffff  }
0x42f: {  	v12 =	vadd.s32 $0x940, v7;
	v11 =	vmul.f32 v63, v59;
	_ =	sdelay $0x1  }
0x430: {  	v17 =	vadd.s32 $0x9C0, v8;
	v13 =	vadd.f32 v11, v4;
	v3 =	vmul.f32 v22, v14;
	_ =	sdelay $0x1  }
0x431: {  	v61 =	vld [tilespmem:s22+$0x8500];
	[tilespmem:s22+$0x10480] =	vst v13;
	v0 =	vadd.f32 v3, v15  }
0x432: {  	v16 =	vld.idx.msk [tilespmem:v12+s7+$0x0], $0xffff  }
0x433: {  	v5 =	vld.idx.msk [tilespmem:v12+s16+$0x0], $0xffff;
	[tilespmem:s4+$0xE280] =	vst v0  }
0x434: {  	s5 =	sor.u32 $0x2380, s15;
	v21 =	vld.idx.msk [tilespmem:v17+s7+$0x0], $0xffff  }
0x435: {  	v30 =	vld [tilespmem:s5+$0x6280];
	_ =	sdelay $0x1  }
0x436: {  	[tilespmem:$0x1FC50] =	vst v18;
	v19 =	vadd.s32 $0x980, v7;
	v23 =	vld.idx.msk [tilespmem:v17+s16+$0x0], $0xffff;
	v18 =	vmul.f32 v61, v16;
	_ =	sdelay $0x1  }
0x437: {  	v20 =	vadd.f32 v18, v5  }
0x438: {  	v26 =	vadd.s32 $0xA00, v8;
	v3 =	vmul.f32 v30, v21  }
0x439: {  	[tilespmem:s22+$0x10500] =	vst v20  }
0x43a: {  	s13 =	sor.u32 $0x2300, s23;
	v0 =	vadd.f32 v3, v23;
	v24 =	vld.idx.msk [tilespmem:v19+s7+$0x0], $0xffff  }
0x43b: {  	v59 =	vld [tilespmem:s13+$0x6280]  }
0x43c: {  	v4 =	vld.idx.msk [tilespmem:v19+s16+$0x0], $0xffff;
	[tilespmem:s5+$0xE280] =	vst v0  }
0x43d: {  	v32 =	vld.idx.msk [tilespmem:v26+s7+$0x0], $0xffff  }
0x43e: {  	v18 =	vld [tilespmem:s0+$0x8A80];
	_ =	sdelay $0x1  }
0x43f: {  	[tilespmem:$0x1FC60] =	vst v27;
	v29 =	vadd.s32 $0x9C0, v7;
	v34 =	vld.idx.msk [tilespmem:v26+s16+$0x0], $0xffff;
	v27 =	vmul.f32 v59, v24;
	_ =	sdelay $0x1  }
0x440: {  	v31 =	vadd.f32 v27, v4  }
0x441: {  	v37 =	vadd.s32 $0xA40, v8;
	v3 =	vmul.f32 v18, v32  }
0x442: {  	[tilespmem:s13+$0xE280] =	vst v31  }
0x443: {  	s5 =	sor.u32 $0x2380, s23;
	v0 =	vadd.f32 v3, v34;
	v36 =	vld.idx.msk [tilespmem:v29+s7+$0x0], $0xffff  }
0x444: {  	v57 =	vld [tilespmem:s5+$0x6280]  }
0x445: {  	v5 =	vld.idx.msk [tilespmem:v29+s16+$0x0], $0xffff;
	[tilespmem:s0+$0x10A80] =	vst v0  }
0x446: {  	s13 =	sor.u32 $0x2880, s26;
	v47 =	vld.idx.msk [tilespmem:v37+s7+$0x0], $0xffff  }
0x447: {  	v29 =	vld [tilespmem:s13+$0x6280];
	_ =	sdelay $0x1  }
0x448: {  	v42 =	vadd.s32 $0xA00, v7;
	v49 =	vld.idx.msk [tilespmem:v37+s16+$0x0], $0xffff;
	v41 =	vmul.f32 v57, v36;
	_ =	sdelay $0x1  }
0x449: {  	[tilespmem:$0x1FC70] =	vst v46;
	v46 =	vadd.f32 v41, v5  }
0x44a: {  	v10 =	vadd.s32 $0xA80, v8;
	v3 =	vmul.f32 v29, v47  }
0x44b: {  	[tilespmem:s5+$0xE280] =	vst v46  }
0x44c: {  	v0 =	vadd.f32 v3, v49;
	v50 =	vld.idx.msk [tilespmem:v42+s7+$0x0], $0xffff  }
0x44d: {  	v55 =	vld [tilespmem:s22+$0x8A80]  }
0x44e: {  	v4 =	vld.idx.msk [tilespmem:v42+s16+$0x0], $0xffff;
	[tilespmem:s13+$0xE280] =	vst v0  }
0x44f: {  	v14 =	vld.idx.msk [tilespmem:v10+s7+$0x0], $0xffff  }
0x450: {  	v16 =	vld [tilespmem:s0+$0x8B80];
	_ =	sdelay $0x1  }
0x451: {  	v20 =	vld.idx.msk [tilespmem:v10+s16+$0x0], $0xffff  }
0x452: {  	v12 =	vadd.s32 $0xA40, v7;
	v11 =	vmul.f32 v55, v50;
	_ =	sdelay $0x1  }
0x453: {  	v23 =	vadd.s32 $0xAC0, v8;
	v13 =	vadd.f32 v11, v4;
	v3 =	vmul.f32 v16, v14;
	_ =	sdelay $0x1  }
0x454: {  	v53 =	vld [tilespmem:s22+$0x8B00];
	[tilespmem:s22+$0x10A80] =	vst v13;
	v0 =	vadd.f32 v3, v20  }
0x455: {  	v21 =	vld.idx.msk [tilespmem:v12+s7+$0x0], $0xffff  }
0x456: {  	v5 =	vld.idx.msk [tilespmem:v12+s16+$0x0], $0xffff;
	[tilespmem:s0+$0x10B80] =	vst v0  }
0x457: {  	s5 =	sor.u32 $0x2980, s26;
	v36 =	vld.idx.msk [tilespmem:v23+s7+$0x0], $0xffff  }
0x458: {  	v27 =	vld [tilespmem:s5+$0x6280];
	_ =	sdelay $0x1  }
0x459: {  	v37 =	vld.idx.msk [tilespmem:v23+s16+$0x0], $0xffff  }
0x45a: {  	v32 =	vadd.s32 $0xA80, v7;
	v31 =	vmul.f32 v53, v21;
	_ =	sdelay $0x1  }
0x45b: {  	v42 =	vadd.s32 $0xB00, v8;
	v34 =	vadd.f32 v31, v5;
	v3 =	vmul.f32 v27, v36;
	_ =	sdelay $0x1  }
0x45c: {  	v50 =	vld [tilespmem:s22+$0x8B80];
	[tilespmem:s22+$0x10B00] =	vst v34;
	v0 =	vadd.f32 v3, v37  }
0x45d: {  	v41 =	vld.idx.msk [tilespmem:v32+s7+$0x0], $0xffff  }
0x45e: {  	v4 =	vld.idx.msk [tilespmem:v32+s16+$0x0], $0xffff;
	[tilespmem:s5+$0xE280] =	vst v0  }
0x45f: {  	v11 =	vld.idx.msk [tilespmem:v42+s7+$0x0], $0xffff  }
0x460: {  	v13 =	vld [tilespmem:s0+$0x8C80];
	_ =	sdelay $0x1  }
0x461: {  	v47 =	vadd.s32 $0xAC0, v7;
	v17 =	vld.idx.msk [tilespmem:v42+s16+$0x0], $0xffff;
	v46 =	vmul.f32 v50, v41;
	_ =	sdelay $0x1  }
0x462: {  	v10 =	vadd.f32 v46, v4  }
0x463: {  	v20 =	vadd.s32 $0xB40, v8;
	v3 =	vmul.f32 v13, v11  }
0x464: {  	v49 =	vld [tilespmem:s22+$0x8C00];
	[tilespmem:s22+$0x10B80] =	vst v10  }
0x465: {  	v0 =	vadd.f32 v3, v17;
	v19 =	vld.idx.msk [tilespmem:v47+s7+$0x0], $0xffff;
	_ =	sdelay $0x1  }
0x466: {  	v5 =	vld.idx.msk [tilespmem:v47+s16+$0x0], $0xffff;
	[tilespmem:s0+$0x10C80] =	vst v0  }
0x467: {  	s13 =	sor.u32 $0x2A80, s26;
	v32 =	vld.idx.msk [tilespmem:v20+s7+$0x0], $0xffff  }
0x468: {  	v26 =	vld [tilespmem:s13+$0x6280]  }
0x469: {  	v23 =	vadd.s32 $0xB00, v7;
	v21 =	vmul.f32 v49, v19  }
0x46a: {  	v34 =	vld.idx.msk [tilespmem:v20+s16+$0x0], $0xffff  }
0x46b: {  	v31 =	vadd.f32 v21, v5;
	_ =	sdelay $0x1  }
0x46c: {  	v37 =	vadd.s32 $0xB80, v8;
	v47 =	vld [tilespmem:s22+$0x8C80];
	v3 =	vmul.f32 v26, v32;
	[tilespmem:s22+$0x10C00] =	vst v31  }
0x46d: {  	v36 =	vld.idx.msk [tilespmem:v23+s7+$0x0], $0xffff  }
0x46e: {  	v0 =	vadd.f32 v3, v34  }
0x46f: {  	v4 =	vld.idx.msk [tilespmem:v23+s16+$0x0], $0xffff  }
0x470: {  	[tilespmem:s13+$0xE280] =	vst v0  }
0x471: {  	s4 =	sor.u32 $0x2B00, s2;
	v10 =	vld.idx.msk [tilespmem:v37+s7+$0x0], $0xffff  }
0x472: {  	v42 =	vadd.s32 $0xB40, v7;
	v12 =	vld [tilespmem:s4+$0x6280];
	v41 =	vmul.f32 v47, v36;
	_ =	sdelay $0x1  }
0x473: {  	v11 =	vld.idx.msk [tilespmem:v37+s16+$0x0], $0xffff;
	v46 =	vadd.f32 v41, v4;
	_ =	sdelay $0x1  }
0x474: {  	[tilespmem:s22+$0x10C80] =	vst v46;
	v46 =	vld [tilespmem:s22+$0x8D00]  }
0x475: {  	v15 =	vadd.s32 $0xBC0, v8;
	v3 =	vmul.f32 v12, v10;
	v14 =	vld.idx.msk [tilespmem:v42+s7+$0x0], $0xffff;
	_ =	sdelay $0x1  }
0x476: {  	v0 =	vadd.f32 v3, v11;
	v5 =	vld.idx.msk [tilespmem:v42+s16+$0x0], $0xffff;
	_ =	sdelay $0x1  }
0x477: {  	[tilespmem:s4+$0xE280] =	vst v0  }
0x478: {  	s5 =	sor.u32 $0x2B80, s15;
	v19 =	vadd.s32 $0xB80, v7;
	v21 =	vld.idx.msk [tilespmem:v15+s7+$0x0], $0xffff;
	v17 =	vmul.f32 v46, v14  }
0x479: {  	v11 =	vld [tilespmem:s5+$0x6280]  }
0x47a: {  	v20 =	vadd.f32 v17, v5  }
0x47b: {  	v23 =	vld.idx.msk [tilespmem:v15+s16+$0x0], $0xffff  }
0x47c: {  	[tilespmem:s22+$0x10D00] =	vst v20  }
0x47d: {  	s13 =	sor.u32 $0x2B00, s23;
	v24 =	vld.idx.msk [tilespmem:v19+s7+$0x0], $0xffff  }
0x47e: {  	v31 =	vadd.s32 $0xC00, v8;
	v3 =	vmul.f32 v11, v21;
	v42 =	vld [tilespmem:s13+$0x6280];
	_ =	sdelay $0x1  }
0x47f: {  	v0 =	vadd.f32 v3, v23;
	v4 =	vld.idx.msk [tilespmem:v19+s16+$0x0], $0xffff;
	_ =	sdelay $0x1  }
0x480: {  	[tilespmem:s5+$0xE280] =	vst v0  }
0x481: {  	v34 =	vadd.s32 $0xBC0, v7;
	v37 =	vld.idx.msk [tilespmem:v31+s7+$0x0], $0xffff;
	v32 =	vmul.f32 v42, v24  }
0x482: {  	v21 =	vld [tilespmem:s0+$0x9280]  }
0x483: {  	v36 =	vadd.f32 v32, v4  }
0x484: {  	v10 =	vld.idx.msk [tilespmem:v31+s16+$0x0], $0xffff  }
0x485: {  	[tilespmem:s13+$0xE280] =	vst v36  }
0x486: {  	s5 =	sor.u32 $0x2B80, s23;
	v14 =	vld.idx.msk [tilespmem:v34+s7+$0x0], $0xffff  }
0x487: {  	v15 =	vadd.s32 $0xC40, v8;
	v3 =	vmul.f32 v21, v37;
	v41 =	vld [tilespmem:s5+$0x6280];
	_ =	sdelay $0x1  }
0x488: {  	v0 =	vadd.f32 v3, v10;
	v5 =	vld.idx.msk [tilespmem:v34+s16+$0x0], $0xffff;
	_ =	sdelay $0x1  }
0x489: {  	[tilespmem:s0+$0x11280] =	vst v0  }
0x48a: {  	v19 =	vadd.s32 $0xC00, v7;
	s13 =	sor.u32 $0x3080, s26;
	v23 =	vld.idx.msk [tilespmem:v15+s7+$0x0], $0xffff;
	v17 =	vmul.f32 v41, v14  }
0x48b: {  	v24 =	vld [tilespmem:s13+$0x6280]  }
0x48c: {  	v20 =	vadd.f32 v17, v5  }
0x48d: {  	v31 =	vld.idx.msk [tilespmem:v15+s16+$0x0], $0xffff  }
0x48e: {  	[tilespmem:s5+$0xE280] =	vst v20  }
0x48f: {  	v32 =	vld.idx.msk [tilespmem:v19+s7+$0x0], $0xffff  }
0x490: {  	v34 =	vadd.s32 $0xC80, v8;
	v3 =	vmul.f32 v24, v23;
	v37 =	vld [tilespmem:s22+$0x9280];
	_ =	sdelay $0x1  }
0x491: {  	v0 =	vadd.f32 v3, v31;
	v4 =	vld.idx.msk [tilespmem:v19+s16+$0x0], $0xffff;
	_ =	sdelay $0x1  }
0x492: {  	[tilespmem:s13+$0xE280] =	vst v0  }
0x493: {  	v10 =	vadd.s32 $0xC40, v7;
	v15 =	vld.idx.msk [tilespmem:v34+s7+$0x0], $0xffff;
	v36 =	vmul.f32 v37, v32  }
0x494: {  	v23 =	vld [tilespmem:s0+$0x9380]  }
0x495: {  	v14 =	vadd.f32 v36, v4  }
0x496: {  	v17 =	vld.idx.msk [tilespmem:v34+s16+$0x0], $0xffff  }
0x497: {  	v36 =	vld [tilespmem:s22+$0x9300];
	[tilespmem:s22+$0x11280] =	vst v14  }
0x498: {  	v19 =	vld.idx.msk [tilespmem:v10+s7+$0x0], $0xffff  }
0x499: {  	v3 =	vmul.f32 v23, v15;
	v5 =	vld.idx.msk [tilespmem:v10+s16+$0x0], $0xffff;
	v10 =	vadd.s32 $0xCC0, v8;
	_ =	sdelay $0x1  }
0x49a: {  	v0 =	vadd.f32 v3, v17;
	_ =	sdelay $0x1  }
0x49b: {  	[tilespmem:s0+$0x11380] =	vst v0;
	v20 =	vmul.f32 v36, v19  }
0x49c: {  	v31 =	vadd.s32 $0xC80, v7;
	s5 =	sor.u32 $0x3180, s26;
	v15 =	vld.idx.msk [tilespmem:v10+s7+$0x0], $0xffff  }
0x49d: {  	v14 =	vadd.f32 v20, v5;
	v20 =	vld [tilespmem:s5+$0x6280];
	_ =	sdelay $0x1  }
0x49e: {  	v17 =	vld.idx.msk [tilespmem:v10+s16+$0x0], $0xffff  }
0x49f: {  	v34 =	vld [tilespmem:s22+$0x9380];
	[tilespmem:s22+$0x11300] =	vst v14  }
0x4a0: {  	v19 =	vld.idx.msk [tilespmem:v31+s7+$0x0], $0xffff  }
0x4a1: {  	v4 =	vld.idx.msk [tilespmem:v31+s16+$0x0], $0xffff;
	v31 =	vadd.s32 $0xD00, v8;
	v3 =	vmul.f32 v20, v15;
	_ =	sdelay $0x1  }
0x4a2: {  	v0 =	vadd.f32 v3, v17;
	_ =	sdelay $0x1  }
0x4a3: {  	v17 =	vmul.f32 v34, v19;
	v19 =	vadd.s32 $0xCC0, v7;
	[tilespmem:s5+$0xE280] =	vst v0  }
0x4a4: {  	v6 =	vld.idx.msk [tilespmem:v31+s7+$0x0], $0xffff  }
0x4a5: {  	v32 =	vadd.f32 v17, v4;
	v15 =	vld [tilespmem:s0+$0x9480]  }
0x4a6: {  	v0 =	vld.idx.msk [tilespmem:v31+s16+$0x0], $0xffff  }
0x4a7: {  	[tilespmem:s22+$0x11380] =	vst v32;
	v32 =	vld [tilespmem:s22+$0x9400]  }
0x4a8: {  	v14 =	vld.idx.msk [tilespmem:v19+s7+$0x0], $0xffff;
	_ =	sdelay $0x1  }
0x4a9: {  	v17 =	vadd.s32 $0xD40, v8;
	v5 =	vld.idx.msk [tilespmem:v19+s16+$0x0], $0xffff;
	v3 =	vmul.f32 v15, v6;
	_ =	sdelay $0x1  }
0x4aa: {  	v0 =	vadd.f32 v3, v0  }
0x4ab: {  	v19 =	vmul.f32 v32, v14  }
0x4ac: {  	v10 =	vadd.s32 $0xD00, v7;
	[tilespmem:s0+$0x11480] =	vst v0  }
0x4ad: {  	s13 =	sor.u32 $0x3280, s26;
	v31 =	vadd.f32 v19, v5;
	v5 =	vld.idx.msk [tilespmem:v17+s7+$0x0], $0xffff  }
0x4ae: {  	v14 =	vld [tilespmem:s13+$0x6280]  }
0x4af: {  	v1 =	vld.idx.msk [tilespmem:v17+s16+$0x0], $0xffff  }
0x4b0: {  	[tilespmem:s22+$0x11400] =	vst v31;
	v31 =	vld [tilespmem:s22+$0x9480]  }
0x4b1: {  	v17 =	vld.idx.msk [tilespmem:v10+s7+$0x0], $0xffff  }
0x4b2: {  	v3 =	vmul.f32 v9, v9;
	v9 =	vld [tilespmem:$0x1F910]  }
0x4b3: {  	v0 =	vadd.s32 $0xD80, v8;
	v10 =	vld.idx.msk [tilespmem:v10+s16+$0x0], $0xffff;
	v5 =	vmul.f32 v14, v5;
	_ =	sdelay $0x1  }
0x4b4: {  	v1 =	vadd.f32 v5, v1  }
0x4b5: {  	v2 =	vmul.f32 v31, v17  }
0x4b6: {  	[tilespmem:s13+$0xE280] =	vst v1;
	v1 =	vmul.f32 v9, v9;
	v9 =	vld [tilespmem:$0x1F930]  }
0x4b7: {  	s4 =	sor.u32 $0x3300, s2;
	v6 =	vadd.f32 v2, v10;
	v10 =	vld.idx.msk [tilespmem:v0+s7+$0x0], $0xffff;
	v2 =	vmul.f32 v25, v25;
	v25 =	vmul.f32 v28, v28  }
0x4b8: {  	v19 =	vld [tilespmem:s4+$0x6280]  }
0x4b9: {  	v4 =	vadd.f32 v25, v3;
	v25 =	vld [tilespmem:$0x1F920];
	_ =	sdelay $0x1  }
0x4ba: {  	[tilespmem:s22+$0x11480] =	vst v6;
	v6 =	vld.idx.msk [tilespmem:v0+s16+$0x0], $0xffff;
	_ =	sdelay $0x1  }
0x4bb: {  	v10 =	vmul.f32 v19, v10  }
0x4bc: {  	v1 =	vadd.f32 v1, v2;
	v2 =	vmul.f32 v25, v25;
	v25 =	vmul.f32 v9, v9  }
0x4bd: {  	v9 =	vld [tilespmem:$0x1F940]  }
0x4be: {  	v1 =	vadd.f32 v25, v1;
	v25 =	vadd.f32 v10, v6;
	v10 =	vld [tilespmem:$0x1F950];
	_ =	sdelay $0x3  }
0x4bf: {  	v17 =	vadd.s32 $0xD40, v7  }
0x4c0: {  	v2 =	vadd.f32 v2, v4;
	v4 =	vmul.f32 v9, v9;
	v6 =	vmul.f32 v10, v10;
	_ =	sdelay $0x1  }
0x4c1: {  	v2 =	vadd.f32 v4, v2;
	v4 =	vadd.f32 v6, v1;
	v6 =	vld [tilespmem:$0x1F970];
	_ =	sdelay $0x1  }
0x4c2: {  	v28 =	vld [tilespmem:s22+$0x9500]  }
0x4c3: {  	v5 =	vld.idx.msk [tilespmem:v17+s7+$0x0], $0xffff  }
0x4c4: {  	[tilespmem:s4+$0xE280] =	vst v25;
	v25 =	vld [tilespmem:$0x1F960]  }
0x4c5: {  	v17 =	vld.idx.msk [tilespmem:v17+s16+$0x0], $0xffff;
	v6 =	vmul.f32 v6, v6  }
0x4c6: {  	v0 =	vadd.s32 $0xDC0, v8;
	v9 =	vld [tilespmem:$0x1F980]  }
0x4c7: {  	v4 =	vadd.f32 v6, v4;
	v6 =	vld [tilespmem:$0x1F990];
	_ =	sdelay $0x1  }
0x4c8: {  	v5 =	vmul.f32 v28, v5;
	v3 =	vmul.f32 v25, v25;
	_ =	sdelay $0x1  }
0x4c9: {  	s5 =	sor.u32 $0x3380, s15;
	v5 =	vadd.f32 v5, v17;
	v17 =	vld.idx.msk [tilespmem:v0+s7+$0x0], $0xffff;
	v25 =	vmul.f32 v9, v9;
	v2 =	vadd.f32 v3, v2  }
0x4ca: {  	v10 =	vadd.s32 $0xD80, v7;
	v9 =	vld [tilespmem:s5+$0x6280];
	v3 =	vmul.f32 v6, v6  }
0x4cb: {  	v2 =	vadd.f32 v25, v2;
	v25 =	vld [tilespmem:$0x1F9A0]  }
0x4cc: {  	v3 =	vadd.f32 v3, v4;
	v4 =	vld [tilespmem:$0x1F9B0];
	_ =	sdelay $0x1  }
0x4cd: {  	[tilespmem:s22+$0x11500] =	vst v5;
	v5 =	vld.idx.msk [tilespmem:v0+s16+$0x0], $0xffff  }
0x4ce: {  	s13 =	sor.u32 $0x3300, s23;
	v1 =	vld.idx.msk [tilespmem:v10+s7+$0x0], $0xffff  }
0x4cf: {  	v6 =	vmul.f32 v25, v25;
	v25 =	vld [tilespmem:s13+$0x6280]  }
0x4d0: {  	v17 =	vmul.f32 v9, v17;
	v4 =	vmul.f32 v4, v4  }
0x4d1: {  	v10 =	vld.idx.msk [tilespmem:v10+s16+$0x0], $0xffff  }
0x4d2: {  	v3 =	vadd.f32 v4, v3;
	v4 =	vadd.f32 v17, v5;
	v17 =	vld [tilespmem:$0x1F9D0];
	_ =	sdelay $0x1  }
0x4d3: {  	v1 =	vmul.f32 v25, v1;
	[tilespmem:s5+$0xE280] =	vst v4;
	v4 =	vld [tilespmem:$0x1F9F0];
	_ =	sdelay $0x1  }
0x4d4: {  	v1 =	vadd.f32 v1, v10;
	v10 =	vld [tilespmem:$0x1FA00]  }
0x4d5: {  	v5 =	vmul.f32 v17, v17;
	_ =	sdelay $0x1  }
0x4d6: {  	v3 =	vadd.f32 v5, v3;
	v4 =	vmul.f32 v4, v4;
	_ =	sdelay $0x1  }
0x4d7: {  	v5 =	vmul.f32 v10, v10;
	v10 =	vmul.f32 v54, v54;
	v3 =	vadd.f32 v4, v3  }
0x4d8: {  	v2 =	vadd.f32 v6, v2;
	v6 =	vld [tilespmem:$0x1F9C0]  }
0x4d9: {  	[tilespmem:s13+$0xE280] =	vst v1;
	v1 =	vadd.f32 v10, v3;
	v10 =	vld [tilespmem:$0x1FA10]  }
0x4da: {  	v17 =	vld [tilespmem:$0x1F9E0];
	_ =	sdelay $0x2  }
0x4db: {  	v6 =	vmul.f32 v6, v6  }
0x4dc: {  	v3 =	vmul.f32 v10, v10;
	v10 =	vmul.f32 v52, v52  }
0x4dd: {  	v0 =	vadd.s32 $0xE00, v8;
	v2 =	vadd.f32 v6, v2;
	v6 =	vmul.f32 v17, v17  }
0x4de: {  	v1 =	vadd.f32 v10, v1;
	v10 =	vld [tilespmem:$0x1FA20]  }
0x4df: {  	v2 =	vadd.f32 v6, v2  }
0x4e0: {  	v17 =	vadd.s32 $0xDC0, v7  }
0x4e1: {  	v54 =	vld [tilespmem:s0+$0x9A80];
	v2 =	vadd.f32 v5, v2  }
0x4e2: {  	v6 =	vld.idx.msk [tilespmem:v0+s7+$0x0], $0xffff  }
0x4e3: {  	v2 =	vadd.f32 v3, v2;
	v3 =	vmul.f32 v10, v10;
	v10 =	vld [tilespmem:$0x1FA30]  }
0x4e4: {  	v0 =	vld.idx.msk [tilespmem:v0+s16+$0x0], $0xffff  }
0x4e5: {  	s4 =	sor.u32 $0x3380, s23;
	v5 =	vld.idx.msk [tilespmem:v17+s7+$0x0], $0xffff  }
0x4e6: {  	v52 =	vld [tilespmem:s4+$0x6280]  }
0x4e7: {  	v6 =	vmul.f32 v54, v6  }
0x4e8: {  	v4 =	vmul.f32 v10, v10;
	v10 =	vld.idx.msk [tilespmem:v17+s16+$0x0], $0xffff;
	v17 =	vadd.s32 $0xE40, v8  }
0x4e9: {  	v0 =	vadd.f32 v6, v0  }
0x4ea: {  	v6 =	vadd.s32 $0xE00, v7;
	v2 =	vadd.f32 v3, v2;
	v3 =	vmul.f32 v62, v62  }
0x4eb: {  	v5 =	vmul.f32 v52, v5;
	v62 =	vmul.f32 v60, v60;
	v1 =	vadd.f32 v4, v1  }
0x4ec: {  	v58 =	vmul.f32 v58, v58;
	[tilespmem:s0+$0x11A80] =	vst v0;
	v2 =	vadd.f32 v3, v2  }
0x4ed: {  	s5 =	sor.u32 $0x3880, s26;
	v1 =	vadd.f32 v62, v1;
	v62 =	vmul.f32 v56, v56;
	v60 =	vadd.f32 v5, v10;
	v5 =	vld.idx.msk [tilespmem:v17+s7+$0x0], $0xffff  }
0x4ee: {  	v0 =	vadd.f32 v58, v2;
	v10 =	vmul.f32 v43, v43;
	v43 =	vld [tilespmem:s5+$0x6280]  }
0x4ef: {  	v58 =	vmul.f32 v51, v51;
	v56 =	vld.idx.msk [tilespmem:v17+s16+$0x0], $0xffff;
	v1 =	vadd.f32 v62, v1;
	[tilespmem:s4+$0xE280] =	vst v60  }
0x4f0: {  	v62 =	vmul.f32 v48, v48;
	v0 =	vadd.f32 v10, v0;
	v60 =	vmul.f32 v39, v39;
	v10 =	vld.idx.msk [tilespmem:v6+s7+$0x0], $0xffff  }
0x4f1: {  	v1 =	vadd.f32 v58, v1;
	v58 =	vmul.f32 v44, v44;
	v44 =	vmul.f32 v35, v35;
	v35 =	vld [tilespmem:$0x1FA60]  }
0x4f2: {  	v48 =	vmul.f32 v45, v45;
	v39 =	vld [tilespmem:s22+$0x9A80];
	v0 =	vadd.f32 v60, v0  }
0x4f3: {  	v51 =	vadd.s32 $0xE80, v8;
	v6 =	vld.idx.msk [tilespmem:v6+s16+$0x0], $0xffff;
	v5 =	vmul.f32 v43, v5;
	v1 =	vadd.f32 v62, v1  }
0x4f4: {  	v38 =	vmul.f32 v38, v38;
	v0 =	vadd.f32 v48, v0;
	v48 =	vmul.f32 v33, v33;
	v33 =	vld [tilespmem:$0x1FA50]  }
0x4f5: {  	v56 =	vadd.f32 v5, v56;
	v1 =	vadd.f32 v58, v1;
	v58 =	vmul.f32 v30, v30;
	v30 =	vld [tilespmem:$0x1FA40]  }
0x4f6: {  	v3 =	vmul.f32 v35, v35;
	v35 =	vld [tilespmem:$0x1FAE0]  }
0x4f7: {  	[tilespmem:s5+$0xE280] =	vst v56;
	v1 =	vadd.f32 v38, v1;
	v38 =	vld [tilespmem:$0x1FA70]  }
0x4f8: {  	v60 =	vmul.f32 v40, v40;
	v45 =	vld.idx.msk [tilespmem:v51+s7+$0x0], $0xffff  }
0x4f9: {  	v62 =	vmul.f32 v39, v10;
	v51 =	vld.idx.msk [tilespmem:v51+s16+$0x0], $0xffff  }
0x4fa: {  	v10 =	vadd.s32 $0xE40, v7;
	v0 =	vadd.f32 v60, v0;
	v56 =	vmul.f32 v22, v22;
	v22 =	vld [tilespmem:s0+$0x9B80]  }
0x4fb: {  	v40 =	vadd.f32 v62, v6;
	v62 =	vmul.f32 v18, v18;
	v18 =	vld [tilespmem:s22+$0x9B00]  }
0x4fc: {  	v0 =	vadd.f32 v44, v0;
	v44 =	vld [tilespmem:$0x1FA90]  }
0x4fd: {  	[tilespmem:s22+$0x11A80] =	vst v40;
	v40 =	vld [tilespmem:$0x1FA80]  }
0x4fe: {  	v0 =	vadd.f32 v56, v0;
	v56 =	vmul.f32 v16, v16;
	v16 =	vld [tilespmem:$0x1FAD0]  }
0x4ff: {  	v1 =	vadd.f32 v48, v1;
	v60 =	vld.idx.msk [tilespmem:v10+s7+$0x0], $0xffff  }
0x500: {  	v17 =	vmul.f32 v33, v33;
	v10 =	vld.idx.msk [tilespmem:v10+s16+$0x0], $0xffff  }
0x501: {  	v48 =	vmul.f32 v29, v29;
	v2 =	vmul.f32 v30, v30;
	v1 =	vadd.f32 v58, v1;
	v58 =	vld [tilespmem:$0x1FAC0]  }
0x502: {  	v0 =	vadd.f32 v62, v0;
	v30 =	vmul.f32 v38, v38;
	v5 =	vmul.f32 v22, v45;
	v45 =	vld [tilespmem:$0x1FAA0]  }
0x503: {  	v2 =	vadd.f32 v17, v2;
	v33 =	vmul.f32 v44, v44;
	v44 =	vmul.f32 v13, v13;
	v13 =	vld [tilespmem:s22+$0x9B80]  }
0x504: {  	v17 =	vadd.s32 $0xEC0, v8;
	v1 =	vadd.f32 v48, v1;
	v48 =	vld [tilespmem:$0x1FAF0];
	v0 =	vadd.f32 v56, v0  }
0x505: {  	v3 =	vadd.f32 v30, v3;
	v30 =	vmul.f32 v40, v40;
	v5 =	vadd.f32 v5, v51;
	v51 =	vld [tilespmem:$0x1FAB0]  }
0x506: {  	v40 =	vmul.f32 v27, v27;
	v0 =	vadd.f32 v44, v0;
	v44 =	vmul.f32 v12, v12;
	v12 =	vld [tilespmem:s22+$0x9C00]  }
0x507: {  	[tilespmem:s0+$0x11B80] =	vst v5;
	v5 =	vmul.f32 v35, v35;
	v35 =	vld [tilespmem:$0x1FB30]  }
0x508: {  	v4 =	vmul.f32 v18, v60;
	v1 =	vadd.f32 v40, v1;
	v40 =	vld [tilespmem:$0x1FB40]  }
0x509: {  	v6 =	vadd.s32 $0xE80, v7;
	v62 =	vld.idx.msk [tilespmem:v17+s7+$0x0], $0xffff  }
0x50a: {  	v2 =	vadd.f32 v30, v2;
	v30 =	vmul.f32 v45, v45;
	v4 =	vadd.f32 v4, v10;
	v45 =	vld.idx.msk [tilespmem:v17+s16+$0x0], $0xffff  }
0x50b: {  	s13 =	sor.u32 $0x3980, s26;
	v17 =	vmul.f32 v48, v48;
	v48 =	vld [tilespmem:$0x1FB60]  }
0x50c: {  	[tilespmem:s22+$0x11B00] =	vst v4;
	v4 =	vmul.f32 v16, v16;
	v16 =	vld [tilespmem:s13+$0x6280]  }
0x50d: {  	v10 =	vmul.f32 v51, v51;
	v51 =	vld [tilespmem:$0x1FB00]  }
0x50e: {  	v60 =	vmul.f32 v58, v58;
	v2 =	vadd.f32 v30, v2;
	v38 =	vld.idx.msk [tilespmem:v6+s7+$0x0], $0xffff  }
0x50f: {  	v3 =	vadd.f32 v33, v3;
	v56 =	vld.idx.msk [tilespmem:v6+s16+$0x0], $0xffff  }
0x510: {  	v2 =	vadd.f32 v60, v2;
	v60 =	vld [tilespmem:$0x1FB10]  }
0x511: {  	v3 =	vadd.f32 v10, v3;
	v58 =	vmul.f32 v16, v62;
	v62 =	vld [tilespmem:$0x1FB20]  }
0x512: {  	v27 =	vadd.s32 $0xF00, v8;
	v30 =	vmul.f32 v23, v23;
	v23 =	vld [tilespmem:s22+$0x9C80]  }
0x513: {  	v6 =	vmul.f32 v35, v35;
	v35 =	vld [tilespmem:$0x1FBA0];
	v3 =	vadd.f32 v4, v3;
	v2 =	vadd.f32 v5, v2  }
0x514: {  	v29 =	vmul.f32 v51, v51;
	v10 =	vmul.f32 v13, v38;
	v5 =	vadd.f32 v58, v45;
	v45 =	vld [tilespmem:$0x1FB50]  }
0x515: {  	v33 =	vadd.s32 $0xEC0, v7;
	v3 =	vadd.f32 v17, v3;
	v17 =	vmul.f32 v60, v60;
	v60 =	vld [tilespmem:$0x1FB80]  }
0x516: {  	v2 =	vadd.f32 v29, v2;
	v4 =	vadd.f32 v10, v56;
	v56 =	vld [tilespmem:$0x1FB70];
	[tilespmem:s13+$0xE280] =	vst v5;
	v29 =	vmul.f32 v62, v62  }
0x517: {  	v3 =	vadd.f32 v17, v3;
	v17 =	vld.idx.msk [tilespmem:v27+s7+$0x0], $0xffff  }
0x518: {  	v38 =	vmul.f32 v26, v26;
	v58 =	vmul.f32 v11, v11;
	v2 =	vadd.f32 v29, v2;
	v29 =	vld [tilespmem:$0x1FB90]  }
0x519: {  	v11 =	vld [tilespmem:s0+$0x9C80];
	v3 =	vadd.f32 v6, v3;
	v6 =	vmul.f32 v40, v40;
	v10 =	vmul.f32 v45, v45  }
0x51a: {  	v1 =	vadd.f32 v38, v1;
	v5 =	vmul.f32 v48, v48;
	[tilespmem:s22+$0x11B80] =	vst v4;
	v40 =	vld [tilespmem:$0x1FBB0]  }
0x51b: {  	v51 =	vld.idx.msk [tilespmem:v33+s7+$0x0], $0xffff;
	v4 =	vmul.f32 v56, v56;
	v2 =	vadd.f32 v6, v2;
	v3 =	vadd.f32 v10, v3  }
0x51c: {  	v62 =	vmul.f32 v21, v21;
	v1 =	vadd.f32 v58, v1;
	v58 =	vld [tilespmem:$0x1FBD0];
	v10 =	vmul.f32 v60, v60  }
0x51d: {  	v38 =	vld.idx.msk [tilespmem:v27+s16+$0x0], $0xffff;
	v2 =	vadd.f32 v5, v2;
	v3 =	vadd.f32 v4, v3;
	v21 =	vmul.f32 v29, v29  }
0x51e: {  	v0 =	vadd.f32 v44, v0;
	v27 =	vld [tilespmem:$0x1FC00]  }
0x51f: {  	v33 =	vld.idx.msk [tilespmem:v33+s16+$0x0], $0xffff;
	v2 =	vadd.f32 v10, v2;
	v10 =	vmul.f32 v40, v40;
	v3 =	vadd.f32 v21, v3  }
0x520: {  	v48 =	vmul.f32 v11, v17;
	v44 =	vmul.f32 v12, v51;
	v51 =	vld [tilespmem:$0x1FBC0]  }
0x521: {  	v0 =	vadd.f32 v62, v0;
	v62 =	vld [tilespmem:$0x1FBE0];
	v26 =	vmul.f32 v58, v58;
	v3 =	vadd.f32 v10, v3  }
0x522: {  	v45 =	vadd.s32 $0xF00, v7;
	v5 =	vmul.f32 v35, v35;
	v4 =	vadd.f32 v48, v38;
	v38 =	vld [tilespmem:$0x1FC20]  }
0x523: {  	v3 =	vadd.f32 v26, v3;
	v26 =	vld [tilespmem:$0x1FBF0]  }
0x524: {  	v20 =	vmul.f32 v20, v20;
	v48 =	vld [tilespmem:$0x1FC40];
	v2 =	vadd.f32 v5, v2;
	v5 =	vadd.f32 v44, v33  }
0x525: {  	v14 =	vmul.f32 v14, v14;
	v33 =	vld [tilespmem:$0x1FC10];
	v17 =	vmul.f32 v51, v51  }
0x526: {  	v56 =	vadd.s32 $0xF40, v8;
	v60 =	vmul.f32 v24, v24;
	v0 =	vadd.f32 v30, v0;
	v40 =	vld [tilespmem:$0x1FC30];
	[tilespmem:s22+$0x11C00] =	vst v5  }
0x527: {  	v30 =	vadd.s32 $0xF80, v8;
	v24 =	vmul.f32 v62, v62;
	v2 =	vadd.f32 v17, v2;
	v29 =	vld.idx.msk [tilespmem:v45+s7+$0x0], $0xffff  }
0x528: {  	v58 =	vadd.s32 $0xF40, v7;
	v1 =	vadd.f32 v60, v1;
	v51 =	vld [tilespmem:$0x1FC50];
	v5 =	vmul.f32 v26, v26  }
0x529: {  	v11 =	vmul.f32 v11, v11;
	v10 =	vmul.f32 v27, v27;
	v44 =	vld.idx.msk [tilespmem:v45+s16+$0x0], $0xffff;
	v2 =	vadd.f32 v24, v2  }
0x52a: {  	v62 =	vld [tilespmem:$0x1FC70];
	v1 =	vadd.f32 v20, v1;
	v3 =	vadd.f32 v5, v3;
	v5 =	vmul.f32 v33, v33  }
0x52b: {  	v60 =	vld [tilespmem:$0x1FC60];
	v27 =	vmul.f32 v59, v59;
	v24 =	vmul.f32 v38, v38;
	v2 =	vadd.f32 v10, v2  }
0x52c: {  	[tilespmem:s0+$0x11C80] =	vst v4;
	v4 =	vmul.f32 v40, v40;
	v17 =	vmul.f32 v23, v29;
	v3 =	vadd.f32 v5, v3  }
0x52d: {  	v35 =	vld.idx.msk [tilespmem:v56+s7+$0x0], $0xffff;
	v59 =	vmul.f32 v43, v43;
	v20 =	vmul.f32 v51, v51;
	v2 =	vadd.f32 v24, v2  }
0x52e: {  	s4 =	sor.u32 $0x3A80, s26;
	v56 =	vld.idx.msk [tilespmem:v56+s16+$0x0], $0xffff;
	v5 =	vadd.f32 v17, v44;
	v3 =	vadd.f32 v4, v3;
	v4 =	vmul.f32 v48, v48  }
0x52f: {  	v1 =	vadd.f32 v14, v1;
	v45 =	vmul.f32 v15, v15;
	v15 =	vld [tilespmem:s4+$0x6280];
	v17 =	vmul.f32 v62, v62  }
0x530: {  	[tilespmem:s22+$0x11C80] =	vst v5;
	v2 =	vadd.f32 v4, v2;
	v3 =	vadd.f32 v20, v3;
	v4 =	vmul.f32 v60, v60  }
0x531: {  	v43 =	vmul.f32 v52, v52;
	v40 =	vmul.f32 v9, v9;
	v0 =	vadd.f32 v45, v0;
	v29 =	vld.idx.msk [tilespmem:v58+s7+$0x0], $0xffff  }
0x532: {  	v24 =	vmul.f32 v63, v63;
	v2 =	vadd.f32 v4, v2;
	v3 =	vadd.f32 v17, v3;
	v17 =	vld [tilespmem:s22+$0x9D00]  }
0x533: {  	v38 =	vmul.f32 v55, v55;
	v1 =	vadd.f32 v40, v1;
	v26 =	vmul.f32 v61, v61  }
0x534: {  	v55 =	vadd.s32 $0xF80, v7;
	v45 =	vld.idx.msk [tilespmem:v58+s16+$0x0], $0xffff;
	v20 =	vmul.f32 v15, v35;
	v2 =	vadd.f32 v24, v2  }
0x535: {  	v40 =	vmul.f32 v25, v25;
	v33 =	vmul.f32 v57, v57;
	v3 =	vadd.f32 v26, v3  }
0x536: {  	v63 =	vmul.f32 v41, v41;
	v4 =	vadd.f32 v20, v56;
	v2 =	vadd.f32 v27, v2  }
0x537: {  	v44 =	vmul.f32 v53, v53;
	v3 =	vadd.f32 v33, v3;
	v53 =	vmul.f32 v17, v29  }
0x538: {  	v41 =	vmul.f32 v15, v15;
	v48 =	vmul.f32 v50, v50;
	[tilespmem:s4+$0xE280] =	vst v4;
	v2 =	vadd.f32 v38, v2  }
0x539: {  	s5 =	sor.u32 $0x3B00, s2;
	v50 =	vmul.f32 v49, v49;
	v51 =	vld.idx.msk [tilespmem:v30+s7+$0x0], $0xffff;
	v3 =	vadd.f32 v44, v3;
	v6 =	vadd.f32 v53, v45  }
0x53a: {  	v58 =	vmul.f32 v47, v47;
	v60 =	vmul.f32 v46, v46;
	v57 =	vld [tilespmem:s5+$0x6280]  }
0x53b: {  	v61 =	vld.idx.msk [tilespmem:v30+s16+$0x0], $0xffff;
	v2 =	vadd.f32 v48, v2;
	v3 =	vadd.f32 v50, v3;
	[tilespmem:s22+$0x11D00] =	vst v6  }
0x53c: {  	s13 =	sor.u32 $0x3B00, s23;
	v7 =	vadd.s32 $0xFC0, v7;
	v62 =	vmul.f32 v42, v42;
	v47 =	vmul.f32 v13, v13;
	v27 =	vld.idx.msk [tilespmem:v55+s7+$0x0], $0xffff  }
0x53d: {  	v35 =	vmul.f32 v19, v19;
	v2 =	vadd.f32 v58, v2;
	v3 =	vadd.f32 v60, v3;
	v30 =	vld [tilespmem:s13+$0x6280]  }
0x53e: {  	v1 =	vadd.f32 v59, v1;
	v56 =	vmul.f32 v54, v54;
	v26 =	vmul.f32 v37, v37  }
0x53f: {  	v29 =	vmul.f32 v36, v36;
	v9 =	vld.idx.msk [tilespmem:v55+s16+$0x0], $0xffff;
	v2 =	vadd.f32 v62, v2;
	v3 =	vadd.f32 v63, v3  }
0x540: {  	v0 =	vadd.f32 v35, v0;
	v33 =	vmul.f32 v34, v34;
	v5 =	vmul.f32 v57, v51  }
0x541: {  	v34 =	vmul.f32 v32, v32;
	v2 =	vadd.f32 v26, v2;
	v3 =	vadd.f32 v29, v3  }
0x542: {  	v37 =	vmul.f32 v28, v28;
	v5 =	vadd.f32 v5, v61;
	v38 =	vmul.f32 v30, v27  }
0x543: {  	v36 =	vmul.f32 v31, v31;
	v2 =	vadd.f32 v33, v2;
	v3 =	vadd.f32 v34, v3  }
0x544: {  	v35 =	vmul.f32 v16, v16;
	v0 =	vadd.f32 v56, v0;
	s22 =	sor.u32 $0x3B80, s15;
	[tilespmem:s5+$0xE280] =	vst v5;
	v9 =	vadd.f32 v38, v9  }
0x545: {  	v46 =	vmul.f32 v18, v18;
	v42 =	vld [tilespmem:s22+$0x6280];
	v2 =	vadd.f32 v36, v2;
	v3 =	vadd.f32 v37, v3  }
0x546: {  	v24 =	vmul.f32 v22, v22;
	v1 =	vadd.f32 v35, v1;
	v44 =	vadd.s32 $0xFC0, v8  }
0x547: {  	s26 =	sor.u32 $0x3B80, s23;
	v45 =	vmul.f32 v39, v39;
	[tilespmem:s13+$0xE280] =	vst v9;
	v2 =	vadd.f32 v40, v2;
	v3 =	vadd.f32 v43, v3  }
0x548: {  	v0 =	vadd.f32 v24, v0;
	v1 =	vadd.f32 v41, v1;
	v52 =	vmul.f32 v17, v17;
	v9 =	vld [tilespmem:s26+$0x6280]  }
0x549: {  	v48 =	vmul.f32 v12, v12;
	v2 =	vadd.f32 v45, v2;
	v3 =	vadd.f32 v46, v3  }
0x54a: {  	v0 =	vadd.f32 v11, v0;
	v4 =	vmul.f32 v57, v57;
	v49 =	vmul.f32 v42, v42  }
0x54b: {  	v50 =	vmul.f32 v23, v23;
	v51 =	vld.idx.msk [tilespmem:v44+s7+$0x0], $0xffff;
	v2 =	vadd.f32 v47, v2;
	v3 =	vadd.f32 v48, v3  }
0x54c: {  	v0 =	vadd.f32 v4, v0;
	v5 =	vld.idx.msk [tilespmem:v44+s16+$0x0], $0xffff;
	v53 =	vmul.f32 v30, v30;
	v1 =	vadd.f32 v49, v1  }
0x54d: {  	v54 =	vld.idx.msk [tilespmem:v7+s7+$0x0], $0xffff;
	v55 =	vmul.f32 v9, v9;
	v2 =	vadd.f32 v50, v2;
	v3 =	vadd.f32 v52, v3  }
0x54e: {  	v60 =	vld [tilespmem:$0x1FFF0];
	v0 =	vadd.f32 v1, v0  }
0x54f: {  	v58 =	vld.idx.msk [tilespmem:v7+s16+$0x0], $0xffff;
	v56 =	vadd.f32 v53, v2;
	v57 =	vadd.f32 v55, v3  }
0x550: {  	v4 =	vmul.f32 v42, v51  }
0x551: {  	s6 =	sadd.s32 $0x2, s6;
	v0 =	vmul.f32 $5.000000000e-01, v0;
	v1 =	vadd.f32 v57, v56  }
0x552: {  	p0 =	slt.u32 s6, $0xE;
	v59 =	vadd.f32 v4, v5;
	v61 =	vmul.f32 v9, v54  }
.Ltmp2:
0x553: {  	v0 =	vsub.f32 v60, v0;
	v1 =	vmul.f32 $5.000000000e-01, v1;
	(pc) =	sbr.rel @p0 .LBB2_7-.Ltmp2, $4  }
0x554: {  	[tilespmem:s22+$0xE280] =	vst v59;
	v62 =	vadd.f32 v61, v58  }
0x555: {  	[tilespmem:s17+$0x0] =	vst v0;
	v63 =	vsub.f32 v60, v1  }
0x556: {  	s1 =	sadd.s32 $0x1, s1;
	s14 =	sadd.s32 $0x20, s14;
	s12 =	sadd.s32 $0x20, s12;
	[tilespmem:s26+$0xE280] =	vst v62  }
0x557: {  	s20 =	sadd.s32 $0x100, s20;
	s15 =	sadd.s32 $0x120, s15;
	s17 =	sadd.s32 $0x20, s17;
	[tilespmem:s21+$0x12380] =	vst v63  }
0x558: {  	s8 =	sadd.s32 $0x1, s8  }
0x559: {  	p0 =	sne.s32 s8, $0x10  }
.Ltmp3:
0x55a: {  	s0 =	rddreg [dreg:$0x3];
	(pc) =	sbr.rel @p0 .LBB2_4-.Ltmp3, $4  }
0x55b: {  	s1 =	simm.s32 $0xE280;
	s23 =	rddreg [dreg:$0x4];
	s0 =	sadd.s32 s0, s10  }
0x55c: {  	[hbm4b:s0+s18] =	stream.strided.scatter [tilespmem:s1], [sflag:$0x6], $0x4000, s19, s18, $0x38;
	[tilespmem:$0x12480] =	vst v63  }
0x55d: {  	s26 =	simm.s32 $0x12380;
	s0 =	sadd.s32 s23, s11  }
0x55e: {  	[hbm4b:s0+s7] =	stream.linear.scatter [tilespmem:s26], [sflag:$0x8], $0x100, $0x38;
	[tilespmem:$0x12480] =	vst v63  }
0x55f: {  	s0 =	simm.s32 $0x5  }
0x560: {  	_ =	swait.ge [sflag:s0], $0x4000  }
0x561: {  	[sflag:s0] =	ssyncset.done $0x0  }
0x562: {  	s22 =	simm.s32 $0x7;
	[sflag:s0] =	ssyncadd.s32 $0xFFFFC000  }
0x563: {  	_ =	swait.ge [sflag:s22], $0x100  }
0x564: {  	[sflag:s22] =	ssyncset.done $0x0  }
0x565: {  	s23 =	simm.s32 $0x6;
	[sflag:s22] =	ssyncadd.s32 $0xFFFFFF00  }
0x566: {  	_ =	swait.ge [sflag:s23], $0x4000  }
0x567: {  	[sflag:s23] =	ssyncset.done $0x0  }
0x568: {  	s1 =	simm.s32 $0x8;
	[sflag:s23] =	ssyncadd.s32 $0xFFFFC000  }
0x569: {  	_ =	swait.ge [sflag:s1], $0x100  }
0x56a: {  	s2 =	rddreg [dreg:$0xc]  }
0x56b: {  	s26 =	rddreg [dreg:$0xb];
	s2 =	sadd.s32 $0x1, s2  }
0x56c: {  	p0 =	sne.s32 s2, s26  }
.Ltmp4:
0x56d: {  	_ = 	snop;
	(pc) =	sbr.rel @p0 .LBB2_1-.Ltmp4, $3  }
0x56e: {  	_ =	sdelay $0x1  }
0x56f: {  	[sflag:s1] =	ssyncset.done $0x0  }
0x570: {  	[sflag:s1] =	ssyncadd.s32 $0xFFFFFF00  }
0x571: {  	_ =	sfence.sel $0x180000  }
0x572: {  	[bflag:$0x0] =	sbarrier.arrive $0xFFFF  }
0x573: {  	_ =	strace $0x90000047  }
0x574: {  	s0 =	stileid.u32;
	[bflag:$0x2] =	sbarrier.arrive $0xFFFF  }
0x575: {  	p0 =	sne.s32 s0, $0x0;
	s0 =	rddreg [dreg:$0x5]  }
0x576: {  	s0 =	sadd.s32 @!p0 $0x100000, s0  }
0x577: {  	[sflag:s0] =	ssyncadd.tile.s32 @!p0 $0x1;
	_ =	shalt  }
.Lfunc_end2:
_tile_overlayer_lowered:
.L_overlay_start_2:
0x578: {  	(tag) =	ssettag $0x2  }
0x579: {  	s0 =	rddreg [dreg:$0x0];
	s2 =	stileid.u32  }
0x57a: {  	s1 =	rddreg [dreg:$0x1];
	p0 =	sne.s32 s2, $0x0  }
0x57b: {  	s3 =	rddreg [dreg:$0x2];
	[bflag:$0x3] =	sbarrier.arrive $0xFFFF;
	s2 =	simm.s32 @!p0 $0x1C09  }
0x57c: {  	[timem:s3], [sflag:s2] =	dma.local @!p0 [hbm:s0], s1  }
0x57d: {  	s0 =	simm.s32 @!p0 $0x9  }
0x57e: {  	_ =	swait.ge @!p0 [sflag:s0], s1  }
0x57f: {  	s1 =	ssub.s32 @!p0 $0x0, s1;
	[sflag:s0] =	ssyncset.done @!p0 $0x0  }
0x580: {  	[sflag:s0] =	ssyncadd.s32 @!p0 s1  }
0x581: {  	[bflag:$0x3] =	sbarrier.arrive $0xFFFF  }
0x582: {  	_ =	shalt  }

</sc_bundles>
